<compile_context>
chip_gen: v7x
topology: tpu7x:2x2x1
jax: 0.10.2.dev20260603
libtpu: 0.0.44.dev20260713+nightly
codegen_flags: <defaults>
</compile_context>

<pallas_src>
import functools

import jax
import jax.numpy as jnp
from jax import lax
from jax.experimental import pallas as pl
from jax.experimental.pallas import tpu as pltpu
from jax.experimental.pallas import tpu_sc as plsc

VOCAB = 1000000
DIM = 64
BATCH = 16384
HIST = 50

_INFO = plsc.get_sparse_core_info()
NC = _INFO.num_cores
NS = _INFO.num_subcores
NW = NC * NS
L = 16

BT = BATCH // 128
TPW = BT // NW
TPR = 2
ROWS = TPR * 128
ROUNDS = HIST * (TPW // TPR)
DT = DIM // 8
OUT_ROWS = HIST * DT * BT * 8

_mesh = plsc.VectorSubcoreMesh(core_axis_name="c", subcore_axis_name="s")


@functools.partial(
    pl.kernel,
    out_type=jax.ShapeDtypeStruct((OUT_ROWS, 128), jnp.float32),
    mesh=_mesh,
    scratch_types=[
        pltpu.VMEM((TPR, 128), jnp.int32),
        pltpu.VMEM((TPR, 128), jnp.int32),
        pltpu.VMEM((ROWS, DIM), jnp.float32),
        pltpu.VMEM((ROWS, DIM), jnp.float32),
        pltpu.VMEM((ROWS, DIM + 1), jnp.float32),
        pltpu.VMEM((128, 128), jnp.float32),
        pltpu.VMEM((128, 128), jnp.float32),
        pltpu.SemaphoreType.DMA,
        pltpu.SemaphoreType.DMA,
        pltpu.SemaphoreType.DMA,
        pltpu.SemaphoreType.DMA,
    ],
    compiler_params=pltpu.CompilerParams(
        use_tc_tiling_on_sc=False, needs_layout_passes=False),
)
def _gather_kernel(xt_hbm, table_hbm, out_hbm,
                   ix0, ix1, gb0, gb1, sg, st0, st1, g0, g1, s0, s1):
    wid = lax.axis_index("s") * NC + lax.axis_index("c")
    ixs = (ix0, ix1)
    gbs = (gb0, gb1)
    sts = (st0, st1)
    gsems = (g0, g1)
    ssems = (s0, s1)

    iota = lax.iota(jnp.int32, L)
    rvecs = [[iota + (tjloc * 128 + c * L) for c in range(8)]
             for tjloc in range(TPR)]

    def idx_row(r):
        h = r // TPR
        p = r % TPR
        return h * 128 + TPW * wid + TPR * p

    def fire_gathers(r, b):
        for jj in range(TPR):
            pltpu.async_copy(
                table_hbm.at[ixs[b].at[jj]],
                gbs[b].at[pl.ds(jj * 128, 128)],
                gsems[b],
            )

    def drain_gathers(r, b):
        for jj in range(TPR):
            pltpu.make_async_copy(
                table_hbm.at[ixs[b].at[jj]],
                gbs[b].at[pl.ds(jj * 128, 128)],
                gsems[b],
            ).wait()

    def out_base(r, ti):
        h = r // TPR
        p = r % TPR
        return ((h * DT + ti) * BT + TPW * wid + TPR * p) * 8

    def fire_store(r, ti, b):
        pltpu.async_copy(
            sts[b].at[pl.ds(ti * 2 * 8, TPR * 8)],
            out_hbm.at[pl.ds(out_base(r, ti), TPR * 8)],
            ssems[b],
        )

    def wait_stores(r, b):
        for ti in range(DT):
            pltpu.make_async_copy(
                sts[b].at[pl.ds(ti * 2 * 8, TPR * 8)],
                out_hbm.at[pl.ds(out_base(r, ti), TPR * 8)],
                ssems[b],
            ).wait()

    for b in range(2):
        pltpu.sync_copy(xt_hbm.at[pl.ds(idx_row(b), TPR)], ixs[b])
        fire_gathers(b, b)

    @pl.loop(0, ROUNDS, step=2)
    def _rpair(rr):
      for b in range(2):
        r = rr + b
        drain_gathers(r, b)

        @pl.when(r >= 2)
        def _():
            wait_stores(r - 2, b)

        @pl.loop(0, ROWS // 8)
        def _cp(row8):
            vs = []
            for k in range(8):
                for c in range(DIM // L):
                    vs.append((k, c, gbs[b][row8 * 8 + k, pl.ds(c * L, L)]))
            for k, c, v in vs:
                sg[row8 * 8 + k, pl.ds(c * L, L)] = v

        @pl.loop(0, DT)
        def _ti(ti):
            for tjloc in range(TPR):
                for sub in range(8):
                    srow = ti * (TPR * 8) + tjloc * 8 + sub
                    dvec = jnp.full((L,), ti * 8 + sub, jnp.int32)
                    vs = [plsc.load_gather(sg, [rvecs[tjloc][c], dvec])
                          for c in range(8)]
                    for c in range(8):
                        sts[b][srow, pl.ds(c * L, L)] = vs[c]
            fire_store(r, ti, b)

        @pl.when(r + 2 < ROUNDS)
        def _():
            pltpu.sync_copy(xt_hbm.at[pl.ds(idx_row(r + 2), TPR)], ixs[b])
            fire_gathers(r + 2, b)

    for r in (ROUNDS - 2, ROUNDS - 1):
        wait_stores(r, r % 2)


def kernel(x, table):
    xt = x.T.reshape(HIST * BT, 128).astype(jnp.int32)
    out2 = _gather_kernel(xt, table)
    out5 = out2.reshape(HIST, DT, BT, 8, 128)
    return out5.transpose(2, 4, 0, 1, 3).reshape(BATCH, HIST, DIM)

# --- scband reference (transcript-rebuilt; emitter-appended) ---
"""Pipeline reference for scband-word-embedding-model-29858612642502 (READ-ONLY COPY).

The authoritative reference and input builder live on the scoring server;
editing this copy changes nothing except your own understanding.
"""

import jax, jax.numpy as jnp
import numpy as np

VOCAB = 1000000
DIM = 64
BATCH = 16384
HIST = 50

def setup_inputs(seed: int = 0) -> dict:
    key = jax.random.key(seed)
    k_tab, k_idx = jax.random.split(key)
    # Embedding table equivalent to the torch module's weights (uniform in [-0.5, 0.5))
    table = jax.random.uniform(k_tab, (VOCAB, DIM), dtype=jnp.float32) - 0.5
    x = jax.random.randint(k_idx, (BATCH, HIST), 0, VOCAB, dtype=jnp.int64)
    return {"x": x, "table": table}

def reference(x, table):
    # Faithful to nn.Embedding forward: pure row gather from the table.
    # (padding_idx only affects gradient behavior, not the forward lookup,
    #  since the torch module copies the full weights matrix over the init.)
    return jnp.take(table, x, axis=0)

if __name__ == "__main__":
    import jax
    _d = setup_inputs()
    print(jax.jit(kernel)(*tuple(_d.values())))

</pallas_src>

<mosaic_0001>
#map = affine_map<(d0, d1) -> (0, 0)>
module attributes {stable_mosaic.version = 14 : i64} {
  func.func @_gather_kernel(%arg0: i32, %arg1: i32, %arg2: memref<6400x128xi32, #tpu.memory_space<hbm>>, %arg3: memref<1000000x64xf32, #tpu.memory_space<hbm>>, %arg4: memref<409600x128xf32, #tpu.memory_space<hbm>>, %arg5: memref<2x128xi32, #tpu.memory_space<vmem>>, %arg6: memref<2x128xi32, #tpu.memory_space<vmem>>, %arg7: memref<256x64xf32, #tpu.memory_space<vmem>>, %arg8: memref<256x64xf32, #tpu.memory_space<vmem>>, %arg9: memref<256x65xf32, #tpu.memory_space<vmem>>, %arg10: memref<128x128xf32, #tpu.memory_space<vmem>>, %arg11: memref<128x128xf32, #tpu.memory_space<vmem>>, %arg12: memref<!tpu.dma_semaphore, #tpu.memory_space<semaphore_mem>>, %arg13: memref<!tpu.dma_semaphore, #tpu.memory_space<semaphore_mem>>, %arg14: memref<!tpu.dma_semaphore, #tpu.memory_space<semaphore_mem>>, %arg15: memref<!tpu.dma_semaphore, #tpu.memory_space<semaphore_mem>>) attributes {dimension_semantics = [#tpu.dimension_semantics<core_parallel>, #tpu.dimension_semantics<subcore_parallel>], iteration_bounds = array<i64: 2, 16>, scalar_prefetch = 0 : i64, scratch_operands = 11 : i64, tpu.core_type = #tpu.core_type<sc_vector_subcore>, window_params = [{transform_indices = #map}, {transform_indices = #map}, {transform_indices = #map}]} {
    %mul3A = arith.constant 2 : i32
    %mul3A_0 = arith.muli %arg1, %mul3A : i32
    %add3A = arith.addi %mul3A_0, %arg0 : i32
    %iota3A = tpu.iota {dimensions = array<i32: 0>} : vector<16xi32>
    %add3A_1 = arith.constant 0 : i32
    %add3A_2 = vector.broadcast %add3A_1 : i32 to vector<16xi32>
    %add3A_3 = arith.addi %iota3A, %add3A_2 : vector<16xi32>
    %add3A_4 = arith.constant 16 : i32
    %add3A_5 = vector.broadcast %add3A_4 : i32 to vector<16xi32>
    %add3A_6 = arith.addi %iota3A, %add3A_5 : vector<16xi32>
    %add3A_7 = arith.constant 32 : i32
    %add3A_8 = vector.broadcast %add3A_7 : i32 to vector<16xi32>
    %add3A_9 = arith.addi %iota3A, %add3A_8 : vector<16xi32>
    %add3A_10 = arith.constant 48 : i32
    %add3A_11 = vector.broadcast %add3A_10 : i32 to vector<16xi32>
    %add3A_12 = arith.addi %iota3A, %add3A_11 : vector<16xi32>
    %add3A_13 = arith.constant 64 : i32
    %add3A_14 = vector.broadcast %add3A_13 : i32 to vector<16xi32>
    %add3A_15 = arith.addi %iota3A, %add3A_14 : vector<16xi32>
    %add3A_16 = arith.constant 80 : i32
    %add3A_17 = vector.broadcast %add3A_16 : i32 to vector<16xi32>
    %add3A_18 = arith.addi %iota3A, %add3A_17 : vector<16xi32>
    %add3A_19 = arith.constant 96 : i32
    %add3A_20 = vector.broadcast %add3A_19 : i32 to vector<16xi32>
    %add3A_21 = arith.addi %iota3A, %add3A_20 : vector<16xi32>
    %add3A_22 = arith.constant 112 : i32
    %add3A_23 = vector.broadcast %add3A_22 : i32 to vector<16xi32>
    %add3A_24 = arith.addi %iota3A, %add3A_23 : vector<16xi32>
    %add3A_25 = arith.constant 128 : i32
    %add3A_26 = vector.broadcast %add3A_25 : i32 to vector<16xi32>
    %add3A_27 = arith.addi %iota3A, %add3A_26 : vector<16xi32>
    %add3A_28 = arith.constant 144 : i32
    %add3A_29 = vector.broadcast %add3A_28 : i32 to vector<16xi32>
    %add3A_30 = arith.addi %iota3A, %add3A_29 : vector<16xi32>
    %add3A_31 = arith.constant 160 : i32
    %add3A_32 = vector.broadcast %add3A_31 : i32 to vector<16xi32>
    %add3A_33 = arith.addi %iota3A, %add3A_32 : vector<16xi32>
    %add3A_34 = arith.constant 176 : i32
    %add3A_35 = vector.broadcast %add3A_34 : i32 to vector<16xi32>
    %add3A_36 = arith.addi %iota3A, %add3A_35 : vector<16xi32>
    %add3A_37 = arith.constant 192 : i32
    %add3A_38 = vector.broadcast %add3A_37 : i32 to vector<16xi32>
    %add3A_39 = arith.addi %iota3A, %add3A_38 : vector<16xi32>
    %add3A_40 = arith.constant 208 : i32
    %add3A_41 = vector.broadcast %add3A_40 : i32 to vector<16xi32>
    %add3A_42 = arith.addi %iota3A, %add3A_41 : vector<16xi32>
    %add3A_43 = arith.constant 224 : i32
    %add3A_44 = vector.broadcast %add3A_43 : i32 to vector<16xi32>
    %add3A_45 = arith.addi %iota3A, %add3A_44 : vector<16xi32>
    %add3A_46 = arith.constant 240 : i32
    %add3A_47 = vector.broadcast %add3A_46 : i32 to vector<16xi32>
    %add3A_48 = arith.addi %iota3A, %add3A_47 : vector<16xi32>
    %mul3A_49 = arith.constant 4 : i32
    %mul3A_50 = arith.muli %mul3A_49, %add3A : i32
    %add3A_51 = arith.constant 0 : i32
    %add3A_52 = arith.addi %add3A_51, %mul3A_50 : i32
    %add3A_53 = arith.constant 0 : i32
    %add3A_54 = arith.addi %add3A_52, %add3A_53 : i32
    "tpu.region"() ({
      %run_scoped3A = tpu.sem_alloc : memref<!tpu.dma_semaphore, #tpu.memory_space<semaphore_mem>>
      %dma_start3A_391 = arith.constant 0 : i32
      %dma_start3A_392 = tpu.memref_slice %arg2[%add3A_54, %dma_start3A_391] : memref<6400x128xi32, #tpu.memory_space<hbm>> -> memref<2x128xi32, #tpu.memory_space<hbm>>
      %dma_start3A_393 = arith.constant 0 : i32
      %dma_start3A_394 = tpu.memref_slice %arg2[%add3A_54, %dma_start3A_393] : memref<6400x128xi32, #tpu.memory_space<hbm>> -> memref<2x128xi32, #tpu.memory_space<hbm>>
      tpu.enqueue_dma source(%dma_start3A_394 : memref<2x128xi32, #tpu.memory_space<hbm>>) target(%arg5 : memref<2x128xi32, #tpu.memory_space<vmem>>) target_semaphore(%run_scoped3A : memref<!tpu.dma_semaphore, #tpu.memory_space<semaphore_mem>>)
      %dma_wait3A_395 = arith.constant 0 : i32
      %dma_wait3A_396 = tpu.memref_slice %arg2[%add3A_54, %dma_wait3A_395] : memref<6400x128xi32, #tpu.memory_space<hbm>> -> memref<2x128xi32, #tpu.memory_space<hbm>>
      %dma_wait3A_397 = arith.constant 0 : i32
      %dma_wait3A_398 = tpu.memref_slice %arg2[%add3A_54, %dma_wait3A_397] : memref<6400x128xi32, #tpu.memory_space<hbm>> -> memref<2x128xi32, #tpu.memory_space<hbm>>
      tpu.wait_dma2 semaphore(%run_scoped3A : memref<!tpu.dma_semaphore, #tpu.memory_space<semaphore_mem>>) src(%dma_wait3A_398 : memref<2x128xi32, #tpu.memory_space<hbm>>) dst(%arg5 : memref<2x128xi32, #tpu.memory_space<vmem>>)
      tpu.yield
    }) : () -> ()
    %dma_start3A = arith.constant 0 : i32
    %dma_start3A_55 = arith.constant 0 : i32
    %dma_start3A_56 = arith.constant 0 : i32
    %dma_start3A_57 = tpu.memref_slice %arg7[%dma_start3A_55, %dma_start3A_56] : memref<256x64xf32, #tpu.memory_space<vmem>> -> memref<128x64xf32, #tpu.memory_space<vmem>>
    %dma_start3A_58 = arith.constant 0 : i32
    %dma_start3A_59 = tpu.memref_slice %arg5[%dma_start3A, %dma_start3A_58] : memref<2x128xi32, #tpu.memory_space<vmem>> -> memref<1x128xi32, #tpu.memory_space<vmem>>
    %dma_start3A_60 = tpu.memref_squeeze %dma_start3A_59 : memref<1x128xi32, #tpu.memory_space<vmem>> -> memref<128xi32, #tpu.memory_space<vmem>>
    %dma_start3A_61 = arith.constant 0 : i32
    %dma_start3A_62 = arith.constant 0 : i32
    %dma_start3A_63 = tpu.memref_slice %arg3[%dma_start3A_61, %dma_start3A_62] : memref<1000000x64xf32, #tpu.memory_space<hbm>> -> memref<1000000x64xf32, #tpu.memory_space<hbm>>
    tpu.enqueue_indirect_dma source(%dma_start3A_63 : memref<1000000x64xf32, #tpu.memory_space<hbm>>) target(%dma_start3A_57 : memref<128x64xf32, #tpu.memory_space<vmem>>) offsets(%dma_start3A_60 : memref<128xi32, #tpu.memory_space<vmem>>) semaphore(%arg12 : memref<!tpu.dma_semaphore, #tpu.memory_space<semaphore_mem>>)
    %dma_start3A_64 = arith.constant 1 : i32
    %dma_start3A_65 = arith.constant 128 : i32
    %dma_start3A_66 = arith.constant 0 : i32
    %dma_start3A_67 = tpu.memref_slice %arg7[%dma_start3A_65, %dma_start3A_66] : memref<256x64xf32, #tpu.memory_space<vmem>> -> memref<128x64xf32, #tpu.memory_space<vmem>>
    %dma_start3A_68 = arith.constant 0 : i32
    %dma_start3A_69 = tpu.memref_slice %arg5[%dma_start3A_64, %dma_start3A_68] : memref<2x128xi32, #tpu.memory_space<vmem>> -> memref<1x128xi32, #tpu.memory_space<vmem>>
    %dma_start3A_70 = tpu.memref_squeeze %dma_start3A_69 : memref<1x128xi32, #tpu.memory_space<vmem>> -> memref<128xi32, #tpu.memory_space<vmem>>
    %dma_start3A_71 = arith.constant 0 : i32
    %dma_start3A_72 = arith.constant 0 : i32
    %dma_start3A_73 = tpu.memref_slice %arg3[%dma_start3A_71, %dma_start3A_72] : memref<1000000x64xf32, #tpu.memory_space<hbm>> -> memref<1000000x64xf32, #tpu.memory_space<hbm>>
    tpu.enqueue_indirect_dma source(%dma_start3A_73 : memref<1000000x64xf32, #tpu.memory_space<hbm>>) target(%dma_start3A_67 : memref<128x64xf32, #tpu.memory_space<vmem>>) offsets(%dma_start3A_70 : memref<128xi32, #tpu.memory_space<vmem>>) semaphore(%arg12 : memref<!tpu.dma_semaphore, #tpu.memory_space<semaphore_mem>>)
    %mul3A_74 = arith.constant 4 : i32
    %mul3A_75 = arith.muli %mul3A_74, %add3A : i32
    %add3A_76 = arith.constant 0 : i32
    %add3A_77 = arith.addi %add3A_76, %mul3A_75 : i32
    %add3A_78 = arith.constant 2 : i32
    %add3A_79 = arith.addi %add3A_77, %add3A_78 : i32
    "tpu.region"() ({
      %run_scoped3A = tpu.sem_alloc : memref<!tpu.dma_semaphore, #tpu.memory_space<semaphore_mem>>
      %dma_start3A_391 = arith.constant 0 : i32
      %dma_start3A_392 = tpu.memref_slice %arg2[%add3A_79, %dma_start3A_391] : memref<6400x128xi32, #tpu.memory_space<hbm>> -> memref<2x128xi32, #tpu.memory_space<hbm>>
      %dma_start3A_393 = arith.constant 0 : i32
      %dma_start3A_394 = tpu.memref_slice %arg2[%add3A_79, %dma_start3A_393] : memref<6400x128xi32, #tpu.memory_space<hbm>> -> memref<2x128xi32, #tpu.memory_space<hbm>>
      tpu.enqueue_dma source(%dma_start3A_394 : memref<2x128xi32, #tpu.memory_space<hbm>>) target(%arg6 : memref<2x128xi32, #tpu.memory_space<vmem>>) target_semaphore(%run_scoped3A : memref<!tpu.dma_semaphore, #tpu.memory_space<semaphore_mem>>)
      %dma_wait3A_395 = arith.constant 0 : i32
      %dma_wait3A_396 = tpu.memref_slice %arg2[%add3A_79, %dma_wait3A_395] : memref<6400x128xi32, #tpu.memory_space<hbm>> -> memref<2x128xi32, #tpu.memory_space<hbm>>
      %dma_wait3A_397 = arith.constant 0 : i32
      %dma_wait3A_398 = tpu.memref_slice %arg2[%add3A_79, %dma_wait3A_397] : memref<6400x128xi32, #tpu.memory_space<hbm>> -> memref<2x128xi32, #tpu.memory_space<hbm>>
      tpu.wait_dma2 semaphore(%run_scoped3A : memref<!tpu.dma_semaphore, #tpu.memory_space<semaphore_mem>>) src(%dma_wait3A_398 : memref<2x128xi32, #tpu.memory_space<hbm>>) dst(%arg6 : memref<2x128xi32, #tpu.memory_space<vmem>>)
      tpu.yield
    }) : () -> ()
    %dma_start3A_80 = arith.constant 0 : i32
    %dma_start3A_81 = arith.constant 0 : i32
    %dma_start3A_82 = arith.constant 0 : i32
    %dma_start3A_83 = tpu.memref_slice %arg8[%dma_start3A_81, %dma_start3A_82] : memref<256x64xf32, #tpu.memory_space<vmem>> -> memref<128x64xf32, #tpu.memory_space<vmem>>
    %dma_start3A_84 = arith.constant 0 : i32
    %dma_start3A_85 = tpu.memref_slice %arg6[%dma_start3A_80, %dma_start3A_84] : memref<2x128xi32, #tpu.memory_space<vmem>> -> memref<1x128xi32, #tpu.memory_space<vmem>>
    %dma_start3A_86 = tpu.memref_squeeze %dma_start3A_85 : memref<1x128xi32, #tpu.memory_space<vmem>> -> memref<128xi32, #tpu.memory_space<vmem>>
    %dma_start3A_87 = arith.constant 0 : i32
    %dma_start3A_88 = arith.constant 0 : i32
    %dma_start3A_89 = tpu.memref_slice %arg3[%dma_start3A_87, %dma_start3A_88] : memref<1000000x64xf32, #tpu.memory_space<hbm>> -> memref<1000000x64xf32, #tpu.memory_space<hbm>>
    tpu.enqueue_indirect_dma source(%dma_start3A_89 : memref<1000000x64xf32, #tpu.memory_space<hbm>>) target(%dma_start3A_83 : memref<128x64xf32, #tpu.memory_space<vmem>>) offsets(%dma_start3A_86 : memref<128xi32, #tpu.memory_space<vmem>>) semaphore(%arg13 : memref<!tpu.dma_semaphore, #tpu.memory_space<semaphore_mem>>)
    %dma_start3A_90 = arith.constant 1 : i32
    %dma_start3A_91 = arith.constant 128 : i32
    %dma_start3A_92 = arith.constant 0 : i32
    %dma_start3A_93 = tpu.memref_slice %arg8[%dma_start3A_91, %dma_start3A_92] : memref<256x64xf32, #tpu.memory_space<vmem>> -> memref<128x64xf32, #tpu.memory_space<vmem>>
    %dma_start3A_94 = arith.constant 0 : i32
    %dma_start3A_95 = tpu.memref_slice %arg6[%dma_start3A_90, %dma_start3A_94] : memref<2x128xi32, #tpu.memory_space<vmem>> -> memref<1x128xi32, #tpu.memory_space<vmem>>
    %dma_start3A_96 = tpu.memref_squeeze %dma_start3A_95 : memref<1x128xi32, #tpu.memory_space<vmem>> -> memref<128xi32, #tpu.memory_space<vmem>>
    %dma_start3A_97 = arith.constant 0 : i32
    %dma_start3A_98 = arith.constant 0 : i32
    %dma_start3A_99 = tpu.memref_slice %arg3[%dma_start3A_97, %dma_start3A_98] : memref<1000000x64xf32, #tpu.memory_space<hbm>> -> memref<1000000x64xf32, #tpu.memory_space<hbm>>
    tpu.enqueue_indirect_dma source(%dma_start3A_99 : memref<1000000x64xf32, #tpu.memory_space<hbm>>) target(%dma_start3A_93 : memref<128x64xf32, #tpu.memory_space<vmem>>) offsets(%dma_start3A_96 : memref<128xi32, #tpu.memory_space<vmem>>) semaphore(%arg13 : memref<!tpu.dma_semaphore, #tpu.memory_space<semaphore_mem>>)
    %scan3A = arith.constant 0 : i32
    %scan3A_100 = arith.constant 50 : i32
    %scan3A_101 = arith.addi %scan3A, %scan3A_100 : i32
    %scan3A_102 = arith.constant 1 : i32
    scf.for %scan3A_391 = %scan3A to %scan3A_101 step %scan3A_102  : i32 {
      %mul3A_392 = arith.constant 2 : i32
      %mul3A_393 = arith.muli %scan3A_391, %mul3A_392 : i32
      %add3A_394 = arith.constant 0 : i32
      %add3A_395 = arith.addi %add3A_394, %mul3A_393 : i32
      %add3A_396 = arith.constant 0 : i32
      %add3A_397 = arith.addi %add3A_395, %add3A_396 : i32
      %dma_wait3A_398 = arith.constant 0 : i32
      %dma_wait3A_399 = arith.constant 0 : i32
      %dma_wait3A_400 = arith.constant 0 : i32
      %dma_wait3A_401 = tpu.memref_slice %arg7[%dma_wait3A_399, %dma_wait3A_400] : memref<256x64xf32, #tpu.memory_space<vmem>> -> memref<128x64xf32, #tpu.memory_space<vmem>>
      %dma_wait3A_402 = arith.constant 0 : i32
      %dma_wait3A_403 = tpu.memref_slice %arg5[%dma_wait3A_398, %dma_wait3A_402] : memref<2x128xi32, #tpu.memory_space<vmem>> -> memref<1x128xi32, #tpu.memory_space<vmem>>
      %dma_wait3A_404 = tpu.memref_squeeze %dma_wait3A_403 : memref<1x128xi32, #tpu.memory_space<vmem>> -> memref<128xi32, #tpu.memory_space<vmem>>
      %dma_wait3A_405 = arith.constant 0 : i32
      %dma_wait3A_406 = arith.constant 0 : i32
      %dma_wait3A_407 = tpu.memref_slice %arg3[%dma_wait3A_405, %dma_wait3A_406] : memref<1000000x64xf32, #tpu.memory_space<hbm>> -> memref<1000000x64xf32, #tpu.memory_space<hbm>>
      tpu.wait_indirect_dma semaphore(%arg12 : memref<!tpu.dma_semaphore, #tpu.memory_space<semaphore_mem>>) src(%dma_wait3A_407 : memref<1000000x64xf32, #tpu.memory_space<hbm>>) dst(%dma_wait3A_401 : memref<128x64xf32, #tpu.memory_space<vmem>>)
      %dma_wait3A_408 = arith.constant 1 : i32
      %dma_wait3A_409 = arith.constant 128 : i32
      %dma_wait3A_410 = arith.constant 0 : i32
      %dma_wait3A_411 = tpu.memref_slice %arg7[%dma_wait3A_409, %dma_wait3A_410] : memref<256x64xf32, #tpu.memory_space<vmem>> -> memref<128x64xf32, #tpu.memory_space<vmem>>
      %dma_wait3A_412 = arith.constant 0 : i32
      %dma_wait3A_413 = tpu.memref_slice %arg5[%dma_wait3A_408, %dma_wait3A_412] : memref<2x128xi32, #tpu.memory_space<vmem>> -> memref<1x128xi32, #tpu.memory_space<vmem>>
      %dma_wait3A_414 = tpu.memref_squeeze %dma_wait3A_413 : memref<1x128xi32, #tpu.memory_space<vmem>> -> memref<128xi32, #tpu.memory_space<vmem>>
      %dma_wait3A_415 = arith.constant 0 : i32
      %dma_wait3A_416 = arith.constant 0 : i32
      %dma_wait3A_417 = tpu.memref_slice %arg3[%dma_wait3A_415, %dma_wait3A_416] : memref<1000000x64xf32, #tpu.memory_space<hbm>> -> memref<1000000x64xf32, #tpu.memory_space<hbm>>
      tpu.wait_indirect_dma semaphore(%arg12 : memref<!tpu.dma_semaphore, #tpu.memory_space<semaphore_mem>>) src(%dma_wait3A_417 : memref<1000000x64xf32, #tpu.memory_space<hbm>>) dst(%dma_wait3A_411 : memref<128x64xf32, #tpu.memory_space<vmem>>)
      %ge3A = arith.constant 2 : i32
      %ge3A_418 = arith.cmpi sge, %add3A_397, %ge3A : i32
      %convert_element_type3A = arith.extui %ge3A_418 : i1 to i32
      %cond3A = arith.constant 0 : i32
      %cond3A_419 = arith.cmpi ne, %convert_element_type3A, %cond3A : i32
      scf.if %cond3A_419 {
        %sub3A = arith.constant 2 : i32
        %sub3A_480 = arith.subi %add3A_397, %sub3A : i32
        %jit3A = arith.constant 2 : i32
        %div3A = arith.divsi %sub3A_480, %jit3A : i32
        %sign3A = arith.constant 0 : i32
        %sign3A_481 = arith.cmpi sgt, %sub3A_480, %sign3A : i32
        %sign3A_482 = arith.extui %sign3A_481 : i1 to i32
        %sign3A_483 = arith.constant 0 : i32
        %sign3A_484 = arith.cmpi slt, %sub3A_480, %sign3A_483 : i32
        %sign3A_485 = arith.extui %sign3A_484 : i1 to i32
        %sign3A_486 = arith.subi %sign3A_482, %sign3A_485 : i32
        %sign3A_487 = arith.constant 0 : i32
        %sign3A_488 = arith.cmpi sgt, %jit3A, %sign3A_487 : i32
        %sign3A_489 = arith.extui %sign3A_488 : i1 to i32
        %sign3A_490 = arith.constant 0 : i32
        %sign3A_491 = arith.cmpi slt, %jit3A, %sign3A_490 : i32
        %sign3A_492 = arith.extui %sign3A_491 : i1 to i32
        %sign3A_493 = arith.subi %sign3A_489, %sign3A_492 : i32
        %ne3A = arith.cmpi ne, %sign3A_486, %sign3A_493 : i32
        %rem3A = arith.remsi %sub3A_480, %jit3A : i32
        %ne3A_494 = arith.constant 0 : i32
        %ne3A_495 = arith.cmpi ne, %rem3A, %ne3A_494 : i32
        %and3A = arith.andi %ne3A, %ne3A_495 : i1
        %sub3A_496 = arith.constant 1 : i32
        %sub3A_497 = arith.subi %div3A, %sub3A_496 : i32
        %select_n3A = arith.select %and3A, %sub3A_497, %div3A : i32
        %jit3A_498 = arith.constant 2 : i32
        %eq3A = arith.constant 0 : i32
        %eq3A_499 = arith.cmpi eq, %jit3A_498, %eq3A : i32
        %jit3A_500 = arith.constant 1 : i32
        %select_n3A_501 = arith.select %eq3A_499, %jit3A_500, %jit3A_498 : i32
        %rem3A_502 = arith.remsi %sub3A_480, %select_n3A_501 : i32
        %ne3A_503 = arith.constant 0 : i32
        %ne3A_504 = arith.cmpi ne, %rem3A_502, %ne3A_503 : i32
        %lt3A_505 = arith.constant 0 : i32
        %lt3A_506 = arith.cmpi slt, %rem3A_502, %lt3A_505 : i32
        %lt3A_507 = arith.constant 0 : i32
        %lt3A_508 = arith.cmpi slt, %select_n3A_501, %lt3A_507 : i32
        %ne3A_509 = arith.xori %lt3A_506, %lt3A_508 : i1
        %and3A_510 = arith.andi %ne3A_509, %ne3A_504 : i1
        %add3A_511 = arith.addi %rem3A_502, %select_n3A_501 : i32
        %select_n3A_512 = arith.select %and3A_510, %add3A_511, %rem3A_502 : i32
        %mul3A_513 = arith.constant 8 : i32
        %mul3A_514 = arith.muli %select_n3A, %mul3A_513 : i32
        %add3A_515 = arith.constant 0 : i32
        %add3A_516 = arith.addi %mul3A_514, %add3A_515 : i32
        %mul3A_517 = arith.constant 128 : i32
        %mul3A_518 = arith.muli %add3A_516, %mul3A_517 : i32
        %mul3A_519 = arith.constant 4 : i32
        %mul3A_520 = arith.muli %mul3A_519, %add3A : i32
        %add3A_521 = arith.addi %mul3A_518, %mul3A_520 : i32
        %mul3A_522 = arith.constant 2 : i32
        %mul3A_523 = arith.muli %mul3A_522, %select_n3A_512 : i32
        %add3A_524 = arith.addi %add3A_521, %mul3A_523 : i32
        %mul3A_525 = arith.constant 8 : i32
        %mul3A_526 = arith.muli %add3A_524, %mul3A_525 : i32
        %dma_wait3A_527 = arith.constant 0 : i32
        %dma_wait3A_528 = arith.constant 0 : i32
        %dma_wait3A_529 = tpu.memref_slice %arg10[%dma_wait3A_527, %dma_wait3A_528] : memref<128x128xf32, #tpu.memory_space<vmem>> -> memref<16x128xf32, #tpu.memory_space<vmem>>
        %dma_wait3A_530 = arith.constant 0 : i32
        %dma_wait3A_531 = tpu.memref_slice %arg4[%mul3A_526, %dma_wait3A_530] : memref<409600x128xf32, #tpu.memory_space<hbm>> -> memref<16x128xf32, #tpu.memory_space<hbm>>
        %dma_wait3A_532 = arith.constant 0 : i32
        %dma_wait3A_533 = tpu.memref_slice %arg4[%mul3A_526, %dma_wait3A_532] : memref<409600x128xf32, #tpu.memory_space<hbm>> -> memref<16x128xf32, #tpu.memory_space<hbm>>
        %dma_wait3A_534 = arith.constant 0 : i32
        %dma_wait3A_535 = arith.constant 0 : i32
        %dma_wait3A_536 = tpu.memref_slice %arg10[%dma_wait3A_534, %dma_wait3A_535] : memref<128x128xf32, #tpu.memory_space<vmem>> -> memref<16x128xf32, #tpu.memory_space<vmem>>
        tpu.wait_dma2 semaphore(%arg14 : memref<!tpu.dma_semaphore, #tpu.memory_space<semaphore_mem>>) src(%dma_wait3A_536 : memref<16x128xf32, #tpu.memory_space<vmem>>) dst(%dma_wait3A_533 : memref<16x128xf32, #tpu.memory_space<hbm>>)
        %jit3A_537 = arith.constant 2 : i32
        %div3A_538 = arith.divsi %sub3A_480, %jit3A_537 : i32
        %sign3A_539 = arith.constant 0 : i32
        %sign3A_540 = arith.cmpi sgt, %sub3A_480, %sign3A_539 : i32
        %sign3A_541 = arith.extui %sign3A_540 : i1 to i32
        %sign3A_542 = arith.constant 0 : i32
        %sign3A_543 = arith.cmpi slt, %sub3A_480, %sign3A_542 : i32
        %sign3A_544 = arith.extui %sign3A_543 : i1 to i32
        %sign3A_545 = arith.subi %sign3A_541, %sign3A_544 : i32
        %sign3A_546 = arith.constant 0 : i32
        %sign3A_547 = arith.cmpi sgt, %jit3A_537, %sign3A_546 : i32
        %sign3A_548 = arith.extui %sign3A_547 : i1 to i32
        %sign3A_549 = arith.constant 0 : i32
        %sign3A_550 = arith.cmpi slt, %jit3A_537, %sign3A_549 : i32
        %sign3A_551 = arith.extui %sign3A_550 : i1 to i32
        %sign3A_552 = arith.subi %sign3A_548, %sign3A_551 : i32
        %ne3A_553 = arith.cmpi ne, %sign3A_545, %sign3A_552 : i32
        %rem3A_554 = arith.remsi %sub3A_480, %jit3A_537 : i32
        %ne3A_555 = arith.constant 0 : i32
        %ne3A_556 = arith.cmpi ne, %rem3A_554, %ne3A_555 : i32
        %and3A_557 = arith.andi %ne3A_553, %ne3A_556 : i1
        %sub3A_558 = arith.constant 1 : i32
        %sub3A_559 = arith.subi %div3A_538, %sub3A_558 : i32
        %select_n3A_560 = arith.select %and3A_557, %sub3A_559, %div3A_538 : i32
        %jit3A_561 = arith.constant 2 : i32
        %eq3A_562 = arith.constant 0 : i32
        %eq3A_563 = arith.cmpi eq, %jit3A_561, %eq3A_562 : i32
        %jit3A_564 = arith.constant 1 : i32
        %select_n3A_565 = arith.select %eq3A_563, %jit3A_564, %jit3A_561 : i32
        %rem3A_566 = arith.remsi %sub3A_480, %select_n3A_565 : i32
        %ne3A_567 = arith.constant 0 : i32
        %ne3A_568 = arith.cmpi ne, %rem3A_566, %ne3A_567 : i32
        %lt3A_569 = arith.constant 0 : i32
        %lt3A_570 = arith.cmpi slt, %rem3A_566, %lt3A_569 : i32
        %lt3A_571 = arith.constant 0 : i32
        %lt3A_572 = arith.cmpi slt, %select_n3A_565, %lt3A_571 : i32
        %ne3A_573 = arith.xori %lt3A_570, %lt3A_572 : i1
        %and3A_574 = arith.andi %ne3A_573, %ne3A_568 : i1
        %add3A_575 = arith.addi %rem3A_566, %select_n3A_565 : i32
        %select_n3A_576 = arith.select %and3A_574, %add3A_575, %rem3A_566 : i32
        %mul3A_577 = arith.constant 8 : i32
        %mul3A_578 = arith.muli %select_n3A_560, %mul3A_577 : i32
        %add3A_579 = arith.constant 1 : i32
        %add3A_580 = arith.addi %mul3A_578, %add3A_579 : i32
        %mul3A_581 = arith.constant 128 : i32
        %mul3A_582 = arith.muli %add3A_580, %mul3A_581 : i32
        %mul3A_583 = arith.constant 4 : i32
        %mul3A_584 = arith.muli %mul3A_583, %add3A : i32
        %add3A_585 = arith.addi %mul3A_582, %mul3A_584 : i32
        %mul3A_586 = arith.constant 2 : i32
        %mul3A_587 = arith.muli %mul3A_586, %select_n3A_576 : i32
        %add3A_588 = arith.addi %add3A_585, %mul3A_587 : i32
        %mul3A_589 = arith.constant 8 : i32
        %mul3A_590 = arith.muli %add3A_588, %mul3A_589 : i32
        %dma_wait3A_591 = arith.constant 16 : i32
        %dma_wait3A_592 = arith.constant 0 : i32
        %dma_wait3A_593 = tpu.memref_slice %arg10[%dma_wait3A_591, %dma_wait3A_592] : memref<128x128xf32, #tpu.memory_space<vmem>> -> memref<16x128xf32, #tpu.memory_space<vmem>>
        %dma_wait3A_594 = arith.constant 0 : i32
        %dma_wait3A_595 = tpu.memref_slice %arg4[%mul3A_590, %dma_wait3A_594] : memref<409600x128xf32, #tpu.memory_space<hbm>> -> memref<16x128xf32, #tpu.memory_space<hbm>>
        %dma_wait3A_596 = arith.constant 0 : i32
        %dma_wait3A_597 = tpu.memref_slice %arg4[%mul3A_590, %dma_wait3A_596] : memref<409600x128xf32, #tpu.memory_space<hbm>> -> memref<16x128xf32, #tpu.memory_space<hbm>>
        %dma_wait3A_598 = arith.constant 16 : i32
        %dma_wait3A_599 = arith.constant 0 : i32
        %dma_wait3A_600 = tpu.memref_slice %arg10[%dma_wait3A_598, %dma_wait3A_599] : memref<128x128xf32, #tpu.memory_space<vmem>> -> memref<16x128xf32, #tpu.memory_space<vmem>>
        tpu.wait_dma2 semaphore(%arg14 : memref<!tpu.dma_semaphore, #tpu.memory_space<semaphore_mem>>) src(%dma_wait3A_600 : memref<16x128xf32, #tpu.memory_space<vmem>>) dst(%dma_wait3A_597 : memref<16x128xf32, #tpu.memory_space<hbm>>)
        %jit3A_601 = arith.constant 2 : i32
        %div3A_602 = arith.divsi %sub3A_480, %jit3A_601 : i32
        %sign3A_603 = arith.constant 0 : i32
        %sign3A_604 = arith.cmpi sgt, %sub3A_480, %sign3A_603 : i32
        %sign3A_605 = arith.extui %sign3A_604 : i1 to i32
        %sign3A_606 = arith.constant 0 : i32
        %sign3A_607 = arith.cmpi slt, %sub3A_480, %sign3A_606 : i32
        %sign3A_608 = arith.extui %sign3A_607 : i1 to i32
        %sign3A_609 = arith.subi %sign3A_605, %sign3A_608 : i32
        %sign3A_610 = arith.constant 0 : i32
        %sign3A_611 = arith.cmpi sgt, %jit3A_601, %sign3A_610 : i32
        %sign3A_612 = arith.extui %sign3A_611 : i1 to i32
        %sign3A_613 = arith.constant 0 : i32
        %sign3A_614 = arith.cmpi slt, %jit3A_601, %sign3A_613 : i32
        %sign3A_615 = arith.extui %sign3A_614 : i1 to i32
        %sign3A_616 = arith.subi %sign3A_612, %sign3A_615 : i32
        %ne3A_617 = arith.cmpi ne, %sign3A_609, %sign3A_616 : i32
        %rem3A_618 = arith.remsi %sub3A_480, %jit3A_601 : i32
        %ne3A_619 = arith.constant 0 : i32
        %ne3A_620 = arith.cmpi ne, %rem3A_618, %ne3A_619 : i32
        %and3A_621 = arith.andi %ne3A_617, %ne3A_620 : i1
        %sub3A_622 = arith.constant 1 : i32
        %sub3A_623 = arith.subi %div3A_602, %sub3A_622 : i32
        %select_n3A_624 = arith.select %and3A_621, %sub3A_623, %div3A_602 : i32
        %jit3A_625 = arith.constant 2 : i32
        %eq3A_626 = arith.constant 0 : i32
        %eq3A_627 = arith.cmpi eq, %jit3A_625, %eq3A_626 : i32
        %jit3A_628 = arith.constant 1 : i32
        %select_n3A_629 = arith.select %eq3A_627, %jit3A_628, %jit3A_625 : i32
        %rem3A_630 = arith.remsi %sub3A_480, %select_n3A_629 : i32
        %ne3A_631 = arith.constant 0 : i32
        %ne3A_632 = arith.cmpi ne, %rem3A_630, %ne3A_631 : i32
        %lt3A_633 = arith.constant 0 : i32
        %lt3A_634 = arith.cmpi slt, %rem3A_630, %lt3A_633 : i32
        %lt3A_635 = arith.constant 0 : i32
        %lt3A_636 = arith.cmpi slt, %select_n3A_629, %lt3A_635 : i32
        %ne3A_637 = arith.xori %lt3A_634, %lt3A_636 : i1
        %and3A_638 = arith.andi %ne3A_637, %ne3A_632 : i1
        %add3A_639 = arith.addi %rem3A_630, %select_n3A_629 : i32
        %select_n3A_640 = arith.select %and3A_638, %add3A_639, %rem3A_630 : i32
        %mul3A_641 = arith.constant 8 : i32
        %mul3A_642 = arith.muli %select_n3A_624, %mul3A_641 : i32
        %add3A_643 = arith.constant 2 : i32
        %add3A_644 = arith.addi %mul3A_642, %add3A_643 : i32
        %mul3A_645 = arith.constant 128 : i32
        %mul3A_646 = arith.muli %add3A_644, %mul3A_645 : i32
        %mul3A_647 = arith.constant 4 : i32
        %mul3A_648 = arith.muli %mul3A_647, %add3A : i32
        %add3A_649 = arith.addi %mul3A_646, %mul3A_648 : i32
        %mul3A_650 = arith.constant 2 : i32
        %mul3A_651 = arith.muli %mul3A_650, %select_n3A_640 : i32
        %add3A_652 = arith.addi %add3A_649, %mul3A_651 : i32
        %mul3A_653 = arith.constant 8 : i32
        %mul3A_654 = arith.muli %add3A_652, %mul3A_653 : i32
        %dma_wait3A_655 = arith.constant 32 : i32
        %dma_wait3A_656 = arith.constant 0 : i32
        %dma_wait3A_657 = tpu.memref_slice %arg10[%dma_wait3A_655, %dma_wait3A_656] : memref<128x128xf32, #tpu.memory_space<vmem>> -> memref<16x128xf32, #tpu.memory_space<vmem>>
        %dma_wait3A_658 = arith.constant 0 : i32
        %dma_wait3A_659 = tpu.memref_slice %arg4[%mul3A_654, %dma_wait3A_658] : memref<409600x128xf32, #tpu.memory_space<hbm>> -> memref<16x128xf32, #tpu.memory_space<hbm>>
        %dma_wait3A_660 = arith.constant 0 : i32
        %dma_wait3A_661 = tpu.memref_slice %arg4[%mul3A_654, %dma_wait3A_660] : memref<409600x128xf32, #tpu.memory_space<hbm>> -> memref<16x128xf32, #tpu.memory_space<hbm>>
        %dma_wait3A_662 = arith.constant 32 : i32
        %dma_wait3A_663 = arith.constant 0 : i32
        %dma_wait3A_664 = tpu.memref_slice %arg10[%dma_wait3A_662, %dma_wait3A_663] : memref<128x128xf32, #tpu.memory_space<vmem>> -> memref<16x128xf32, #tpu.memory_space<vmem>>
        tpu.wait_dma2 semaphore(%arg14 : memref<!tpu.dma_semaphore, #tpu.memory_space<semaphore_mem>>) src(%dma_wait3A_664 : memref<16x128xf32, #tpu.memory_space<vmem>>) dst(%dma_wait3A_661 : memref<16x128xf32, #tpu.memory_space<hbm>>)
        %jit3A_665 = arith.constant 2 : i32
        %div3A_666 = arith.divsi %sub3A_480, %jit3A_665 : i32
        %sign3A_667 = arith.constant 0 : i32
        %sign3A_668 = arith.cmpi sgt, %sub3A_480, %sign3A_667 : i32
        %sign3A_669 = arith.extui %sign3A_668 : i1 to i32
        %sign3A_670 = arith.constant 0 : i32
        %sign3A_671 = arith.cmpi slt, %sub3A_480, %sign3A_670 : i32
        %sign3A_672 = arith.extui %sign3A_671 : i1 to i32
        %sign3A_673 = arith.subi %sign3A_669, %sign3A_672 : i32
        %sign3A_674 = arith.constant 0 : i32
        %sign3A_675 = arith.cmpi sgt, %jit3A_665, %sign3A_674 : i32
        %sign3A_676 = arith.extui %sign3A_675 : i1 to i32
        %sign3A_677 = arith.constant 0 : i32
        %sign3A_678 = arith.cmpi slt, %jit3A_665, %sign3A_677 : i32
        %sign3A_679 = arith.extui %sign3A_678 : i1 to i32
        %sign3A_680 = arith.subi %sign3A_676, %sign3A_679 : i32
        %ne3A_681 = arith.cmpi ne, %sign3A_673, %sign3A_680 : i32
        %rem3A_682 = arith.remsi %sub3A_480, %jit3A_665 : i32
        %ne3A_683 = arith.constant 0 : i32
        %ne3A_684 = arith.cmpi ne, %rem3A_682, %ne3A_683 : i32
        %and3A_685 = arith.andi %ne3A_681, %ne3A_684 : i1
        %sub3A_686 = arith.constant 1 : i32
        %sub3A_687 = arith.subi %div3A_666, %sub3A_686 : i32
        %select_n3A_688 = arith.select %and3A_685, %sub3A_687, %div3A_666 : i32
        %jit3A_689 = arith.constant 2 : i32
        %eq3A_690 = arith.constant 0 : i32
        %eq3A_691 = arith.cmpi eq, %jit3A_689, %eq3A_690 : i32
        %jit3A_692 = arith.constant 1 : i32
        %select_n3A_693 = arith.select %eq3A_691, %jit3A_692, %jit3A_689 : i32
        %rem3A_694 = arith.remsi %sub3A_480, %select_n3A_693 : i32
        %ne3A_695 = arith.constant 0 : i32
        %ne3A_696 = arith.cmpi ne, %rem3A_694, %ne3A_695 : i32
        %lt3A_697 = arith.constant 0 : i32
        %lt3A_698 = arith.cmpi slt, %rem3A_694, %lt3A_697 : i32
        %lt3A_699 = arith.constant 0 : i32
        %lt3A_700 = arith.cmpi slt, %select_n3A_693, %lt3A_699 : i32
        %ne3A_701 = arith.xori %lt3A_698, %lt3A_700 : i1
        %and3A_702 = arith.andi %ne3A_701, %ne3A_696 : i1
        %add3A_703 = arith.addi %rem3A_694, %select_n3A_693 : i32
        %select_n3A_704 = arith.select %and3A_702, %add3A_703, %rem3A_694 : i32
        %mul3A_705 = arith.constant 8 : i32
        %mul3A_706 = arith.muli %select_n3A_688, %mul3A_705 : i32
        %add3A_707 = arith.constant 3 : i32
        %add3A_708 = arith.addi %mul3A_706, %add3A_707 : i32
        %mul3A_709 = arith.constant 128 : i32
        %mul3A_710 = arith.muli %add3A_708, %mul3A_709 : i32
        %mul3A_711 = arith.constant 4 : i32
        %mul3A_712 = arith.muli %mul3A_711, %add3A : i32
        %add3A_713 = arith.addi %mul3A_710, %mul3A_712 : i32
        %mul3A_714 = arith.constant 2 : i32
        %mul3A_715 = arith.muli %mul3A_714, %select_n3A_704 : i32
        %add3A_716 = arith.addi %add3A_713, %mul3A_715 : i32
        %mul3A_717 = arith.constant 8 : i32
        %mul3A_718 = arith.muli %add3A_716, %mul3A_717 : i32
        %dma_wait3A_719 = arith.constant 48 : i32
        %dma_wait3A_720 = arith.constant 0 : i32
        %dma_wait3A_721 = tpu.memref_slice %arg10[%dma_wait3A_719, %dma_wait3A_720] : memref<128x128xf32, #tpu.memory_space<vmem>> -> memref<16x128xf32, #tpu.memory_space<vmem>>
        %dma_wait3A_722 = arith.constant 0 : i32
        %dma_wait3A_723 = tpu.memref_slice %arg4[%mul3A_718, %dma_wait3A_722] : memref<409600x128xf32, #tpu.memory_space<hbm>> -> memref<16x128xf32, #tpu.memory_space<hbm>>
        %dma_wait3A_724 = arith.constant 0 : i32
        %dma_wait3A_725 = tpu.memref_slice %arg4[%mul3A_718, %dma_wait3A_724] : memref<409600x128xf32, #tpu.memory_space<hbm>> -> memref<16x128xf32, #tpu.memory_space<hbm>>
        %dma_wait3A_726 = arith.constant 48 : i32
        %dma_wait3A_727 = arith.constant 0 : i32
        %dma_wait3A_728 = tpu.memref_slice %arg10[%dma_wait3A_726, %dma_wait3A_727] : memref<128x128xf32, #tpu.memory_space<vmem>> -> memref<16x128xf32, #tpu.memory_space<vmem>>
        tpu.wait_dma2 semaphore(%arg14 : memref<!tpu.dma_semaphore, #tpu.memory_space<semaphore_mem>>) src(%dma_wait3A_728 : memref<16x128xf32, #tpu.memory_space<vmem>>) dst(%dma_wait3A_725 : memref<16x128xf32, #tpu.memory_space<hbm>>)
        %jit3A_729 = arith.constant 2 : i32
        %div3A_730 = arith.divsi %sub3A_480, %jit3A_729 : i32
        %sign3A_731 = arith.constant 0 : i32
        %sign3A_732 = arith.cmpi sgt, %sub3A_480, %sign3A_731 : i32
        %sign3A_733 = arith.extui %sign3A_732 : i1 to i32
        %sign3A_734 = arith.constant 0 : i32
        %sign3A_735 = arith.cmpi slt, %sub3A_480, %sign3A_734 : i32
        %sign3A_736 = arith.extui %sign3A_735 : i1 to i32
        %sign3A_737 = arith.subi %sign3A_733, %sign3A_736 : i32
        %sign3A_738 = arith.constant 0 : i32
        %sign3A_739 = arith.cmpi sgt, %jit3A_729, %sign3A_738 : i32
        %sign3A_740 = arith.extui %sign3A_739 : i1 to i32
        %sign3A_741 = arith.constant 0 : i32
        %sign3A_742 = arith.cmpi slt, %jit3A_729, %sign3A_741 : i32
        %sign3A_743 = arith.extui %sign3A_742 : i1 to i32
        %sign3A_744 = arith.subi %sign3A_740, %sign3A_743 : i32
        %ne3A_745 = arith.cmpi ne, %sign3A_737, %sign3A_744 : i32
        %rem3A_746 = arith.remsi %sub3A_480, %jit3A_729 : i32
        %ne3A_747 = arith.constant 0 : i32
        %ne3A_748 = arith.cmpi ne, %rem3A_746, %ne3A_747 : i32
        %and3A_749 = arith.andi %ne3A_745, %ne3A_748 : i1
        %sub3A_750 = arith.constant 1 : i32
        %sub3A_751 = arith.subi %div3A_730, %sub3A_750 : i32
        %select_n3A_752 = arith.select %and3A_749, %sub3A_751, %div3A_730 : i32
        %jit3A_753 = arith.constant 2 : i32
        %eq3A_754 = arith.constant 0 : i32
        %eq3A_755 = arith.cmpi eq, %jit3A_753, %eq3A_754 : i32
        %jit3A_756 = arith.constant 1 : i32
        %select_n3A_757 = arith.select %eq3A_755, %jit3A_756, %jit3A_753 : i32
        %rem3A_758 = arith.remsi %sub3A_480, %select_n3A_757 : i32
        %ne3A_759 = arith.constant 0 : i32
        %ne3A_760 = arith.cmpi ne, %rem3A_758, %ne3A_759 : i32
        %lt3A_761 = arith.constant 0 : i32
        %lt3A_762 = arith.cmpi slt, %rem3A_758, %lt3A_761 : i32
        %lt3A_763 = arith.constant 0 : i32
        %lt3A_764 = arith.cmpi slt, %select_n3A_757, %lt3A_763 : i32
        %ne3A_765 = arith.xori %lt3A_762, %lt3A_764 : i1
        %and3A_766 = arith.andi %ne3A_765, %ne3A_760 : i1
        %add3A_767 = arith.addi %rem3A_758, %select_n3A_757 : i32
        %select_n3A_768 = arith.select %and3A_766, %add3A_767, %rem3A_758 : i32
        %mul3A_769 = arith.constant 8 : i32
        %mul3A_770 = arith.muli %select_n3A_752, %mul3A_769 : i32
        %add3A_771 = arith.constant 4 : i32
        %add3A_772 = arith.addi %mul3A_770, %add3A_771 : i32
        %mul3A_773 = arith.constant 128 : i32
        %mul3A_774 = arith.muli %add3A_772, %mul3A_773 : i32
        %mul3A_775 = arith.constant 4 : i32
        %mul3A_776 = arith.muli %mul3A_775, %add3A : i32
        %add3A_777 = arith.addi %mul3A_774, %mul3A_776 : i32
        %mul3A_778 = arith.constant 2 : i32
        %mul3A_779 = arith.muli %mul3A_778, %select_n3A_768 : i32
        %add3A_780 = arith.addi %add3A_777, %mul3A_779 : i32
        %mul3A_781 = arith.constant 8 : i32
        %mul3A_782 = arith.muli %add3A_780, %mul3A_781 : i32
        %dma_wait3A_783 = arith.constant 64 : i32
        %dma_wait3A_784 = arith.constant 0 : i32
        %dma_wait3A_785 = tpu.memref_slice %arg10[%dma_wait3A_783, %dma_wait3A_784] : memref<128x128xf32, #tpu.memory_space<vmem>> -> memref<16x128xf32, #tpu.memory_space<vmem>>
        %dma_wait3A_786 = arith.constant 0 : i32
        %dma_wait3A_787 = tpu.memref_slice %arg4[%mul3A_782, %dma_wait3A_786] : memref<409600x128xf32, #tpu.memory_space<hbm>> -> memref<16x128xf32, #tpu.memory_space<hbm>>
        %dma_wait3A_788 = arith.constant 0 : i32
        %dma_wait3A_789 = tpu.memref_slice %arg4[%mul3A_782, %dma_wait3A_788] : memref<409600x128xf32, #tpu.memory_space<hbm>> -> memref<16x128xf32, #tpu.memory_space<hbm>>
        %dma_wait3A_790 = arith.constant 64 : i32
        %dma_wait3A_791 = arith.constant 0 : i32
        %dma_wait3A_792 = tpu.memref_slice %arg10[%dma_wait3A_790, %dma_wait3A_791] : memref<128x128xf32, #tpu.memory_space<vmem>> -> memref<16x128xf32, #tpu.memory_space<vmem>>
        tpu.wait_dma2 semaphore(%arg14 : memref<!tpu.dma_semaphore, #tpu.memory_space<semaphore_mem>>) src(%dma_wait3A_792 : memref<16x128xf32, #tpu.memory_space<vmem>>) dst(%dma_wait3A_789 : memref<16x128xf32, #tpu.memory_space<hbm>>)
        %jit3A_793 = arith.constant 2 : i32
        %div3A_794 = arith.divsi %sub3A_480, %jit3A_793 : i32
        %sign3A_795 = arith.constant 0 : i32
        %sign3A_796 = arith.cmpi sgt, %sub3A_480, %sign3A_795 : i32
        %sign3A_797 = arith.extui %sign3A_796 : i1 to i32
        %sign3A_798 = arith.constant 0 : i32
        %sign3A_799 = arith.cmpi slt, %sub3A_480, %sign3A_798 : i32
        %sign3A_800 = arith.extui %sign3A_799 : i1 to i32
        %sign3A_801 = arith.subi %sign3A_797, %sign3A_800 : i32
        %sign3A_802 = arith.constant 0 : i32
        %sign3A_803 = arith.cmpi sgt, %jit3A_793, %sign3A_802 : i32
        %sign3A_804 = arith.extui %sign3A_803 : i1 to i32
        %sign3A_805 = arith.constant 0 : i32
        %sign3A_806 = arith.cmpi slt, %jit3A_793, %sign3A_805 : i32
        %sign3A_807 = arith.extui %sign3A_806 : i1 to i32
        %sign3A_808 = arith.subi %sign3A_804, %sign3A_807 : i32
        %ne3A_809 = arith.cmpi ne, %sign3A_801, %sign3A_808 : i32
        %rem3A_810 = arith.remsi %sub3A_480, %jit3A_793 : i32
        %ne3A_811 = arith.constant 0 : i32
        %ne3A_812 = arith.cmpi ne, %rem3A_810, %ne3A_811 : i32
        %and3A_813 = arith.andi %ne3A_809, %ne3A_812 : i1
        %sub3A_814 = arith.constant 1 : i32
        %sub3A_815 = arith.subi %div3A_794, %sub3A_814 : i32
        %select_n3A_816 = arith.select %and3A_813, %sub3A_815, %div3A_794 : i32
        %jit3A_817 = arith.constant 2 : i32
        %eq3A_818 = arith.constant 0 : i32
        %eq3A_819 = arith.cmpi eq, %jit3A_817, %eq3A_818 : i32
        %jit3A_820 = arith.constant 1 : i32
        %select_n3A_821 = arith.select %eq3A_819, %jit3A_820, %jit3A_817 : i32
        %rem3A_822 = arith.remsi %sub3A_480, %select_n3A_821 : i32
        %ne3A_823 = arith.constant 0 : i32
        %ne3A_824 = arith.cmpi ne, %rem3A_822, %ne3A_823 : i32
        %lt3A_825 = arith.constant 0 : i32
        %lt3A_826 = arith.cmpi slt, %rem3A_822, %lt3A_825 : i32
        %lt3A_827 = arith.constant 0 : i32
        %lt3A_828 = arith.cmpi slt, %select_n3A_821, %lt3A_827 : i32
        %ne3A_829 = arith.xori %lt3A_826, %lt3A_828 : i1
        %and3A_830 = arith.andi %ne3A_829, %ne3A_824 : i1
        %add3A_831 = arith.addi %rem3A_822, %select_n3A_821 : i32
        %select_n3A_832 = arith.select %and3A_830, %add3A_831, %rem3A_822 : i32
        %mul3A_833 = arith.constant 8 : i32
        %mul3A_834 = arith.muli %select_n3A_816, %mul3A_833 : i32
        %add3A_835 = arith.constant 5 : i32
        %add3A_836 = arith.addi %mul3A_834, %add3A_835 : i32
        %mul3A_837 = arith.constant 128 : i32
        %mul3A_838 = arith.muli %add3A_836, %mul3A_837 : i32
        %mul3A_839 = arith.constant 4 : i32
        %mul3A_840 = arith.muli %mul3A_839, %add3A : i32
        %add3A_841 = arith.addi %mul3A_838, %mul3A_840 : i32
        %mul3A_842 = arith.constant 2 : i32
        %mul3A_843 = arith.muli %mul3A_842, %select_n3A_832 : i32
        %add3A_844 = arith.addi %add3A_841, %mul3A_843 : i32
        %mul3A_845 = arith.constant 8 : i32
        %mul3A_846 = arith.muli %add3A_844, %mul3A_845 : i32
        %dma_wait3A_847 = arith.constant 80 : i32
        %dma_wait3A_848 = arith.constant 0 : i32
        %dma_wait3A_849 = tpu.memref_slice %arg10[%dma_wait3A_847, %dma_wait3A_848] : memref<128x128xf32, #tpu.memory_space<vmem>> -> memref<16x128xf32, #tpu.memory_space<vmem>>
        %dma_wait3A_850 = arith.constant 0 : i32
        %dma_wait3A_851 = tpu.memref_slice %arg4[%mul3A_846, %dma_wait3A_850] : memref<409600x128xf32, #tpu.memory_space<hbm>> -> memref<16x128xf32, #tpu.memory_space<hbm>>
        %dma_wait3A_852 = arith.constant 0 : i32
        %dma_wait3A_853 = tpu.memref_slice %arg4[%mul3A_846, %dma_wait3A_852] : memref<409600x128xf32, #tpu.memory_space<hbm>> -> memref<16x128xf32, #tpu.memory_space<hbm>>
        %dma_wait3A_854 = arith.constant 80 : i32
        %dma_wait3A_855 = arith.constant 0 : i32
        %dma_wait3A_856 = tpu.memref_slice %arg10[%dma_wait3A_854, %dma_wait3A_855] : memref<128x128xf32, #tpu.memory_space<vmem>> -> memref<16x128xf32, #tpu.memory_space<vmem>>
        tpu.wait_dma2 semaphore(%arg14 : memref<!tpu.dma_semaphore, #tpu.memory_space<semaphore_mem>>) src(%dma_wait3A_856 : memref<16x128xf32, #tpu.memory_space<vmem>>) dst(%dma_wait3A_853 : memref<16x128xf32, #tpu.memory_space<hbm>>)
        %jit3A_857 = arith.constant 2 : i32
        %div3A_858 = arith.divsi %sub3A_480, %jit3A_857 : i32
        %sign3A_859 = arith.constant 0 : i32
        %sign3A_860 = arith.cmpi sgt, %sub3A_480, %sign3A_859 : i32
        %sign3A_861 = arith.extui %sign3A_860 : i1 to i32
        %sign3A_862 = arith.constant 0 : i32
        %sign3A_863 = arith.cmpi slt, %sub3A_480, %sign3A_862 : i32
        %sign3A_864 = arith.extui %sign3A_863 : i1 to i32
        %sign3A_865 = arith.subi %sign3A_861, %sign3A_864 : i32
        %sign3A_866 = arith.constant 0 : i32
        %sign3A_867 = arith.cmpi sgt, %jit3A_857, %sign3A_866 : i32
        %sign3A_868 = arith.extui %sign3A_867 : i1 to i32
        %sign3A_869 = arith.constant 0 : i32
        %sign3A_870 = arith.cmpi slt, %jit3A_857, %sign3A_869 : i32
        %sign3A_871 = arith.extui %sign3A_870 : i1 to i32
        %sign3A_872 = arith.subi %sign3A_868, %sign3A_871 : i32
        %ne3A_873 = arith.cmpi ne, %sign3A_865, %sign3A_872 : i32
        %rem3A_874 = arith.remsi %sub3A_480, %jit3A_857 : i32
        %ne3A_875 = arith.constant 0 : i32
        %ne3A_876 = arith.cmpi ne, %rem3A_874, %ne3A_875 : i32
        %and3A_877 = arith.andi %ne3A_873, %ne3A_876 : i1
        %sub3A_878 = arith.constant 1 : i32
        %sub3A_879 = arith.subi %div3A_858, %sub3A_878 : i32
        %select_n3A_880 = arith.select %and3A_877, %sub3A_879, %div3A_858 : i32
        %jit3A_881 = arith.constant 2 : i32
        %eq3A_882 = arith.constant 0 : i32
        %eq3A_883 = arith.cmpi eq, %jit3A_881, %eq3A_882 : i32
        %jit3A_884 = arith.constant 1 : i32
        %select_n3A_885 = arith.select %eq3A_883, %jit3A_884, %jit3A_881 : i32
        %rem3A_886 = arith.remsi %sub3A_480, %select_n3A_885 : i32
        %ne3A_887 = arith.constant 0 : i32
        %ne3A_888 = arith.cmpi ne, %rem3A_886, %ne3A_887 : i32
        %lt3A_889 = arith.constant 0 : i32
        %lt3A_890 = arith.cmpi slt, %rem3A_886, %lt3A_889 : i32
        %lt3A_891 = arith.constant 0 : i32
        %lt3A_892 = arith.cmpi slt, %select_n3A_885, %lt3A_891 : i32
        %ne3A_893 = arith.xori %lt3A_890, %lt3A_892 : i1
        %and3A_894 = arith.andi %ne3A_893, %ne3A_888 : i1
        %add3A_895 = arith.addi %rem3A_886, %select_n3A_885 : i32
        %select_n3A_896 = arith.select %and3A_894, %add3A_895, %rem3A_886 : i32
        %mul3A_897 = arith.constant 8 : i32
        %mul3A_898 = arith.muli %select_n3A_880, %mul3A_897 : i32
        %add3A_899 = arith.constant 6 : i32
        %add3A_900 = arith.addi %mul3A_898, %add3A_899 : i32
        %mul3A_901 = arith.constant 128 : i32
        %mul3A_902 = arith.muli %add3A_900, %mul3A_901 : i32
        %mul3A_903 = arith.constant 4 : i32
        %mul3A_904 = arith.muli %mul3A_903, %add3A : i32
        %add3A_905 = arith.addi %mul3A_902, %mul3A_904 : i32
        %mul3A_906 = arith.constant 2 : i32
        %mul3A_907 = arith.muli %mul3A_906, %select_n3A_896 : i32
        %add3A_908 = arith.addi %add3A_905, %mul3A_907 : i32
        %mul3A_909 = arith.constant 8 : i32
        %mul3A_910 = arith.muli %add3A_908, %mul3A_909 : i32
        %dma_wait3A_911 = arith.constant 96 : i32
        %dma_wait3A_912 = arith.constant 0 : i32
        %dma_wait3A_913 = tpu.memref_slice %arg10[%dma_wait3A_911, %dma_wait3A_912] : memref<128x128xf32, #tpu.memory_space<vmem>> -> memref<16x128xf32, #tpu.memory_space<vmem>>
        %dma_wait3A_914 = arith.constant 0 : i32
        %dma_wait3A_915 = tpu.memref_slice %arg4[%mul3A_910, %dma_wait3A_914] : memref<409600x128xf32, #tpu.memory_space<hbm>> -> memref<16x128xf32, #tpu.memory_space<hbm>>
        %dma_wait3A_916 = arith.constant 0 : i32
        %dma_wait3A_917 = tpu.memref_slice %arg4[%mul3A_910, %dma_wait3A_916] : memref<409600x128xf32, #tpu.memory_space<hbm>> -> memref<16x128xf32, #tpu.memory_space<hbm>>
        %dma_wait3A_918 = arith.constant 96 : i32
        %dma_wait3A_919 = arith.constant 0 : i32
        %dma_wait3A_920 = tpu.memref_slice %arg10[%dma_wait3A_918, %dma_wait3A_919] : memref<128x128xf32, #tpu.memory_space<vmem>> -> memref<16x128xf32, #tpu.memory_space<vmem>>
        tpu.wait_dma2 semaphore(%arg14 : memref<!tpu.dma_semaphore, #tpu.memory_space<semaphore_mem>>) src(%dma_wait3A_920 : memref<16x128xf32, #tpu.memory_space<vmem>>) dst(%dma_wait3A_917 : memref<16x128xf32, #tpu.memory_space<hbm>>)
        %jit3A_921 = arith.constant 2 : i32
        %div3A_922 = arith.divsi %sub3A_480, %jit3A_921 : i32
        %sign3A_923 = arith.constant 0 : i32
        %sign3A_924 = arith.cmpi sgt, %sub3A_480, %sign3A_923 : i32
        %sign3A_925 = arith.extui %sign3A_924 : i1 to i32
        %sign3A_926 = arith.constant 0 : i32
        %sign3A_927 = arith.cmpi slt, %sub3A_480, %sign3A_926 : i32
        %sign3A_928 = arith.extui %sign3A_927 : i1 to i32
        %sign3A_929 = arith.subi %sign3A_925, %sign3A_928 : i32
        %sign3A_930 = arith.constant 0 : i32
        %sign3A_931 = arith.cmpi sgt, %jit3A_921, %sign3A_930 : i32
        %sign3A_932 = arith.extui %sign3A_931 : i1 to i32
        %sign3A_933 = arith.constant 0 : i32
        %sign3A_934 = arith.cmpi slt, %jit3A_921, %sign3A_933 : i32
        %sign3A_935 = arith.extui %sign3A_934 : i1 to i32
        %sign3A_936 = arith.subi %sign3A_932, %sign3A_935 : i32
        %ne3A_937 = arith.cmpi ne, %sign3A_929, %sign3A_936 : i32
        %rem3A_938 = arith.remsi %sub3A_480, %jit3A_921 : i32
        %ne3A_939 = arith.constant 0 : i32
        %ne3A_940 = arith.cmpi ne, %rem3A_938, %ne3A_939 : i32
        %and3A_941 = arith.andi %ne3A_937, %ne3A_940 : i1
        %sub3A_942 = arith.constant 1 : i32
        %sub3A_943 = arith.subi %div3A_922, %sub3A_942 : i32
        %select_n3A_944 = arith.select %and3A_941, %sub3A_943, %div3A_922 : i32
        %jit3A_945 = arith.constant 2 : i32
        %eq3A_946 = arith.constant 0 : i32
        %eq3A_947 = arith.cmpi eq, %jit3A_945, %eq3A_946 : i32
        %jit3A_948 = arith.constant 1 : i32
        %select_n3A_949 = arith.select %eq3A_947, %jit3A_948, %jit3A_945 : i32
        %rem3A_950 = arith.remsi %sub3A_480, %select_n3A_949 : i32
        %ne3A_951 = arith.constant 0 : i32
        %ne3A_952 = arith.cmpi ne, %rem3A_950, %ne3A_951 : i32
        %lt3A_953 = arith.constant 0 : i32
        %lt3A_954 = arith.cmpi slt, %rem3A_950, %lt3A_953 : i32
        %lt3A_955 = arith.constant 0 : i32
        %lt3A_956 = arith.cmpi slt, %select_n3A_949, %lt3A_955 : i32
        %ne3A_957 = arith.xori %lt3A_954, %lt3A_956 : i1
        %and3A_958 = arith.andi %ne3A_957, %ne3A_952 : i1
        %add3A_959 = arith.addi %rem3A_950, %select_n3A_949 : i32
        %select_n3A_960 = arith.select %and3A_958, %add3A_959, %rem3A_950 : i32
        %mul3A_961 = arith.constant 8 : i32
        %mul3A_962 = arith.muli %select_n3A_944, %mul3A_961 : i32
        %add3A_963 = arith.constant 7 : i32
        %add3A_964 = arith.addi %mul3A_962, %add3A_963 : i32
        %mul3A_965 = arith.constant 128 : i32
        %mul3A_966 = arith.muli %add3A_964, %mul3A_965 : i32
        %mul3A_967 = arith.constant 4 : i32
        %mul3A_968 = arith.muli %mul3A_967, %add3A : i32
        %add3A_969 = arith.addi %mul3A_966, %mul3A_968 : i32
        %mul3A_970 = arith.constant 2 : i32
        %mul3A_971 = arith.muli %mul3A_970, %select_n3A_960 : i32
        %add3A_972 = arith.addi %add3A_969, %mul3A_971 : i32
        %mul3A_973 = arith.constant 8 : i32
        %mul3A_974 = arith.muli %add3A_972, %mul3A_973 : i32
        %dma_wait3A_975 = arith.constant 112 : i32
        %dma_wait3A_976 = arith.constant 0 : i32
        %dma_wait3A_977 = tpu.memref_slice %arg10[%dma_wait3A_975, %dma_wait3A_976] : memref<128x128xf32, #tpu.memory_space<vmem>> -> memref<16x128xf32, #tpu.memory_space<vmem>>
        %dma_wait3A_978 = arith.constant 0 : i32
        %dma_wait3A_979 = tpu.memref_slice %arg4[%mul3A_974, %dma_wait3A_978] : memref<409600x128xf32, #tpu.memory_space<hbm>> -> memref<16x128xf32, #tpu.memory_space<hbm>>
        %dma_wait3A_980 = arith.constant 0 : i32
        %dma_wait3A_981 = tpu.memref_slice %arg4[%mul3A_974, %dma_wait3A_980] : memref<409600x128xf32, #tpu.memory_space<hbm>> -> memref<16x128xf32, #tpu.memory_space<hbm>>
        %dma_wait3A_982 = arith.constant 112 : i32
        %dma_wait3A_983 = arith.constant 0 : i32
        %dma_wait3A_984 = tpu.memref_slice %arg10[%dma_wait3A_982, %dma_wait3A_983] : memref<128x128xf32, #tpu.memory_space<vmem>> -> memref<16x128xf32, #tpu.memory_space<vmem>>
        tpu.wait_dma2 semaphore(%arg14 : memref<!tpu.dma_semaphore, #tpu.memory_space<semaphore_mem>>) src(%dma_wait3A_984 : memref<16x128xf32, #tpu.memory_space<vmem>>) dst(%dma_wait3A_981 : memref<16x128xf32, #tpu.memory_space<hbm>>)
      } else {
      }
      %scan3A_420 = arith.constant 0 : i32
      %scan3A_421 = arith.constant 32 : i32
      %scan3A_422 = arith.addi %scan3A_420, %scan3A_421 : i32
      %scan3A_423 = arith.constant 1 : i32
      scf.for %scan3A_480 = %scan3A_420 to %scan3A_422 step %scan3A_423  : i32 {
        %mul3A_481 = arith.constant 1 : i32
        %mul3A_482 = arith.muli %scan3A_480, %mul3A_481 : i32
        %add3A_483 = arith.constant 0 : i32
        %add3A_484 = arith.addi %add3A_483, %mul3A_482 : i32
        %mul3A_485 = arith.constant 8 : i32
        %mul3A_486 = arith.muli %add3A_484, %mul3A_485 : i32
        %add3A_487 = arith.constant 0 : i32
        %add3A_488 = arith.addi %mul3A_486, %add3A_487 : i32
        %get3A = arith.index_cast %add3A_488 : i32 to index
        %get3A_489 = arith.constant 0 : index
        %get3A_490 = tpu.vector_load %arg7[%get3A, %get3A_489] {strides = array<i32>} : memref<256x64xf32, #tpu.memory_space<vmem>>, vector<16xf32>,
        %mul3A_491 = arith.constant 8 : i32
        %mul3A_492 = arith.muli %add3A_484, %mul3A_491 : i32
        %add3A_493 = arith.constant 0 : i32
        %add3A_494 = arith.addi %mul3A_492, %add3A_493 : i32
        %get3A_495 = arith.index_cast %add3A_494 : i32 to index
        %get3A_496 = arith.constant 16 : index
        %get3A_497 = tpu.vector_load %arg7[%get3A_495, %get3A_496] {strides = array<i32>} : memref<256x64xf32, #tpu.memory_space<vmem>>, vector<16xf32>,
        %mul3A_498 = arith.constant 8 : i32
        %mul3A_499 = arith.muli %add3A_484, %mul3A_498 : i32
        %add3A_500 = arith.constant 0 : i32
        %add3A_501 = arith.addi %mul3A_499, %add3A_500 : i32
        %get3A_502 = arith.index_cast %add3A_501 : i32 to index
        %get3A_503 = arith.constant 32 : index
        %get3A_504 = tpu.vector_load %arg7[%get3A_502, %get3A_503] {strides = array<i32>} : memref<256x64xf32, #tpu.memory_space<vmem>>, vector<16xf32>,
        %mul3A_505 = arith.constant 8 : i32
        %mul3A_506 = arith.muli %add3A_484, %mul3A_505 : i32
        %add3A_507 = arith.constant 0 : i32
        %add3A_508 = arith.addi %mul3A_506, %add3A_507 : i32
        %get3A_509 = arith.index_cast %add3A_508 : i32 to index
        %get3A_510 = arith.constant 48 : index
        %get3A_511 = tpu.vector_load %arg7[%get3A_509, %get3A_510] {strides = array<i32>} : memref<256x64xf32, #tpu.memory_space<vmem>>, vector<16xf32>,
        %mul3A_512 = arith.constant 8 : i32
        %mul3A_513 = arith.muli %add3A_484, %mul3A_512 : i32
        %add3A_514 = arith.constant 1 : i32
        %add3A_515 = arith.addi %mul3A_513, %add3A_514 : i32
        %get3A_516 = arith.index_cast %add3A_515 : i32 to index
        %get3A_517 = arith.constant 0 : index
        %get3A_518 = tpu.vector_load %arg7[%get3A_516, %get3A_517] {strides = array<i32>} : memref<256x64xf32, #tpu.memory_space<vmem>>, vector<16xf32>,
        %mul3A_519 = arith.constant 8 : i32
        %mul3A_520 = arith.muli %add3A_484, %mul3A_519 : i32
        %add3A_521 = arith.constant 1 : i32
        %add3A_522 = arith.addi %mul3A_520, %add3A_521 : i32
        %get3A_523 = arith.index_cast %add3A_522 : i32 to index
        %get3A_524 = arith.constant 16 : index
        %get3A_525 = tpu.vector_load %arg7[%get3A_523, %get3A_524] {strides = array<i32>} : memref<256x64xf32, #tpu.memory_space<vmem>>, vector<16xf32>,
        %mul3A_526 = arith.constant 8 : i32
        %mul3A_527 = arith.muli %add3A_484, %mul3A_526 : i32
        %add3A_528 = arith.constant 1 : i32
        %add3A_529 = arith.addi %mul3A_527, %add3A_528 : i32
        %get3A_530 = arith.index_cast %add3A_529 : i32 to index
        %get3A_531 = arith.constant 32 : index
        %get3A_532 = tpu.vector_load %arg7[%get3A_530, %get3A_531] {strides = array<i32>} : memref<256x64xf32, #tpu.memory_space<vmem>>, vector<16xf32>,
        %mul3A_533 = arith.constant 8 : i32
        %mul3A_534 = arith.muli %add3A_484, %mul3A_533 : i32
        %add3A_535 = arith.constant 1 : i32
        %add3A_536 = arith.addi %mul3A_534, %add3A_535 : i32
        %get3A_537 = arith.index_cast %add3A_536 : i32 to index
        %get3A_538 = arith.constant 48 : index
        %get3A_539 = tpu.vector_load %arg7[%get3A_537, %get3A_538] {strides = array<i32>} : memref<256x64xf32, #tpu.memory_space<vmem>>, vector<16xf32>,
        %mul3A_540 = arith.constant 8 : i32
        %mul3A_541 = arith.muli %add3A_484, %mul3A_540 : i32
        %add3A_542 = arith.constant 2 : i32
        %add3A_543 = arith.addi %mul3A_541, %add3A_542 : i32
        %get3A_544 = arith.index_cast %add3A_543 : i32 to index
        %get3A_545 = arith.constant 0 : index
        %get3A_546 = tpu.vector_load %arg7[%get3A_544, %get3A_545] {strides = array<i32>} : memref<256x64xf32, #tpu.memory_space<vmem>>, vector<16xf32>,
        %mul3A_547 = arith.constant 8 : i32
        %mul3A_548 = arith.muli %add3A_484, %mul3A_547 : i32
        %add3A_549 = arith.constant 2 : i32
        %add3A_550 = arith.addi %mul3A_548, %add3A_549 : i32
        %get3A_551 = arith.index_cast %add3A_550 : i32 to index
        %get3A_552 = arith.constant 16 : index
        %get3A_553 = tpu.vector_load %arg7[%get3A_551, %get3A_552] {strides = array<i32>} : memref<256x64xf32, #tpu.memory_space<vmem>>, vector<16xf32>,
        %mul3A_554 = arith.constant 8 : i32
        %mul3A_555 = arith.muli %add3A_484, %mul3A_554 : i32
        %add3A_556 = arith.constant 2 : i32
        %add3A_557 = arith.addi %mul3A_555, %add3A_556 : i32
        %get3A_558 = arith.index_cast %add3A_557 : i32 to index
        %get3A_559 = arith.constant 32 : index
        %get3A_560 = tpu.vector_load %arg7[%get3A_558, %get3A_559] {strides = array<i32>} : memref<256x64xf32, #tpu.memory_space<vmem>>, vector<16xf32>,
        %mul3A_561 = arith.constant 8 : i32
        %mul3A_562 = arith.muli %add3A_484, %mul3A_561 : i32
        %add3A_563 = arith.constant 2 : i32
        %add3A_564 = arith.addi %mul3A_562, %add3A_563 : i32
        %get3A_565 = arith.index_cast %add3A_564 : i32 to index
        %get3A_566 = arith.constant 48 : index
        %get3A_567 = tpu.vector_load %arg7[%get3A_565, %get3A_566] {strides = array<i32>} : memref<256x64xf32, #tpu.memory_space<vmem>>, vector<16xf32>,
        %mul3A_568 = arith.constant 8 : i32
        %mul3A_569 = arith.muli %add3A_484, %mul3A_568 : i32
        %add3A_570 = arith.constant 3 : i32
        %add3A_571 = arith.addi %mul3A_569, %add3A_570 : i32
        %get3A_572 = arith.index_cast %add3A_571 : i32 to index
        %get3A_573 = arith.constant 0 : index
        %get3A_574 = tpu.vector_load %arg7[%get3A_572, %get3A_573] {strides = array<i32>} : memref<256x64xf32, #tpu.memory_space<vmem>>, vector<16xf32>,
        %mul3A_575 = arith.constant 8 : i32
        %mul3A_576 = arith.muli %add3A_484, %mul3A_575 : i32
        %add3A_577 = arith.constant 3 : i32
        %add3A_578 = arith.addi %mul3A_576, %add3A_577 : i32
        %get3A_579 = arith.index_cast %add3A_578 : i32 to index
        %get3A_580 = arith.constant 16 : index
        %get3A_581 = tpu.vector_load %arg7[%get3A_579, %get3A_580] {strides = array<i32>} : memref<256x64xf32, #tpu.memory_space<vmem>>, vector<16xf32>,
        %mul3A_582 = arith.constant 8 : i32
        %mul3A_583 = arith.muli %add3A_484, %mul3A_582 : i32
        %add3A_584 = arith.constant 3 : i32
        %add3A_585 = arith.addi %mul3A_583, %add3A_584 : i32
        %get3A_586 = arith.index_cast %add3A_585 : i32 to index
        %get3A_587 = arith.constant 32 : index
        %get3A_588 = tpu.vector_load %arg7[%get3A_586, %get3A_587] {strides = array<i32>} : memref<256x64xf32, #tpu.memory_space<vmem>>, vector<16xf32>,
        %mul3A_589 = arith.constant 8 : i32
        %mul3A_590 = arith.muli %add3A_484, %mul3A_589 : i32
        %add3A_591 = arith.constant 3 : i32
        %add3A_592 = arith.addi %mul3A_590, %add3A_591 : i32
        %get3A_593 = arith.index_cast %add3A_592 : i32 to index
        %get3A_594 = arith.constant 48 : index
        %get3A_595 = tpu.vector_load %arg7[%get3A_593, %get3A_594] {strides = array<i32>} : memref<256x64xf32, #tpu.memory_space<vmem>>, vector<16xf32>,
        %mul3A_596 = arith.constant 8 : i32
        %mul3A_597 = arith.muli %add3A_484, %mul3A_596 : i32
        %add3A_598 = arith.constant 4 : i32
        %add3A_599 = arith.addi %mul3A_597, %add3A_598 : i32
        %get3A_600 = arith.index_cast %add3A_599 : i32 to index
        %get3A_601 = arith.constant 0 : index
        %get3A_602 = tpu.vector_load %arg7[%get3A_600, %get3A_601] {strides = array<i32>} : memref<256x64xf32, #tpu.memory_space<vmem>>, vector<16xf32>,
        %mul3A_603 = arith.constant 8 : i32
        %mul3A_604 = arith.muli %add3A_484, %mul3A_603 : i32
        %add3A_605 = arith.constant 4 : i32
        %add3A_606 = arith.addi %mul3A_604, %add3A_605 : i32
        %get3A_607 = arith.index_cast %add3A_606 : i32 to index
        %get3A_608 = arith.constant 16 : index
        %get3A_609 = tpu.vector_load %arg7[%get3A_607, %get3A_608] {strides = array<i32>} : memref<256x64xf32, #tpu.memory_space<vmem>>, vector<16xf32>,
        %mul3A_610 = arith.constant 8 : i32
        %mul3A_611 = arith.muli %add3A_484, %mul3A_610 : i32
        %add3A_612 = arith.constant 4 : i32
        %add3A_613 = arith.addi %mul3A_611, %add3A_612 : i32
        %get3A_614 = arith.index_cast %add3A_613 : i32 to index
        %get3A_615 = arith.constant 32 : index
        %get3A_616 = tpu.vector_load %arg7[%get3A_614, %get3A_615] {strides = array<i32>} : memref<256x64xf32, #tpu.memory_space<vmem>>, vector<16xf32>,
        %mul3A_617 = arith.constant 8 : i32
        %mul3A_618 = arith.muli %add3A_484, %mul3A_617 : i32
        %add3A_619 = arith.constant 4 : i32
        %add3A_620 = arith.addi %mul3A_618, %add3A_619 : i32
        %get3A_621 = arith.index_cast %add3A_620 : i32 to index
        %get3A_622 = arith.constant 48 : index
        %get3A_623 = tpu.vector_load %arg7[%get3A_621, %get3A_622] {strides = array<i32>} : memref<256x64xf32, #tpu.memory_space<vmem>>, vector<16xf32>,
        %mul3A_624 = arith.constant 8 : i32
        %mul3A_625 = arith.muli %add3A_484, %mul3A_624 : i32
        %add3A_626 = arith.constant 5 : i32
        %add3A_627 = arith.addi %mul3A_625, %add3A_626 : i32
        %get3A_628 = arith.index_cast %add3A_627 : i32 to index
        %get3A_629 = arith.constant 0 : index
        %get3A_630 = tpu.vector_load %arg7[%get3A_628, %get3A_629] {strides = array<i32>} : memref<256x64xf32, #tpu.memory_space<vmem>>, vector<16xf32>,
        %mul3A_631 = arith.constant 8 : i32
        %mul3A_632 = arith.muli %add3A_484, %mul3A_631 : i32
        %add3A_633 = arith.constant 5 : i32
        %add3A_634 = arith.addi %mul3A_632, %add3A_633 : i32
        %get3A_635 = arith.index_cast %add3A_634 : i32 to index
        %get3A_636 = arith.constant 16 : index
        %get3A_637 = tpu.vector_load %arg7[%get3A_635, %get3A_636] {strides = array<i32>} : memref<256x64xf32, #tpu.memory_space<vmem>>, vector<16xf32>,
        %mul3A_638 = arith.constant 8 : i32
        %mul3A_639 = arith.muli %add3A_484, %mul3A_638 : i32
        %add3A_640 = arith.constant 5 : i32
        %add3A_641 = arith.addi %mul3A_639, %add3A_640 : i32
        %get3A_642 = arith.index_cast %add3A_641 : i32 to index
        %get3A_643 = arith.constant 32 : index
        %get3A_644 = tpu.vector_load %arg7[%get3A_642, %get3A_643] {strides = array<i32>} : memref<256x64xf32, #tpu.memory_space<vmem>>, vector<16xf32>,
        %mul3A_645 = arith.constant 8 : i32
        %mul3A_646 = arith.muli %add3A_484, %mul3A_645 : i32
        %add3A_647 = arith.constant 5 : i32
        %add3A_648 = arith.addi %mul3A_646, %add3A_647 : i32
        %get3A_649 = arith.index_cast %add3A_648 : i32 to index
        %get3A_650 = arith.constant 48 : index
        %get3A_651 = tpu.vector_load %arg7[%get3A_649, %get3A_650] {strides = array<i32>} : memref<256x64xf32, #tpu.memory_space<vmem>>, vector<16xf32>,
        %mul3A_652 = arith.constant 8 : i32
        %mul3A_653 = arith.muli %add3A_484, %mul3A_652 : i32
        %add3A_654 = arith.constant 6 : i32
        %add3A_655 = arith.addi %mul3A_653, %add3A_654 : i32
        %get3A_656 = arith.index_cast %add3A_655 : i32 to index
        %get3A_657 = arith.constant 0 : index
        %get3A_658 = tpu.vector_load %arg7[%get3A_656, %get3A_657] {strides = array<i32>} : memref<256x64xf32, #tpu.memory_space<vmem>>, vector<16xf32>,
        %mul3A_659 = arith.constant 8 : i32
        %mul3A_660 = arith.muli %add3A_484, %mul3A_659 : i32
        %add3A_661 = arith.constant 6 : i32
        %add3A_662 = arith.addi %mul3A_660, %add3A_661 : i32
        %get3A_663 = arith.index_cast %add3A_662 : i32 to index
        %get3A_664 = arith.constant 16 : index
        %get3A_665 = tpu.vector_load %arg7[%get3A_663, %get3A_664] {strides = array<i32>} : memref<256x64xf32, #tpu.memory_space<vmem>>, vector<16xf32>,
        %mul3A_666 = arith.constant 8 : i32
        %mul3A_667 = arith.muli %add3A_484, %mul3A_666 : i32
        %add3A_668 = arith.constant 6 : i32
        %add3A_669 = arith.addi %mul3A_667, %add3A_668 : i32
        %get3A_670 = arith.index_cast %add3A_669 : i32 to index
        %get3A_671 = arith.constant 32 : index
        %get3A_672 = tpu.vector_load %arg7[%get3A_670, %get3A_671] {strides = array<i32>} : memref<256x64xf32, #tpu.memory_space<vmem>>, vector<16xf32>,
        %mul3A_673 = arith.constant 8 : i32
        %mul3A_674 = arith.muli %add3A_484, %mul3A_673 : i32
        %add3A_675 = arith.constant 6 : i32
        %add3A_676 = arith.addi %mul3A_674, %add3A_675 : i32
        %get3A_677 = arith.index_cast %add3A_676 : i32 to index
        %get3A_678 = arith.constant 48 : index
        %get3A_679 = tpu.vector_load %arg7[%get3A_677, %get3A_678] {strides = array<i32>} : memref<256x64xf32, #tpu.memory_space<vmem>>, vector<16xf32>,
        %mul3A_680 = arith.constant 8 : i32
        %mul3A_681 = arith.muli %add3A_484, %mul3A_680 : i32
        %add3A_682 = arith.constant 7 : i32
        %add3A_683 = arith.addi %mul3A_681, %add3A_682 : i32
        %get3A_684 = arith.index_cast %add3A_683 : i32 to index
        %get3A_685 = arith.constant 0 : index
        %get3A_686 = tpu.vector_load %arg7[%get3A_684, %get3A_685] {strides = array<i32>} : memref<256x64xf32, #tpu.memory_space<vmem>>, vector<16xf32>,
        %mul3A_687 = arith.constant 8 : i32
        %mul3A_688 = arith.muli %add3A_484, %mul3A_687 : i32
        %add3A_689 = arith.constant 7 : i32
        %add3A_690 = arith.addi %mul3A_688, %add3A_689 : i32
        %get3A_691 = arith.index_cast %add3A_690 : i32 to index
        %get3A_692 = arith.constant 16 : index
        %get3A_693 = tpu.vector_load %arg7[%get3A_691, %get3A_692] {strides = array<i32>} : memref<256x64xf32, #tpu.memory_space<vmem>>, vector<16xf32>,
        %mul3A_694 = arith.constant 8 : i32
        %mul3A_695 = arith.muli %add3A_484, %mul3A_694 : i32
        %add3A_696 = arith.constant 7 : i32
        %add3A_697 = arith.addi %mul3A_695, %add3A_696 : i32
        %get3A_698 = arith.index_cast %add3A_697 : i32 to index
        %get3A_699 = arith.constant 32 : index
        %get3A_700 = tpu.vector_load %arg7[%get3A_698, %get3A_699] {strides = array<i32>} : memref<256x64xf32, #tpu.memory_space<vmem>>, vector<16xf32>,
        %mul3A_701 = arith.constant 8 : i32
        %mul3A_702 = arith.muli %add3A_484, %mul3A_701 : i32
        %add3A_703 = arith.constant 7 : i32
        %add3A_704 = arith.addi %mul3A_702, %add3A_703 : i32
        %get3A_705 = arith.index_cast %add3A_704 : i32 to index
        %get3A_706 = arith.constant 48 : index
        %get3A_707 = tpu.vector_load %arg7[%get3A_705, %get3A_706] {strides = array<i32>} : memref<256x64xf32, #tpu.memory_space<vmem>>, vector<16xf32>,
        %mul3A_708 = arith.constant 8 : i32
        %mul3A_709 = arith.muli %add3A_484, %mul3A_708 : i32
        %add3A_710 = arith.constant 0 : i32
        %add3A_711 = arith.addi %mul3A_709, %add3A_710 : i32
        %swap3A = arith.index_cast %add3A_711 : i32 to index
        %swap3A_712 = arith.constant 0 : index
        %swap3A_713 = tpu.vector_load %arg9[%swap3A, %swap3A_712] {strides = array<i32>} : memref<256x65xf32, #tpu.memory_space<vmem>>, vector<16xf32>,
        tpu.vector_store %arg9[%swap3A, %swap3A_712], %get3A_490 {strides = array<i32>} : memref<256x65xf32, #tpu.memory_space<vmem>>, vector<16xf32>,
        %mul3A_714 = arith.constant 8 : i32
        %mul3A_715 = arith.muli %add3A_484, %mul3A_714 : i32
        %add3A_716 = arith.constant 0 : i32
        %add3A_717 = arith.addi %mul3A_715, %add3A_716 : i32
        %swap3A_718 = arith.index_cast %add3A_717 : i32 to index
        %swap3A_719 = arith.constant 16 : index
        %swap3A_720 = tpu.vector_load %arg9[%swap3A_718, %swap3A_719] {strides = array<i32>} : memref<256x65xf32, #tpu.memory_space<vmem>>, vector<16xf32>,
        tpu.vector_store %arg9[%swap3A_718, %swap3A_719], %get3A_497 {strides = array<i32>} : memref<256x65xf32, #tpu.memory_space<vmem>>, vector<16xf32>,
        %mul3A_721 = arith.constant 8 : i32
        %mul3A_722 = arith.muli %add3A_484, %mul3A_721 : i32
        %add3A_723 = arith.constant 0 : i32
        %add3A_724 = arith.addi %mul3A_722, %add3A_723 : i32
        %swap3A_725 = arith.index_cast %add3A_724 : i32 to index
        %swap3A_726 = arith.constant 32 : index
        %swap3A_727 = tpu.vector_load %arg9[%swap3A_725, %swap3A_726] {strides = array<i32>} : memref<256x65xf32, #tpu.memory_space<vmem>>, vector<16xf32>,
        tpu.vector_store %arg9[%swap3A_725, %swap3A_726], %get3A_504 {strides = array<i32>} : memref<256x65xf32, #tpu.memory_space<vmem>>, vector<16xf32>,
        %mul3A_728 = arith.constant 8 : i32
        %mul3A_729 = arith.muli %add3A_484, %mul3A_728 : i32
        %add3A_730 = arith.constant 0 : i32
        %add3A_731 = arith.addi %mul3A_729, %add3A_730 : i32
        %swap3A_732 = arith.index_cast %add3A_731 : i32 to index
        %swap3A_733 = arith.constant 48 : index
        %swap3A_734 = tpu.vector_load %arg9[%swap3A_732, %swap3A_733] {strides = array<i32>} : memref<256x65xf32, #tpu.memory_space<vmem>>, vector<16xf32>,
        tpu.vector_store %arg9[%swap3A_732, %swap3A_733], %get3A_511 {strides = array<i32>} : memref<256x65xf32, #tpu.memory_space<vmem>>, vector<16xf32>,
        %mul3A_735 = arith.constant 8 : i32
        %mul3A_736 = arith.muli %add3A_484, %mul3A_735 : i32
        %add3A_737 = arith.constant 1 : i32
        %add3A_738 = arith.addi %mul3A_736, %add3A_737 : i32
        %swap3A_739 = arith.index_cast %add3A_738 : i32 to index
        %swap3A_740 = arith.constant 0 : index
        %swap3A_741 = tpu.vector_load %arg9[%swap3A_739, %swap3A_740] {strides = array<i32>} : memref<256x65xf32, #tpu.memory_space<vmem>>, vector<16xf32>,
        tpu.vector_store %arg9[%swap3A_739, %swap3A_740], %get3A_518 {strides = array<i32>} : memref<256x65xf32, #tpu.memory_space<vmem>>, vector<16xf32>,
        %mul3A_742 = arith.constant 8 : i32
        %mul3A_743 = arith.muli %add3A_484, %mul3A_742 : i32
        %add3A_744 = arith.constant 1 : i32
        %add3A_745 = arith.addi %mul3A_743, %add3A_744 : i32
        %swap3A_746 = arith.index_cast %add3A_745 : i32 to index
        %swap3A_747 = arith.constant 16 : index
        %swap3A_748 = tpu.vector_load %arg9[%swap3A_746, %swap3A_747] {strides = array<i32>} : memref<256x65xf32, #tpu.memory_space<vmem>>, vector<16xf32>,
        tpu.vector_store %arg9[%swap3A_746, %swap3A_747], %get3A_525 {strides = array<i32>} : memref<256x65xf32, #tpu.memory_space<vmem>>, vector<16xf32>,
        %mul3A_749 = arith.constant 8 : i32
        %mul3A_750 = arith.muli %add3A_484, %mul3A_749 : i32
        %add3A_751 = arith.constant 1 : i32
        %add3A_752 = arith.addi %mul3A_750, %add3A_751 : i32
        %swap3A_753 = arith.index_cast %add3A_752 : i32 to index
        %swap3A_754 = arith.constant 32 : index
        %swap3A_755 = tpu.vector_load %arg9[%swap3A_753, %swap3A_754] {strides = array<i32>} : memref<256x65xf32, #tpu.memory_space<vmem>>, vector<16xf32>,
        tpu.vector_store %arg9[%swap3A_753, %swap3A_754], %get3A_532 {strides = array<i32>} : memref<256x65xf32, #tpu.memory_space<vmem>>, vector<16xf32>,
        %mul3A_756 = arith.constant 8 : i32
        %mul3A_757 = arith.muli %add3A_484, %mul3A_756 : i32
        %add3A_758 = arith.constant 1 : i32
        %add3A_759 = arith.addi %mul3A_757, %add3A_758 : i32
        %swap3A_760 = arith.index_cast %add3A_759 : i32 to index
        %swap3A_761 = arith.constant 48 : index
        %swap3A_762 = tpu.vector_load %arg9[%swap3A_760, %swap3A_761] {strides = array<i32>} : memref<256x65xf32, #tpu.memory_space<vmem>>, vector<16xf32>,
        tpu.vector_store %arg9[%swap3A_760, %swap3A_761], %get3A_539 {strides = array<i32>} : memref<256x65xf32, #tpu.memory_space<vmem>>, vector<16xf32>,
        %mul3A_763 = arith.constant 8 : i32
        %mul3A_764 = arith.muli %add3A_484, %mul3A_763 : i32
        %add3A_765 = arith.constant 2 : i32
        %add3A_766 = arith.addi %mul3A_764, %add3A_765 : i32
        %swap3A_767 = arith.index_cast %add3A_766 : i32 to index
        %swap3A_768 = arith.constant 0 : index
        %swap3A_769 = tpu.vector_load %arg9[%swap3A_767, %swap3A_768] {strides = array<i32>} : memref<256x65xf32, #tpu.memory_space<vmem>>, vector<16xf32>,
        tpu.vector_store %arg9[%swap3A_767, %swap3A_768], %get3A_546 {strides = array<i32>} : memref<256x65xf32, #tpu.memory_space<vmem>>, vector<16xf32>,
        %mul3A_770 = arith.constant 8 : i32
        %mul3A_771 = arith.muli %add3A_484, %mul3A_770 : i32
        %add3A_772 = arith.constant 2 : i32
        %add3A_773 = arith.addi %mul3A_771, %add3A_772 : i32
        %swap3A_774 = arith.index_cast %add3A_773 : i32 to index
        %swap3A_775 = arith.constant 16 : index
        %swap3A_776 = tpu.vector_load %arg9[%swap3A_774, %swap3A_775] {strides = array<i32>} : memref<256x65xf32, #tpu.memory_space<vmem>>, vector<16xf32>,
        tpu.vector_store %arg9[%swap3A_774, %swap3A_775], %get3A_553 {strides = array<i32>} : memref<256x65xf32, #tpu.memory_space<vmem>>, vector<16xf32>,
        %mul3A_777 = arith.constant 8 : i32
        %mul3A_778 = arith.muli %add3A_484, %mul3A_777 : i32
        %add3A_779 = arith.constant 2 : i32
        %add3A_780 = arith.addi %mul3A_778, %add3A_779 : i32
        %swap3A_781 = arith.index_cast %add3A_780 : i32 to index
        %swap3A_782 = arith.constant 32 : index
        %swap3A_783 = tpu.vector_load %arg9[%swap3A_781, %swap3A_782] {strides = array<i32>} : memref<256x65xf32, #tpu.memory_space<vmem>>, vector<16xf32>,
        tpu.vector_store %arg9[%swap3A_781, %swap3A_782], %get3A_560 {strides = array<i32>} : memref<256x65xf32, #tpu.memory_space<vmem>>, vector<16xf32>,
        %mul3A_784 = arith.constant 8 : i32
        %mul3A_785 = arith.muli %add3A_484, %mul3A_784 : i32
        %add3A_786 = arith.constant 2 : i32
        %add3A_787 = arith.addi %mul3A_785, %add3A_786 : i32
        %swap3A_788 = arith.index_cast %add3A_787 : i32 to index
        %swap3A_789 = arith.constant 48 : index
        %swap3A_790 = tpu.vector_load %arg9[%swap3A_788, %swap3A_789] {strides = array<i32>} : memref<256x65xf32, #tpu.memory_space<vmem>>, vector<16xf32>,
        tpu.vector_store %arg9[%swap3A_788, %swap3A_789], %get3A_567 {strides = array<i32>} : memref<256x65xf32, #tpu.memory_space<vmem>>, vector<16xf32>,
        %mul3A_791 = arith.constant 8 : i32
        %mul3A_792 = arith.muli %add3A_484, %mul3A_791 : i32
        %add3A_793 = arith.constant 3 : i32
        %add3A_794 = arith.addi %mul3A_792, %add3A_793 : i32
        %swap3A_795 = arith.index_cast %add3A_794 : i32 to index
        %swap3A_796 = arith.constant 0 : index
        %swap3A_797 = tpu.vector_load %arg9[%swap3A_795, %swap3A_796] {strides = array<i32>} : memref<256x65xf32, #tpu.memory_space<vmem>>, vector<16xf32>,
        tpu.vector_store %arg9[%swap3A_795, %swap3A_796], %get3A_574 {strides = array<i32>} : memref<256x65xf32, #tpu.memory_space<vmem>>, vector<16xf32>,
        %mul3A_798 = arith.constant 8 : i32
        %mul3A_799 = arith.muli %add3A_484, %mul3A_798 : i32
        %add3A_800 = arith.constant 3 : i32
        %add3A_801 = arith.addi %mul3A_799, %add3A_800 : i32
        %swap3A_802 = arith.index_cast %add3A_801 : i32 to index
        %swap3A_803 = arith.constant 16 : index
        %swap3A_804 = tpu.vector_load %arg9[%swap3A_802, %swap3A_803] {strides = array<i32>} : memref<256x65xf32, #tpu.memory_space<vmem>>, vector<16xf32>,
        tpu.vector_store %arg9[%swap3A_802, %swap3A_803], %get3A_581 {strides = array<i32>} : memref<256x65xf32, #tpu.memory_space<vmem>>, vector<16xf32>,
        %mul3A_805 = arith.constant 8 : i32
        %mul3A_806 = arith.muli %add3A_484, %mul3A_805 : i32
        %add3A_807 = arith.constant 3 : i32
        %add3A_808 = arith.addi %mul3A_806, %add3A_807 : i32
        %swap3A_809 = arith.index_cast %add3A_808 : i32 to index
        %swap3A_810 = arith.constant 32 : index
        %swap3A_811 = tpu.vector_load %arg9[%swap3A_809, %swap3A_810] {strides = array<i32>} : memref<256x65xf32, #tpu.memory_space<vmem>>, vector<16xf32>,
        tpu.vector_store %arg9[%swap3A_809, %swap3A_810], %get3A_588 {strides = array<i32>} : memref<256x65xf32, #tpu.memory_space<vmem>>, vector<16xf32>,
        %mul3A_812 = arith.constant 8 : i32
        %mul3A_813 = arith.muli %add3A_484, %mul3A_812 : i32
        %add3A_814 = arith.constant 3 : i32
        %add3A_815 = arith.addi %mul3A_813, %add3A_814 : i32
        %swap3A_816 = arith.index_cast %add3A_815 : i32 to index
        %swap3A_817 = arith.constant 48 : index
        %swap3A_818 = tpu.vector_load %arg9[%swap3A_816, %swap3A_817] {strides = array<i32>} : memref<256x65xf32, #tpu.memory_space<vmem>>, vector<16xf32>,
        tpu.vector_store %arg9[%swap3A_816, %swap3A_817], %get3A_595 {strides = array<i32>} : memref<256x65xf32, #tpu.memory_space<vmem>>, vector<16xf32>,
        %mul3A_819 = arith.constant 8 : i32
        %mul3A_820 = arith.muli %add3A_484, %mul3A_819 : i32
        %add3A_821 = arith.constant 4 : i32
        %add3A_822 = arith.addi %mul3A_820, %add3A_821 : i32
        %swap3A_823 = arith.index_cast %add3A_822 : i32 to index
        %swap3A_824 = arith.constant 0 : index
        %swap3A_825 = tpu.vector_load %arg9[%swap3A_823, %swap3A_824] {strides = array<i32>} : memref<256x65xf32, #tpu.memory_space<vmem>>, vector<16xf32>,
        tpu.vector_store %arg9[%swap3A_823, %swap3A_824], %get3A_602 {strides = array<i32>} : memref<256x65xf32, #tpu.memory_space<vmem>>, vector<16xf32>,
        %mul3A_826 = arith.constant 8 : i32
        %mul3A_827 = arith.muli %add3A_484, %mul3A_826 : i32
        %add3A_828 = arith.constant 4 : i32
        %add3A_829 = arith.addi %mul3A_827, %add3A_828 : i32
        %swap3A_830 = arith.index_cast %add3A_829 : i32 to index
        %swap3A_831 = arith.constant 16 : index
        %swap3A_832 = tpu.vector_load %arg9[%swap3A_830, %swap3A_831] {strides = array<i32>} : memref<256x65xf32, #tpu.memory_space<vmem>>, vector<16xf32>,
        tpu.vector_store %arg9[%swap3A_830, %swap3A_831], %get3A_609 {strides = array<i32>} : memref<256x65xf32, #tpu.memory_space<vmem>>, vector<16xf32>,
        %mul3A_833 = arith.constant 8 : i32
        %mul3A_834 = arith.muli %add3A_484, %mul3A_833 : i32
        %add3A_835 = arith.constant 4 : i32
        %add3A_836 = arith.addi %mul3A_834, %add3A_835 : i32
        %swap3A_837 = arith.index_cast %add3A_836 : i32 to index
        %swap3A_838 = arith.constant 32 : index
        %swap3A_839 = tpu.vector_load %arg9[%swap3A_837, %swap3A_838] {strides = array<i32>} : memref<256x65xf32, #tpu.memory_space<vmem>>, vector<16xf32>,
        tpu.vector_store %arg9[%swap3A_837, %swap3A_838], %get3A_616 {strides = array<i32>} : memref<256x65xf32, #tpu.memory_space<vmem>>, vector<16xf32>,
        %mul3A_840 = arith.constant 8 : i32
        %mul3A_841 = arith.muli %add3A_484, %mul3A_840 : i32
        %add3A_842 = arith.constant 4 : i32
        %add3A_843 = arith.addi %mul3A_841, %add3A_842 : i32
        %swap3A_844 = arith.index_cast %add3A_843 : i32 to index
        %swap3A_845 = arith.constant 48 : index
        %swap3A_846 = tpu.vector_load %arg9[%swap3A_844, %swap3A_845] {strides = array<i32>} : memref<256x65xf32, #tpu.memory_space<vmem>>, vector<16xf32>,
        tpu.vector_store %arg9[%swap3A_844, %swap3A_845], %get3A_623 {strides = array<i32>} : memref<256x65xf32, #tpu.memory_space<vmem>>, vector<16xf32>,
        %mul3A_847 = arith.constant 8 : i32
        %mul3A_848 = arith.muli %add3A_484, %mul3A_847 : i32
        %add3A_849 = arith.constant 5 : i32
        %add3A_850 = arith.addi %mul3A_848, %add3A_849 : i32
        %swap3A_851 = arith.index_cast %add3A_850 : i32 to index
        %swap3A_852 = arith.constant 0 : index
        %swap3A_853 = tpu.vector_load %arg9[%swap3A_851, %swap3A_852] {strides = array<i32>} : memref<256x65xf32, #tpu.memory_space<vmem>>, vector<16xf32>,
        tpu.vector_store %arg9[%swap3A_851, %swap3A_852], %get3A_630 {strides = array<i32>} : memref<256x65xf32, #tpu.memory_space<vmem>>, vector<16xf32>,
        %mul3A_854 = arith.constant 8 : i32
        %mul3A_855 = arith.muli %add3A_484, %mul3A_854 : i32
        %add3A_856 = arith.constant 5 : i32
        %add3A_857 = arith.addi %mul3A_855, %add3A_856 : i32
        %swap3A_858 = arith.index_cast %add3A_857 : i32 to index
        %swap3A_859 = arith.constant 16 : index
        %swap3A_860 = tpu.vector_load %arg9[%swap3A_858, %swap3A_859] {strides = array<i32>} : memref<256x65xf32, #tpu.memory_space<vmem>>, vector<16xf32>,
        tpu.vector_store %arg9[%swap3A_858, %swap3A_859], %get3A_637 {strides = array<i32>} : memref<256x65xf32, #tpu.memory_space<vmem>>, vector<16xf32>,
        %mul3A_861 = arith.constant 8 : i32
        %mul3A_862 = arith.muli %add3A_484, %mul3A_861 : i32
        %add3A_863 = arith.constant 5 : i32
        %add3A_864 = arith.addi %mul3A_862, %add3A_863 : i32
        %swap3A_865 = arith.index_cast %add3A_864 : i32 to index
        %swap3A_866 = arith.constant 32 : index
        %swap3A_867 = tpu.vector_load %arg9[%swap3A_865, %swap3A_866] {strides = array<i32>} : memref<256x65xf32, #tpu.memory_space<vmem>>, vector<16xf32>,
        tpu.vector_store %arg9[%swap3A_865, %swap3A_866], %get3A_644 {strides = array<i32>} : memref<256x65xf32, #tpu.memory_space<vmem>>, vector<16xf32>,
        %mul3A_868 = arith.constant 8 : i32
        %mul3A_869 = arith.muli %add3A_484, %mul3A_868 : i32
        %add3A_870 = arith.constant 5 : i32
        %add3A_871 = arith.addi %mul3A_869, %add3A_870 : i32
        %swap3A_872 = arith.index_cast %add3A_871 : i32 to index
        %swap3A_873 = arith.constant 48 : index
        %swap3A_874 = tpu.vector_load %arg9[%swap3A_872, %swap3A_873] {strides = array<i32>} : memref<256x65xf32, #tpu.memory_space<vmem>>, vector<16xf32>,
        tpu.vector_store %arg9[%swap3A_872, %swap3A_873], %get3A_651 {strides = array<i32>} : memref<256x65xf32, #tpu.memory_space<vmem>>, vector<16xf32>,
        %mul3A_875 = arith.constant 8 : i32
        %mul3A_876 = arith.muli %add3A_484, %mul3A_875 : i32
        %add3A_877 = arith.constant 6 : i32
        %add3A_878 = arith.addi %mul3A_876, %add3A_877 : i32
        %swap3A_879 = arith.index_cast %add3A_878 : i32 to index
        %swap3A_880 = arith.constant 0 : index
        %swap3A_881 = tpu.vector_load %arg9[%swap3A_879, %swap3A_880] {strides = array<i32>} : memref<256x65xf32, #tpu.memory_space<vmem>>, vector<16xf32>,
        tpu.vector_store %arg9[%swap3A_879, %swap3A_880], %get3A_658 {strides = array<i32>} : memref<256x65xf32, #tpu.memory_space<vmem>>, vector<16xf32>,
        %mul3A_882 = arith.constant 8 : i32
        %mul3A_883 = arith.muli %add3A_484, %mul3A_882 : i32
        %add3A_884 = arith.constant 6 : i32
        %add3A_885 = arith.addi %mul3A_883, %add3A_884 : i32
        %swap3A_886 = arith.index_cast %add3A_885 : i32 to index
        %swap3A_887 = arith.constant 16 : index
        %swap3A_888 = tpu.vector_load %arg9[%swap3A_886, %swap3A_887] {strides = array<i32>} : memref<256x65xf32, #tpu.memory_space<vmem>>, vector<16xf32>,
        tpu.vector_store %arg9[%swap3A_886, %swap3A_887], %get3A_665 {strides = array<i32>} : memref<256x65xf32, #tpu.memory_space<vmem>>, vector<16xf32>,
        %mul3A_889 = arith.constant 8 : i32
        %mul3A_890 = arith.muli %add3A_484, %mul3A_889 : i32
        %add3A_891 = arith.constant 6 : i32
        %add3A_892 = arith.addi %mul3A_890, %add3A_891 : i32
        %swap3A_893 = arith.index_cast %add3A_892 : i32 to index
        %swap3A_894 = arith.constant 32 : index
        %swap3A_895 = tpu.vector_load %arg9[%swap3A_893, %swap3A_894] {strides = array<i32>} : memref<256x65xf32, #tpu.memory_space<vmem>>, vector<16xf32>,
        tpu.vector_store %arg9[%swap3A_893, %swap3A_894], %get3A_672 {strides = array<i32>} : memref<256x65xf32, #tpu.memory_space<vmem>>, vector<16xf32>,
        %mul3A_896 = arith.constant 8 : i32
        %mul3A_897 = arith.muli %add3A_484, %mul3A_896 : i32
        %add3A_898 = arith.constant 6 : i32
        %add3A_899 = arith.addi %mul3A_897, %add3A_898 : i32
        %swap3A_900 = arith.index_cast %add3A_899 : i32 to index
        %swap3A_901 = arith.constant 48 : index
        %swap3A_902 = tpu.vector_load %arg9[%swap3A_900, %swap3A_901] {strides = array<i32>} : memref<256x65xf32, #tpu.memory_space<vmem>>, vector<16xf32>,
        tpu.vector_store %arg9[%swap3A_900, %swap3A_901], %get3A_679 {strides = array<i32>} : memref<256x65xf32, #tpu.memory_space<vmem>>, vector<16xf32>,
        %mul3A_903 = arith.constant 8 : i32
        %mul3A_904 = arith.muli %add3A_484, %mul3A_903 : i32
        %add3A_905 = arith.constant 7 : i32
        %add3A_906 = arith.addi %mul3A_904, %add3A_905 : i32
        %swap3A_907 = arith.index_cast %add3A_906 : i32 to index
        %swap3A_908 = arith.constant 0 : index
        %swap3A_909 = tpu.vector_load %arg9[%swap3A_907, %swap3A_908] {strides = array<i32>} : memref<256x65xf32, #tpu.memory_space<vmem>>, vector<16xf32>,
        tpu.vector_store %arg9[%swap3A_907, %swap3A_908], %get3A_686 {strides = array<i32>} : memref<256x65xf32, #tpu.memory_space<vmem>>, vector<16xf32>,
        %mul3A_910 = arith.constant 8 : i32
        %mul3A_911 = arith.muli %add3A_484, %mul3A_910 : i32
        %add3A_912 = arith.constant 7 : i32
        %add3A_913 = arith.addi %mul3A_911, %add3A_912 : i32
        %swap3A_914 = arith.index_cast %add3A_913 : i32 to index
        %swap3A_915 = arith.constant 16 : index
        %swap3A_916 = tpu.vector_load %arg9[%swap3A_914, %swap3A_915] {strides = array<i32>} : memref<256x65xf32, #tpu.memory_space<vmem>>, vector<16xf32>,
        tpu.vector_store %arg9[%swap3A_914, %swap3A_915], %get3A_693 {strides = array<i32>} : memref<256x65xf32, #tpu.memory_space<vmem>>, vector<16xf32>,
        %mul3A_917 = arith.constant 8 : i32
        %mul3A_918 = arith.muli %add3A_484, %mul3A_917 : i32
        %add3A_919 = arith.constant 7 : i32
        %add3A_920 = arith.addi %mul3A_918, %add3A_919 : i32
        %swap3A_921 = arith.index_cast %add3A_920 : i32 to index
        %swap3A_922 = arith.constant 32 : index
        %swap3A_923 = tpu.vector_load %arg9[%swap3A_921, %swap3A_922] {strides = array<i32>} : memref<256x65xf32, #tpu.memory_space<vmem>>, vector<16xf32>,
        tpu.vector_store %arg9[%swap3A_921, %swap3A_922], %get3A_700 {strides = array<i32>} : memref<256x65xf32, #tpu.memory_space<vmem>>, vector<16xf32>,
        %mul3A_924 = arith.constant 8 : i32
        %mul3A_925 = arith.muli %add3A_484, %mul3A_924 : i32
        %add3A_926 = arith.constant 7 : i32
        %add3A_927 = arith.addi %mul3A_925, %add3A_926 : i32
        %swap3A_928 = arith.index_cast %add3A_927 : i32 to index
        %swap3A_929 = arith.constant 48 : index
        %swap3A_930 = tpu.vector_load %arg9[%swap3A_928, %swap3A_929] {strides = array<i32>} : memref<256x65xf32, #tpu.memory_space<vmem>>, vector<16xf32>,
        tpu.vector_store %arg9[%swap3A_928, %swap3A_929], %get3A_707 {strides = array<i32>} : memref<256x65xf32, #tpu.memory_space<vmem>>, vector<16xf32>,
      }
      %scan3A_424 = arith.constant 32 : i32
      %scan3A_425 = arith.constant 0 : i32
      %scan3A_426 = arith.constant 8 : i32
      %scan3A_427 = arith.addi %scan3A_425, %scan3A_426 : i32
      %scan3A_428 = arith.constant 1 : i32
      scf.for %scan3A_480 = %scan3A_425 to %scan3A_427 step %scan3A_428  : i32 {
        %mul3A_481 = arith.constant 1 : i32
        %mul3A_482 = arith.muli %scan3A_480, %mul3A_481 : i32
        %add3A_483 = arith.constant 0 : i32
        %add3A_484 = arith.addi %add3A_483, %mul3A_482 : i32
        %mul3A_485 = arith.constant 16 : i32
        %mul3A_486 = arith.muli %add3A_484, %mul3A_485 : i32
        %add3A_487 = arith.constant 0 : i32
        %add3A_488 = arith.addi %mul3A_486, %add3A_487 : i32
        %add3A_489 = arith.constant 0 : i32
        %add3A_490 = arith.addi %add3A_488, %add3A_489 : i32
        %mul3A_491 = arith.constant 8 : i32
        %mul3A_492 = arith.muli %add3A_484, %mul3A_491 : i32
        %add3A_493 = arith.constant 0 : i32
        %add3A_494 = arith.addi %mul3A_492, %add3A_493 : i32
        %broadcast_in_dim3A = vector.broadcast %add3A_494 : i32 to vector<16xi32>
        %gather3A = tpu.vector_load_idx %arg9[%add3A_3, %broadcast_in_dim3A] : memref<256x65xf32, #tpu.memory_space<vmem>>[vector<16xi32>, vector<16xi32>], vector<16xf32>,
        %gather3A_495 = tpu.vector_load_idx %arg9[%add3A_6, %broadcast_in_dim3A] : memref<256x65xf32, #tpu.memory_space<vmem>>[vector<16xi32>, vector<16xi32>], vector<16xf32>,
        %gather3A_496 = tpu.vector_load_idx %arg9[%add3A_9, %broadcast_in_dim3A] : memref<256x65xf32, #tpu.memory_space<vmem>>[vector<16xi32>, vector<16xi32>], vector<16xf32>,
        %gather3A_497 = tpu.vector_load_idx %arg9[%add3A_12, %broadcast_in_dim3A] : memref<256x65xf32, #tpu.memory_space<vmem>>[vector<16xi32>, vector<16xi32>], vector<16xf32>,
        %gather3A_498 = tpu.vector_load_idx %arg9[%add3A_15, %broadcast_in_dim3A] : memref<256x65xf32, #tpu.memory_space<vmem>>[vector<16xi32>, vector<16xi32>], vector<16xf32>,
        %gather3A_499 = tpu.vector_load_idx %arg9[%add3A_18, %broadcast_in_dim3A] : memref<256x65xf32, #tpu.memory_space<vmem>>[vector<16xi32>, vector<16xi32>], vector<16xf32>,
        %gather3A_500 = tpu.vector_load_idx %arg9[%add3A_21, %broadcast_in_dim3A] : memref<256x65xf32, #tpu.memory_space<vmem>>[vector<16xi32>, vector<16xi32>], vector<16xf32>,
        %gather3A_501 = tpu.vector_load_idx %arg9[%add3A_24, %broadcast_in_dim3A] : memref<256x65xf32, #tpu.memory_space<vmem>>[vector<16xi32>, vector<16xi32>], vector<16xf32>,
        %swap3A = arith.index_cast %add3A_490 : i32 to index
        %swap3A_502 = arith.constant 0 : index
        %swap3A_503 = tpu.vector_load %arg10[%swap3A, %swap3A_502] {strides = array<i32>} : memref<128x128xf32, #tpu.memory_space<vmem>>, vector<16xf32>,
        tpu.vector_store %arg10[%swap3A, %swap3A_502], %gather3A {strides = array<i32>} : memref<128x128xf32, #tpu.memory_space<vmem>>, vector<16xf32>,
        %swap3A_504 = arith.index_cast %add3A_490 : i32 to index
        %swap3A_505 = arith.constant 16 : index
        %swap3A_506 = tpu.vector_load %arg10[%swap3A_504, %swap3A_505] {strides = array<i32>} : memref<128x128xf32, #tpu.memory_space<vmem>>, vector<16xf32>,
        tpu.vector_store %arg10[%swap3A_504, %swap3A_505], %gather3A_495 {strides = array<i32>} : memref<128x128xf32, #tpu.memory_space<vmem>>, vector<16xf32>,
        %swap3A_507 = arith.index_cast %add3A_490 : i32 to index
        %swap3A_508 = arith.constant 32 : index
        %swap3A_509 = tpu.vector_load %arg10[%swap3A_507, %swap3A_508] {strides = array<i32>} : memref<128x128xf32, #tpu.memory_space<vmem>>, vector<16xf32>,
        tpu.vector_store %arg10[%swap3A_507, %swap3A_508], %gather3A_496 {strides = array<i32>} : memref<128x128xf32, #tpu.memory_space<vmem>>, vector<16xf32>,
        %swap3A_510 = arith.index_cast %add3A_490 : i32 to index
        %swap3A_511 = arith.constant 48 : index
        %swap3A_512 = tpu.vector_load %arg10[%swap3A_510, %swap3A_511] {strides = array<i32>} : memref<128x128xf32, #tpu.memory_space<vmem>>, vector<16xf32>,
        tpu.vector_store %arg10[%swap3A_510, %swap3A_511], %gather3A_497 {strides = array<i32>} : memref<128x128xf32, #tpu.memory_space<vmem>>, vector<16xf32>,
        %swap3A_513 = arith.index_cast %add3A_490 : i32 to index
        %swap3A_514 = arith.constant 64 : index
        %swap3A_515 = tpu.vector_load %arg10[%swap3A_513, %swap3A_514] {strides = array<i32>} : memref<128x128xf32, #tpu.memory_space<vmem>>, vector<16xf32>,
        tpu.vector_store %arg10[%swap3A_513, %swap3A_514], %gather3A_498 {strides = array<i32>} : memref<128x128xf32, #tpu.memory_space<vmem>>, vector<16xf32>,
        %swap3A_516 = arith.index_cast %add3A_490 : i32 to index
        %swap3A_517 = arith.constant 80 : index
        %swap3A_518 = tpu.vector_load %arg10[%swap3A_516, %swap3A_517] {strides = array<i32>} : memref<128x128xf32, #tpu.memory_space<vmem>>, vector<16xf32>,
        tpu.vector_store %arg10[%swap3A_516, %swap3A_517], %gather3A_499 {strides = array<i32>} : memref<128x128xf32, #tpu.memory_space<vmem>>, vector<16xf32>,
        %swap3A_519 = arith.index_cast %add3A_490 : i32 to index
        %swap3A_520 = arith.constant 96 : index
        %swap3A_521 = tpu.vector_load %arg10[%swap3A_519, %swap3A_520] {strides = array<i32>} : memref<128x128xf32, #tpu.memory_space<vmem>>, vector<16xf32>,
        tpu.vector_store %arg10[%swap3A_519, %swap3A_520], %gather3A_500 {strides = array<i32>} : memref<128x128xf32, #tpu.memory_space<vmem>>, vector<16xf32>,
        %swap3A_522 = arith.index_cast %add3A_490 : i32 to index
        %swap3A_523 = arith.constant 112 : index
        %swap3A_524 = tpu.vector_load %arg10[%swap3A_522, %swap3A_523] {strides = array<i32>} : memref<128x128xf32, #tpu.memory_space<vmem>>, vector<16xf32>,
        tpu.vector_store %arg10[%swap3A_522, %swap3A_523], %gather3A_501 {strides = array<i32>} : memref<128x128xf32, #tpu.memory_space<vmem>>, vector<16xf32>,
        %mul3A_525 = arith.constant 16 : i32
        %mul3A_526 = arith.muli %add3A_484, %mul3A_525 : i32
        %add3A_527 = arith.constant 0 : i32
        %add3A_528 = arith.addi %mul3A_526, %add3A_527 : i32
        %add3A_529 = arith.constant 1 : i32
        %add3A_530 = arith.addi %add3A_528, %add3A_529 : i32
        %mul3A_531 = arith.constant 8 : i32
        %mul3A_532 = arith.muli %add3A_484, %mul3A_531 : i32
        %add3A_533 = arith.constant 1 : i32
        %add3A_534 = arith.addi %mul3A_532, %add3A_533 : i32
        %broadcast_in_dim3A_535 = vector.broadcast %add3A_534 : i32 to vector<16xi32>
        %gather3A_536 = tpu.vector_load_idx %arg9[%add3A_3, %broadcast_in_dim3A_535] : memref<256x65xf32, #tpu.memory_space<vmem>>[vector<16xi32>, vector<16xi32>], vector<16xf32>,
        %gather3A_537 = tpu.vector_load_idx %arg9[%add3A_6, %broadcast_in_dim3A_535] : memref<256x65xf32, #tpu.memory_space<vmem>>[vector<16xi32>, vector<16xi32>], vector<16xf32>,
        %gather3A_538 = tpu.vector_load_idx %arg9[%add3A_9, %broadcast_in_dim3A_535] : memref<256x65xf32, #tpu.memory_space<vmem>>[vector<16xi32>, vector<16xi32>], vector<16xf32>,
        %gather3A_539 = tpu.vector_load_idx %arg9[%add3A_12, %broadcast_in_dim3A_535] : memref<256x65xf32, #tpu.memory_space<vmem>>[vector<16xi32>, vector<16xi32>], vector<16xf32>,
        %gather3A_540 = tpu.vector_load_idx %arg9[%add3A_15, %broadcast_in_dim3A_535] : memref<256x65xf32, #tpu.memory_space<vmem>>[vector<16xi32>, vector<16xi32>], vector<16xf32>,
        %gather3A_541 = tpu.vector_load_idx %arg9[%add3A_18, %broadcast_in_dim3A_535] : memref<256x65xf32, #tpu.memory_space<vmem>>[vector<16xi32>, vector<16xi32>], vector<16xf32>,
        %gather3A_542 = tpu.vector_load_idx %arg9[%add3A_21, %broadcast_in_dim3A_535] : memref<256x65xf32, #tpu.memory_space<vmem>>[vector<16xi32>, vector<16xi32>], vector<16xf32>,
        %gather3A_543 = tpu.vector_load_idx %arg9[%add3A_24, %broadcast_in_dim3A_535] : memref<256x65xf32, #tpu.memory_space<vmem>>[vector<16xi32>, vector<16xi32>], vector<16xf32>,
        %swap3A_544 = arith.index_cast %add3A_530 : i32 to index
        %swap3A_545 = arith.constant 0 : index
        %swap3A_546 = tpu.vector_load %arg10[%swap3A_544, %swap3A_545] {strides = array<i32>} : memref<128x128xf32, #tpu.memory_space<vmem>>, vector<16xf32>,
        tpu.vector_store %arg10[%swap3A_544, %swap3A_545], %gather3A_536 {strides = array<i32>} : memref<128x128xf32, #tpu.memory_space<vmem>>, vector<16xf32>,
        %swap3A_547 = arith.index_cast %add3A_530 : i32 to index
        %swap3A_548 = arith.constant 16 : index
        %swap3A_549 = tpu.vector_load %arg10[%swap3A_547, %swap3A_548] {strides = array<i32>} : memref<128x128xf32, #tpu.memory_space<vmem>>, vector<16xf32>,
        tpu.vector_store %arg10[%swap3A_547, %swap3A_548], %gather3A_537 {strides = array<i32>} : memref<128x128xf32, #tpu.memory_space<vmem>>, vector<16xf32>,
        %swap3A_550 = arith.index_cast %add3A_530 : i32 to index
        %swap3A_551 = arith.constant 32 : index
        %swap3A_552 = tpu.vector_load %arg10[%swap3A_550, %swap3A_551] {strides = array<i32>} : memref<128x128xf32, #tpu.memory_space<vmem>>, vector<16xf32>,
        tpu.vector_store %arg10[%swap3A_550, %swap3A_551], %gather3A_538 {strides = array<i32>} : memref<128x128xf32, #tpu.memory_space<vmem>>, vector<16xf32>,
        %swap3A_553 = arith.index_cast %add3A_530 : i32 to index
        %swap3A_554 = arith.constant 48 : index
        %swap3A_555 = tpu.vector_load %arg10[%swap3A_553, %swap3A_554] {strides = array<i32>} : memref<128x128xf32, #tpu.memory_space<vmem>>, vector<16xf32>,
        tpu.vector_store %arg10[%swap3A_553, %swap3A_554], %gather3A_539 {strides = array<i32>} : memref<128x128xf32, #tpu.memory_space<vmem>>, vector<16xf32>,
        %swap3A_556 = arith.index_cast %add3A_530 : i32 to index
        %swap3A_557 = arith.constant 64 : index
        %swap3A_558 = tpu.vector_load %arg10[%swap3A_556, %swap3A_557] {strides = array<i32>} : memref<128x128xf32, #tpu.memory_space<vmem>>, vector<16xf32>,
        tpu.vector_store %arg10[%swap3A_556, %swap3A_557], %gather3A_540 {strides = array<i32>} : memref<128x128xf32, #tpu.memory_space<vmem>>, vector<16xf32>,
        %swap3A_559 = arith.index_cast %add3A_530 : i32 to index
        %swap3A_560 = arith.constant 80 : index
        %swap3A_561 = tpu.vector_load %arg10[%swap3A_559, %swap3A_560] {strides = array<i32>} : memref<128x128xf32, #tpu.memory_space<vmem>>, vector<16xf32>,
        tpu.vector_store %arg10[%swap3A_559, %swap3A_560], %gather3A_541 {strides = array<i32>} : memref<128x128xf32, #tpu.memory_space<vmem>>, vector<16xf32>,
        %swap3A_562 = arith.index_cast %add3A_530 : i32 to index
        %swap3A_563 = arith.constant 96 : index
        %swap3A_564 = tpu.vector_load %arg10[%swap3A_562, %swap3A_563] {strides = array<i32>} : memref<128x128xf32, #tpu.memory_space<vmem>>, vector<16xf32>,
        tpu.vector_store %arg10[%swap3A_562, %swap3A_563], %gather3A_542 {strides = array<i32>} : memref<128x128xf32, #tpu.memory_space<vmem>>, vector<16xf32>,
        %swap3A_565 = arith.index_cast %add3A_530 : i32 to index
        %swap3A_566 = arith.constant 112 : index
        %swap3A_567 = tpu.vector_load %arg10[%swap3A_565, %swap3A_566] {strides = array<i32>} : memref<128x128xf32, #tpu.memory_space<vmem>>, vector<16xf32>,
        tpu.vector_store %arg10[%swap3A_565, %swap3A_566], %gather3A_543 {strides = array<i32>} : memref<128x128xf32, #tpu.memory_space<vmem>>, vector<16xf32>,
        %mul3A_568 = arith.constant 16 : i32
        %mul3A_569 = arith.muli %add3A_484, %mul3A_568 : i32
        %add3A_570 = arith.constant 0 : i32
        %add3A_571 = arith.addi %mul3A_569, %add3A_570 : i32
        %add3A_572 = arith.constant 2 : i32
        %add3A_573 = arith.addi %add3A_571, %add3A_572 : i32
        %mul3A_574 = arith.constant 8 : i32
        %mul3A_575 = arith.muli %add3A_484, %mul3A_574 : i32
        %add3A_576 = arith.constant 2 : i32
        %add3A_577 = arith.addi %mul3A_575, %add3A_576 : i32
        %broadcast_in_dim3A_578 = vector.broadcast %add3A_577 : i32 to vector<16xi32>
        %gather3A_579 = tpu.vector_load_idx %arg9[%add3A_3, %broadcast_in_dim3A_578] : memref<256x65xf32, #tpu.memory_space<vmem>>[vector<16xi32>, vector<16xi32>], vector<16xf32>,
        %gather3A_580 = tpu.vector_load_idx %arg9[%add3A_6, %broadcast_in_dim3A_578] : memref<256x65xf32, #tpu.memory_space<vmem>>[vector<16xi32>, vector<16xi32>], vector<16xf32>,
        %gather3A_581 = tpu.vector_load_idx %arg9[%add3A_9, %broadcast_in_dim3A_578] : memref<256x65xf32, #tpu.memory_space<vmem>>[vector<16xi32>, vector<16xi32>], vector<16xf32>,
        %gather3A_582 = tpu.vector_load_idx %arg9[%add3A_12, %broadcast_in_dim3A_578] : memref<256x65xf32, #tpu.memory_space<vmem>>[vector<16xi32>, vector<16xi32>], vector<16xf32>,
        %gather3A_583 = tpu.vector_load_idx %arg9[%add3A_15, %broadcast_in_dim3A_578] : memref<256x65xf32, #tpu.memory_space<vmem>>[vector<16xi32>, vector<16xi32>], vector<16xf32>,
        %gather3A_584 = tpu.vector_load_idx %arg9[%add3A_18, %broadcast_in_dim3A_578] : memref<256x65xf32, #tpu.memory_space<vmem>>[vector<16xi32>, vector<16xi32>], vector<16xf32>,
        %gather3A_585 = tpu.vector_load_idx %arg9[%add3A_21, %broadcast_in_dim3A_578] : memref<256x65xf32, #tpu.memory_space<vmem>>[vector<16xi32>, vector<16xi32>], vector<16xf32>,
        %gather3A_586 = tpu.vector_load_idx %arg9[%add3A_24, %broadcast_in_dim3A_578] : memref<256x65xf32, #tpu.memory_space<vmem>>[vector<16xi32>, vector<16xi32>], vector<16xf32>,
        %swap3A_587 = arith.index_cast %add3A_573 : i32 to index
        %swap3A_588 = arith.constant 0 : index
        %swap3A_589 = tpu.vector_load %arg10[%swap3A_587, %swap3A_588] {strides = array<i32>} : memref<128x128xf32, #tpu.memory_space<vmem>>, vector<16xf32>,
        tpu.vector_store %arg10[%swap3A_587, %swap3A_588], %gather3A_579 {strides = array<i32>} : memref<128x128xf32, #tpu.memory_space<vmem>>, vector<16xf32>,
        %swap3A_590 = arith.index_cast %add3A_573 : i32 to index
        %swap3A_591 = arith.constant 16 : index
        %swap3A_592 = tpu.vector_load %arg10[%swap3A_590, %swap3A_591] {strides = array<i32>} : memref<128x128xf32, #tpu.memory_space<vmem>>, vector<16xf32>,
        tpu.vector_store %arg10[%swap3A_590, %swap3A_591], %gather3A_580 {strides = array<i32>} : memref<128x128xf32, #tpu.memory_space<vmem>>, vector<16xf32>,
        %swap3A_593 = arith.index_cast %add3A_573 : i32 to index
        %swap3A_594 = arith.constant 32 : index
        %swap3A_595 = tpu.vector_load %arg10[%swap3A_593, %swap3A_594] {strides = array<i32>} : memref<128x128xf32, #tpu.memory_space<vmem>>, vector<16xf32>,
        tpu.vector_store %arg10[%swap3A_593, %swap3A_594], %gather3A_581 {strides = array<i32>} : memref<128x128xf32, #tpu.memory_space<vmem>>, vector<16xf32>,
        %swap3A_596 = arith.index_cast %add3A_573 : i32 to index
        %swap3A_597 = arith.constant 48 : index
        %swap3A_598 = tpu.vector_load %arg10[%swap3A_596, %swap3A_597] {strides = array<i32>} : memref<128x128xf32, #tpu.memory_space<vmem>>, vector<16xf32>,
        tpu.vector_store %arg10[%swap3A_596, %swap3A_597], %gather3A_582 {strides = array<i32>} : memref<128x128xf32, #tpu.memory_space<vmem>>, vector<16xf32>,
        %swap3A_599 = arith.index_cast %add3A_573 : i32 to index
        %swap3A_600 = arith.constant 64 : index
        %swap3A_601 = tpu.vector_load %arg10[%swap3A_599, %swap3A_600] {strides = array<i32>} : memref<128x128xf32, #tpu.memory_space<vmem>>, vector<16xf32>,
        tpu.vector_store %arg10[%swap3A_599, %swap3A_600], %gather3A_583 {strides = array<i32>} : memref<128x128xf32, #tpu.memory_space<vmem>>, vector<16xf32>,
        %swap3A_602 = arith.index_cast %add3A_573 : i32 to index
        %swap3A_603 = arith.constant 80 : index
        %swap3A_604 = tpu.vector_load %arg10[%swap3A_602, %swap3A_603] {strides = array<i32>} : memref<128x128xf32, #tpu.memory_space<vmem>>, vector<16xf32>,
        tpu.vector_store %arg10[%swap3A_602, %swap3A_603], %gather3A_584 {strides = array<i32>} : memref<128x128xf32, #tpu.memory_space<vmem>>, vector<16xf32>,
        %swap3A_605 = arith.index_cast %add3A_573 : i32 to index
        %swap3A_606 = arith.constant 96 : index
        %swap3A_607 = tpu.vector_load %arg10[%swap3A_605, %swap3A_606] {strides = array<i32>} : memref<128x128xf32, #tpu.memory_space<vmem>>, vector<16xf32>,
        tpu.vector_store %arg10[%swap3A_605, %swap3A_606], %gather3A_585 {strides = array<i32>} : memref<128x128xf32, #tpu.memory_space<vmem>>, vector<16xf32>,
        %swap3A_608 = arith.index_cast %add3A_573 : i32 to index
        %swap3A_609 = arith.constant 112 : index
        %swap3A_610 = tpu.vector_load %arg10[%swap3A_608, %swap3A_609] {strides = array<i32>} : memref<128x128xf32, #tpu.memory_space<vmem>>, vector<16xf32>,
        tpu.vector_store %arg10[%swap3A_608, %swap3A_609], %gather3A_586 {strides = array<i32>} : memref<128x128xf32, #tpu.memory_space<vmem>>, vector<16xf32>,
        %mul3A_611 = arith.constant 16 : i32
        %mul3A_612 = arith.muli %add3A_484, %mul3A_611 : i32
        %add3A_613 = arith.constant 0 : i32
        %add3A_614 = arith.addi %mul3A_612, %add3A_613 : i32
        %add3A_615 = arith.constant 3 : i32
        %add3A_616 = arith.addi %add3A_614, %add3A_615 : i32
        %mul3A_617 = arith.constant 8 : i32
        %mul3A_618 = arith.muli %add3A_484, %mul3A_617 : i32
        %add3A_619 = arith.constant 3 : i32
        %add3A_620 = arith.addi %mul3A_618, %add3A_619 : i32
        %broadcast_in_dim3A_621 = vector.broadcast %add3A_620 : i32 to vector<16xi32>
        %gather3A_622 = tpu.vector_load_idx %arg9[%add3A_3, %broadcast_in_dim3A_621] : memref<256x65xf32, #tpu.memory_space<vmem>>[vector<16xi32>, vector<16xi32>], vector<16xf32>,
        %gather3A_623 = tpu.vector_load_idx %arg9[%add3A_6, %broadcast_in_dim3A_621] : memref<256x65xf32, #tpu.memory_space<vmem>>[vector<16xi32>, vector<16xi32>], vector<16xf32>,
        %gather3A_624 = tpu.vector_load_idx %arg9[%add3A_9, %broadcast_in_dim3A_621] : memref<256x65xf32, #tpu.memory_space<vmem>>[vector<16xi32>, vector<16xi32>], vector<16xf32>,
        %gather3A_625 = tpu.vector_load_idx %arg9[%add3A_12, %broadcast_in_dim3A_621] : memref<256x65xf32, #tpu.memory_space<vmem>>[vector<16xi32>, vector<16xi32>], vector<16xf32>,
        %gather3A_626 = tpu.vector_load_idx %arg9[%add3A_15, %broadcast_in_dim3A_621] : memref<256x65xf32, #tpu.memory_space<vmem>>[vector<16xi32>, vector<16xi32>], vector<16xf32>,
        %gather3A_627 = tpu.vector_load_idx %arg9[%add3A_18, %broadcast_in_dim3A_621] : memref<256x65xf32, #tpu.memory_space<vmem>>[vector<16xi32>, vector<16xi32>], vector<16xf32>,
        %gather3A_628 = tpu.vector_load_idx %arg9[%add3A_21, %broadcast_in_dim3A_621] : memref<256x65xf32, #tpu.memory_space<vmem>>[vector<16xi32>, vector<16xi32>], vector<16xf32>,
        %gather3A_629 = tpu.vector_load_idx %arg9[%add3A_24, %broadcast_in_dim3A_621] : memref<256x65xf32, #tpu.memory_space<vmem>>[vector<16xi32>, vector<16xi32>], vector<16xf32>,
        %swap3A_630 = arith.index_cast %add3A_616 : i32 to index
        %swap3A_631 = arith.constant 0 : index
        %swap3A_632 = tpu.vector_load %arg10[%swap3A_630, %swap3A_631] {strides = array<i32>} : memref<128x128xf32, #tpu.memory_space<vmem>>, vector<16xf32>,
        tpu.vector_store %arg10[%swap3A_630, %swap3A_631], %gather3A_622 {strides = array<i32>} : memref<128x128xf32, #tpu.memory_space<vmem>>, vector<16xf32>,
        %swap3A_633 = arith.index_cast %add3A_616 : i32 to index
        %swap3A_634 = arith.constant 16 : index
        %swap3A_635 = tpu.vector_load %arg10[%swap3A_633, %swap3A_634] {strides = array<i32>} : memref<128x128xf32, #tpu.memory_space<vmem>>, vector<16xf32>,
        tpu.vector_store %arg10[%swap3A_633, %swap3A_634], %gather3A_623 {strides = array<i32>} : memref<128x128xf32, #tpu.memory_space<vmem>>, vector<16xf32>,
        %swap3A_636 = arith.index_cast %add3A_616 : i32 to index
        %swap3A_637 = arith.constant 32 : index
        %swap3A_638 = tpu.vector_load %arg10[%swap3A_636, %swap3A_637] {strides = array<i32>} : memref<128x128xf32, #tpu.memory_space<vmem>>, vector<16xf32>,
        tpu.vector_store %arg10[%swap3A_636, %swap3A_637], %gather3A_624 {strides = array<i32>} : memref<128x128xf32, #tpu.memory_space<vmem>>, vector<16xf32>,
        %swap3A_639 = arith.index_cast %add3A_616 : i32 to index
        %swap3A_640 = arith.constant 48 : index
        %swap3A_641 = tpu.vector_load %arg10[%swap3A_639, %swap3A_640] {strides = array<i32>} : memref<128x128xf32, #tpu.memory_space<vmem>>, vector<16xf32>,
        tpu.vector_store %arg10[%swap3A_639, %swap3A_640], %gather3A_625 {strides = array<i32>} : memref<128x128xf32, #tpu.memory_space<vmem>>, vector<16xf32>,
        %swap3A_642 = arith.index_cast %add3A_616 : i32 to index
        %swap3A_643 = arith.constant 64 : index
        %swap3A_644 = tpu.vector_load %arg10[%swap3A_642, %swap3A_643] {strides = array<i32>} : memref<128x128xf32, #tpu.memory_space<vmem>>, vector<16xf32>,
        tpu.vector_store %arg10[%swap3A_642, %swap3A_643], %gather3A_626 {strides = array<i32>} : memref<128x128xf32, #tpu.memory_space<vmem>>, vector<16xf32>,
        %swap3A_645 = arith.index_cast %add3A_616 : i32 to index
        %swap3A_646 = arith.constant 80 : index
        %swap3A_647 = tpu.vector_load %arg10[%swap3A_645, %swap3A_646] {strides = array<i32>} : memref<128x128xf32, #tpu.memory_space<vmem>>, vector<16xf32>,
        tpu.vector_store %arg10[%swap3A_645, %swap3A_646], %gather3A_627 {strides = array<i32>} : memref<128x128xf32, #tpu.memory_space<vmem>>, vector<16xf32>,
        %swap3A_648 = arith.index_cast %add3A_616 : i32 to index
        %swap3A_649 = arith.constant 96 : index
        %swap3A_650 = tpu.vector_load %arg10[%swap3A_648, %swap3A_649] {strides = array<i32>} : memref<128x128xf32, #tpu.memory_space<vmem>>, vector<16xf32>,
        tpu.vector_store %arg10[%swap3A_648, %swap3A_649], %gather3A_628 {strides = array<i32>} : memref<128x128xf32, #tpu.memory_space<vmem>>, vector<16xf32>,
        %swap3A_651 = arith.index_cast %add3A_616 : i32 to index
        %swap3A_652 = arith.constant 112 : index
        %swap3A_653 = tpu.vector_load %arg10[%swap3A_651, %swap3A_652] {strides = array<i32>} : memref<128x128xf32, #tpu.memory_space<vmem>>, vector<16xf32>,
        tpu.vector_store %arg10[%swap3A_651, %swap3A_652], %gather3A_629 {strides = array<i32>} : memref<128x128xf32, #tpu.memory_space<vmem>>, vector<16xf32>,
        %mul3A_654 = arith.constant 16 : i32
        %mul3A_655 = arith.muli %add3A_484, %mul3A_654 : i32
        %add3A_656 = arith.constant 0 : i32
        %add3A_657 = arith.addi %mul3A_655, %add3A_656 : i32
        %add3A_658 = arith.constant 4 : i32
        %add3A_659 = arith.addi %add3A_657, %add3A_658 : i32
        %mul3A_660 = arith.constant 8 : i32
        %mul3A_661 = arith.muli %add3A_484, %mul3A_660 : i32
        %add3A_662 = arith.constant 4 : i32
        %add3A_663 = arith.addi %mul3A_661, %add3A_662 : i32
        %broadcast_in_dim3A_664 = vector.broadcast %add3A_663 : i32 to vector<16xi32>
        %gather3A_665 = tpu.vector_load_idx %arg9[%add3A_3, %broadcast_in_dim3A_664] : memref<256x65xf32, #tpu.memory_space<vmem>>[vector<16xi32>, vector<16xi32>], vector<16xf32>,
        %gather3A_666 = tpu.vector_load_idx %arg9[%add3A_6, %broadcast_in_dim3A_664] : memref<256x65xf32, #tpu.memory_space<vmem>>[vector<16xi32>, vector<16xi32>], vector<16xf32>,
        %gather3A_667 = tpu.vector_load_idx %arg9[%add3A_9, %broadcast_in_dim3A_664] : memref<256x65xf32, #tpu.memory_space<vmem>>[vector<16xi32>, vector<16xi32>], vector<16xf32>,
        %gather3A_668 = tpu.vector_load_idx %arg9[%add3A_12, %broadcast_in_dim3A_664] : memref<256x65xf32, #tpu.memory_space<vmem>>[vector<16xi32>, vector<16xi32>], vector<16xf32>,
        %gather3A_669 = tpu.vector_load_idx %arg9[%add3A_15, %broadcast_in_dim3A_664] : memref<256x65xf32, #tpu.memory_space<vmem>>[vector<16xi32>, vector<16xi32>], vector<16xf32>,
        %gather3A_670 = tpu.vector_load_idx %arg9[%add3A_18, %broadcast_in_dim3A_664] : memref<256x65xf32, #tpu.memory_space<vmem>>[vector<16xi32>, vector<16xi32>], vector<16xf32>,
        %gather3A_671 = tpu.vector_load_idx %arg9[%add3A_21, %broadcast_in_dim3A_664] : memref<256x65xf32, #tpu.memory_space<vmem>>[vector<16xi32>, vector<16xi32>], vector<16xf32>,
        %gather3A_672 = tpu.vector_load_idx %arg9[%add3A_24, %broadcast_in_dim3A_664] : memref<256x65xf32, #tpu.memory_space<vmem>>[vector<16xi32>, vector<16xi32>], vector<16xf32>,
        %swap3A_673 = arith.index_cast %add3A_659 : i32 to index
        %swap3A_674 = arith.constant 0 : index
        %swap3A_675 = tpu.vector_load %arg10[%swap3A_673, %swap3A_674] {strides = array<i32>} : memref<128x128xf32, #tpu.memory_space<vmem>>, vector<16xf32>,
        tpu.vector_store %arg10[%swap3A_673, %swap3A_674], %gather3A_665 {strides = array<i32>} : memref<128x128xf32, #tpu.memory_space<vmem>>, vector<16xf32>,
        %swap3A_676 = arith.index_cast %add3A_659 : i32 to index
        %swap3A_677 = arith.constant 16 : index
        %swap3A_678 = tpu.vector_load %arg10[%swap3A_676, %swap3A_677] {strides = array<i32>} : memref<128x128xf32, #tpu.memory_space<vmem>>, vector<16xf32>,
        tpu.vector_store %arg10[%swap3A_676, %swap3A_677], %gather3A_666 {strides = array<i32>} : memref<128x128xf32, #tpu.memory_space<vmem>>, vector<16xf32>,
        %swap3A_679 = arith.index_cast %add3A_659 : i32 to index
        %swap3A_680 = arith.constant 32 : index
        %swap3A_681 = tpu.vector_load %arg10[%swap3A_679, %swap3A_680] {strides = array<i32>} : memref<128x128xf32, #tpu.memory_space<vmem>>, vector<16xf32>,
        tpu.vector_store %arg10[%swap3A_679, %swap3A_680], %gather3A_667 {strides = array<i32>} : memref<128x128xf32, #tpu.memory_space<vmem>>, vector<16xf32>,
        %swap3A_682 = arith.index_cast %add3A_659 : i32 to index
        %swap3A_683 = arith.constant 48 : index
        %swap3A_684 = tpu.vector_load %arg10[%swap3A_682, %swap3A_683] {strides = array<i32>} : memref<128x128xf32, #tpu.memory_space<vmem>>, vector<16xf32>,
        tpu.vector_store %arg10[%swap3A_682, %swap3A_683], %gather3A_668 {strides = array<i32>} : memref<128x128xf32, #tpu.memory_space<vmem>>, vector<16xf32>,
        %swap3A_685 = arith.index_cast %add3A_659 : i32 to index
        %swap3A_686 = arith.constant 64 : index
        %swap3A_687 = tpu.vector_load %arg10[%swap3A_685, %swap3A_686] {strides = array<i32>} : memref<128x128xf32, #tpu.memory_space<vmem>>, vector<16xf32>,
        tpu.vector_store %arg10[%swap3A_685, %swap3A_686], %gather3A_669 {strides = array<i32>} : memref<128x128xf32, #tpu.memory_space<vmem>>, vector<16xf32>,
        %swap3A_688 = arith.index_cast %add3A_659 : i32 to index
        %swap3A_689 = arith.constant 80 : index
        %swap3A_690 = tpu.vector_load %arg10[%swap3A_688, %swap3A_689] {strides = array<i32>} : memref<128x128xf32, #tpu.memory_space<vmem>>, vector<16xf32>,
        tpu.vector_store %arg10[%swap3A_688, %swap3A_689], %gather3A_670 {strides = array<i32>} : memref<128x128xf32, #tpu.memory_space<vmem>>, vector<16xf32>,
        %swap3A_691 = arith.index_cast %add3A_659 : i32 to index
        %swap3A_692 = arith.constant 96 : index
        %swap3A_693 = tpu.vector_load %arg10[%swap3A_691, %swap3A_692] {strides = array<i32>} : memref<128x128xf32, #tpu.memory_space<vmem>>, vector<16xf32>,
        tpu.vector_store %arg10[%swap3A_691, %swap3A_692], %gather3A_671 {strides = array<i32>} : memref<128x128xf32, #tpu.memory_space<vmem>>, vector<16xf32>,
        %swap3A_694 = arith.index_cast %add3A_659 : i32 to index
        %swap3A_695 = arith.constant 112 : index
        %swap3A_696 = tpu.vector_load %arg10[%swap3A_694, %swap3A_695] {strides = array<i32>} : memref<128x128xf32, #tpu.memory_space<vmem>>, vector<16xf32>,
        tpu.vector_store %arg10[%swap3A_694, %swap3A_695], %gather3A_672 {strides = array<i32>} : memref<128x128xf32, #tpu.memory_space<vmem>>, vector<16xf32>,
        %mul3A_697 = arith.constant 16 : i32
        %mul3A_698 = arith.muli %add3A_484, %mul3A_697 : i32
        %add3A_699 = arith.constant 0 : i32
        %add3A_700 = arith.addi %mul3A_698, %add3A_699 : i32
        %add3A_701 = arith.constant 5 : i32
        %add3A_702 = arith.addi %add3A_700, %add3A_701 : i32
        %mul3A_703 = arith.constant 8 : i32
        %mul3A_704 = arith.muli %add3A_484, %mul3A_703 : i32
        %add3A_705 = arith.constant 5 : i32
        %add3A_706 = arith.addi %mul3A_704, %add3A_705 : i32
        %broadcast_in_dim3A_707 = vector.broadcast %add3A_706 : i32 to vector<16xi32>
        %gather3A_708 = tpu.vector_load_idx %arg9[%add3A_3, %broadcast_in_dim3A_707] : memref<256x65xf32, #tpu.memory_space<vmem>>[vector<16xi32>, vector<16xi32>], vector<16xf32>,
        %gather3A_709 = tpu.vector_load_idx %arg9[%add3A_6, %broadcast_in_dim3A_707] : memref<256x65xf32, #tpu.memory_space<vmem>>[vector<16xi32>, vector<16xi32>], vector<16xf32>,
        %gather3A_710 = tpu.vector_load_idx %arg9[%add3A_9, %broadcast_in_dim3A_707] : memref<256x65xf32, #tpu.memory_space<vmem>>[vector<16xi32>, vector<16xi32>], vector<16xf32>,
        %gather3A_711 = tpu.vector_load_idx %arg9[%add3A_12, %broadcast_in_dim3A_707] : memref<256x65xf32, #tpu.memory_space<vmem>>[vector<16xi32>, vector<16xi32>], vector<16xf32>,
        %gather3A_712 = tpu.vector_load_idx %arg9[%add3A_15, %broadcast_in_dim3A_707] : memref<256x65xf32, #tpu.memory_space<vmem>>[vector<16xi32>, vector<16xi32>], vector<16xf32>,
        %gather3A_713 = tpu.vector_load_idx %arg9[%add3A_18, %broadcast_in_dim3A_707] : memref<256x65xf32, #tpu.memory_space<vmem>>[vector<16xi32>, vector<16xi32>], vector<16xf32>,
        %gather3A_714 = tpu.vector_load_idx %arg9[%add3A_21, %broadcast_in_dim3A_707] : memref<256x65xf32, #tpu.memory_space<vmem>>[vector<16xi32>, vector<16xi32>], vector<16xf32>,
        %gather3A_715 = tpu.vector_load_idx %arg9[%add3A_24, %broadcast_in_dim3A_707] : memref<256x65xf32, #tpu.memory_space<vmem>>[vector<16xi32>, vector<16xi32>], vector<16xf32>,
        %swap3A_716 = arith.index_cast %add3A_702 : i32 to index
        %swap3A_717 = arith.constant 0 : index
        %swap3A_718 = tpu.vector_load %arg10[%swap3A_716, %swap3A_717] {strides = array<i32>} : memref<128x128xf32, #tpu.memory_space<vmem>>, vector<16xf32>,
        tpu.vector_store %arg10[%swap3A_716, %swap3A_717], %gather3A_708 {strides = array<i32>} : memref<128x128xf32, #tpu.memory_space<vmem>>, vector<16xf32>,
        %swap3A_719 = arith.index_cast %add3A_702 : i32 to index
        %swap3A_720 = arith.constant 16 : index
        %swap3A_721 = tpu.vector_load %arg10[%swap3A_719, %swap3A_720] {strides = array<i32>} : memref<128x128xf32, #tpu.memory_space<vmem>>, vector<16xf32>,
        tpu.vector_store %arg10[%swap3A_719, %swap3A_720], %gather3A_709 {strides = array<i32>} : memref<128x128xf32, #tpu.memory_space<vmem>>, vector<16xf32>,
        %swap3A_722 = arith.index_cast %add3A_702 : i32 to index
        %swap3A_723 = arith.constant 32 : index
        %swap3A_724 = tpu.vector_load %arg10[%swap3A_722, %swap3A_723] {strides = array<i32>} : memref<128x128xf32, #tpu.memory_space<vmem>>, vector<16xf32>,
        tpu.vector_store %arg10[%swap3A_722, %swap3A_723], %gather3A_710 {strides = array<i32>} : memref<128x128xf32, #tpu.memory_space<vmem>>, vector<16xf32>,
        %swap3A_725 = arith.index_cast %add3A_702 : i32 to index
        %swap3A_726 = arith.constant 48 : index
        %swap3A_727 = tpu.vector_load %arg10[%swap3A_725, %swap3A_726] {strides = array<i32>} : memref<128x128xf32, #tpu.memory_space<vmem>>, vector<16xf32>,
        tpu.vector_store %arg10[%swap3A_725, %swap3A_726], %gather3A_711 {strides = array<i32>} : memref<128x128xf32, #tpu.memory_space<vmem>>, vector<16xf32>,
        %swap3A_728 = arith.index_cast %add3A_702 : i32 to index
        %swap3A_729 = arith.constant 64 : index
        %swap3A_730 = tpu.vector_load %arg10[%swap3A_728, %swap3A_729] {strides = array<i32>} : memref<128x128xf32, #tpu.memory_space<vmem>>, vector<16xf32>,
        tpu.vector_store %arg10[%swap3A_728, %swap3A_729], %gather3A_712 {strides = array<i32>} : memref<128x128xf32, #tpu.memory_space<vmem>>, vector<16xf32>,
        %swap3A_731 = arith.index_cast %add3A_702 : i32 to index
        %swap3A_732 = arith.constant 80 : index
        %swap3A_733 = tpu.vector_load %arg10[%swap3A_731, %swap3A_732] {strides = array<i32>} : memref<128x128xf32, #tpu.memory_space<vmem>>, vector<16xf32>,
        tpu.vector_store %arg10[%swap3A_731, %swap3A_732], %gather3A_713 {strides = array<i32>} : memref<128x128xf32, #tpu.memory_space<vmem>>, vector<16xf32>,
        %swap3A_734 = arith.index_cast %add3A_702 : i32 to index
        %swap3A_735 = arith.constant 96 : index
        %swap3A_736 = tpu.vector_load %arg10[%swap3A_734, %swap3A_735] {strides = array<i32>} : memref<128x128xf32, #tpu.memory_space<vmem>>, vector<16xf32>,
        tpu.vector_store %arg10[%swap3A_734, %swap3A_735], %gather3A_714 {strides = array<i32>} : memref<128x128xf32, #tpu.memory_space<vmem>>, vector<16xf32>,
        %swap3A_737 = arith.index_cast %add3A_702 : i32 to index
        %swap3A_738 = arith.constant 112 : index
        %swap3A_739 = tpu.vector_load %arg10[%swap3A_737, %swap3A_738] {strides = array<i32>} : memref<128x128xf32, #tpu.memory_space<vmem>>, vector<16xf32>,
        tpu.vector_store %arg10[%swap3A_737, %swap3A_738], %gather3A_715 {strides = array<i32>} : memref<128x128xf32, #tpu.memory_space<vmem>>, vector<16xf32>,
        %mul3A_740 = arith.constant 16 : i32
        %mul3A_741 = arith.muli %add3A_484, %mul3A_740 : i32
        %add3A_742 = arith.constant 0 : i32
        %add3A_743 = arith.addi %mul3A_741, %add3A_742 : i32
        %add3A_744 = arith.constant 6 : i32
        %add3A_745 = arith.addi %add3A_743, %add3A_744 : i32
        %mul3A_746 = arith.constant 8 : i32
        %mul3A_747 = arith.muli %add3A_484, %mul3A_746 : i32
        %add3A_748 = arith.constant 6 : i32
        %add3A_749 = arith.addi %mul3A_747, %add3A_748 : i32
        %broadcast_in_dim3A_750 = vector.broadcast %add3A_749 : i32 to vector<16xi32>
        %gather3A_751 = tpu.vector_load_idx %arg9[%add3A_3, %broadcast_in_dim3A_750] : memref<256x65xf32, #tpu.memory_space<vmem>>[vector<16xi32>, vector<16xi32>], vector<16xf32>,
        %gather3A_752 = tpu.vector_load_idx %arg9[%add3A_6, %broadcast_in_dim3A_750] : memref<256x65xf32, #tpu.memory_space<vmem>>[vector<16xi32>, vector<16xi32>], vector<16xf32>,
        %gather3A_753 = tpu.vector_load_idx %arg9[%add3A_9, %broadcast_in_dim3A_750] : memref<256x65xf32, #tpu.memory_space<vmem>>[vector<16xi32>, vector<16xi32>], vector<16xf32>,
        %gather3A_754 = tpu.vector_load_idx %arg9[%add3A_12, %broadcast_in_dim3A_750] : memref<256x65xf32, #tpu.memory_space<vmem>>[vector<16xi32>, vector<16xi32>], vector<16xf32>,
        %gather3A_755 = tpu.vector_load_idx %arg9[%add3A_15, %broadcast_in_dim3A_750] : memref<256x65xf32, #tpu.memory_space<vmem>>[vector<16xi32>, vector<16xi32>], vector<16xf32>,
        %gather3A_756 = tpu.vector_load_idx %arg9[%add3A_18, %broadcast_in_dim3A_750] : memref<256x65xf32, #tpu.memory_space<vmem>>[vector<16xi32>, vector<16xi32>], vector<16xf32>,
        %gather3A_757 = tpu.vector_load_idx %arg9[%add3A_21, %broadcast_in_dim3A_750] : memref<256x65xf32, #tpu.memory_space<vmem>>[vector<16xi32>, vector<16xi32>], vector<16xf32>,
        %gather3A_758 = tpu.vector_load_idx %arg9[%add3A_24, %broadcast_in_dim3A_750] : memref<256x65xf32, #tpu.memory_space<vmem>>[vector<16xi32>, vector<16xi32>], vector<16xf32>,
        %swap3A_759 = arith.index_cast %add3A_745 : i32 to index
        %swap3A_760 = arith.constant 0 : index
        %swap3A_761 = tpu.vector_load %arg10[%swap3A_759, %swap3A_760] {strides = array<i32>} : memref<128x128xf32, #tpu.memory_space<vmem>>, vector<16xf32>,
        tpu.vector_store %arg10[%swap3A_759, %swap3A_760], %gather3A_751 {strides = array<i32>} : memref<128x128xf32, #tpu.memory_space<vmem>>, vector<16xf32>,
        %swap3A_762 = arith.index_cast %add3A_745 : i32 to index
        %swap3A_763 = arith.constant 16 : index
        %swap3A_764 = tpu.vector_load %arg10[%swap3A_762, %swap3A_763] {strides = array<i32>} : memref<128x128xf32, #tpu.memory_space<vmem>>, vector<16xf32>,
        tpu.vector_store %arg10[%swap3A_762, %swap3A_763], %gather3A_752 {strides = array<i32>} : memref<128x128xf32, #tpu.memory_space<vmem>>, vector<16xf32>,
        %swap3A_765 = arith.index_cast %add3A_745 : i32 to index
        %swap3A_766 = arith.constant 32 : index
        %swap3A_767 = tpu.vector_load %arg10[%swap3A_765, %swap3A_766] {strides = array<i32>} : memref<128x128xf32, #tpu.memory_space<vmem>>, vector<16xf32>,
        tpu.vector_store %arg10[%swap3A_765, %swap3A_766], %gather3A_753 {strides = array<i32>} : memref<128x128xf32, #tpu.memory_space<vmem>>, vector<16xf32>,
        %swap3A_768 = arith.index_cast %add3A_745 : i32 to index
        %swap3A_769 = arith.constant 48 : index
        %swap3A_770 = tpu.vector_load %arg10[%swap3A_768, %swap3A_769] {strides = array<i32>} : memref<128x128xf32, #tpu.memory_space<vmem>>, vector<16xf32>,
        tpu.vector_store %arg10[%swap3A_768, %swap3A_769], %gather3A_754 {strides = array<i32>} : memref<128x128xf32, #tpu.memory_space<vmem>>, vector<16xf32>,
        %swap3A_771 = arith.index_cast %add3A_745 : i32 to index
        %swap3A_772 = arith.constant 64 : index
        %swap3A_773 = tpu.vector_load %arg10[%swap3A_771, %swap3A_772] {strides = array<i32>} : memref<128x128xf32, #tpu.memory_space<vmem>>, vector<16xf32>,
        tpu.vector_store %arg10[%swap3A_771, %swap3A_772], %gather3A_755 {strides = array<i32>} : memref<128x128xf32, #tpu.memory_space<vmem>>, vector<16xf32>,
        %swap3A_774 = arith.index_cast %add3A_745 : i32 to index
        %swap3A_775 = arith.constant 80 : index
        %swap3A_776 = tpu.vector_load %arg10[%swap3A_774, %swap3A_775] {strides = array<i32>} : memref<128x128xf32, #tpu.memory_space<vmem>>, vector<16xf32>,
        tpu.vector_store %arg10[%swap3A_774, %swap3A_775], %gather3A_756 {strides = array<i32>} : memref<128x128xf32, #tpu.memory_space<vmem>>, vector<16xf32>,
        %swap3A_777 = arith.index_cast %add3A_745 : i32 to index
        %swap3A_778 = arith.constant 96 : index
        %swap3A_779 = tpu.vector_load %arg10[%swap3A_777, %swap3A_778] {strides = array<i32>} : memref<128x128xf32, #tpu.memory_space<vmem>>, vector<16xf32>,
        tpu.vector_store %arg10[%swap3A_777, %swap3A_778], %gather3A_757 {strides = array<i32>} : memref<128x128xf32, #tpu.memory_space<vmem>>, vector<16xf32>,
        %swap3A_780 = arith.index_cast %add3A_745 : i32 to index
        %swap3A_781 = arith.constant 112 : index
        %swap3A_782 = tpu.vector_load %arg10[%swap3A_780, %swap3A_781] {strides = array<i32>} : memref<128x128xf32, #tpu.memory_space<vmem>>, vector<16xf32>,
        tpu.vector_store %arg10[%swap3A_780, %swap3A_781], %gather3A_758 {strides = array<i32>} : memref<128x128xf32, #tpu.memory_space<vmem>>, vector<16xf32>,
        %mul3A_783 = arith.constant 16 : i32
        %mul3A_784 = arith.muli %add3A_484, %mul3A_783 : i32
        %add3A_785 = arith.constant 0 : i32
        %add3A_786 = arith.addi %mul3A_784, %add3A_785 : i32
        %add3A_787 = arith.constant 7 : i32
        %add3A_788 = arith.addi %add3A_786, %add3A_787 : i32
        %mul3A_789 = arith.constant 8 : i32
        %mul3A_790 = arith.muli %add3A_484, %mul3A_789 : i32
        %add3A_791 = arith.constant 7 : i32
        %add3A_792 = arith.addi %mul3A_790, %add3A_791 : i32
        %broadcast_in_dim3A_793 = vector.broadcast %add3A_792 : i32 to vector<16xi32>
        %gather3A_794 = tpu.vector_load_idx %arg9[%add3A_3, %broadcast_in_dim3A_793] : memref<256x65xf32, #tpu.memory_space<vmem>>[vector<16xi32>, vector<16xi32>], vector<16xf32>,
        %gather3A_795 = tpu.vector_load_idx %arg9[%add3A_6, %broadcast_in_dim3A_793] : memref<256x65xf32, #tpu.memory_space<vmem>>[vector<16xi32>, vector<16xi32>], vector<16xf32>,
        %gather3A_796 = tpu.vector_load_idx %arg9[%add3A_9, %broadcast_in_dim3A_793] : memref<256x65xf32, #tpu.memory_space<vmem>>[vector<16xi32>, vector<16xi32>], vector<16xf32>,
        %gather3A_797 = tpu.vector_load_idx %arg9[%add3A_12, %broadcast_in_dim3A_793] : memref<256x65xf32, #tpu.memory_space<vmem>>[vector<16xi32>, vector<16xi32>], vector<16xf32>,
        %gather3A_798 = tpu.vector_load_idx %arg9[%add3A_15, %broadcast_in_dim3A_793] : memref<256x65xf32, #tpu.memory_space<vmem>>[vector<16xi32>, vector<16xi32>], vector<16xf32>,
        %gather3A_799 = tpu.vector_load_idx %arg9[%add3A_18, %broadcast_in_dim3A_793] : memref<256x65xf32, #tpu.memory_space<vmem>>[vector<16xi32>, vector<16xi32>], vector<16xf32>,
        %gather3A_800 = tpu.vector_load_idx %arg9[%add3A_21, %broadcast_in_dim3A_793] : memref<256x65xf32, #tpu.memory_space<vmem>>[vector<16xi32>, vector<16xi32>], vector<16xf32>,
        %gather3A_801 = tpu.vector_load_idx %arg9[%add3A_24, %broadcast_in_dim3A_793] : memref<256x65xf32, #tpu.memory_space<vmem>>[vector<16xi32>, vector<16xi32>], vector<16xf32>,
        %swap3A_802 = arith.index_cast %add3A_788 : i32 to index
        %swap3A_803 = arith.constant 0 : index
        %swap3A_804 = tpu.vector_load %arg10[%swap3A_802, %swap3A_803] {strides = array<i32>} : memref<128x128xf32, #tpu.memory_space<vmem>>, vector<16xf32>,
        tpu.vector_store %arg10[%swap3A_802, %swap3A_803], %gather3A_794 {strides = array<i32>} : memref<128x128xf32, #tpu.memory_space<vmem>>, vector<16xf32>,
        %swap3A_805 = arith.index_cast %add3A_788 : i32 to index
        %swap3A_806 = arith.constant 16 : index
        %swap3A_807 = tpu.vector_load %arg10[%swap3A_805, %swap3A_806] {strides = array<i32>} : memref<128x128xf32, #tpu.memory_space<vmem>>, vector<16xf32>,
        tpu.vector_store %arg10[%swap3A_805, %swap3A_806], %gather3A_795 {strides = array<i32>} : memref<128x128xf32, #tpu.memory_space<vmem>>, vector<16xf32>,
        %swap3A_808 = arith.index_cast %add3A_788 : i32 to index
        %swap3A_809 = arith.constant 32 : index
        %swap3A_810 = tpu.vector_load %arg10[%swap3A_808, %swap3A_809] {strides = array<i32>} : memref<128x128xf32, #tpu.memory_space<vmem>>, vector<16xf32>,
        tpu.vector_store %arg10[%swap3A_808, %swap3A_809], %gather3A_796 {strides = array<i32>} : memref<128x128xf32, #tpu.memory_space<vmem>>, vector<16xf32>,
        %swap3A_811 = arith.index_cast %add3A_788 : i32 to index
        %swap3A_812 = arith.constant 48 : index
        %swap3A_813 = tpu.vector_load %arg10[%swap3A_811, %swap3A_812] {strides = array<i32>} : memref<128x128xf32, #tpu.memory_space<vmem>>, vector<16xf32>,
        tpu.vector_store %arg10[%swap3A_811, %swap3A_812], %gather3A_797 {strides = array<i32>} : memref<128x128xf32, #tpu.memory_space<vmem>>, vector<16xf32>,
        %swap3A_814 = arith.index_cast %add3A_788 : i32 to index
        %swap3A_815 = arith.constant 64 : index
        %swap3A_816 = tpu.vector_load %arg10[%swap3A_814, %swap3A_815] {strides = array<i32>} : memref<128x128xf32, #tpu.memory_space<vmem>>, vector<16xf32>,
        tpu.vector_store %arg10[%swap3A_814, %swap3A_815], %gather3A_798 {strides = array<i32>} : memref<128x128xf32, #tpu.memory_space<vmem>>, vector<16xf32>,
        %swap3A_817 = arith.index_cast %add3A_788 : i32 to index
        %swap3A_818 = arith.constant 80 : index
        %swap3A_819 = tpu.vector_load %arg10[%swap3A_817, %swap3A_818] {strides = array<i32>} : memref<128x128xf32, #tpu.memory_space<vmem>>, vector<16xf32>,
        tpu.vector_store %arg10[%swap3A_817, %swap3A_818], %gather3A_799 {strides = array<i32>} : memref<128x128xf32, #tpu.memory_space<vmem>>, vector<16xf32>,
        %swap3A_820 = arith.index_cast %add3A_788 : i32 to index
        %swap3A_821 = arith.constant 96 : index
        %swap3A_822 = tpu.vector_load %arg10[%swap3A_820, %swap3A_821] {strides = array<i32>} : memref<128x128xf32, #tpu.memory_space<vmem>>, vector<16xf32>,
        tpu.vector_store %arg10[%swap3A_820, %swap3A_821], %gather3A_800 {strides = array<i32>} : memref<128x128xf32, #tpu.memory_space<vmem>>, vector<16xf32>,
        %swap3A_823 = arith.index_cast %add3A_788 : i32 to index
        %swap3A_824 = arith.constant 112 : index
        %swap3A_825 = tpu.vector_load %arg10[%swap3A_823, %swap3A_824] {strides = array<i32>} : memref<128x128xf32, #tpu.memory_space<vmem>>, vector<16xf32>,
        tpu.vector_store %arg10[%swap3A_823, %swap3A_824], %gather3A_801 {strides = array<i32>} : memref<128x128xf32, #tpu.memory_space<vmem>>, vector<16xf32>,
        %mul3A_826 = arith.constant 16 : i32
        %mul3A_827 = arith.muli %add3A_484, %mul3A_826 : i32
        %add3A_828 = arith.constant 8 : i32
        %add3A_829 = arith.addi %mul3A_827, %add3A_828 : i32
        %add3A_830 = arith.constant 0 : i32
        %add3A_831 = arith.addi %add3A_829, %add3A_830 : i32
        %mul3A_832 = arith.constant 8 : i32
        %mul3A_833 = arith.muli %add3A_484, %mul3A_832 : i32
        %add3A_834 = arith.constant 0 : i32
        %add3A_835 = arith.addi %mul3A_833, %add3A_834 : i32
        %broadcast_in_dim3A_836 = vector.broadcast %add3A_835 : i32 to vector<16xi32>
        %gather3A_837 = tpu.vector_load_idx %arg9[%add3A_27, %broadcast_in_dim3A_836] : memref<256x65xf32, #tpu.memory_space<vmem>>[vector<16xi32>, vector<16xi32>], vector<16xf32>,
        %gather3A_838 = tpu.vector_load_idx %arg9[%add3A_30, %broadcast_in_dim3A_836] : memref<256x65xf32, #tpu.memory_space<vmem>>[vector<16xi32>, vector<16xi32>], vector<16xf32>,
        %gather3A_839 = tpu.vector_load_idx %arg9[%add3A_33, %broadcast_in_dim3A_836] : memref<256x65xf32, #tpu.memory_space<vmem>>[vector<16xi32>, vector<16xi32>], vector<16xf32>,
        %gather3A_840 = tpu.vector_load_idx %arg9[%add3A_36, %broadcast_in_dim3A_836] : memref<256x65xf32, #tpu.memory_space<vmem>>[vector<16xi32>, vector<16xi32>], vector<16xf32>,
        %gather3A_841 = tpu.vector_load_idx %arg9[%add3A_39, %broadcast_in_dim3A_836] : memref<256x65xf32, #tpu.memory_space<vmem>>[vector<16xi32>, vector<16xi32>], vector<16xf32>,
        %gather3A_842 = tpu.vector_load_idx %arg9[%add3A_42, %broadcast_in_dim3A_836] : memref<256x65xf32, #tpu.memory_space<vmem>>[vector<16xi32>, vector<16xi32>], vector<16xf32>,
        %gather3A_843 = tpu.vector_load_idx %arg9[%add3A_45, %broadcast_in_dim3A_836] : memref<256x65xf32, #tpu.memory_space<vmem>>[vector<16xi32>, vector<16xi32>], vector<16xf32>,
        %gather3A_844 = tpu.vector_load_idx %arg9[%add3A_48, %broadcast_in_dim3A_836] : memref<256x65xf32, #tpu.memory_space<vmem>>[vector<16xi32>, vector<16xi32>], vector<16xf32>,
        %swap3A_845 = arith.index_cast %add3A_831 : i32 to index
        %swap3A_846 = arith.constant 0 : index
        %swap3A_847 = tpu.vector_load %arg10[%swap3A_845, %swap3A_846] {strides = array<i32>} : memref<128x128xf32, #tpu.memory_space<vmem>>, vector<16xf32>,
        tpu.vector_store %arg10[%swap3A_845, %swap3A_846], %gather3A_837 {strides = array<i32>} : memref<128x128xf32, #tpu.memory_space<vmem>>, vector<16xf32>,
        %swap3A_848 = arith.index_cast %add3A_831 : i32 to index
        %swap3A_849 = arith.constant 16 : index
        %swap3A_850 = tpu.vector_load %arg10[%swap3A_848, %swap3A_849] {strides = array<i32>} : memref<128x128xf32, #tpu.memory_space<vmem>>, vector<16xf32>,
        tpu.vector_store %arg10[%swap3A_848, %swap3A_849], %gather3A_838 {strides = array<i32>} : memref<128x128xf32, #tpu.memory_space<vmem>>, vector<16xf32>,
        %swap3A_851 = arith.index_cast %add3A_831 : i32 to index
        %swap3A_852 = arith.constant 32 : index
        %swap3A_853 = tpu.vector_load %arg10[%swap3A_851, %swap3A_852] {strides = array<i32>} : memref<128x128xf32, #tpu.memory_space<vmem>>, vector<16xf32>,
        tpu.vector_store %arg10[%swap3A_851, %swap3A_852], %gather3A_839 {strides = array<i32>} : memref<128x128xf32, #tpu.memory_space<vmem>>, vector<16xf32>,
        %swap3A_854 = arith.index_cast %add3A_831 : i32 to index
        %swap3A_855 = arith.constant 48 : index
        %swap3A_856 = tpu.vector_load %arg10[%swap3A_854, %swap3A_855] {strides = array<i32>} : memref<128x128xf32, #tpu.memory_space<vmem>>, vector<16xf32>,
        tpu.vector_store %arg10[%swap3A_854, %swap3A_855], %gather3A_840 {strides = array<i32>} : memref<128x128xf32, #tpu.memory_space<vmem>>, vector<16xf32>,
        %swap3A_857 = arith.index_cast %add3A_831 : i32 to index
        %swap3A_858 = arith.constant 64 : index
        %swap3A_859 = tpu.vector_load %arg10[%swap3A_857, %swap3A_858] {strides = array<i32>} : memref<128x128xf32, #tpu.memory_space<vmem>>, vector<16xf32>,
        tpu.vector_store %arg10[%swap3A_857, %swap3A_858], %gather3A_841 {strides = array<i32>} : memref<128x128xf32, #tpu.memory_space<vmem>>, vector<16xf32>,
        %swap3A_860 = arith.index_cast %add3A_831 : i32 to index
        %swap3A_861 = arith.constant 80 : index
        %swap3A_862 = tpu.vector_load %arg10[%swap3A_860, %swap3A_861] {strides = array<i32>} : memref<128x128xf32, #tpu.memory_space<vmem>>, vector<16xf32>,
        tpu.vector_store %arg10[%swap3A_860, %swap3A_861], %gather3A_842 {strides = array<i32>} : memref<128x128xf32, #tpu.memory_space<vmem>>, vector<16xf32>,
        %swap3A_863 = arith.index_cast %add3A_831 : i32 to index
        %swap3A_864 = arith.constant 96 : index
        %swap3A_865 = tpu.vector_load %arg10[%swap3A_863, %swap3A_864] {strides = array<i32>} : memref<128x128xf32, #tpu.memory_space<vmem>>, vector<16xf32>,
        tpu.vector_store %arg10[%swap3A_863, %swap3A_864], %gather3A_843 {strides = array<i32>} : memref<128x128xf32, #tpu.memory_space<vmem>>, vector<16xf32>,
        %swap3A_866 = arith.index_cast %add3A_831 : i32 to index
        %swap3A_867 = arith.constant 112 : index
        %swap3A_868 = tpu.vector_load %arg10[%swap3A_866, %swap3A_867] {strides = array<i32>} : memref<128x128xf32, #tpu.memory_space<vmem>>, vector<16xf32>,
        tpu.vector_store %arg10[%swap3A_866, %swap3A_867], %gather3A_844 {strides = array<i32>} : memref<128x128xf32, #tpu.memory_space<vmem>>, vector<16xf32>,
        %mul3A_869 = arith.constant 16 : i32
        %mul3A_870 = arith.muli %add3A_484, %mul3A_869 : i32
        %add3A_871 = arith.constant 8 : i32
        %add3A_872 = arith.addi %mul3A_870, %add3A_871 : i32
        %add3A_873 = arith.constant 1 : i32
        %add3A_874 = arith.addi %add3A_872, %add3A_873 : i32
        %mul3A_875 = arith.constant 8 : i32
        %mul3A_876 = arith.muli %add3A_484, %mul3A_875 : i32
        %add3A_877 = arith.constant 1 : i32
        %add3A_878 = arith.addi %mul3A_876, %add3A_877 : i32
        %broadcast_in_dim3A_879 = vector.broadcast %add3A_878 : i32 to vector<16xi32>
        %gather3A_880 = tpu.vector_load_idx %arg9[%add3A_27, %broadcast_in_dim3A_879] : memref<256x65xf32, #tpu.memory_space<vmem>>[vector<16xi32>, vector<16xi32>], vector<16xf32>,
        %gather3A_881 = tpu.vector_load_idx %arg9[%add3A_30, %broadcast_in_dim3A_879] : memref<256x65xf32, #tpu.memory_space<vmem>>[vector<16xi32>, vector<16xi32>], vector<16xf32>,
        %gather3A_882 = tpu.vector_load_idx %arg9[%add3A_33, %broadcast_in_dim3A_879] : memref<256x65xf32, #tpu.memory_space<vmem>>[vector<16xi32>, vector<16xi32>], vector<16xf32>,
        %gather3A_883 = tpu.vector_load_idx %arg9[%add3A_36, %broadcast_in_dim3A_879] : memref<256x65xf32, #tpu.memory_space<vmem>>[vector<16xi32>, vector<16xi32>], vector<16xf32>,
        %gather3A_884 = tpu.vector_load_idx %arg9[%add3A_39, %broadcast_in_dim3A_879] : memref<256x65xf32, #tpu.memory_space<vmem>>[vector<16xi32>, vector<16xi32>], vector<16xf32>,
        %gather3A_885 = tpu.vector_load_idx %arg9[%add3A_42, %broadcast_in_dim3A_879] : memref<256x65xf32, #tpu.memory_space<vmem>>[vector<16xi32>, vector<16xi32>], vector<16xf32>,
        %gather3A_886 = tpu.vector_load_idx %arg9[%add3A_45, %broadcast_in_dim3A_879] : memref<256x65xf32, #tpu.memory_space<vmem>>[vector<16xi32>, vector<16xi32>], vector<16xf32>,
        %gather3A_887 = tpu.vector_load_idx %arg9[%add3A_48, %broadcast_in_dim3A_879] : memref<256x65xf32, #tpu.memory_space<vmem>>[vector<16xi32>, vector<16xi32>], vector<16xf32>,
        %swap3A_888 = arith.index_cast %add3A_874 : i32 to index
        %swap3A_889 = arith.constant 0 : index
        %swap3A_890 = tpu.vector_load %arg10[%swap3A_888, %swap3A_889] {strides = array<i32>} : memref<128x128xf32, #tpu.memory_space<vmem>>, vector<16xf32>,
        tpu.vector_store %arg10[%swap3A_888, %swap3A_889], %gather3A_880 {strides = array<i32>} : memref<128x128xf32, #tpu.memory_space<vmem>>, vector<16xf32>,
        %swap3A_891 = arith.index_cast %add3A_874 : i32 to index
        %swap3A_892 = arith.constant 16 : index
        %swap3A_893 = tpu.vector_load %arg10[%swap3A_891, %swap3A_892] {strides = array<i32>} : memref<128x128xf32, #tpu.memory_space<vmem>>, vector<16xf32>,
        tpu.vector_store %arg10[%swap3A_891, %swap3A_892], %gather3A_881 {strides = array<i32>} : memref<128x128xf32, #tpu.memory_space<vmem>>, vector<16xf32>,
        %swap3A_894 = arith.index_cast %add3A_874 : i32 to index
        %swap3A_895 = arith.constant 32 : index
        %swap3A_896 = tpu.vector_load %arg10[%swap3A_894, %swap3A_895] {strides = array<i32>} : memref<128x128xf32, #tpu.memory_space<vmem>>, vector<16xf32>,
        tpu.vector_store %arg10[%swap3A_894, %swap3A_895], %gather3A_882 {strides = array<i32>} : memref<128x128xf32, #tpu.memory_space<vmem>>, vector<16xf32>,
        %swap3A_897 = arith.index_cast %add3A_874 : i32 to index
        %swap3A_898 = arith.constant 48 : index
        %swap3A_899 = tpu.vector_load %arg10[%swap3A_897, %swap3A_898] {strides = array<i32>} : memref<128x128xf32, #tpu.memory_space<vmem>>, vector<16xf32>,
        tpu.vector_store %arg10[%swap3A_897, %swap3A_898], %gather3A_883 {strides = array<i32>} : memref<128x128xf32, #tpu.memory_space<vmem>>, vector<16xf32>,
        %swap3A_900 = arith.index_cast %add3A_874 : i32 to index
        %swap3A_901 = arith.constant 64 : index
        %swap3A_902 = tpu.vector_load %arg10[%swap3A_900, %swap3A_901] {strides = array<i32>} : memref<128x128xf32, #tpu.memory_space<vmem>>, vector<16xf32>,
        tpu.vector_store %arg10[%swap3A_900, %swap3A_901], %gather3A_884 {strides = array<i32>} : memref<128x128xf32, #tpu.memory_space<vmem>>, vector<16xf32>,
        %swap3A_903 = arith.index_cast %add3A_874 : i32 to index
        %swap3A_904 = arith.constant 80 : index
        %swap3A_905 = tpu.vector_load %arg10[%swap3A_903, %swap3A_904] {strides = array<i32>} : memref<128x128xf32, #tpu.memory_space<vmem>>, vector<16xf32>,
        tpu.vector_store %arg10[%swap3A_903, %swap3A_904], %gather3A_885 {strides = array<i32>} : memref<128x128xf32, #tpu.memory_space<vmem>>, vector<16xf32>,
        %swap3A_906 = arith.index_cast %add3A_874 : i32 to index
        %swap3A_907 = arith.constant 96 : index
        %swap3A_908 = tpu.vector_load %arg10[%swap3A_906, %swap3A_907] {strides = array<i32>} : memref<128x128xf32, #tpu.memory_space<vmem>>, vector<16xf32>,
        tpu.vector_store %arg10[%swap3A_906, %swap3A_907], %gather3A_886 {strides = array<i32>} : memref<128x128xf32, #tpu.memory_space<vmem>>, vector<16xf32>,
        %swap3A_909 = arith.index_cast %add3A_874 : i32 to index
        %swap3A_910 = arith.constant 112 : index
        %swap3A_911 = tpu.vector_load %arg10[%swap3A_909, %swap3A_910] {strides = array<i32>} : memref<128x128xf32, #tpu.memory_space<vmem>>, vector<16xf32>,
        tpu.vector_store %arg10[%swap3A_909, %swap3A_910], %gather3A_887 {strides = array<i32>} : memref<128x128xf32, #tpu.memory_space<vmem>>, vector<16xf32>,
        %mul3A_912 = arith.constant 16 : i32
        %mul3A_913 = arith.muli %add3A_484, %mul3A_912 : i32
        %add3A_914 = arith.constant 8 : i32
        %add3A_915 = arith.addi %mul3A_913, %add3A_914 : i32
        %add3A_916 = arith.constant 2 : i32
        %add3A_917 = arith.addi %add3A_915, %add3A_916 : i32
        %mul3A_918 = arith.constant 8 : i32
        %mul3A_919 = arith.muli %add3A_484, %mul3A_918 : i32
        %add3A_920 = arith.constant 2 : i32
        %add3A_921 = arith.addi %mul3A_919, %add3A_920 : i32
        %broadcast_in_dim3A_922 = vector.broadcast %add3A_921 : i32 to vector<16xi32>
        %gather3A_923 = tpu.vector_load_idx %arg9[%add3A_27, %broadcast_in_dim3A_922] : memref<256x65xf32, #tpu.memory_space<vmem>>[vector<16xi32>, vector<16xi32>], vector<16xf32>,
        %gather3A_924 = tpu.vector_load_idx %arg9[%add3A_30, %broadcast_in_dim3A_922] : memref<256x65xf32, #tpu.memory_space<vmem>>[vector<16xi32>, vector<16xi32>], vector<16xf32>,
        %gather3A_925 = tpu.vector_load_idx %arg9[%add3A_33, %broadcast_in_dim3A_922] : memref<256x65xf32, #tpu.memory_space<vmem>>[vector<16xi32>, vector<16xi32>], vector<16xf32>,
        %gather3A_926 = tpu.vector_load_idx %arg9[%add3A_36, %broadcast_in_dim3A_922] : memref<256x65xf32, #tpu.memory_space<vmem>>[vector<16xi32>, vector<16xi32>], vector<16xf32>,
        %gather3A_927 = tpu.vector_load_idx %arg9[%add3A_39, %broadcast_in_dim3A_922] : memref<256x65xf32, #tpu.memory_space<vmem>>[vector<16xi32>, vector<16xi32>], vector<16xf32>,
        %gather3A_928 = tpu.vector_load_idx %arg9[%add3A_42, %broadcast_in_dim3A_922] : memref<256x65xf32, #tpu.memory_space<vmem>>[vector<16xi32>, vector<16xi32>], vector<16xf32>,
        %gather3A_929 = tpu.vector_load_idx %arg9[%add3A_45, %broadcast_in_dim3A_922] : memref<256x65xf32, #tpu.memory_space<vmem>>[vector<16xi32>, vector<16xi32>], vector<16xf32>,
        %gather3A_930 = tpu.vector_load_idx %arg9[%add3A_48, %broadcast_in_dim3A_922] : memref<256x65xf32, #tpu.memory_space<vmem>>[vector<16xi32>, vector<16xi32>], vector<16xf32>,
        %swap3A_931 = arith.index_cast %add3A_917 : i32 to index
        %swap3A_932 = arith.constant 0 : index
        %swap3A_933 = tpu.vector_load %arg10[%swap3A_931, %swap3A_932] {strides = array<i32>} : memref<128x128xf32, #tpu.memory_space<vmem>>, vector<16xf32>,
        tpu.vector_store %arg10[%swap3A_931, %swap3A_932], %gather3A_923 {strides = array<i32>} : memref<128x128xf32, #tpu.memory_space<vmem>>, vector<16xf32>,
        %swap3A_934 = arith.index_cast %add3A_917 : i32 to index
        %swap3A_935 = arith.constant 16 : index
        %swap3A_936 = tpu.vector_load %arg10[%swap3A_934, %swap3A_935] {strides = array<i32>} : memref<128x128xf32, #tpu.memory_space<vmem>>, vector<16xf32>,
        tpu.vector_store %arg10[%swap3A_934, %swap3A_935], %gather3A_924 {strides = array<i32>} : memref<128x128xf32, #tpu.memory_space<vmem>>, vector<16xf32>,
        %swap3A_937 = arith.index_cast %add3A_917 : i32 to index
        %swap3A_938 = arith.constant 32 : index
        %swap3A_939 = tpu.vector_load %arg10[%swap3A_937, %swap3A_938] {strides = array<i32>} : memref<128x128xf32, #tpu.memory_space<vmem>>, vector<16xf32>,
        tpu.vector_store %arg10[%swap3A_937, %swap3A_938], %gather3A_925 {strides = array<i32>} : memref<128x128xf32, #tpu.memory_space<vmem>>, vector<16xf32>,
        %swap3A_940 = arith.index_cast %add3A_917 : i32 to index
        %swap3A_941 = arith.constant 48 : index
        %swap3A_942 = tpu.vector_load %arg10[%swap3A_940, %swap3A_941] {strides = array<i32>} : memref<128x128xf32, #tpu.memory_space<vmem>>, vector<16xf32>,
        tpu.vector_store %arg10[%swap3A_940, %swap3A_941], %gather3A_926 {strides = array<i32>} : memref<128x128xf32, #tpu.memory_space<vmem>>, vector<16xf32>,
        %swap3A_943 = arith.index_cast %add3A_917 : i32 to index
        %swap3A_944 = arith.constant 64 : index
        %swap3A_945 = tpu.vector_load %arg10[%swap3A_943, %swap3A_944] {strides = array<i32>} : memref<128x128xf32, #tpu.memory_space<vmem>>, vector<16xf32>,
        tpu.vector_store %arg10[%swap3A_943, %swap3A_944], %gather3A_927 {strides = array<i32>} : memref<128x128xf32, #tpu.memory_space<vmem>>, vector<16xf32>,
        %swap3A_946 = arith.index_cast %add3A_917 : i32 to index
        %swap3A_947 = arith.constant 80 : index
        %swap3A_948 = tpu.vector_load %arg10[%swap3A_946, %swap3A_947] {strides = array<i32>} : memref<128x128xf32, #tpu.memory_space<vmem>>, vector<16xf32>,
        tpu.vector_store %arg10[%swap3A_946, %swap3A_947], %gather3A_928 {strides = array<i32>} : memref<128x128xf32, #tpu.memory_space<vmem>>, vector<16xf32>,
        %swap3A_949 = arith.index_cast %add3A_917 : i32 to index
        %swap3A_950 = arith.constant 96 : index
        %swap3A_951 = tpu.vector_load %arg10[%swap3A_949, %swap3A_950] {strides = array<i32>} : memref<128x128xf32, #tpu.memory_space<vmem>>, vector<16xf32>,
        tpu.vector_store %arg10[%swap3A_949, %swap3A_950], %gather3A_929 {strides = array<i32>} : memref<128x128xf32, #tpu.memory_space<vmem>>, vector<16xf32>,
        %swap3A_952 = arith.index_cast %add3A_917 : i32 to index
        %swap3A_953 = arith.constant 112 : index
        %swap3A_954 = tpu.vector_load %arg10[%swap3A_952, %swap3A_953] {strides = array<i32>} : memref<128x128xf32, #tpu.memory_space<vmem>>, vector<16xf32>,
        tpu.vector_store %arg10[%swap3A_952, %swap3A_953], %gather3A_930 {strides = array<i32>} : memref<128x128xf32, #tpu.memory_space<vmem>>, vector<16xf32>,
        %mul3A_955 = arith.constant 16 : i32
        %mul3A_956 = arith.muli %add3A_484, %mul3A_955 : i32
        %add3A_957 = arith.constant 8 : i32
        %add3A_958 = arith.addi %mul3A_956, %add3A_957 : i32
        %add3A_959 = arith.constant 3 : i32
        %add3A_960 = arith.addi %add3A_958, %add3A_959 : i32
        %mul3A_961 = arith.constant 8 : i32
        %mul3A_962 = arith.muli %add3A_484, %mul3A_961 : i32
        %add3A_963 = arith.constant 3 : i32
        %add3A_964 = arith.addi %mul3A_962, %add3A_963 : i32
        %broadcast_in_dim3A_965 = vector.broadcast %add3A_964 : i32 to vector<16xi32>
        %gather3A_966 = tpu.vector_load_idx %arg9[%add3A_27, %broadcast_in_dim3A_965] : memref<256x65xf32, #tpu.memory_space<vmem>>[vector<16xi32>, vector<16xi32>], vector<16xf32>,
        %gather3A_967 = tpu.vector_load_idx %arg9[%add3A_30, %broadcast_in_dim3A_965] : memref<256x65xf32, #tpu.memory_space<vmem>>[vector<16xi32>, vector<16xi32>], vector<16xf32>,
        %gather3A_968 = tpu.vector_load_idx %arg9[%add3A_33, %broadcast_in_dim3A_965] : memref<256x65xf32, #tpu.memory_space<vmem>>[vector<16xi32>, vector<16xi32>], vector<16xf32>,
        %gather3A_969 = tpu.vector_load_idx %arg9[%add3A_36, %broadcast_in_dim3A_965] : memref<256x65xf32, #tpu.memory_space<vmem>>[vector<16xi32>, vector<16xi32>], vector<16xf32>,
        %gather3A_970 = tpu.vector_load_idx %arg9[%add3A_39, %broadcast_in_dim3A_965] : memref<256x65xf32, #tpu.memory_space<vmem>>[vector<16xi32>, vector<16xi32>], vector<16xf32>,
        %gather3A_971 = tpu.vector_load_idx %arg9[%add3A_42, %broadcast_in_dim3A_965] : memref<256x65xf32, #tpu.memory_space<vmem>>[vector<16xi32>, vector<16xi32>], vector<16xf32>,
        %gather3A_972 = tpu.vector_load_idx %arg9[%add3A_45, %broadcast_in_dim3A_965] : memref<256x65xf32, #tpu.memory_space<vmem>>[vector<16xi32>, vector<16xi32>], vector<16xf32>,
        %gather3A_973 = tpu.vector_load_idx %arg9[%add3A_48, %broadcast_in_dim3A_965] : memref<256x65xf32, #tpu.memory_space<vmem>>[vector<16xi32>, vector<16xi32>], vector<16xf32>,
        %swap3A_974 = arith.index_cast %add3A_960 : i32 to index
        %swap3A_975 = arith.constant 0 : index
        %swap3A_976 = tpu.vector_load %arg10[%swap3A_974, %swap3A_975] {strides = array<i32>} : memref<128x128xf32, #tpu.memory_space<vmem>>, vector<16xf32>,
        tpu.vector_store %arg10[%swap3A_974, %swap3A_975], %gather3A_966 {strides = array<i32>} : memref<128x128xf32, #tpu.memory_space<vmem>>, vector<16xf32>,
        %swap3A_977 = arith.index_cast %add3A_960 : i32 to index
        %swap3A_978 = arith.constant 16 : index
        %swap3A_979 = tpu.vector_load %arg10[%swap3A_977, %swap3A_978] {strides = array<i32>} : memref<128x128xf32, #tpu.memory_space<vmem>>, vector<16xf32>,
        tpu.vector_store %arg10[%swap3A_977, %swap3A_978], %gather3A_967 {strides = array<i32>} : memref<128x128xf32, #tpu.memory_space<vmem>>, vector<16xf32>,
        %swap3A_980 = arith.index_cast %add3A_960 : i32 to index
        %swap3A_981 = arith.constant 32 : index
        %swap3A_982 = tpu.vector_load %arg10[%swap3A_980, %swap3A_981] {strides = array<i32>} : memref<128x128xf32, #tpu.memory_space<vmem>>, vector<16xf32>,
        tpu.vector_store %arg10[%swap3A_980, %swap3A_981], %gather3A_968 {strides = array<i32>} : memref<128x128xf32, #tpu.memory_space<vmem>>, vector<16xf32>,
        %swap3A_983 = arith.index_cast %add3A_960 : i32 to index
        %swap3A_984 = arith.constant 48 : index
        %swap3A_985 = tpu.vector_load %arg10[%swap3A_983, %swap3A_984] {strides = array<i32>} : memref<128x128xf32, #tpu.memory_space<vmem>>, vector<16xf32>,
        tpu.vector_store %arg10[%swap3A_983, %swap3A_984], %gather3A_969 {strides = array<i32>} : memref<128x128xf32, #tpu.memory_space<vmem>>, vector<16xf32>,
        %swap3A_986 = arith.index_cast %add3A_960 : i32 to index
        %swap3A_987 = arith.constant 64 : index
        %swap3A_988 = tpu.vector_load %arg10[%swap3A_986, %swap3A_987] {strides = array<i32>} : memref<128x128xf32, #tpu.memory_space<vmem>>, vector<16xf32>,
        tpu.vector_store %arg10[%swap3A_986, %swap3A_987], %gather3A_970 {strides = array<i32>} : memref<128x128xf32, #tpu.memory_space<vmem>>, vector<16xf32>,
        %swap3A_989 = arith.index_cast %add3A_960 : i32 to index
        %swap3A_990 = arith.constant 80 : index
        %swap3A_991 = tpu.vector_load %arg10[%swap3A_989, %swap3A_990] {strides = array<i32>} : memref<128x128xf32, #tpu.memory_space<vmem>>, vector<16xf32>,
        tpu.vector_store %arg10[%swap3A_989, %swap3A_990], %gather3A_971 {strides = array<i32>} : memref<128x128xf32, #tpu.memory_space<vmem>>, vector<16xf32>,
        %swap3A_992 = arith.index_cast %add3A_960 : i32 to index
        %swap3A_993 = arith.constant 96 : index
        %swap3A_994 = tpu.vector_load %arg10[%swap3A_992, %swap3A_993] {strides = array<i32>} : memref<128x128xf32, #tpu.memory_space<vmem>>, vector<16xf32>,
        tpu.vector_store %arg10[%swap3A_992, %swap3A_993], %gather3A_972 {strides = array<i32>} : memref<128x128xf32, #tpu.memory_space<vmem>>, vector<16xf32>,
        %swap3A_995 = arith.index_cast %add3A_960 : i32 to index
        %swap3A_996 = arith.constant 112 : index
        %swap3A_997 = tpu.vector_load %arg10[%swap3A_995, %swap3A_996] {strides = array<i32>} : memref<128x128xf32, #tpu.memory_space<vmem>>, vector<16xf32>,
        tpu.vector_store %arg10[%swap3A_995, %swap3A_996], %gather3A_973 {strides = array<i32>} : memref<128x128xf32, #tpu.memory_space<vmem>>, vector<16xf32>,
        %mul3A_998 = arith.constant 16 : i32
        %mul3A_999 = arith.muli %add3A_484, %mul3A_998 : i32
        %add3A_1000 = arith.constant 8 : i32
        %add3A_1001 = arith.addi %mul3A_999, %add3A_1000 : i32
        %add3A_1002 = arith.constant 4 : i32
        %add3A_1003 = arith.addi %add3A_1001, %add3A_1002 : i32
        %mul3A_1004 = arith.constant 8 : i32
        %mul3A_1005 = arith.muli %add3A_484, %mul3A_1004 : i32
        %add3A_1006 = arith.constant 4 : i32
        %add3A_1007 = arith.addi %mul3A_1005, %add3A_1006 : i32
        %broadcast_in_dim3A_1008 = vector.broadcast %add3A_1007 : i32 to vector<16xi32>
        %gather3A_1009 = tpu.vector_load_idx %arg9[%add3A_27, %broadcast_in_dim3A_1008] : memref<256x65xf32, #tpu.memory_space<vmem>>[vector<16xi32>, vector<16xi32>], vector<16xf32>,
        %gather3A_1010 = tpu.vector_load_idx %arg9[%add3A_30, %broadcast_in_dim3A_1008] : memref<256x65xf32, #tpu.memory_space<vmem>>[vector<16xi32>, vector<16xi32>], vector<16xf32>,
        %gather3A_1011 = tpu.vector_load_idx %arg9[%add3A_33, %broadcast_in_dim3A_1008] : memref<256x65xf32, #tpu.memory_space<vmem>>[vector<16xi32>, vector<16xi32>], vector<16xf32>,
        %gather3A_1012 = tpu.vector_load_idx %arg9[%add3A_36, %broadcast_in_dim3A_1008] : memref<256x65xf32, #tpu.memory_space<vmem>>[vector<16xi32>, vector<16xi32>], vector<16xf32>,
        %gather3A_1013 = tpu.vector_load_idx %arg9[%add3A_39, %broadcast_in_dim3A_1008] : memref<256x65xf32, #tpu.memory_space<vmem>>[vector<16xi32>, vector<16xi32>], vector<16xf32>,
        %gather3A_1014 = tpu.vector_load_idx %arg9[%add3A_42, %broadcast_in_dim3A_1008] : memref<256x65xf32, #tpu.memory_space<vmem>>[vector<16xi32>, vector<16xi32>], vector<16xf32>,
        %gather3A_1015 = tpu.vector_load_idx %arg9[%add3A_45, %broadcast_in_dim3A_1008] : memref<256x65xf32, #tpu.memory_space<vmem>>[vector<16xi32>, vector<16xi32>], vector<16xf32>,
        %gather3A_1016 = tpu.vector_load_idx %arg9[%add3A_48, %broadcast_in_dim3A_1008] : memref<256x65xf32, #tpu.memory_space<vmem>>[vector<16xi32>, vector<16xi32>], vector<16xf32>,
        %swap3A_1017 = arith.index_cast %add3A_1003 : i32 to index
        %swap3A_1018 = arith.constant 0 : index
        %swap3A_1019 = tpu.vector_load %arg10[%swap3A_1017, %swap3A_1018] {strides = array<i32>} : memref<128x128xf32, #tpu.memory_space<vmem>>, vector<16xf32>,
        tpu.vector_store %arg10[%swap3A_1017, %swap3A_1018], %gather3A_1009 {strides = array<i32>} : memref<128x128xf32, #tpu.memory_space<vmem>>, vector<16xf32>,
        %swap3A_1020 = arith.index_cast %add3A_1003 : i32 to index
        %swap3A_1021 = arith.constant 16 : index
        %swap3A_1022 = tpu.vector_load %arg10[%swap3A_1020, %swap3A_1021] {strides = array<i32>} : memref<128x128xf32, #tpu.memory_space<vmem>>, vector<16xf32>,
        tpu.vector_store %arg10[%swap3A_1020, %swap3A_1021], %gather3A_1010 {strides = array<i32>} : memref<128x128xf32, #tpu.memory_space<vmem>>, vector<16xf32>,
        %swap3A_1023 = arith.index_cast %add3A_1003 : i32 to index
        %swap3A_1024 = arith.constant 32 : index
        %swap3A_1025 = tpu.vector_load %arg10[%swap3A_1023, %swap3A_1024] {strides = array<i32>} : memref<128x128xf32, #tpu.memory_space<vmem>>, vector<16xf32>,
        tpu.vector_store %arg10[%swap3A_1023, %swap3A_1024], %gather3A_1011 {strides = array<i32>} : memref<128x128xf32, #tpu.memory_space<vmem>>, vector<16xf32>,
        %swap3A_1026 = arith.index_cast %add3A_1003 : i32 to index
        %swap3A_1027 = arith.constant 48 : index
        %swap3A_1028 = tpu.vector_load %arg10[%swap3A_1026, %swap3A_1027] {strides = array<i32>} : memref<128x128xf32, #tpu.memory_space<vmem>>, vector<16xf32>,
        tpu.vector_store %arg10[%swap3A_1026, %swap3A_1027], %gather3A_1012 {strides = array<i32>} : memref<128x128xf32, #tpu.memory_space<vmem>>, vector<16xf32>,
        %swap3A_1029 = arith.index_cast %add3A_1003 : i32 to index
        %swap3A_1030 = arith.constant 64 : index
        %swap3A_1031 = tpu.vector_load %arg10[%swap3A_1029, %swap3A_1030] {strides = array<i32>} : memref<128x128xf32, #tpu.memory_space<vmem>>, vector<16xf32>,
        tpu.vector_store %arg10[%swap3A_1029, %swap3A_1030], %gather3A_1013 {strides = array<i32>} : memref<128x128xf32, #tpu.memory_space<vmem>>, vector<16xf32>,
        %swap3A_1032 = arith.index_cast %add3A_1003 : i32 to index
        %swap3A_1033 = arith.constant 80 : index
        %swap3A_1034 = tpu.vector_load %arg10[%swap3A_1032, %swap3A_1033] {strides = array<i32>} : memref<128x128xf32, #tpu.memory_space<vmem>>, vector<16xf32>,
        tpu.vector_store %arg10[%swap3A_1032, %swap3A_1033], %gather3A_1014 {strides = array<i32>} : memref<128x128xf32, #tpu.memory_space<vmem>>, vector<16xf32>,
        %swap3A_1035 = arith.index_cast %add3A_1003 : i32 to index
        %swap3A_1036 = arith.constant 96 : index
        %swap3A_1037 = tpu.vector_load %arg10[%swap3A_1035, %swap3A_1036] {strides = array<i32>} : memref<128x128xf32, #tpu.memory_space<vmem>>, vector<16xf32>,
        tpu.vector_store %arg10[%swap3A_1035, %swap3A_1036], %gather3A_1015 {strides = array<i32>} : memref<128x128xf32, #tpu.memory_space<vmem>>, vector<16xf32>,
        %swap3A_1038 = arith.index_cast %add3A_1003 : i32 to index
        %swap3A_1039 = arith.constant 112 : index
        %swap3A_1040 = tpu.vector_load %arg10[%swap3A_1038, %swap3A_1039] {strides = array<i32>} : memref<128x128xf32, #tpu.memory_space<vmem>>, vector<16xf32>,
        tpu.vector_store %arg10[%swap3A_1038, %swap3A_1039], %gather3A_1016 {strides = array<i32>} : memref<128x128xf32, #tpu.memory_space<vmem>>, vector<16xf32>,
        %mul3A_1041 = arith.constant 16 : i32
        %mul3A_1042 = arith.muli %add3A_484, %mul3A_1041 : i32
        %add3A_1043 = arith.constant 8 : i32
        %add3A_1044 = arith.addi %mul3A_1042, %add3A_1043 : i32
        %add3A_1045 = arith.constant 5 : i32
        %add3A_1046 = arith.addi %add3A_1044, %add3A_1045 : i32
        %mul3A_1047 = arith.constant 8 : i32
        %mul3A_1048 = arith.muli %add3A_484, %mul3A_1047 : i32
        %add3A_1049 = arith.constant 5 : i32
        %add3A_1050 = arith.addi %mul3A_1048, %add3A_1049 : i32
        %broadcast_in_dim3A_1051 = vector.broadcast %add3A_1050 : i32 to vector<16xi32>
        %gather3A_1052 = tpu.vector_load_idx %arg9[%add3A_27, %broadcast_in_dim3A_1051] : memref<256x65xf32, #tpu.memory_space<vmem>>[vector<16xi32>, vector<16xi32>], vector<16xf32>,
        %gather3A_1053 = tpu.vector_load_idx %arg9[%add3A_30, %broadcast_in_dim3A_1051] : memref<256x65xf32, #tpu.memory_space<vmem>>[vector<16xi32>, vector<16xi32>], vector<16xf32>,
        %gather3A_1054 = tpu.vector_load_idx %arg9[%add3A_33, %broadcast_in_dim3A_1051] : memref<256x65xf32, #tpu.memory_space<vmem>>[vector<16xi32>, vector<16xi32>], vector<16xf32>,
        %gather3A_1055 = tpu.vector_load_idx %arg9[%add3A_36, %broadcast_in_dim3A_1051] : memref<256x65xf32, #tpu.memory_space<vmem>>[vector<16xi32>, vector<16xi32>], vector<16xf32>,
        %gather3A_1056 = tpu.vector_load_idx %arg9[%add3A_39, %broadcast_in_dim3A_1051] : memref<256x65xf32, #tpu.memory_space<vmem>>[vector<16xi32>, vector<16xi32>], vector<16xf32>,
        %gather3A_1057 = tpu.vector_load_idx %arg9[%add3A_42, %broadcast_in_dim3A_1051] : memref<256x65xf32, #tpu.memory_space<vmem>>[vector<16xi32>, vector<16xi32>], vector<16xf32>,
        %gather3A_1058 = tpu.vector_load_idx %arg9[%add3A_45, %broadcast_in_dim3A_1051] : memref<256x65xf32, #tpu.memory_space<vmem>>[vector<16xi32>, vector<16xi32>], vector<16xf32>,
        %gather3A_1059 = tpu.vector_load_idx %arg9[%add3A_48, %broadcast_in_dim3A_1051] : memref<256x65xf32, #tpu.memory_space<vmem>>[vector<16xi32>, vector<16xi32>], vector<16xf32>,
        %swap3A_1060 = arith.index_cast %add3A_1046 : i32 to index
        %swap3A_1061 = arith.constant 0 : index
        %swap3A_1062 = tpu.vector_load %arg10[%swap3A_1060, %swap3A_1061] {strides = array<i32>} : memref<128x128xf32, #tpu.memory_space<vmem>>, vector<16xf32>,
        tpu.vector_store %arg10[%swap3A_1060, %swap3A_1061], %gather3A_1052 {strides = array<i32>} : memref<128x128xf32, #tpu.memory_space<vmem>>, vector<16xf32>,
        %swap3A_1063 = arith.index_cast %add3A_1046 : i32 to index
        %swap3A_1064 = arith.constant 16 : index
        %swap3A_1065 = tpu.vector_load %arg10[%swap3A_1063, %swap3A_1064] {strides = array<i32>} : memref<128x128xf32, #tpu.memory_space<vmem>>, vector<16xf32>,
        tpu.vector_store %arg10[%swap3A_1063, %swap3A_1064], %gather3A_1053 {strides = array<i32>} : memref<128x128xf32, #tpu.memory_space<vmem>>, vector<16xf32>,
        %swap3A_1066 = arith.index_cast %add3A_1046 : i32 to index
        %swap3A_1067 = arith.constant 32 : index
        %swap3A_1068 = tpu.vector_load %arg10[%swap3A_1066, %swap3A_1067] {strides = array<i32>} : memref<128x128xf32, #tpu.memory_space<vmem>>, vector<16xf32>,
        tpu.vector_store %arg10[%swap3A_1066, %swap3A_1067], %gather3A_1054 {strides = array<i32>} : memref<128x128xf32, #tpu.memory_space<vmem>>, vector<16xf32>,
        %swap3A_1069 = arith.index_cast %add3A_1046 : i32 to index
        %swap3A_1070 = arith.constant 48 : index
        %swap3A_1071 = tpu.vector_load %arg10[%swap3A_1069, %swap3A_1070] {strides = array<i32>} : memref<128x128xf32, #tpu.memory_space<vmem>>, vector<16xf32>,
        tpu.vector_store %arg10[%swap3A_1069, %swap3A_1070], %gather3A_1055 {strides = array<i32>} : memref<128x128xf32, #tpu.memory_space<vmem>>, vector<16xf32>,
        %swap3A_1072 = arith.index_cast %add3A_1046 : i32 to index
        %swap3A_1073 = arith.constant 64 : index
        %swap3A_1074 = tpu.vector_load %arg10[%swap3A_1072, %swap3A_1073] {strides = array<i32>} : memref<128x128xf32, #tpu.memory_space<vmem>>, vector<16xf32>,
        tpu.vector_store %arg10[%swap3A_1072, %swap3A_1073], %gather3A_1056 {strides = array<i32>} : memref<128x128xf32, #tpu.memory_space<vmem>>, vector<16xf32>,
        %swap3A_1075 = arith.index_cast %add3A_1046 : i32 to index
        %swap3A_1076 = arith.constant 80 : index
        %swap3A_1077 = tpu.vector_load %arg10[%swap3A_1075, %swap3A_1076] {strides = array<i32>} : memref<128x128xf32, #tpu.memory_space<vmem>>, vector<16xf32>,
        tpu.vector_store %arg10[%swap3A_1075, %swap3A_1076], %gather3A_1057 {strides = array<i32>} : memref<128x128xf32, #tpu.memory_space<vmem>>, vector<16xf32>,
        %swap3A_1078 = arith.index_cast %add3A_1046 : i32 to index
        %swap3A_1079 = arith.constant 96 : index
        %swap3A_1080 = tpu.vector_load %arg10[%swap3A_1078, %swap3A_1079] {strides = array<i32>} : memref<128x128xf32, #tpu.memory_space<vmem>>, vector<16xf32>,
        tpu.vector_store %arg10[%swap3A_1078, %swap3A_1079], %gather3A_1058 {strides = array<i32>} : memref<128x128xf32, #tpu.memory_space<vmem>>, vector<16xf32>,
        %swap3A_1081 = arith.index_cast %add3A_1046 : i32 to index
        %swap3A_1082 = arith.constant 112 : index
        %swap3A_1083 = tpu.vector_load %arg10[%swap3A_1081, %swap3A_1082] {strides = array<i32>} : memref<128x128xf32, #tpu.memory_space<vmem>>, vector<16xf32>,
        tpu.vector_store %arg10[%swap3A_1081, %swap3A_1082], %gather3A_1059 {strides = array<i32>} : memref<128x128xf32, #tpu.memory_space<vmem>>, vector<16xf32>,
        %mul3A_1084 = arith.constant 16 : i32
        %mul3A_1085 = arith.muli %add3A_484, %mul3A_1084 : i32
        %add3A_1086 = arith.constant 8 : i32
        %add3A_1087 = arith.addi %mul3A_1085, %add3A_1086 : i32
        %add3A_1088 = arith.constant 6 : i32
        %add3A_1089 = arith.addi %add3A_1087, %add3A_1088 : i32
        %mul3A_1090 = arith.constant 8 : i32
        %mul3A_1091 = arith.muli %add3A_484, %mul3A_1090 : i32
        %add3A_1092 = arith.constant 6 : i32
        %add3A_1093 = arith.addi %mul3A_1091, %add3A_1092 : i32
        %broadcast_in_dim3A_1094 = vector.broadcast %add3A_1093 : i32 to vector<16xi32>
        %gather3A_1095 = tpu.vector_load_idx %arg9[%add3A_27, %broadcast_in_dim3A_1094] : memref<256x65xf32, #tpu.memory_space<vmem>>[vector<16xi32>, vector<16xi32>], vector<16xf32>,
        %gather3A_1096 = tpu.vector_load_idx %arg9[%add3A_30, %broadcast_in_dim3A_1094] : memref<256x65xf32, #tpu.memory_space<vmem>>[vector<16xi32>, vector<16xi32>], vector<16xf32>,
        %gather3A_1097 = tpu.vector_load_idx %arg9[%add3A_33, %broadcast_in_dim3A_1094] : memref<256x65xf32, #tpu.memory_space<vmem>>[vector<16xi32>, vector<16xi32>], vector<16xf32>,
        %gather3A_1098 = tpu.vector_load_idx %arg9[%add3A_36, %broadcast_in_dim3A_1094] : memref<256x65xf32, #tpu.memory_space<vmem>>[vector<16xi32>, vector<16xi32>], vector<16xf32>,
        %gather3A_1099 = tpu.vector_load_idx %arg9[%add3A_39, %broadcast_in_dim3A_1094] : memref<256x65xf32, #tpu.memory_space<vmem>>[vector<16xi32>, vector<16xi32>], vector<16xf32>,
        %gather3A_1100 = tpu.vector_load_idx %arg9[%add3A_42, %broadcast_in_dim3A_1094] : memref<256x65xf32, #tpu.memory_space<vmem>>[vector<16xi32>, vector<16xi32>], vector<16xf32>,
        %gather3A_1101 = tpu.vector_load_idx %arg9[%add3A_45, %broadcast_in_dim3A_1094] : memref<256x65xf32, #tpu.memory_space<vmem>>[vector<16xi32>, vector<16xi32>], vector<16xf32>,
        %gather3A_1102 = tpu.vector_load_idx %arg9[%add3A_48, %broadcast_in_dim3A_1094] : memref<256x65xf32, #tpu.memory_space<vmem>>[vector<16xi32>, vector<16xi32>], vector<16xf32>,
        %swap3A_1103 = arith.index_cast %add3A_1089 : i32 to index
        %swap3A_1104 = arith.constant 0 : index
        %swap3A_1105 = tpu.vector_load %arg10[%swap3A_1103, %swap3A_1104] {strides = array<i32>} : memref<128x128xf32, #tpu.memory_space<vmem>>, vector<16xf32>,
        tpu.vector_store %arg10[%swap3A_1103, %swap3A_1104], %gather3A_1095 {strides = array<i32>} : memref<128x128xf32, #tpu.memory_space<vmem>>, vector<16xf32>,
        %swap3A_1106 = arith.index_cast %add3A_1089 : i32 to index
        %swap3A_1107 = arith.constant 16 : index
        %swap3A_1108 = tpu.vector_load %arg10[%swap3A_1106, %swap3A_1107] {strides = array<i32>} : memref<128x128xf32, #tpu.memory_space<vmem>>, vector<16xf32>,
        tpu.vector_store %arg10[%swap3A_1106, %swap3A_1107], %gather3A_1096 {strides = array<i32>} : memref<128x128xf32, #tpu.memory_space<vmem>>, vector<16xf32>,
        %swap3A_1109 = arith.index_cast %add3A_1089 : i32 to index
        %swap3A_1110 = arith.constant 32 : index
        %swap3A_1111 = tpu.vector_load %arg10[%swap3A_1109, %swap3A_1110] {strides = array<i32>} : memref<128x128xf32, #tpu.memory_space<vmem>>, vector<16xf32>,
        tpu.vector_store %arg10[%swap3A_1109, %swap3A_1110], %gather3A_1097 {strides = array<i32>} : memref<128x128xf32, #tpu.memory_space<vmem>>, vector<16xf32>,
        %swap3A_1112 = arith.index_cast %add3A_1089 : i32 to index
        %swap3A_1113 = arith.constant 48 : index
        %swap3A_1114 = tpu.vector_load %arg10[%swap3A_1112, %swap3A_1113] {strides = array<i32>} : memref<128x128xf32, #tpu.memory_space<vmem>>, vector<16xf32>,
        tpu.vector_store %arg10[%swap3A_1112, %swap3A_1113], %gather3A_1098 {strides = array<i32>} : memref<128x128xf32, #tpu.memory_space<vmem>>, vector<16xf32>,
        %swap3A_1115 = arith.index_cast %add3A_1089 : i32 to index
        %swap3A_1116 = arith.constant 64 : index
        %swap3A_1117 = tpu.vector_load %arg10[%swap3A_1115, %swap3A_1116] {strides = array<i32>} : memref<128x128xf32, #tpu.memory_space<vmem>>, vector<16xf32>,
        tpu.vector_store %arg10[%swap3A_1115, %swap3A_1116], %gather3A_1099 {strides = array<i32>} : memref<128x128xf32, #tpu.memory_space<vmem>>, vector<16xf32>,
        %swap3A_1118 = arith.index_cast %add3A_1089 : i32 to index
        %swap3A_1119 = arith.constant 80 : index
        %swap3A_1120 = tpu.vector_load %arg10[%swap3A_1118, %swap3A_1119] {strides = array<i32>} : memref<128x128xf32, #tpu.memory_space<vmem>>, vector<16xf32>,
        tpu.vector_store %arg10[%swap3A_1118, %swap3A_1119], %gather3A_1100 {strides = array<i32>} : memref<128x128xf32, #tpu.memory_space<vmem>>, vector<16xf32>,
        %swap3A_1121 = arith.index_cast %add3A_1089 : i32 to index
        %swap3A_1122 = arith.constant 96 : index
        %swap3A_1123 = tpu.vector_load %arg10[%swap3A_1121, %swap3A_1122] {strides = array<i32>} : memref<128x128xf32, #tpu.memory_space<vmem>>, vector<16xf32>,
        tpu.vector_store %arg10[%swap3A_1121, %swap3A_1122], %gather3A_1101 {strides = array<i32>} : memref<128x128xf32, #tpu.memory_space<vmem>>, vector<16xf32>,
        %swap3A_1124 = arith.index_cast %add3A_1089 : i32 to index
        %swap3A_1125 = arith.constant 112 : index
        %swap3A_1126 = tpu.vector_load %arg10[%swap3A_1124, %swap3A_1125] {strides = array<i32>} : memref<128x128xf32, #tpu.memory_space<vmem>>, vector<16xf32>,
        tpu.vector_store %arg10[%swap3A_1124, %swap3A_1125], %gather3A_1102 {strides = array<i32>} : memref<128x128xf32, #tpu.memory_space<vmem>>, vector<16xf32>,
        %mul3A_1127 = arith.constant 16 : i32
        %mul3A_1128 = arith.muli %add3A_484, %mul3A_1127 : i32
        %add3A_1129 = arith.constant 8 : i32
        %add3A_1130 = arith.addi %mul3A_1128, %add3A_1129 : i32
        %add3A_1131 = arith.constant 7 : i32
        %add3A_1132 = arith.addi %add3A_1130, %add3A_1131 : i32
        %mul3A_1133 = arith.constant 8 : i32
        %mul3A_1134 = arith.muli %add3A_484, %mul3A_1133 : i32
        %add3A_1135 = arith.constant 7 : i32
        %add3A_1136 = arith.addi %mul3A_1134, %add3A_1135 : i32
        %broadcast_in_dim3A_1137 = vector.broadcast %add3A_1136 : i32 to vector<16xi32>
        %gather3A_1138 = tpu.vector_load_idx %arg9[%add3A_27, %broadcast_in_dim3A_1137] : memref<256x65xf32, #tpu.memory_space<vmem>>[vector<16xi32>, vector<16xi32>], vector<16xf32>,
        %gather3A_1139 = tpu.vector_load_idx %arg9[%add3A_30, %broadcast_in_dim3A_1137] : memref<256x65xf32, #tpu.memory_space<vmem>>[vector<16xi32>, vector<16xi32>], vector<16xf32>,
        %gather3A_1140 = tpu.vector_load_idx %arg9[%add3A_33, %broadcast_in_dim3A_1137] : memref<256x65xf32, #tpu.memory_space<vmem>>[vector<16xi32>, vector<16xi32>], vector<16xf32>,
        %gather3A_1141 = tpu.vector_load_idx %arg9[%add3A_36, %broadcast_in_dim3A_1137] : memref<256x65xf32, #tpu.memory_space<vmem>>[vector<16xi32>, vector<16xi32>], vector<16xf32>,
        %gather3A_1142 = tpu.vector_load_idx %arg9[%add3A_39, %broadcast_in_dim3A_1137] : memref<256x65xf32, #tpu.memory_space<vmem>>[vector<16xi32>, vector<16xi32>], vector<16xf32>,
        %gather3A_1143 = tpu.vector_load_idx %arg9[%add3A_42, %broadcast_in_dim3A_1137] : memref<256x65xf32, #tpu.memory_space<vmem>>[vector<16xi32>, vector<16xi32>], vector<16xf32>,
        %gather3A_1144 = tpu.vector_load_idx %arg9[%add3A_45, %broadcast_in_dim3A_1137] : memref<256x65xf32, #tpu.memory_space<vmem>>[vector<16xi32>, vector<16xi32>], vector<16xf32>,
        %gather3A_1145 = tpu.vector_load_idx %arg9[%add3A_48, %broadcast_in_dim3A_1137] : memref<256x65xf32, #tpu.memory_space<vmem>>[vector<16xi32>, vector<16xi32>], vector<16xf32>,
        %swap3A_1146 = arith.index_cast %add3A_1132 : i32 to index
        %swap3A_1147 = arith.constant 0 : index
        %swap3A_1148 = tpu.vector_load %arg10[%swap3A_1146, %swap3A_1147] {strides = array<i32>} : memref<128x128xf32, #tpu.memory_space<vmem>>, vector<16xf32>,
        tpu.vector_store %arg10[%swap3A_1146, %swap3A_1147], %gather3A_1138 {strides = array<i32>} : memref<128x128xf32, #tpu.memory_space<vmem>>, vector<16xf32>,
        %swap3A_1149 = arith.index_cast %add3A_1132 : i32 to index
        %swap3A_1150 = arith.constant 16 : index
        %swap3A_1151 = tpu.vector_load %arg10[%swap3A_1149, %swap3A_1150] {strides = array<i32>} : memref<128x128xf32, #tpu.memory_space<vmem>>, vector<16xf32>,
        tpu.vector_store %arg10[%swap3A_1149, %swap3A_1150], %gather3A_1139 {strides = array<i32>} : memref<128x128xf32, #tpu.memory_space<vmem>>, vector<16xf32>,
        %swap3A_1152 = arith.index_cast %add3A_1132 : i32 to index
        %swap3A_1153 = arith.constant 32 : index
        %swap3A_1154 = tpu.vector_load %arg10[%swap3A_1152, %swap3A_1153] {strides = array<i32>} : memref<128x128xf32, #tpu.memory_space<vmem>>, vector<16xf32>,
        tpu.vector_store %arg10[%swap3A_1152, %swap3A_1153], %gather3A_1140 {strides = array<i32>} : memref<128x128xf32, #tpu.memory_space<vmem>>, vector<16xf32>,
        %swap3A_1155 = arith.index_cast %add3A_1132 : i32 to index
        %swap3A_1156 = arith.constant 48 : index
        %swap3A_1157 = tpu.vector_load %arg10[%swap3A_1155, %swap3A_1156] {strides = array<i32>} : memref<128x128xf32, #tpu.memory_space<vmem>>, vector<16xf32>,
        tpu.vector_store %arg10[%swap3A_1155, %swap3A_1156], %gather3A_1141 {strides = array<i32>} : memref<128x128xf32, #tpu.memory_space<vmem>>, vector<16xf32>,
        %swap3A_1158 = arith.index_cast %add3A_1132 : i32 to index
        %swap3A_1159 = arith.constant 64 : index
        %swap3A_1160 = tpu.vector_load %arg10[%swap3A_1158, %swap3A_1159] {strides = array<i32>} : memref<128x128xf32, #tpu.memory_space<vmem>>, vector<16xf32>,
        tpu.vector_store %arg10[%swap3A_1158, %swap3A_1159], %gather3A_1142 {strides = array<i32>} : memref<128x128xf32, #tpu.memory_space<vmem>>, vector<16xf32>,
        %swap3A_1161 = arith.index_cast %add3A_1132 : i32 to index
        %swap3A_1162 = arith.constant 80 : index
        %swap3A_1163 = tpu.vector_load %arg10[%swap3A_1161, %swap3A_1162] {strides = array<i32>} : memref<128x128xf32, #tpu.memory_space<vmem>>, vector<16xf32>,
        tpu.vector_store %arg10[%swap3A_1161, %swap3A_1162], %gather3A_1143 {strides = array<i32>} : memref<128x128xf32, #tpu.memory_space<vmem>>, vector<16xf32>,
        %swap3A_1164 = arith.index_cast %add3A_1132 : i32 to index
        %swap3A_1165 = arith.constant 96 : index
        %swap3A_1166 = tpu.vector_load %arg10[%swap3A_1164, %swap3A_1165] {strides = array<i32>} : memref<128x128xf32, #tpu.memory_space<vmem>>, vector<16xf32>,
        tpu.vector_store %arg10[%swap3A_1164, %swap3A_1165], %gather3A_1144 {strides = array<i32>} : memref<128x128xf32, #tpu.memory_space<vmem>>, vector<16xf32>,
        %swap3A_1167 = arith.index_cast %add3A_1132 : i32 to index
        %swap3A_1168 = arith.constant 112 : index
        %swap3A_1169 = tpu.vector_load %arg10[%swap3A_1167, %swap3A_1168] {strides = array<i32>} : memref<128x128xf32, #tpu.memory_space<vmem>>, vector<16xf32>,
        tpu.vector_store %arg10[%swap3A_1167, %swap3A_1168], %gather3A_1145 {strides = array<i32>} : memref<128x128xf32, #tpu.memory_space<vmem>>, vector<16xf32>,
        %mul3A_1170 = arith.constant 2 : i32
        %mul3A_1171 = arith.muli %add3A_484, %mul3A_1170 : i32
        %mul3A_1172 = arith.constant 8 : i32
        %mul3A_1173 = arith.muli %mul3A_1171, %mul3A_1172 : i32
        %jit3A = arith.constant 2 : i32
        %div3A = arith.divsi %add3A_397, %jit3A : i32
        %sign3A = arith.constant 0 : i32
        %sign3A_1174 = arith.cmpi sgt, %add3A_397, %sign3A : i32
        %sign3A_1175 = arith.extui %sign3A_1174 : i1 to i32
        %sign3A_1176 = arith.constant 0 : i32
        %sign3A_1177 = arith.cmpi slt, %add3A_397, %sign3A_1176 : i32
        %sign3A_1178 = arith.extui %sign3A_1177 : i1 to i32
        %sign3A_1179 = arith.subi %sign3A_1175, %sign3A_1178 : i32
        %sign3A_1180 = arith.constant 0 : i32
        %sign3A_1181 = arith.cmpi sgt, %jit3A, %sign3A_1180 : i32
        %sign3A_1182 = arith.extui %sign3A_1181 : i1 to i32
        %sign3A_1183 = arith.constant 0 : i32
        %sign3A_1184 = arith.cmpi slt, %jit3A, %sign3A_1183 : i32
        %sign3A_1185 = arith.extui %sign3A_1184 : i1 to i32
        %sign3A_1186 = arith.subi %sign3A_1182, %sign3A_1185 : i32
        %ne3A = arith.cmpi ne, %sign3A_1179, %sign3A_1186 : i32
        %rem3A = arith.remsi %add3A_397, %jit3A : i32
        %ne3A_1187 = arith.constant 0 : i32
        %ne3A_1188 = arith.cmpi ne, %rem3A, %ne3A_1187 : i32
        %and3A = arith.andi %ne3A, %ne3A_1188 : i1
        %sub3A = arith.constant 1 : i32
        %sub3A_1189 = arith.subi %div3A, %sub3A : i32
        %select_n3A = arith.select %and3A, %sub3A_1189, %div3A : i32
        %jit3A_1190 = arith.constant 2 : i32
        %eq3A = arith.constant 0 : i32
        %eq3A_1191 = arith.cmpi eq, %jit3A_1190, %eq3A : i32
        %jit3A_1192 = arith.constant 1 : i32
        %select_n3A_1193 = arith.select %eq3A_1191, %jit3A_1192, %jit3A_1190 : i32
        %rem3A_1194 = arith.remsi %add3A_397, %select_n3A_1193 : i32
        %ne3A_1195 = arith.constant 0 : i32
        %ne3A_1196 = arith.cmpi ne, %rem3A_1194, %ne3A_1195 : i32
        %lt3A_1197 = arith.constant 0 : i32
        %lt3A_1198 = arith.cmpi slt, %rem3A_1194, %lt3A_1197 : i32
        %lt3A_1199 = arith.constant 0 : i32
        %lt3A_1200 = arith.cmpi slt, %select_n3A_1193, %lt3A_1199 : i32
        %ne3A_1201 = arith.xori %lt3A_1198, %lt3A_1200 : i1
        %and3A_1202 = arith.andi %ne3A_1201, %ne3A_1196 : i1
        %add3A_1203 = arith.addi %rem3A_1194, %select_n3A_1193 : i32
        %select_n3A_1204 = arith.select %and3A_1202, %add3A_1203, %rem3A_1194 : i32
        %mul3A_1205 = arith.constant 8 : i32
        %mul3A_1206 = arith.muli %select_n3A, %mul3A_1205 : i32
        %add3A_1207 = arith.addi %mul3A_1206, %add3A_484 : i32
        %mul3A_1208 = arith.constant 128 : i32
        %mul3A_1209 = arith.muli %add3A_1207, %mul3A_1208 : i32
        %mul3A_1210 = arith.constant 4 : i32
        %mul3A_1211 = arith.muli %mul3A_1210, %add3A : i32
        %add3A_1212 = arith.addi %mul3A_1209, %mul3A_1211 : i32
        %mul3A_1213 = arith.constant 2 : i32
        %mul3A_1214 = arith.muli %mul3A_1213, %select_n3A_1204 : i32
        %add3A_1215 = arith.addi %add3A_1212, %mul3A_1214 : i32
        %mul3A_1216 = arith.constant 8 : i32
        %mul3A_1217 = arith.muli %add3A_1215, %mul3A_1216 : i32
        %dma_start3A_1218 = arith.constant 0 : i32
        %dma_start3A_1219 = tpu.memref_slice %arg10[%mul3A_1173, %dma_start3A_1218] : memref<128x128xf32, #tpu.memory_space<vmem>> -> memref<16x128xf32, #tpu.memory_space<vmem>>
        %dma_start3A_1220 = arith.constant 0 : i32
        %dma_start3A_1221 = tpu.memref_slice %arg4[%mul3A_1217, %dma_start3A_1220] : memref<409600x128xf32, #tpu.memory_space<hbm>> -> memref<16x128xf32, #tpu.memory_space<hbm>>
        %dma_start3A_1222 = arith.constant 0 : i32
        %dma_start3A_1223 = tpu.memref_slice %arg4[%mul3A_1217, %dma_start3A_1222] : memref<409600x128xf32, #tpu.memory_space<hbm>> -> memref<16x128xf32, #tpu.memory_space<hbm>>
        %dma_start3A_1224 = arith.constant 0 : i32
        %dma_start3A_1225 = tpu.memref_slice %arg10[%mul3A_1173, %dma_start3A_1224] : memref<128x128xf32, #tpu.memory_space<vmem>> -> memref<16x128xf32, #tpu.memory_space<vmem>>
        tpu.enqueue_dma source(%dma_start3A_1225 : memref<16x128xf32, #tpu.memory_space<vmem>>) target(%dma_start3A_1223 : memref<16x128xf32, #tpu.memory_space<hbm>>) target_semaphore(%arg14 : memref<!tpu.dma_semaphore, #tpu.memory_space<semaphore_mem>>)
      }
      %scan3A_429 = arith.constant 8 : i32
      %add3A_430 = arith.constant 2 : i32
      %add3A_431 = arith.addi %add3A_397, %add3A_430 : i32
      %lt3A = arith.constant 100 : i32
      %lt3A_432 = arith.cmpi slt, %add3A_431, %lt3A : i32
      %convert_element_type3A_433 = arith.extui %lt3A_432 : i1 to i32
      %cond3A_434 = arith.constant 0 : i32
      %cond3A_435 = arith.cmpi ne, %convert_element_type3A_433, %cond3A_434 : i32
      scf.if %cond3A_435 {
        %add3A_480 = arith.constant 2 : i32
        %add3A_481 = arith.addi %add3A_397, %add3A_480 : i32
        %jit3A = arith.constant 2 : i32
        %div3A = arith.divsi %add3A_481, %jit3A : i32
        %sign3A = arith.constant 0 : i32
        %sign3A_482 = arith.cmpi sgt, %add3A_481, %sign3A : i32
        %sign3A_483 = arith.extui %sign3A_482 : i1 to i32
        %sign3A_484 = arith.constant 0 : i32
        %sign3A_485 = arith.cmpi slt, %add3A_481, %sign3A_484 : i32
        %sign3A_486 = arith.extui %sign3A_485 : i1 to i32
        %sign3A_487 = arith.subi %sign3A_483, %sign3A_486 : i32
        %sign3A_488 = arith.constant 0 : i32
        %sign3A_489 = arith.cmpi sgt, %jit3A, %sign3A_488 : i32
        %sign3A_490 = arith.extui %sign3A_489 : i1 to i32
        %sign3A_491 = arith.constant 0 : i32
        %sign3A_492 = arith.cmpi slt, %jit3A, %sign3A_491 : i32
        %sign3A_493 = arith.extui %sign3A_492 : i1 to i32
        %sign3A_494 = arith.subi %sign3A_490, %sign3A_493 : i32
        %ne3A = arith.cmpi ne, %sign3A_487, %sign3A_494 : i32
        %rem3A = arith.remsi %add3A_481, %jit3A : i32
        %ne3A_495 = arith.constant 0 : i32
        %ne3A_496 = arith.cmpi ne, %rem3A, %ne3A_495 : i32
        %and3A = arith.andi %ne3A, %ne3A_496 : i1
        %sub3A = arith.constant 1 : i32
        %sub3A_497 = arith.subi %div3A, %sub3A : i32
        %select_n3A = arith.select %and3A, %sub3A_497, %div3A : i32
        %jit3A_498 = arith.constant 2 : i32
        %eq3A = arith.constant 0 : i32
        %eq3A_499 = arith.cmpi eq, %jit3A_498, %eq3A : i32
        %jit3A_500 = arith.constant 1 : i32
        %select_n3A_501 = arith.select %eq3A_499, %jit3A_500, %jit3A_498 : i32
        %rem3A_502 = arith.remsi %add3A_481, %select_n3A_501 : i32
        %ne3A_503 = arith.constant 0 : i32
        %ne3A_504 = arith.cmpi ne, %rem3A_502, %ne3A_503 : i32
        %lt3A_505 = arith.constant 0 : i32
        %lt3A_506 = arith.cmpi slt, %rem3A_502, %lt3A_505 : i32
        %lt3A_507 = arith.constant 0 : i32
        %lt3A_508 = arith.cmpi slt, %select_n3A_501, %lt3A_507 : i32
        %ne3A_509 = arith.xori %lt3A_506, %lt3A_508 : i1
        %and3A_510 = arith.andi %ne3A_509, %ne3A_504 : i1
        %add3A_511 = arith.addi %rem3A_502, %select_n3A_501 : i32
        %select_n3A_512 = arith.select %and3A_510, %add3A_511, %rem3A_502 : i32
        %mul3A_513 = arith.constant 128 : i32
        %mul3A_514 = arith.muli %select_n3A, %mul3A_513 : i32
        %mul3A_515 = arith.constant 4 : i32
        %mul3A_516 = arith.muli %mul3A_515, %add3A : i32
        %add3A_517 = arith.addi %mul3A_514, %mul3A_516 : i32
        %mul3A_518 = arith.constant 2 : i32
        %mul3A_519 = arith.muli %mul3A_518, %select_n3A_512 : i32
        %add3A_520 = arith.addi %add3A_517, %mul3A_519 : i32
        "tpu.region"() ({
          %run_scoped3A = tpu.sem_alloc : memref<!tpu.dma_semaphore, #tpu.memory_space<semaphore_mem>>
          %dma_start3A_543 = arith.constant 0 : i32
          %dma_start3A_544 = tpu.memref_slice %arg2[%add3A_520, %dma_start3A_543] : memref<6400x128xi32, #tpu.memory_space<hbm>> -> memref<2x128xi32, #tpu.memory_space<hbm>>
          %dma_start3A_545 = arith.constant 0 : i32
          %dma_start3A_546 = tpu.memref_slice %arg2[%add3A_520, %dma_start3A_545] : memref<6400x128xi32, #tpu.memory_space<hbm>> -> memref<2x128xi32, #tpu.memory_space<hbm>>
          tpu.enqueue_dma source(%dma_start3A_546 : memref<2x128xi32, #tpu.memory_space<hbm>>) target(%arg5 : memref<2x128xi32, #tpu.memory_space<vmem>>) target_semaphore(%run_scoped3A : memref<!tpu.dma_semaphore, #tpu.memory_space<semaphore_mem>>)
          %dma_wait3A_547 = arith.constant 0 : i32
          %dma_wait3A_548 = tpu.memref_slice %arg2[%add3A_520, %dma_wait3A_547] : memref<6400x128xi32, #tpu.memory_space<hbm>> -> memref<2x128xi32, #tpu.memory_space<hbm>>
          %dma_wait3A_549 = arith.constant 0 : i32
          %dma_wait3A_550 = tpu.memref_slice %arg2[%add3A_520, %dma_wait3A_549] : memref<6400x128xi32, #tpu.memory_space<hbm>> -> memref<2x128xi32, #tpu.memory_space<hbm>>
          tpu.wait_dma2 semaphore(%run_scoped3A : memref<!tpu.dma_semaphore, #tpu.memory_space<semaphore_mem>>) src(%dma_wait3A_550 : memref<2x128xi32, #tpu.memory_space<hbm>>) dst(%arg5 : memref<2x128xi32, #tpu.memory_space<vmem>>)
          tpu.yield
        }) : () -> ()
        %add3A_521 = arith.constant 2 : i32
        %add3A_522 = arith.addi %add3A_397, %add3A_521 : i32
        %dma_start3A_523 = arith.constant 0 : i32
        %dma_start3A_524 = arith.constant 0 : i32
        %dma_start3A_525 = arith.constant 0 : i32
        %dma_start3A_526 = tpu.memref_slice %arg7[%dma_start3A_524, %dma_start3A_525] : memref<256x64xf32, #tpu.memory_space<vmem>> -> memref<128x64xf32, #tpu.memory_space<vmem>>
        %dma_start3A_527 = arith.constant 0 : i32
        %dma_start3A_528 = tpu.memref_slice %arg5[%dma_start3A_523, %dma_start3A_527] : memref<2x128xi32, #tpu.memory_space<vmem>> -> memref<1x128xi32, #tpu.memory_space<vmem>>
        %dma_start3A_529 = tpu.memref_squeeze %dma_start3A_528 : memref<1x128xi32, #tpu.memory_space<vmem>> -> memref<128xi32, #tpu.memory_space<vmem>>
        %dma_start3A_530 = arith.constant 0 : i32
        %dma_start3A_531 = arith.constant 0 : i32
        %dma_start3A_532 = tpu.memref_slice %arg3[%dma_start3A_530, %dma_start3A_531] : memref<1000000x64xf32, #tpu.memory_space<hbm>> -> memref<1000000x64xf32, #tpu.memory_space<hbm>>
        tpu.enqueue_indirect_dma source(%dma_start3A_532 : memref<1000000x64xf32, #tpu.memory_space<hbm>>) target(%dma_start3A_526 : memref<128x64xf32, #tpu.memory_space<vmem>>) offsets(%dma_start3A_529 : memref<128xi32, #tpu.memory_space<vmem>>) semaphore(%arg12 : memref<!tpu.dma_semaphore, #tpu.memory_space<semaphore_mem>>)
        %dma_start3A_533 = arith.constant 1 : i32
        %dma_start3A_534 = arith.constant 128 : i32
        %dma_start3A_535 = arith.constant 0 : i32
        %dma_start3A_536 = tpu.memref_slice %arg7[%dma_start3A_534, %dma_start3A_535] : memref<256x64xf32, #tpu.memory_space<vmem>> -> memref<128x64xf32, #tpu.memory_space<vmem>>
        %dma_start3A_537 = arith.constant 0 : i32
        %dma_start3A_538 = tpu.memref_slice %arg5[%dma_start3A_533, %dma_start3A_537] : memref<2x128xi32, #tpu.memory_space<vmem>> -> memref<1x128xi32, #tpu.memory_space<vmem>>
        %dma_start3A_539 = tpu.memref_squeeze %dma_start3A_538 : memref<1x128xi32, #tpu.memory_space<vmem>> -> memref<128xi32, #tpu.memory_space<vmem>>
        %dma_start3A_540 = arith.constant 0 : i32
        %dma_start3A_541 = arith.constant 0 : i32
        %dma_start3A_542 = tpu.memref_slice %arg3[%dma_start3A_540, %dma_start3A_541] : memref<1000000x64xf32, #tpu.memory_space<hbm>> -> memref<1000000x64xf32, #tpu.memory_space<hbm>>
        tpu.enqueue_indirect_dma source(%dma_start3A_542 : memref<1000000x64xf32, #tpu.memory_space<hbm>>) target(%dma_start3A_536 : memref<128x64xf32, #tpu.memory_space<vmem>>) offsets(%dma_start3A_539 : memref<128xi32, #tpu.memory_space<vmem>>) semaphore(%arg12 : memref<!tpu.dma_semaphore, #tpu.memory_space<semaphore_mem>>)
      } else {
      }
      %add3A_436 = arith.constant 1 : i32
      %add3A_437 = arith.addi %add3A_395, %add3A_436 : i32
      %dma_wait3A_438 = arith.constant 0 : i32
      %dma_wait3A_439 = arith.constant 0 : i32
      %dma_wait3A_440 = arith.constant 0 : i32
      %dma_wait3A_441 = tpu.memref_slice %arg8[%dma_wait3A_439, %dma_wait3A_440] : memref<256x64xf32, #tpu.memory_space<vmem>> -> memref<128x64xf32, #tpu.memory_space<vmem>>
      %dma_wait3A_442 = arith.constant 0 : i32
      %dma_wait3A_443 = tpu.memref_slice %arg6[%dma_wait3A_438, %dma_wait3A_442] : memref<2x128xi32, #tpu.memory_space<vmem>> -> memref<1x128xi32, #tpu.memory_space<vmem>>
      %dma_wait3A_444 = tpu.memref_squeeze %dma_wait3A_443 : memref<1x128xi32, #tpu.memory_space<vmem>> -> memref<128xi32, #tpu.memory_space<vmem>>
      %dma_wait3A_445 = arith.constant 0 : i32
      %dma_wait3A_446 = arith.constant 0 : i32
      %dma_wait3A_447 = tpu.memref_slice %arg3[%dma_wait3A_445, %dma_wait3A_446] : memref<1000000x64xf32, #tpu.memory_space<hbm>> -> memref<1000000x64xf32, #tpu.memory_space<hbm>>
      tpu.wait_indirect_dma semaphore(%arg13 : memref<!tpu.dma_semaphore, #tpu.memory_space<semaphore_mem>>) src(%dma_wait3A_447 : memref<1000000x64xf32, #tpu.memory_space<hbm>>) dst(%dma_wait3A_441 : memref<128x64xf32, #tpu.memory_space<vmem>>)
      %dma_wait3A_448 = arith.constant 1 : i32
      %dma_wait3A_449 = arith.constant 128 : i32
      %dma_wait3A_450 = arith.constant 0 : i32
      %dma_wait3A_451 = tpu.memref_slice %arg8[%dma_wait3A_449, %dma_wait3A_450] : memref<256x64xf32, #tpu.memory_space<vmem>> -> memref<128x64xf32, #tpu.memory_space<vmem>>
      %dma_wait3A_452 = arith.constant 0 : i32
      %dma_wait3A_453 = tpu.memref_slice %arg6[%dma_wait3A_448, %dma_wait3A_452] : memref<2x128xi32, #tpu.memory_space<vmem>> -> memref<1x128xi32, #tpu.memory_space<vmem>>
      %dma_wait3A_454 = tpu.memref_squeeze %dma_wait3A_453 : memref<1x128xi32, #tpu.memory_space<vmem>> -> memref<128xi32, #tpu.memory_space<vmem>>
      %dma_wait3A_455 = arith.constant 0 : i32
      %dma_wait3A_456 = arith.constant 0 : i32
      %dma_wait3A_457 = tpu.memref_slice %arg3[%dma_wait3A_455, %dma_wait3A_456] : memref<1000000x64xf32, #tpu.memory_space<hbm>> -> memref<1000000x64xf32, #tpu.memory_space<hbm>>
      tpu.wait_indirect_dma semaphore(%arg13 : memref<!tpu.dma_semaphore, #tpu.memory_space<semaphore_mem>>) src(%dma_wait3A_457 : memref<1000000x64xf32, #tpu.memory_space<hbm>>) dst(%dma_wait3A_451 : memref<128x64xf32, #tpu.memory_space<vmem>>)
      %ge3A_458 = arith.constant 2 : i32
      %ge3A_459 = arith.cmpi sge, %add3A_437, %ge3A_458 : i32
      %convert_element_type3A_460 = arith.extui %ge3A_459 : i1 to i32
      %cond3A_461 = arith.constant 0 : i32
      %cond3A_462 = arith.cmpi ne, %convert_element_type3A_460, %cond3A_461 : i32
      scf.if %cond3A_462 {
        %sub3A = arith.constant 2 : i32
        %sub3A_480 = arith.subi %add3A_437, %sub3A : i32
        %jit3A = arith.constant 2 : i32
        %div3A = arith.divsi %sub3A_480, %jit3A : i32
        %sign3A = arith.constant 0 : i32
        %sign3A_481 = arith.cmpi sgt, %sub3A_480, %sign3A : i32
        %sign3A_482 = arith.extui %sign3A_481 : i1 to i32
        %sign3A_483 = arith.constant 0 : i32
        %sign3A_484 = arith.cmpi slt, %sub3A_480, %sign3A_483 : i32
        %sign3A_485 = arith.extui %sign3A_484 : i1 to i32
        %sign3A_486 = arith.subi %sign3A_482, %sign3A_485 : i32
        %sign3A_487 = arith.constant 0 : i32
        %sign3A_488 = arith.cmpi sgt, %jit3A, %sign3A_487 : i32
        %sign3A_489 = arith.extui %sign3A_488 : i1 to i32
        %sign3A_490 = arith.constant 0 : i32
        %sign3A_491 = arith.cmpi slt, %jit3A, %sign3A_490 : i32
        %sign3A_492 = arith.extui %sign3A_491 : i1 to i32
        %sign3A_493 = arith.subi %sign3A_489, %sign3A_492 : i32
        %ne3A = arith.cmpi ne, %sign3A_486, %sign3A_493 : i32
        %rem3A = arith.remsi %sub3A_480, %jit3A : i32
        %ne3A_494 = arith.constant 0 : i32
        %ne3A_495 = arith.cmpi ne, %rem3A, %ne3A_494 : i32
        %and3A = arith.andi %ne3A, %ne3A_495 : i1
        %sub3A_496 = arith.constant 1 : i32
        %sub3A_497 = arith.subi %div3A, %sub3A_496 : i32
        %select_n3A = arith.select %and3A, %sub3A_497, %div3A : i32
        %jit3A_498 = arith.constant 2 : i32
        %eq3A = arith.constant 0 : i32
        %eq3A_499 = arith.cmpi eq, %jit3A_498, %eq3A : i32
        %jit3A_500 = arith.constant 1 : i32
        %select_n3A_501 = arith.select %eq3A_499, %jit3A_500, %jit3A_498 : i32
        %rem3A_502 = arith.remsi %sub3A_480, %select_n3A_501 : i32
        %ne3A_503 = arith.constant 0 : i32
        %ne3A_504 = arith.cmpi ne, %rem3A_502, %ne3A_503 : i32
        %lt3A_505 = arith.constant 0 : i32
        %lt3A_506 = arith.cmpi slt, %rem3A_502, %lt3A_505 : i32
        %lt3A_507 = arith.constant 0 : i32
        %lt3A_508 = arith.cmpi slt, %select_n3A_501, %lt3A_507 : i32
        %ne3A_509 = arith.xori %lt3A_506, %lt3A_508 : i1
        %and3A_510 = arith.andi %ne3A_509, %ne3A_504 : i1
        %add3A_511 = arith.addi %rem3A_502, %select_n3A_501 : i32
        %select_n3A_512 = arith.select %and3A_510, %add3A_511, %rem3A_502 : i32
        %mul3A_513 = arith.constant 8 : i32
        %mul3A_514 = arith.muli %select_n3A, %mul3A_513 : i32
        %add3A_515 = arith.constant 0 : i32
        %add3A_516 = arith.addi %mul3A_514, %add3A_515 : i32
        %mul3A_517 = arith.constant 128 : i32
        %mul3A_518 = arith.muli %add3A_516, %mul3A_517 : i32
        %mul3A_519 = arith.constant 4 : i32
        %mul3A_520 = arith.muli %mul3A_519, %add3A : i32
        %add3A_521 = arith.addi %mul3A_518, %mul3A_520 : i32
        %mul3A_522 = arith.constant 2 : i32
        %mul3A_523 = arith.muli %mul3A_522, %select_n3A_512 : i32
        %add3A_524 = arith.addi %add3A_521, %mul3A_523 : i32
        %mul3A_525 = arith.constant 8 : i32
        %mul3A_526 = arith.muli %add3A_524, %mul3A_525 : i32
        %dma_wait3A_527 = arith.constant 0 : i32
        %dma_wait3A_528 = arith.constant 0 : i32
        %dma_wait3A_529 = tpu.memref_slice %arg11[%dma_wait3A_527, %dma_wait3A_528] : memref<128x128xf32, #tpu.memory_space<vmem>> -> memref<16x128xf32, #tpu.memory_space<vmem>>
        %dma_wait3A_530 = arith.constant 0 : i32
        %dma_wait3A_531 = tpu.memref_slice %arg4[%mul3A_526, %dma_wait3A_530] : memref<409600x128xf32, #tpu.memory_space<hbm>> -> memref<16x128xf32, #tpu.memory_space<hbm>>
        %dma_wait3A_532 = arith.constant 0 : i32
        %dma_wait3A_533 = tpu.memref_slice %arg4[%mul3A_526, %dma_wait3A_532] : memref<409600x128xf32, #tpu.memory_space<hbm>> -> memref<16x128xf32, #tpu.memory_space<hbm>>
        %dma_wait3A_534 = arith.constant 0 : i32
        %dma_wait3A_535 = arith.constant 0 : i32
        %dma_wait3A_536 = tpu.memref_slice %arg11[%dma_wait3A_534, %dma_wait3A_535] : memref<128x128xf32, #tpu.memory_space<vmem>> -> memref<16x128xf32, #tpu.memory_space<vmem>>
        tpu.wait_dma2 semaphore(%arg15 : memref<!tpu.dma_semaphore, #tpu.memory_space<semaphore_mem>>) src(%dma_wait3A_536 : memref<16x128xf32, #tpu.memory_space<vmem>>) dst(%dma_wait3A_533 : memref<16x128xf32, #tpu.memory_space<hbm>>)
        %jit3A_537 = arith.constant 2 : i32
        %div3A_538 = arith.divsi %sub3A_480, %jit3A_537 : i32
        %sign3A_539 = arith.constant 0 : i32
        %sign3A_540 = arith.cmpi sgt, %sub3A_480, %sign3A_539 : i32
        %sign3A_541 = arith.extui %sign3A_540 : i1 to i32
        %sign3A_542 = arith.constant 0 : i32
        %sign3A_543 = arith.cmpi slt, %sub3A_480, %sign3A_542 : i32
        %sign3A_544 = arith.extui %sign3A_543 : i1 to i32
        %sign3A_545 = arith.subi %sign3A_541, %sign3A_544 : i32
        %sign3A_546 = arith.constant 0 : i32
        %sign3A_547 = arith.cmpi sgt, %jit3A_537, %sign3A_546 : i32
        %sign3A_548 = arith.extui %sign3A_547 : i1 to i32
        %sign3A_549 = arith.constant 0 : i32
        %sign3A_550 = arith.cmpi slt, %jit3A_537, %sign3A_549 : i32
        %sign3A_551 = arith.extui %sign3A_550 : i1 to i32
        %sign3A_552 = arith.subi %sign3A_548, %sign3A_551 : i32
        %ne3A_553 = arith.cmpi ne, %sign3A_545, %sign3A_552 : i32
        %rem3A_554 = arith.remsi %sub3A_480, %jit3A_537 : i32
        %ne3A_555 = arith.constant 0 : i32
        %ne3A_556 = arith.cmpi ne, %rem3A_554, %ne3A_555 : i32
        %and3A_557 = arith.andi %ne3A_553, %ne3A_556 : i1
        %sub3A_558 = arith.constant 1 : i32
        %sub3A_559 = arith.subi %div3A_538, %sub3A_558 : i32
        %select_n3A_560 = arith.select %and3A_557, %sub3A_559, %div3A_538 : i32
        %jit3A_561 = arith.constant 2 : i32
        %eq3A_562 = arith.constant 0 : i32
        %eq3A_563 = arith.cmpi eq, %jit3A_561, %eq3A_562 : i32
        %jit3A_564 = arith.constant 1 : i32
        %select_n3A_565 = arith.select %eq3A_563, %jit3A_564, %jit3A_561 : i32
        %rem3A_566 = arith.remsi %sub3A_480, %select_n3A_565 : i32
        %ne3A_567 = arith.constant 0 : i32
        %ne3A_568 = arith.cmpi ne, %rem3A_566, %ne3A_567 : i32
        %lt3A_569 = arith.constant 0 : i32
        %lt3A_570 = arith.cmpi slt, %rem3A_566, %lt3A_569 : i32
        %lt3A_571 = arith.constant 0 : i32
        %lt3A_572 = arith.cmpi slt, %select_n3A_565, %lt3A_571 : i32
        %ne3A_573 = arith.xori %lt3A_570, %lt3A_572 : i1
        %and3A_574 = arith.andi %ne3A_573, %ne3A_568 : i1
        %add3A_575 = arith.addi %rem3A_566, %select_n3A_565 : i32
        %select_n3A_576 = arith.select %and3A_574, %add3A_575, %rem3A_566 : i32
        %mul3A_577 = arith.constant 8 : i32
        %mul3A_578 = arith.muli %select_n3A_560, %mul3A_577 : i32
        %add3A_579 = arith.constant 1 : i32
        %add3A_580 = arith.addi %mul3A_578, %add3A_579 : i32
        %mul3A_581 = arith.constant 128 : i32
        %mul3A_582 = arith.muli %add3A_580, %mul3A_581 : i32
        %mul3A_583 = arith.constant 4 : i32
        %mul3A_584 = arith.muli %mul3A_583, %add3A : i32
        %add3A_585 = arith.addi %mul3A_582, %mul3A_584 : i32
        %mul3A_586 = arith.constant 2 : i32
        %mul3A_587 = arith.muli %mul3A_586, %select_n3A_576 : i32
        %add3A_588 = arith.addi %add3A_585, %mul3A_587 : i32
        %mul3A_589 = arith.constant 8 : i32
        %mul3A_590 = arith.muli %add3A_588, %mul3A_589 : i32
        %dma_wait3A_591 = arith.constant 16 : i32
        %dma_wait3A_592 = arith.constant 0 : i32
        %dma_wait3A_593 = tpu.memref_slice %arg11[%dma_wait3A_591, %dma_wait3A_592] : memref<128x128xf32, #tpu.memory_space<vmem>> -> memref<16x128xf32, #tpu.memory_space<vmem>>
        %dma_wait3A_594 = arith.constant 0 : i32
        %dma_wait3A_595 = tpu.memref_slice %arg4[%mul3A_590, %dma_wait3A_594] : memref<409600x128xf32, #tpu.memory_space<hbm>> -> memref<16x128xf32, #tpu.memory_space<hbm>>
        %dma_wait3A_596 = arith.constant 0 : i32
        %dma_wait3A_597 = tpu.memref_slice %arg4[%mul3A_590, %dma_wait3A_596] : memref<409600x128xf32, #tpu.memory_space<hbm>> -> memref<16x128xf32, #tpu.memory_space<hbm>>
        %dma_wait3A_598 = arith.constant 16 : i32
        %dma_wait3A_599 = arith.constant 0 : i32
        %dma_wait3A_600 = tpu.memref_slice %arg11[%dma_wait3A_598, %dma_wait3A_599] : memref<128x128xf32, #tpu.memory_space<vmem>> -> memref<16x128xf32, #tpu.memory_space<vmem>>
        tpu.wait_dma2 semaphore(%arg15 : memref<!tpu.dma_semaphore, #tpu.memory_space<semaphore_mem>>) src(%dma_wait3A_600 : memref<16x128xf32, #tpu.memory_space<vmem>>) dst(%dma_wait3A_597 : memref<16x128xf32, #tpu.memory_space<hbm>>)
        %jit3A_601 = arith.constant 2 : i32
        %div3A_602 = arith.divsi %sub3A_480, %jit3A_601 : i32
        %sign3A_603 = arith.constant 0 : i32
        %sign3A_604 = arith.cmpi sgt, %sub3A_480, %sign3A_603 : i32
        %sign3A_605 = arith.extui %sign3A_604 : i1 to i32
        %sign3A_606 = arith.constant 0 : i32
        %sign3A_607 = arith.cmpi slt, %sub3A_480, %sign3A_606 : i32
        %sign3A_608 = arith.extui %sign3A_607 : i1 to i32
        %sign3A_609 = arith.subi %sign3A_605, %sign3A_608 : i32
        %sign3A_610 = arith.constant 0 : i32
        %sign3A_611 = arith.cmpi sgt, %jit3A_601, %sign3A_610 : i32
        %sign3A_612 = arith.extui %sign3A_611 : i1 to i32
        %sign3A_613 = arith.constant 0 : i32
        %sign3A_614 = arith.cmpi slt, %jit3A_601, %sign3A_613 : i32
        %sign3A_615 = arith.extui %sign3A_614 : i1 to i32
        %sign3A_616 = arith.subi %sign3A_612, %sign3A_615 : i32
        %ne3A_617 = arith.cmpi ne, %sign3A_609, %sign3A_616 : i32
        %rem3A_618 = arith.remsi %sub3A_480, %jit3A_601 : i32
        %ne3A_619 = arith.constant 0 : i32
        %ne3A_620 = arith.cmpi ne, %rem3A_618, %ne3A_619 : i32
        %and3A_621 = arith.andi %ne3A_617, %ne3A_620 : i1
        %sub3A_622 = arith.constant 1 : i32
        %sub3A_623 = arith.subi %div3A_602, %sub3A_622 : i32
        %select_n3A_624 = arith.select %and3A_621, %sub3A_623, %div3A_602 : i32
        %jit3A_625 = arith.constant 2 : i32
        %eq3A_626 = arith.constant 0 : i32
        %eq3A_627 = arith.cmpi eq, %jit3A_625, %eq3A_626 : i32
        %jit3A_628 = arith.constant 1 : i32
        %select_n3A_629 = arith.select %eq3A_627, %jit3A_628, %jit3A_625 : i32
        %rem3A_630 = arith.remsi %sub3A_480, %select_n3A_629 : i32
        %ne3A_631 = arith.constant 0 : i32
        %ne3A_632 = arith.cmpi ne, %rem3A_630, %ne3A_631 : i32
        %lt3A_633 = arith.constant 0 : i32
        %lt3A_634 = arith.cmpi slt, %rem3A_630, %lt3A_633 : i32
        %lt3A_635 = arith.constant 0 : i32
        %lt3A_636 = arith.cmpi slt, %select_n3A_629, %lt3A_635 : i32
        %ne3A_637 = arith.xori %lt3A_634, %lt3A_636 : i1
        %and3A_638 = arith.andi %ne3A_637, %ne3A_632 : i1
        %add3A_639 = arith.addi %rem3A_630, %select_n3A_629 : i32
        %select_n3A_640 = arith.select %and3A_638, %add3A_639, %rem3A_630 : i32
        %mul3A_641 = arith.constant 8 : i32
        %mul3A_642 = arith.muli %select_n3A_624, %mul3A_641 : i32
        %add3A_643 = arith.constant 2 : i32
        %add3A_644 = arith.addi %mul3A_642, %add3A_643 : i32
        %mul3A_645 = arith.constant 128 : i32
        %mul3A_646 = arith.muli %add3A_644, %mul3A_645 : i32
        %mul3A_647 = arith.constant 4 : i32
        %mul3A_648 = arith.muli %mul3A_647, %add3A : i32
        %add3A_649 = arith.addi %mul3A_646, %mul3A_648 : i32
        %mul3A_650 = arith.constant 2 : i32
        %mul3A_651 = arith.muli %mul3A_650, %select_n3A_640 : i32
        %add3A_652 = arith.addi %add3A_649, %mul3A_651 : i32
        %mul3A_653 = arith.constant 8 : i32
        %mul3A_654 = arith.muli %add3A_652, %mul3A_653 : i32
        %dma_wait3A_655 = arith.constant 32 : i32
        %dma_wait3A_656 = arith.constant 0 : i32
        %dma_wait3A_657 = tpu.memref_slice %arg11[%dma_wait3A_655, %dma_wait3A_656] : memref<128x128xf32, #tpu.memory_space<vmem>> -> memref<16x128xf32, #tpu.memory_space<vmem>>
        %dma_wait3A_658 = arith.constant 0 : i32
        %dma_wait3A_659 = tpu.memref_slice %arg4[%mul3A_654, %dma_wait3A_658] : memref<409600x128xf32, #tpu.memory_space<hbm>> -> memref<16x128xf32, #tpu.memory_space<hbm>>
        %dma_wait3A_660 = arith.constant 0 : i32
        %dma_wait3A_661 = tpu.memref_slice %arg4[%mul3A_654, %dma_wait3A_660] : memref<409600x128xf32, #tpu.memory_space<hbm>> -> memref<16x128xf32, #tpu.memory_space<hbm>>
        %dma_wait3A_662 = arith.constant 32 : i32
        %dma_wait3A_663 = arith.constant 0 : i32
        %dma_wait3A_664 = tpu.memref_slice %arg11[%dma_wait3A_662, %dma_wait3A_663] : memref<128x128xf32, #tpu.memory_space<vmem>> -> memref<16x128xf32, #tpu.memory_space<vmem>>
        tpu.wait_dma2 semaphore(%arg15 : memref<!tpu.dma_semaphore, #tpu.memory_space<semaphore_mem>>) src(%dma_wait3A_664 : memref<16x128xf32, #tpu.memory_space<vmem>>) dst(%dma_wait3A_661 : memref<16x128xf32, #tpu.memory_space<hbm>>)
        %jit3A_665 = arith.constant 2 : i32
        %div3A_666 = arith.divsi %sub3A_480, %jit3A_665 : i32
        %sign3A_667 = arith.constant 0 : i32
        %sign3A_668 = arith.cmpi sgt, %sub3A_480, %sign3A_667 : i32
        %sign3A_669 = arith.extui %sign3A_668 : i1 to i32
        %sign3A_670 = arith.constant 0 : i32
        %sign3A_671 = arith.cmpi slt, %sub3A_480, %sign3A_670 : i32
        %sign3A_672 = arith.extui %sign3A_671 : i1 to i32
        %sign3A_673 = arith.subi %sign3A_669, %sign3A_672 : i32
        %sign3A_674 = arith.constant 0 : i32
        %sign3A_675 = arith.cmpi sgt, %jit3A_665, %sign3A_674 : i32
        %sign3A_676 = arith.extui %sign3A_675 : i1 to i32
        %sign3A_677 = arith.constant 0 : i32
        %sign3A_678 = arith.cmpi slt, %jit3A_665, %sign3A_677 : i32
        %sign3A_679 = arith.extui %sign3A_678 : i1 to i32
        %sign3A_680 = arith.subi %sign3A_676, %sign3A_679 : i32
        %ne3A_681 = arith.cmpi ne, %sign3A_673, %sign3A_680 : i32
        %rem3A_682 = arith.remsi %sub3A_480, %jit3A_665 : i32
        %ne3A_683 = arith.constant 0 : i32
        %ne3A_684 = arith.cmpi ne, %rem3A_682, %ne3A_683 : i32
        %and3A_685 = arith.andi %ne3A_681, %ne3A_684 : i1
        %sub3A_686 = arith.constant 1 : i32
        %sub3A_687 = arith.subi %div3A_666, %sub3A_686 : i32
        %select_n3A_688 = arith.select %and3A_685, %sub3A_687, %div3A_666 : i32
        %jit3A_689 = arith.constant 2 : i32
        %eq3A_690 = arith.constant 0 : i32
        %eq3A_691 = arith.cmpi eq, %jit3A_689, %eq3A_690 : i32
        %jit3A_692 = arith.constant 1 : i32
        %select_n3A_693 = arith.select %eq3A_691, %jit3A_692, %jit3A_689 : i32
        %rem3A_694 = arith.remsi %sub3A_480, %select_n3A_693 : i32
        %ne3A_695 = arith.constant 0 : i32
        %ne3A_696 = arith.cmpi ne, %rem3A_694, %ne3A_695 : i32
        %lt3A_697 = arith.constant 0 : i32
        %lt3A_698 = arith.cmpi slt, %rem3A_694, %lt3A_697 : i32
        %lt3A_699 = arith.constant 0 : i32
        %lt3A_700 = arith.cmpi slt, %select_n3A_693, %lt3A_699 : i32
        %ne3A_701 = arith.xori %lt3A_698, %lt3A_700 : i1
        %and3A_702 = arith.andi %ne3A_701, %ne3A_696 : i1
        %add3A_703 = arith.addi %rem3A_694, %select_n3A_693 : i32
        %select_n3A_704 = arith.select %and3A_702, %add3A_703, %rem3A_694 : i32
        %mul3A_705 = arith.constant 8 : i32
        %mul3A_706 = arith.muli %select_n3A_688, %mul3A_705 : i32
        %add3A_707 = arith.constant 3 : i32
        %add3A_708 = arith.addi %mul3A_706, %add3A_707 : i32
        %mul3A_709 = arith.constant 128 : i32
        %mul3A_710 = arith.muli %add3A_708, %mul3A_709 : i32
        %mul3A_711 = arith.constant 4 : i32
        %mul3A_712 = arith.muli %mul3A_711, %add3A : i32
        %add3A_713 = arith.addi %mul3A_710, %mul3A_712 : i32
        %mul3A_714 = arith.constant 2 : i32
        %mul3A_715 = arith.muli %mul3A_714, %select_n3A_704 : i32
        %add3A_716 = arith.addi %add3A_713, %mul3A_715 : i32
        %mul3A_717 = arith.constant 8 : i32
        %mul3A_718 = arith.muli %add3A_716, %mul3A_717 : i32
        %dma_wait3A_719 = arith.constant 48 : i32
        %dma_wait3A_720 = arith.constant 0 : i32
        %dma_wait3A_721 = tpu.memref_slice %arg11[%dma_wait3A_719, %dma_wait3A_720] : memref<128x128xf32, #tpu.memory_space<vmem>> -> memref<16x128xf32, #tpu.memory_space<vmem>>
        %dma_wait3A_722 = arith.constant 0 : i32
        %dma_wait3A_723 = tpu.memref_slice %arg4[%mul3A_718, %dma_wait3A_722] : memref<409600x128xf32, #tpu.memory_space<hbm>> -> memref<16x128xf32, #tpu.memory_space<hbm>>
        %dma_wait3A_724 = arith.constant 0 : i32
        %dma_wait3A_725 = tpu.memref_slice %arg4[%mul3A_718, %dma_wait3A_724] : memref<409600x128xf32, #tpu.memory_space<hbm>> -> memref<16x128xf32, #tpu.memory_space<hbm>>
        %dma_wait3A_726 = arith.constant 48 : i32
        %dma_wait3A_727 = arith.constant 0 : i32
        %dma_wait3A_728 = tpu.memref_slice %arg11[%dma_wait3A_726, %dma_wait3A_727] : memref<128x128xf32, #tpu.memory_space<vmem>> -> memref<16x128xf32, #tpu.memory_space<vmem>>
        tpu.wait_dma2 semaphore(%arg15 : memref<!tpu.dma_semaphore, #tpu.memory_space<semaphore_mem>>) src(%dma_wait3A_728 : memref<16x128xf32, #tpu.memory_space<vmem>>) dst(%dma_wait3A_725 : memref<16x128xf32, #tpu.memory_space<hbm>>)
        %jit3A_729 = arith.constant 2 : i32
        %div3A_730 = arith.divsi %sub3A_480, %jit3A_729 : i32
        %sign3A_731 = arith.constant 0 : i32
        %sign3A_732 = arith.cmpi sgt, %sub3A_480, %sign3A_731 : i32
        %sign3A_733 = arith.extui %sign3A_732 : i1 to i32
        %sign3A_734 = arith.constant 0 : i32
        %sign3A_735 = arith.cmpi slt, %sub3A_480, %sign3A_734 : i32
        %sign3A_736 = arith.extui %sign3A_735 : i1 to i32
        %sign3A_737 = arith.subi %sign3A_733, %sign3A_736 : i32
        %sign3A_738 = arith.constant 0 : i32
        %sign3A_739 = arith.cmpi sgt, %jit3A_729, %sign3A_738 : i32
        %sign3A_740 = arith.extui %sign3A_739 : i1 to i32
        %sign3A_741 = arith.constant 0 : i32
        %sign3A_742 = arith.cmpi slt, %jit3A_729, %sign3A_741 : i32
        %sign3A_743 = arith.extui %sign3A_742 : i1 to i32
        %sign3A_744 = arith.subi %sign3A_740, %sign3A_743 : i32
        %ne3A_745 = arith.cmpi ne, %sign3A_737, %sign3A_744 : i32
        %rem3A_746 = arith.remsi %sub3A_480, %jit3A_729 : i32
        %ne3A_747 = arith.constant 0 : i32
        %ne3A_748 = arith.cmpi ne, %rem3A_746, %ne3A_747 : i32
        %and3A_749 = arith.andi %ne3A_745, %ne3A_748 : i1
        %sub3A_750 = arith.constant 1 : i32
        %sub3A_751 = arith.subi %div3A_730, %sub3A_750 : i32
        %select_n3A_752 = arith.select %and3A_749, %sub3A_751, %div3A_730 : i32
        %jit3A_753 = arith.constant 2 : i32
        %eq3A_754 = arith.constant 0 : i32
        %eq3A_755 = arith.cmpi eq, %jit3A_753, %eq3A_754 : i32
        %jit3A_756 = arith.constant 1 : i32
        %select_n3A_757 = arith.select %eq3A_755, %jit3A_756, %jit3A_753 : i32
        %rem3A_758 = arith.remsi %sub3A_480, %select_n3A_757 : i32
        %ne3A_759 = arith.constant 0 : i32
        %ne3A_760 = arith.cmpi ne, %rem3A_758, %ne3A_759 : i32
        %lt3A_761 = arith.constant 0 : i32
        %lt3A_762 = arith.cmpi slt, %rem3A_758, %lt3A_761 : i32
        %lt3A_763 = arith.constant 0 : i32
        %lt3A_764 = arith.cmpi slt, %select_n3A_757, %lt3A_763 : i32
        %ne3A_765 = arith.xori %lt3A_762, %lt3A_764 : i1
        %and3A_766 = arith.andi %ne3A_765, %ne3A_760 : i1
        %add3A_767 = arith.addi %rem3A_758, %select_n3A_757 : i32
        %select_n3A_768 = arith.select %and3A_766, %add3A_767, %rem3A_758 : i32
        %mul3A_769 = arith.constant 8 : i32
        %mul3A_770 = arith.muli %select_n3A_752, %mul3A_769 : i32
        %add3A_771 = arith.constant 4 : i32
        %add3A_772 = arith.addi %mul3A_770, %add3A_771 : i32
        %mul3A_773 = arith.constant 128 : i32
        %mul3A_774 = arith.muli %add3A_772, %mul3A_773 : i32
        %mul3A_775 = arith.constant 4 : i32
        %mul3A_776 = arith.muli %mul3A_775, %add3A : i32
        %add3A_777 = arith.addi %mul3A_774, %mul3A_776 : i32
        %mul3A_778 = arith.constant 2 : i32
        %mul3A_779 = arith.muli %mul3A_778, %select_n3A_768 : i32
        %add3A_780 = arith.addi %add3A_777, %mul3A_779 : i32
        %mul3A_781 = arith.constant 8 : i32
        %mul3A_782 = arith.muli %add3A_780, %mul3A_781 : i32
        %dma_wait3A_783 = arith.constant 64 : i32
        %dma_wait3A_784 = arith.constant 0 : i32
        %dma_wait3A_785 = tpu.memref_slice %arg11[%dma_wait3A_783, %dma_wait3A_784] : memref<128x128xf32, #tpu.memory_space<vmem>> -> memref<16x128xf32, #tpu.memory_space<vmem>>
        %dma_wait3A_786 = arith.constant 0 : i32
        %dma_wait3A_787 = tpu.memref_slice %arg4[%mul3A_782, %dma_wait3A_786] : memref<409600x128xf32, #tpu.memory_space<hbm>> -> memref<16x128xf32, #tpu.memory_space<hbm>>
        %dma_wait3A_788 = arith.constant 0 : i32
        %dma_wait3A_789 = tpu.memref_slice %arg4[%mul3A_782, %dma_wait3A_788] : memref<409600x128xf32, #tpu.memory_space<hbm>> -> memref<16x128xf32, #tpu.memory_space<hbm>>
        %dma_wait3A_790 = arith.constant 64 : i32
        %dma_wait3A_791 = arith.constant 0 : i32
        %dma_wait3A_792 = tpu.memref_slice %arg11[%dma_wait3A_790, %dma_wait3A_791] : memref<128x128xf32, #tpu.memory_space<vmem>> -> memref<16x128xf32, #tpu.memory_space<vmem>>
        tpu.wait_dma2 semaphore(%arg15 : memref<!tpu.dma_semaphore, #tpu.memory_space<semaphore_mem>>) src(%dma_wait3A_792 : memref<16x128xf32, #tpu.memory_space<vmem>>) dst(%dma_wait3A_789 : memref<16x128xf32, #tpu.memory_space<hbm>>)
        %jit3A_793 = arith.constant 2 : i32
        %div3A_794 = arith.divsi %sub3A_480, %jit3A_793 : i32
        %sign3A_795 = arith.constant 0 : i32
        %sign3A_796 = arith.cmpi sgt, %sub3A_480, %sign3A_795 : i32
        %sign3A_797 = arith.extui %sign3A_796 : i1 to i32
        %sign3A_798 = arith.constant 0 : i32
        %sign3A_799 = arith.cmpi slt, %sub3A_480, %sign3A_798 : i32
        %sign3A_800 = arith.extui %sign3A_799 : i1 to i32
        %sign3A_801 = arith.subi %sign3A_797, %sign3A_800 : i32
        %sign3A_802 = arith.constant 0 : i32
        %sign3A_803 = arith.cmpi sgt, %jit3A_793, %sign3A_802 : i32
        %sign3A_804 = arith.extui %sign3A_803 : i1 to i32
        %sign3A_805 = arith.constant 0 : i32
        %sign3A_806 = arith.cmpi slt, %jit3A_793, %sign3A_805 : i32
        %sign3A_807 = arith.extui %sign3A_806 : i1 to i32
        %sign3A_808 = arith.subi %sign3A_804, %sign3A_807 : i32
        %ne3A_809 = arith.cmpi ne, %sign3A_801, %sign3A_808 : i32
        %rem3A_810 = arith.remsi %sub3A_480, %jit3A_793 : i32
        %ne3A_811 = arith.constant 0 : i32
        %ne3A_812 = arith.cmpi ne, %rem3A_810, %ne3A_811 : i32
        %and3A_813 = arith.andi %ne3A_809, %ne3A_812 : i1
        %sub3A_814 = arith.constant 1 : i32
        %sub3A_815 = arith.subi %div3A_794, %sub3A_814 : i32
        %select_n3A_816 = arith.select %and3A_813, %sub3A_815, %div3A_794 : i32
        %jit3A_817 = arith.constant 2 : i32
        %eq3A_818 = arith.constant 0 : i32
        %eq3A_819 = arith.cmpi eq, %jit3A_817, %eq3A_818 : i32
        %jit3A_820 = arith.constant 1 : i32
        %select_n3A_821 = arith.select %eq3A_819, %jit3A_820, %jit3A_817 : i32
        %rem3A_822 = arith.remsi %sub3A_480, %select_n3A_821 : i32
        %ne3A_823 = arith.constant 0 : i32
        %ne3A_824 = arith.cmpi ne, %rem3A_822, %ne3A_823 : i32
        %lt3A_825 = arith.constant 0 : i32
        %lt3A_826 = arith.cmpi slt, %rem3A_822, %lt3A_825 : i32
        %lt3A_827 = arith.constant 0 : i32
        %lt3A_828 = arith.cmpi slt, %select_n3A_821, %lt3A_827 : i32
        %ne3A_829 = arith.xori %lt3A_826, %lt3A_828 : i1
        %and3A_830 = arith.andi %ne3A_829, %ne3A_824 : i1
        %add3A_831 = arith.addi %rem3A_822, %select_n3A_821 : i32
        %select_n3A_832 = arith.select %and3A_830, %add3A_831, %rem3A_822 : i32
        %mul3A_833 = arith.constant 8 : i32
        %mul3A_834 = arith.muli %select_n3A_816, %mul3A_833 : i32
        %add3A_835 = arith.constant 5 : i32
        %add3A_836 = arith.addi %mul3A_834, %add3A_835 : i32
        %mul3A_837 = arith.constant 128 : i32
        %mul3A_838 = arith.muli %add3A_836, %mul3A_837 : i32
        %mul3A_839 = arith.constant 4 : i32
        %mul3A_840 = arith.muli %mul3A_839, %add3A : i32
        %add3A_841 = arith.addi %mul3A_838, %mul3A_840 : i32
        %mul3A_842 = arith.constant 2 : i32
        %mul3A_843 = arith.muli %mul3A_842, %select_n3A_832 : i32
        %add3A_844 = arith.addi %add3A_841, %mul3A_843 : i32
        %mul3A_845 = arith.constant 8 : i32
        %mul3A_846 = arith.muli %add3A_844, %mul3A_845 : i32
        %dma_wait3A_847 = arith.constant 80 : i32
        %dma_wait3A_848 = arith.constant 0 : i32
        %dma_wait3A_849 = tpu.memref_slice %arg11[%dma_wait3A_847, %dma_wait3A_848] : memref<128x128xf32, #tpu.memory_space<vmem>> -> memref<16x128xf32, #tpu.memory_space<vmem>>
        %dma_wait3A_850 = arith.constant 0 : i32
        %dma_wait3A_851 = tpu.memref_slice %arg4[%mul3A_846, %dma_wait3A_850] : memref<409600x128xf32, #tpu.memory_space<hbm>> -> memref<16x128xf32, #tpu.memory_space<hbm>>
        %dma_wait3A_852 = arith.constant 0 : i32
        %dma_wait3A_853 = tpu.memref_slice %arg4[%mul3A_846, %dma_wait3A_852] : memref<409600x128xf32, #tpu.memory_space<hbm>> -> memref<16x128xf32, #tpu.memory_space<hbm>>
        %dma_wait3A_854 = arith.constant 80 : i32
        %dma_wait3A_855 = arith.constant 0 : i32
        %dma_wait3A_856 = tpu.memref_slice %arg11[%dma_wait3A_854, %dma_wait3A_855] : memref<128x128xf32, #tpu.memory_space<vmem>> -> memref<16x128xf32, #tpu.memory_space<vmem>>
        tpu.wait_dma2 semaphore(%arg15 : memref<!tpu.dma_semaphore, #tpu.memory_space<semaphore_mem>>) src(%dma_wait3A_856 : memref<16x128xf32, #tpu.memory_space<vmem>>) dst(%dma_wait3A_853 : memref<16x128xf32, #tpu.memory_space<hbm>>)
        %jit3A_857 = arith.constant 2 : i32
        %div3A_858 = arith.divsi %sub3A_480, %jit3A_857 : i32
        %sign3A_859 = arith.constant 0 : i32
        %sign3A_860 = arith.cmpi sgt, %sub3A_480, %sign3A_859 : i32
        %sign3A_861 = arith.extui %sign3A_860 : i1 to i32
        %sign3A_862 = arith.constant 0 : i32
        %sign3A_863 = arith.cmpi slt, %sub3A_480, %sign3A_862 : i32
        %sign3A_864 = arith.extui %sign3A_863 : i1 to i32
        %sign3A_865 = arith.subi %sign3A_861, %sign3A_864 : i32
        %sign3A_866 = arith.constant 0 : i32
        %sign3A_867 = arith.cmpi sgt, %jit3A_857, %sign3A_866 : i32
        %sign3A_868 = arith.extui %sign3A_867 : i1 to i32
        %sign3A_869 = arith.constant 0 : i32
        %sign3A_870 = arith.cmpi slt, %jit3A_857, %sign3A_869 : i32
        %sign3A_871 = arith.extui %sign3A_870 : i1 to i32
        %sign3A_872 = arith.subi %sign3A_868, %sign3A_871 : i32
        %ne3A_873 = arith.cmpi ne, %sign3A_865, %sign3A_872 : i32
        %rem3A_874 = arith.remsi %sub3A_480, %jit3A_857 : i32
        %ne3A_875 = arith.constant 0 : i32
        %ne3A_876 = arith.cmpi ne, %rem3A_874, %ne3A_875 : i32
        %and3A_877 = arith.andi %ne3A_873, %ne3A_876 : i1
        %sub3A_878 = arith.constant 1 : i32
        %sub3A_879 = arith.subi %div3A_858, %sub3A_878 : i32
        %select_n3A_880 = arith.select %and3A_877, %sub3A_879, %div3A_858 : i32
        %jit3A_881 = arith.constant 2 : i32
        %eq3A_882 = arith.constant 0 : i32
        %eq3A_883 = arith.cmpi eq, %jit3A_881, %eq3A_882 : i32
        %jit3A_884 = arith.constant 1 : i32
        %select_n3A_885 = arith.select %eq3A_883, %jit3A_884, %jit3A_881 : i32
        %rem3A_886 = arith.remsi %sub3A_480, %select_n3A_885 : i32
        %ne3A_887 = arith.constant 0 : i32
        %ne3A_888 = arith.cmpi ne, %rem3A_886, %ne3A_887 : i32
        %lt3A_889 = arith.constant 0 : i32
        %lt3A_890 = arith.cmpi slt, %rem3A_886, %lt3A_889 : i32
        %lt3A_891 = arith.constant 0 : i32
        %lt3A_892 = arith.cmpi slt, %select_n3A_885, %lt3A_891 : i32
        %ne3A_893 = arith.xori %lt3A_890, %lt3A_892 : i1
        %and3A_894 = arith.andi %ne3A_893, %ne3A_888 : i1
        %add3A_895 = arith.addi %rem3A_886, %select_n3A_885 : i32
        %select_n3A_896 = arith.select %and3A_894, %add3A_895, %rem3A_886 : i32
        %mul3A_897 = arith.constant 8 : i32
        %mul3A_898 = arith.muli %select_n3A_880, %mul3A_897 : i32
        %add3A_899 = arith.constant 6 : i32
        %add3A_900 = arith.addi %mul3A_898, %add3A_899 : i32
        %mul3A_901 = arith.constant 128 : i32
        %mul3A_902 = arith.muli %add3A_900, %mul3A_901 : i32
        %mul3A_903 = arith.constant 4 : i32
        %mul3A_904 = arith.muli %mul3A_903, %add3A : i32
        %add3A_905 = arith.addi %mul3A_902, %mul3A_904 : i32
        %mul3A_906 = arith.constant 2 : i32
        %mul3A_907 = arith.muli %mul3A_906, %select_n3A_896 : i32
        %add3A_908 = arith.addi %add3A_905, %mul3A_907 : i32
        %mul3A_909 = arith.constant 8 : i32
        %mul3A_910 = arith.muli %add3A_908, %mul3A_909 : i32
        %dma_wait3A_911 = arith.constant 96 : i32
        %dma_wait3A_912 = arith.constant 0 : i32
        %dma_wait3A_913 = tpu.memref_slice %arg11[%dma_wait3A_911, %dma_wait3A_912] : memref<128x128xf32, #tpu.memory_space<vmem>> -> memref<16x128xf32, #tpu.memory_space<vmem>>
        %dma_wait3A_914 = arith.constant 0 : i32
        %dma_wait3A_915 = tpu.memref_slice %arg4[%mul3A_910, %dma_wait3A_914] : memref<409600x128xf32, #tpu.memory_space<hbm>> -> memref<16x128xf32, #tpu.memory_space<hbm>>
        %dma_wait3A_916 = arith.constant 0 : i32
        %dma_wait3A_917 = tpu.memref_slice %arg4[%mul3A_910, %dma_wait3A_916] : memref<409600x128xf32, #tpu.memory_space<hbm>> -> memref<16x128xf32, #tpu.memory_space<hbm>>
        %dma_wait3A_918 = arith.constant 96 : i32
        %dma_wait3A_919 = arith.constant 0 : i32
        %dma_wait3A_920 = tpu.memref_slice %arg11[%dma_wait3A_918, %dma_wait3A_919] : memref<128x128xf32, #tpu.memory_space<vmem>> -> memref<16x128xf32, #tpu.memory_space<vmem>>
        tpu.wait_dma2 semaphore(%arg15 : memref<!tpu.dma_semaphore, #tpu.memory_space<semaphore_mem>>) src(%dma_wait3A_920 : memref<16x128xf32, #tpu.memory_space<vmem>>) dst(%dma_wait3A_917 : memref<16x128xf32, #tpu.memory_space<hbm>>)
        %jit3A_921 = arith.constant 2 : i32
        %div3A_922 = arith.divsi %sub3A_480, %jit3A_921 : i32
        %sign3A_923 = arith.constant 0 : i32
        %sign3A_924 = arith.cmpi sgt, %sub3A_480, %sign3A_923 : i32
        %sign3A_925 = arith.extui %sign3A_924 : i1 to i32
        %sign3A_926 = arith.constant 0 : i32
        %sign3A_927 = arith.cmpi slt, %sub3A_480, %sign3A_926 : i32
        %sign3A_928 = arith.extui %sign3A_927 : i1 to i32
        %sign3A_929 = arith.subi %sign3A_925, %sign3A_928 : i32
        %sign3A_930 = arith.constant 0 : i32
        %sign3A_931 = arith.cmpi sgt, %jit3A_921, %sign3A_930 : i32
        %sign3A_932 = arith.extui %sign3A_931 : i1 to i32
        %sign3A_933 = arith.constant 0 : i32
        %sign3A_934 = arith.cmpi slt, %jit3A_921, %sign3A_933 : i32
        %sign3A_935 = arith.extui %sign3A_934 : i1 to i32
        %sign3A_936 = arith.subi %sign3A_932, %sign3A_935 : i32
        %ne3A_937 = arith.cmpi ne, %sign3A_929, %sign3A_936 : i32
        %rem3A_938 = arith.remsi %sub3A_480, %jit3A_921 : i32
        %ne3A_939 = arith.constant 0 : i32
        %ne3A_940 = arith.cmpi ne, %rem3A_938, %ne3A_939 : i32
        %and3A_941 = arith.andi %ne3A_937, %ne3A_940 : i1
        %sub3A_942 = arith.constant 1 : i32
        %sub3A_943 = arith.subi %div3A_922, %sub3A_942 : i32
        %select_n3A_944 = arith.select %and3A_941, %sub3A_943, %div3A_922 : i32
        %jit3A_945 = arith.constant 2 : i32
        %eq3A_946 = arith.constant 0 : i32
        %eq3A_947 = arith.cmpi eq, %jit3A_945, %eq3A_946 : i32
        %jit3A_948 = arith.constant 1 : i32
        %select_n3A_949 = arith.select %eq3A_947, %jit3A_948, %jit3A_945 : i32
        %rem3A_950 = arith.remsi %sub3A_480, %select_n3A_949 : i32
        %ne3A_951 = arith.constant 0 : i32
        %ne3A_952 = arith.cmpi ne, %rem3A_950, %ne3A_951 : i32
        %lt3A_953 = arith.constant 0 : i32
        %lt3A_954 = arith.cmpi slt, %rem3A_950, %lt3A_953 : i32
        %lt3A_955 = arith.constant 0 : i32
        %lt3A_956 = arith.cmpi slt, %select_n3A_949, %lt3A_955 : i32
        %ne3A_957 = arith.xori %lt3A_954, %lt3A_956 : i1
        %and3A_958 = arith.andi %ne3A_957, %ne3A_952 : i1
        %add3A_959 = arith.addi %rem3A_950, %select_n3A_949 : i32
        %select_n3A_960 = arith.select %and3A_958, %add3A_959, %rem3A_950 : i32
        %mul3A_961 = arith.constant 8 : i32
        %mul3A_962 = arith.muli %select_n3A_944, %mul3A_961 : i32
        %add3A_963 = arith.constant 7 : i32
        %add3A_964 = arith.addi %mul3A_962, %add3A_963 : i32
        %mul3A_965 = arith.constant 128 : i32
        %mul3A_966 = arith.muli %add3A_964, %mul3A_965 : i32
        %mul3A_967 = arith.constant 4 : i32
        %mul3A_968 = arith.muli %mul3A_967, %add3A : i32
        %add3A_969 = arith.addi %mul3A_966, %mul3A_968 : i32
        %mul3A_970 = arith.constant 2 : i32
        %mul3A_971 = arith.muli %mul3A_970, %select_n3A_960 : i32
        %add3A_972 = arith.addi %add3A_969, %mul3A_971 : i32
        %mul3A_973 = arith.constant 8 : i32
        %mul3A_974 = arith.muli %add3A_972, %mul3A_973 : i32
        %dma_wait3A_975 = arith.constant 112 : i32
        %dma_wait3A_976 = arith.constant 0 : i32
        %dma_wait3A_977 = tpu.memref_slice %arg11[%dma_wait3A_975, %dma_wait3A_976] : memref<128x128xf32, #tpu.memory_space<vmem>> -> memref<16x128xf32, #tpu.memory_space<vmem>>
        %dma_wait3A_978 = arith.constant 0 : i32
        %dma_wait3A_979 = tpu.memref_slice %arg4[%mul3A_974, %dma_wait3A_978] : memref<409600x128xf32, #tpu.memory_space<hbm>> -> memref<16x128xf32, #tpu.memory_space<hbm>>
        %dma_wait3A_980 = arith.constant 0 : i32
        %dma_wait3A_981 = tpu.memref_slice %arg4[%mul3A_974, %dma_wait3A_980] : memref<409600x128xf32, #tpu.memory_space<hbm>> -> memref<16x128xf32, #tpu.memory_space<hbm>>
        %dma_wait3A_982 = arith.constant 112 : i32
        %dma_wait3A_983 = arith.constant 0 : i32
        %dma_wait3A_984 = tpu.memref_slice %arg11[%dma_wait3A_982, %dma_wait3A_983] : memref<128x128xf32, #tpu.memory_space<vmem>> -> memref<16x128xf32, #tpu.memory_space<vmem>>
        tpu.wait_dma2 semaphore(%arg15 : memref<!tpu.dma_semaphore, #tpu.memory_space<semaphore_mem>>) src(%dma_wait3A_984 : memref<16x128xf32, #tpu.memory_space<vmem>>) dst(%dma_wait3A_981 : memref<16x128xf32, #tpu.memory_space<hbm>>)
      } else {
      }
      %scan3A_463 = arith.constant 0 : i32
      %scan3A_464 = arith.constant 32 : i32
      %scan3A_465 = arith.addi %scan3A_463, %scan3A_464 : i32
      %scan3A_466 = arith.constant 1 : i32
      scf.for %scan3A_480 = %scan3A_463 to %scan3A_465 step %scan3A_466  : i32 {
        %mul3A_481 = arith.constant 1 : i32
        %mul3A_482 = arith.muli %scan3A_480, %mul3A_481 : i32
        %add3A_483 = arith.constant 0 : i32
        %add3A_484 = arith.addi %add3A_483, %mul3A_482 : i32
        %mul3A_485 = arith.constant 8 : i32
        %mul3A_486 = arith.muli %add3A_484, %mul3A_485 : i32
        %add3A_487 = arith.constant 0 : i32
        %add3A_488 = arith.addi %mul3A_486, %add3A_487 : i32
        %get3A = arith.index_cast %add3A_488 : i32 to index
        %get3A_489 = arith.constant 0 : index
        %get3A_490 = tpu.vector_load %arg8[%get3A, %get3A_489] {strides = array<i32>} : memref<256x64xf32, #tpu.memory_space<vmem>>, vector<16xf32>,
        %mul3A_491 = arith.constant 8 : i32
        %mul3A_492 = arith.muli %add3A_484, %mul3A_491 : i32
        %add3A_493 = arith.constant 0 : i32
        %add3A_494 = arith.addi %mul3A_492, %add3A_493 : i32
        %get3A_495 = arith.index_cast %add3A_494 : i32 to index
        %get3A_496 = arith.constant 16 : index
        %get3A_497 = tpu.vector_load %arg8[%get3A_495, %get3A_496] {strides = array<i32>} : memref<256x64xf32, #tpu.memory_space<vmem>>, vector<16xf32>,
        %mul3A_498 = arith.constant 8 : i32
        %mul3A_499 = arith.muli %add3A_484, %mul3A_498 : i32
        %add3A_500 = arith.constant 0 : i32
        %add3A_501 = arith.addi %mul3A_499, %add3A_500 : i32
        %get3A_502 = arith.index_cast %add3A_501 : i32 to index
        %get3A_503 = arith.constant 32 : index
        %get3A_504 = tpu.vector_load %arg8[%get3A_502, %get3A_503] {strides = array<i32>} : memref<256x64xf32, #tpu.memory_space<vmem>>, vector<16xf32>,
        %mul3A_505 = arith.constant 8 : i32
        %mul3A_506 = arith.muli %add3A_484, %mul3A_505 : i32
        %add3A_507 = arith.constant 0 : i32
        %add3A_508 = arith.addi %mul3A_506, %add3A_507 : i32
        %get3A_509 = arith.index_cast %add3A_508 : i32 to index
        %get3A_510 = arith.constant 48 : index
        %get3A_511 = tpu.vector_load %arg8[%get3A_509, %get3A_510] {strides = array<i32>} : memref<256x64xf32, #tpu.memory_space<vmem>>, vector<16xf32>,
        %mul3A_512 = arith.constant 8 : i32
        %mul3A_513 = arith.muli %add3A_484, %mul3A_512 : i32
        %add3A_514 = arith.constant 1 : i32
        %add3A_515 = arith.addi %mul3A_513, %add3A_514 : i32
        %get3A_516 = arith.index_cast %add3A_515 : i32 to index
        %get3A_517 = arith.constant 0 : index
        %get3A_518 = tpu.vector_load %arg8[%get3A_516, %get3A_517] {strides = array<i32>} : memref<256x64xf32, #tpu.memory_space<vmem>>, vector<16xf32>,
        %mul3A_519 = arith.constant 8 : i32
        %mul3A_520 = arith.muli %add3A_484, %mul3A_519 : i32
        %add3A_521 = arith.constant 1 : i32
        %add3A_522 = arith.addi %mul3A_520, %add3A_521 : i32
        %get3A_523 = arith.index_cast %add3A_522 : i32 to index
        %get3A_524 = arith.constant 16 : index
        %get3A_525 = tpu.vector_load %arg8[%get3A_523, %get3A_524] {strides = array<i32>} : memref<256x64xf32, #tpu.memory_space<vmem>>, vector<16xf32>,
        %mul3A_526 = arith.constant 8 : i32
        %mul3A_527 = arith.muli %add3A_484, %mul3A_526 : i32
        %add3A_528 = arith.constant 1 : i32
        %add3A_529 = arith.addi %mul3A_527, %add3A_528 : i32
        %get3A_530 = arith.index_cast %add3A_529 : i32 to index
        %get3A_531 = arith.constant 32 : index
        %get3A_532 = tpu.vector_load %arg8[%get3A_530, %get3A_531] {strides = array<i32>} : memref<256x64xf32, #tpu.memory_space<vmem>>, vector<16xf32>,
        %mul3A_533 = arith.constant 8 : i32
        %mul3A_534 = arith.muli %add3A_484, %mul3A_533 : i32
        %add3A_535 = arith.constant 1 : i32
        %add3A_536 = arith.addi %mul3A_534, %add3A_535 : i32
        %get3A_537 = arith.index_cast %add3A_536 : i32 to index
        %get3A_538 = arith.constant 48 : index
        %get3A_539 = tpu.vector_load %arg8[%get3A_537, %get3A_538] {strides = array<i32>} : memref<256x64xf32, #tpu.memory_space<vmem>>, vector<16xf32>,
        %mul3A_540 = arith.constant 8 : i32
        %mul3A_541 = arith.muli %add3A_484, %mul3A_540 : i32
        %add3A_542 = arith.constant 2 : i32
        %add3A_543 = arith.addi %mul3A_541, %add3A_542 : i32
        %get3A_544 = arith.index_cast %add3A_543 : i32 to index
        %get3A_545 = arith.constant 0 : index
        %get3A_546 = tpu.vector_load %arg8[%get3A_544, %get3A_545] {strides = array<i32>} : memref<256x64xf32, #tpu.memory_space<vmem>>, vector<16xf32>,
        %mul3A_547 = arith.constant 8 : i32
        %mul3A_548 = arith.muli %add3A_484, %mul3A_547 : i32
        %add3A_549 = arith.constant 2 : i32
        %add3A_550 = arith.addi %mul3A_548, %add3A_549 : i32
        %get3A_551 = arith.index_cast %add3A_550 : i32 to index
        %get3A_552 = arith.constant 16 : index
        %get3A_553 = tpu.vector_load %arg8[%get3A_551, %get3A_552] {strides = array<i32>} : memref<256x64xf32, #tpu.memory_space<vmem>>, vector<16xf32>,
        %mul3A_554 = arith.constant 8 : i32
        %mul3A_555 = arith.muli %add3A_484, %mul3A_554 : i32
        %add3A_556 = arith.constant 2 : i32
        %add3A_557 = arith.addi %mul3A_555, %add3A_556 : i32
        %get3A_558 = arith.index_cast %add3A_557 : i32 to index
        %get3A_559 = arith.constant 32 : index
        %get3A_560 = tpu.vector_load %arg8[%get3A_558, %get3A_559] {strides = array<i32>} : memref<256x64xf32, #tpu.memory_space<vmem>>, vector<16xf32>,
        %mul3A_561 = arith.constant 8 : i32
        %mul3A_562 = arith.muli %add3A_484, %mul3A_561 : i32
        %add3A_563 = arith.constant 2 : i32
        %add3A_564 = arith.addi %mul3A_562, %add3A_563 : i32
        %get3A_565 = arith.index_cast %add3A_564 : i32 to index
        %get3A_566 = arith.constant 48 : index
        %get3A_567 = tpu.vector_load %arg8[%get3A_565, %get3A_566] {strides = array<i32>} : memref<256x64xf32, #tpu.memory_space<vmem>>, vector<16xf32>,
        %mul3A_568 = arith.constant 8 : i32
        %mul3A_569 = arith.muli %add3A_484, %mul3A_568 : i32
        %add3A_570 = arith.constant 3 : i32
        %add3A_571 = arith.addi %mul3A_569, %add3A_570 : i32
        %get3A_572 = arith.index_cast %add3A_571 : i32 to index
        %get3A_573 = arith.constant 0 : index
        %get3A_574 = tpu.vector_load %arg8[%get3A_572, %get3A_573] {strides = array<i32>} : memref<256x64xf32, #tpu.memory_space<vmem>>, vector<16xf32>,
        %mul3A_575 = arith.constant 8 : i32
        %mul3A_576 = arith.muli %add3A_484, %mul3A_575 : i32
        %add3A_577 = arith.constant 3 : i32
        %add3A_578 = arith.addi %mul3A_576, %add3A_577 : i32
        %get3A_579 = arith.index_cast %add3A_578 : i32 to index
        %get3A_580 = arith.constant 16 : index
        %get3A_581 = tpu.vector_load %arg8[%get3A_579, %get3A_580] {strides = array<i32>} : memref<256x64xf32, #tpu.memory_space<vmem>>, vector<16xf32>,
        %mul3A_582 = arith.constant 8 : i32
        %mul3A_583 = arith.muli %add3A_484, %mul3A_582 : i32
        %add3A_584 = arith.constant 3 : i32
        %add3A_585 = arith.addi %mul3A_583, %add3A_584 : i32
        %get3A_586 = arith.index_cast %add3A_585 : i32 to index
        %get3A_587 = arith.constant 32 : index
        %get3A_588 = tpu.vector_load %arg8[%get3A_586, %get3A_587] {strides = array<i32>} : memref<256x64xf32, #tpu.memory_space<vmem>>, vector<16xf32>,
        %mul3A_589 = arith.constant 8 : i32
        %mul3A_590 = arith.muli %add3A_484, %mul3A_589 : i32
        %add3A_591 = arith.constant 3 : i32
        %add3A_592 = arith.addi %mul3A_590, %add3A_591 : i32
        %get3A_593 = arith.index_cast %add3A_592 : i32 to index
        %get3A_594 = arith.constant 48 : index
        %get3A_595 = tpu.vector_load %arg8[%get3A_593, %get3A_594] {strides = array<i32>} : memref<256x64xf32, #tpu.memory_space<vmem>>, vector<16xf32>,
        %mul3A_596 = arith.constant 8 : i32
        %mul3A_597 = arith.muli %add3A_484, %mul3A_596 : i32
        %add3A_598 = arith.constant 4 : i32
        %add3A_599 = arith.addi %mul3A_597, %add3A_598 : i32
        %get3A_600 = arith.index_cast %add3A_599 : i32 to index
        %get3A_601 = arith.constant 0 : index
        %get3A_602 = tpu.vector_load %arg8[%get3A_600, %get3A_601] {strides = array<i32>} : memref<256x64xf32, #tpu.memory_space<vmem>>, vector<16xf32>,
        %mul3A_603 = arith.constant 8 : i32
        %mul3A_604 = arith.muli %add3A_484, %mul3A_603 : i32
        %add3A_605 = arith.constant 4 : i32
        %add3A_606 = arith.addi %mul3A_604, %add3A_605 : i32
        %get3A_607 = arith.index_cast %add3A_606 : i32 to index
        %get3A_608 = arith.constant 16 : index
        %get3A_609 = tpu.vector_load %arg8[%get3A_607, %get3A_608] {strides = array<i32>} : memref<256x64xf32, #tpu.memory_space<vmem>>, vector<16xf32>,
        %mul3A_610 = arith.constant 8 : i32
        %mul3A_611 = arith.muli %add3A_484, %mul3A_610 : i32
        %add3A_612 = arith.constant 4 : i32
        %add3A_613 = arith.addi %mul3A_611, %add3A_612 : i32
        %get3A_614 = arith.index_cast %add3A_613 : i32 to index
        %get3A_615 = arith.constant 32 : index
        %get3A_616 = tpu.vector_load %arg8[%get3A_614, %get3A_615] {strides = array<i32>} : memref<256x64xf32, #tpu.memory_space<vmem>>, vector<16xf32>,
        %mul3A_617 = arith.constant 8 : i32
        %mul3A_618 = arith.muli %add3A_484, %mul3A_617 : i32
        %add3A_619 = arith.constant 4 : i32
        %add3A_620 = arith.addi %mul3A_618, %add3A_619 : i32
        %get3A_621 = arith.index_cast %add3A_620 : i32 to index
        %get3A_622 = arith.constant 48 : index
        %get3A_623 = tpu.vector_load %arg8[%get3A_621, %get3A_622] {strides = array<i32>} : memref<256x64xf32, #tpu.memory_space<vmem>>, vector<16xf32>,
        %mul3A_624 = arith.constant 8 : i32
        %mul3A_625 = arith.muli %add3A_484, %mul3A_624 : i32
        %add3A_626 = arith.constant 5 : i32
        %add3A_627 = arith.addi %mul3A_625, %add3A_626 : i32
        %get3A_628 = arith.index_cast %add3A_627 : i32 to index
        %get3A_629 = arith.constant 0 : index
        %get3A_630 = tpu.vector_load %arg8[%get3A_628, %get3A_629] {strides = array<i32>} : memref<256x64xf32, #tpu.memory_space<vmem>>, vector<16xf32>,
        %mul3A_631 = arith.constant 8 : i32
        %mul3A_632 = arith.muli %add3A_484, %mul3A_631 : i32
        %add3A_633 = arith.constant 5 : i32
        %add3A_634 = arith.addi %mul3A_632, %add3A_633 : i32
        %get3A_635 = arith.index_cast %add3A_634 : i32 to index
        %get3A_636 = arith.constant 16 : index
        %get3A_637 = tpu.vector_load %arg8[%get3A_635, %get3A_636] {strides = array<i32>} : memref<256x64xf32, #tpu.memory_space<vmem>>, vector<16xf32>,
        %mul3A_638 = arith.constant 8 : i32
        %mul3A_639 = arith.muli %add3A_484, %mul3A_638 : i32
        %add3A_640 = arith.constant 5 : i32
        %add3A_641 = arith.addi %mul3A_639, %add3A_640 : i32
        %get3A_642 = arith.index_cast %add3A_641 : i32 to index
        %get3A_643 = arith.constant 32 : index
        %get3A_644 = tpu.vector_load %arg8[%get3A_642, %get3A_643] {strides = array<i32>} : memref<256x64xf32, #tpu.memory_space<vmem>>, vector<16xf32>,
        %mul3A_645 = arith.constant 8 : i32
        %mul3A_646 = arith.muli %add3A_484, %mul3A_645 : i32
        %add3A_647 = arith.constant 5 : i32
        %add3A_648 = arith.addi %mul3A_646, %add3A_647 : i32
        %get3A_649 = arith.index_cast %add3A_648 : i32 to index
        %get3A_650 = arith.constant 48 : index
        %get3A_651 = tpu.vector_load %arg8[%get3A_649, %get3A_650] {strides = array<i32>} : memref<256x64xf32, #tpu.memory_space<vmem>>, vector<16xf32>,
        %mul3A_652 = arith.constant 8 : i32
        %mul3A_653 = arith.muli %add3A_484, %mul3A_652 : i32
        %add3A_654 = arith.constant 6 : i32
        %add3A_655 = arith.addi %mul3A_653, %add3A_654 : i32
        %get3A_656 = arith.index_cast %add3A_655 : i32 to index
        %get3A_657 = arith.constant 0 : index
        %get3A_658 = tpu.vector_load %arg8[%get3A_656, %get3A_657] {strides = array<i32>} : memref<256x64xf32, #tpu.memory_space<vmem>>, vector<16xf32>,
        %mul3A_659 = arith.constant 8 : i32
        %mul3A_660 = arith.muli %add3A_484, %mul3A_659 : i32
        %add3A_661 = arith.constant 6 : i32
        %add3A_662 = arith.addi %mul3A_660, %add3A_661 : i32
        %get3A_663 = arith.index_cast %add3A_662 : i32 to index
        %get3A_664 = arith.constant 16 : index
        %get3A_665 = tpu.vector_load %arg8[%get3A_663, %get3A_664] {strides = array<i32>} : memref<256x64xf32, #tpu.memory_space<vmem>>, vector<16xf32>,
        %mul3A_666 = arith.constant 8 : i32
        %mul3A_667 = arith.muli %add3A_484, %mul3A_666 : i32
        %add3A_668 = arith.constant 6 : i32
        %add3A_669 = arith.addi %mul3A_667, %add3A_668 : i32
        %get3A_670 = arith.index_cast %add3A_669 : i32 to index
        %get3A_671 = arith.constant 32 : index
        %get3A_672 = tpu.vector_load %arg8[%get3A_670, %get3A_671] {strides = array<i32>} : memref<256x64xf32, #tpu.memory_space<vmem>>, vector<16xf32>,
        %mul3A_673 = arith.constant 8 : i32
        %mul3A_674 = arith.muli %add3A_484, %mul3A_673 : i32
        %add3A_675 = arith.constant 6 : i32
        %add3A_676 = arith.addi %mul3A_674, %add3A_675 : i32
        %get3A_677 = arith.index_cast %add3A_676 : i32 to index
        %get3A_678 = arith.constant 48 : index
        %get3A_679 = tpu.vector_load %arg8[%get3A_677, %get3A_678] {strides = array<i32>} : memref<256x64xf32, #tpu.memory_space<vmem>>, vector<16xf32>,
        %mul3A_680 = arith.constant 8 : i32
        %mul3A_681 = arith.muli %add3A_484, %mul3A_680 : i32
        %add3A_682 = arith.constant 7 : i32
        %add3A_683 = arith.addi %mul3A_681, %add3A_682 : i32
        %get3A_684 = arith.index_cast %add3A_683 : i32 to index
        %get3A_685 = arith.constant 0 : index
        %get3A_686 = tpu.vector_load %arg8[%get3A_684, %get3A_685] {strides = array<i32>} : memref<256x64xf32, #tpu.memory_space<vmem>>, vector<16xf32>,
        %mul3A_687 = arith.constant 8 : i32
        %mul3A_688 = arith.muli %add3A_484, %mul3A_687 : i32
        %add3A_689 = arith.constant 7 : i32
        %add3A_690 = arith.addi %mul3A_688, %add3A_689 : i32
        %get3A_691 = arith.index_cast %add3A_690 : i32 to index
        %get3A_692 = arith.constant 16 : index
        %get3A_693 = tpu.vector_load %arg8[%get3A_691, %get3A_692] {strides = array<i32>} : memref<256x64xf32, #tpu.memory_space<vmem>>, vector<16xf32>,
        %mul3A_694 = arith.constant 8 : i32
        %mul3A_695 = arith.muli %add3A_484, %mul3A_694 : i32
        %add3A_696 = arith.constant 7 : i32
        %add3A_697 = arith.addi %mul3A_695, %add3A_696 : i32
        %get3A_698 = arith.index_cast %add3A_697 : i32 to index
        %get3A_699 = arith.constant 32 : index
        %get3A_700 = tpu.vector_load %arg8[%get3A_698, %get3A_699] {strides = array<i32>} : memref<256x64xf32, #tpu.memory_space<vmem>>, vector<16xf32>,
        %mul3A_701 = arith.constant 8 : i32
        %mul3A_702 = arith.muli %add3A_484, %mul3A_701 : i32
        %add3A_703 = arith.constant 7 : i32
        %add3A_704 = arith.addi %mul3A_702, %add3A_703 : i32
        %get3A_705 = arith.index_cast %add3A_704 : i32 to index
        %get3A_706 = arith.constant 48 : index
        %get3A_707 = tpu.vector_load %arg8[%get3A_705, %get3A_706] {strides = array<i32>} : memref<256x64xf32, #tpu.memory_space<vmem>>, vector<16xf32>,
        %mul3A_708 = arith.constant 8 : i32
        %mul3A_709 = arith.muli %add3A_484, %mul3A_708 : i32
        %add3A_710 = arith.constant 0 : i32
        %add3A_711 = arith.addi %mul3A_709, %add3A_710 : i32
        %swap3A = arith.index_cast %add3A_711 : i32 to index
        %swap3A_712 = arith.constant 0 : index
        %swap3A_713 = tpu.vector_load %arg9[%swap3A, %swap3A_712] {strides = array<i32>} : memref<256x65xf32, #tpu.memory_space<vmem>>, vector<16xf32>,
        tpu.vector_store %arg9[%swap3A, %swap3A_712], %get3A_490 {strides = array<i32>} : memref<256x65xf32, #tpu.memory_space<vmem>>, vector<16xf32>,
        %mul3A_714 = arith.constant 8 : i32
        %mul3A_715 = arith.muli %add3A_484, %mul3A_714 : i32
        %add3A_716 = arith.constant 0 : i32
        %add3A_717 = arith.addi %mul3A_715, %add3A_716 : i32
        %swap3A_718 = arith.index_cast %add3A_717 : i32 to index
        %swap3A_719 = arith.constant 16 : index
        %swap3A_720 = tpu.vector_load %arg9[%swap3A_718, %swap3A_719] {strides = array<i32>} : memref<256x65xf32, #tpu.memory_space<vmem>>, vector<16xf32>,
        tpu.vector_store %arg9[%swap3A_718, %swap3A_719], %get3A_497 {strides = array<i32>} : memref<256x65xf32, #tpu.memory_space<vmem>>, vector<16xf32>,
        %mul3A_721 = arith.constant 8 : i32
        %mul3A_722 = arith.muli %add3A_484, %mul3A_721 : i32
        %add3A_723 = arith.constant 0 : i32
        %add3A_724 = arith.addi %mul3A_722, %add3A_723 : i32
        %swap3A_725 = arith.index_cast %add3A_724 : i32 to index
        %swap3A_726 = arith.constant 32 : index
        %swap3A_727 = tpu.vector_load %arg9[%swap3A_725, %swap3A_726] {strides = array<i32>} : memref<256x65xf32, #tpu.memory_space<vmem>>, vector<16xf32>,
        tpu.vector_store %arg9[%swap3A_725, %swap3A_726], %get3A_504 {strides = array<i32>} : memref<256x65xf32, #tpu.memory_space<vmem>>, vector<16xf32>,
        %mul3A_728 = arith.constant 8 : i32
        %mul3A_729 = arith.muli %add3A_484, %mul3A_728 : i32
        %add3A_730 = arith.constant 0 : i32
        %add3A_731 = arith.addi %mul3A_729, %add3A_730 : i32
        %swap3A_732 = arith.index_cast %add3A_731 : i32 to index
        %swap3A_733 = arith.constant 48 : index
        %swap3A_734 = tpu.vector_load %arg9[%swap3A_732, %swap3A_733] {strides = array<i32>} : memref<256x65xf32, #tpu.memory_space<vmem>>, vector<16xf32>,
        tpu.vector_store %arg9[%swap3A_732, %swap3A_733], %get3A_511 {strides = array<i32>} : memref<256x65xf32, #tpu.memory_space<vmem>>, vector<16xf32>,
        %mul3A_735 = arith.constant 8 : i32
        %mul3A_736 = arith.muli %add3A_484, %mul3A_735 : i32
        %add3A_737 = arith.constant 1 : i32
        %add3A_738 = arith.addi %mul3A_736, %add3A_737 : i32
        %swap3A_739 = arith.index_cast %add3A_738 : i32 to index
        %swap3A_740 = arith.constant 0 : index
        %swap3A_741 = tpu.vector_load %arg9[%swap3A_739, %swap3A_740] {strides = array<i32>} : memref<256x65xf32, #tpu.memory_space<vmem>>, vector<16xf32>,
        tpu.vector_store %arg9[%swap3A_739, %swap3A_740], %get3A_518 {strides = array<i32>} : memref<256x65xf32, #tpu.memory_space<vmem>>, vector<16xf32>,
        %mul3A_742 = arith.constant 8 : i32
        %mul3A_743 = arith.muli %add3A_484, %mul3A_742 : i32
        %add3A_744 = arith.constant 1 : i32
        %add3A_745 = arith.addi %mul3A_743, %add3A_744 : i32
        %swap3A_746 = arith.index_cast %add3A_745 : i32 to index
        %swap3A_747 = arith.constant 16 : index
        %swap3A_748 = tpu.vector_load %arg9[%swap3A_746, %swap3A_747] {strides = array<i32>} : memref<256x65xf32, #tpu.memory_space<vmem>>, vector<16xf32>,
        tpu.vector_store %arg9[%swap3A_746, %swap3A_747], %get3A_525 {strides = array<i32>} : memref<256x65xf32, #tpu.memory_space<vmem>>, vector<16xf32>,
        %mul3A_749 = arith.constant 8 : i32
        %mul3A_750 = arith.muli %add3A_484, %mul3A_749 : i32
        %add3A_751 = arith.constant 1 : i32
        %add3A_752 = arith.addi %mul3A_750, %add3A_751 : i32
        %swap3A_753 = arith.index_cast %add3A_752 : i32 to index
        %swap3A_754 = arith.constant 32 : index
        %swap3A_755 = tpu.vector_load %arg9[%swap3A_753, %swap3A_754] {strides = array<i32>} : memref<256x65xf32, #tpu.memory_space<vmem>>, vector<16xf32>,
        tpu.vector_store %arg9[%swap3A_753, %swap3A_754], %get3A_532 {strides = array<i32>} : memref<256x65xf32, #tpu.memory_space<vmem>>, vector<16xf32>,
        %mul3A_756 = arith.constant 8 : i32
        %mul3A_757 = arith.muli %add3A_484, %mul3A_756 : i32
        %add3A_758 = arith.constant 1 : i32
        %add3A_759 = arith.addi %mul3A_757, %add3A_758 : i32
        %swap3A_760 = arith.index_cast %add3A_759 : i32 to index
        %swap3A_761 = arith.constant 48 : index
        %swap3A_762 = tpu.vector_load %arg9[%swap3A_760, %swap3A_761] {strides = array<i32>} : memref<256x65xf32, #tpu.memory_space<vmem>>, vector<16xf32>,
        tpu.vector_store %arg9[%swap3A_760, %swap3A_761], %get3A_539 {strides = array<i32>} : memref<256x65xf32, #tpu.memory_space<vmem>>, vector<16xf32>,
        %mul3A_763 = arith.constant 8 : i32
        %mul3A_764 = arith.muli %add3A_484, %mul3A_763 : i32
        %add3A_765 = arith.constant 2 : i32
        %add3A_766 = arith.addi %mul3A_764, %add3A_765 : i32
        %swap3A_767 = arith.index_cast %add3A_766 : i32 to index
        %swap3A_768 = arith.constant 0 : index
        %swap3A_769 = tpu.vector_load %arg9[%swap3A_767, %swap3A_768] {strides = array<i32>} : memref<256x65xf32, #tpu.memory_space<vmem>>, vector<16xf32>,
        tpu.vector_store %arg9[%swap3A_767, %swap3A_768], %get3A_546 {strides = array<i32>} : memref<256x65xf32, #tpu.memory_space<vmem>>, vector<16xf32>,
        %mul3A_770 = arith.constant 8 : i32
        %mul3A_771 = arith.muli %add3A_484, %mul3A_770 : i32
        %add3A_772 = arith.constant 2 : i32
        %add3A_773 = arith.addi %mul3A_771, %add3A_772 : i32
        %swap3A_774 = arith.index_cast %add3A_773 : i32 to index
        %swap3A_775 = arith.constant 16 : index
        %swap3A_776 = tpu.vector_load %arg9[%swap3A_774, %swap3A_775] {strides = array<i32>} : memref<256x65xf32, #tpu.memory_space<vmem>>, vector<16xf32>,
        tpu.vector_store %arg9[%swap3A_774, %swap3A_775], %get3A_553 {strides = array<i32>} : memref<256x65xf32, #tpu.memory_space<vmem>>, vector<16xf32>,
        %mul3A_777 = arith.constant 8 : i32
        %mul3A_778 = arith.muli %add3A_484, %mul3A_777 : i32
        %add3A_779 = arith.constant 2 : i32
        %add3A_780 = arith.addi %mul3A_778, %add3A_779 : i32
        %swap3A_781 = arith.index_cast %add3A_780 : i32 to index
        %swap3A_782 = arith.constant 32 : index
        %swap3A_783 = tpu.vector_load %arg9[%swap3A_781, %swap3A_782] {strides = array<i32>} : memref<256x65xf32, #tpu.memory_space<vmem>>, vector<16xf32>,
        tpu.vector_store %arg9[%swap3A_781, %swap3A_782], %get3A_560 {strides = array<i32>} : memref<256x65xf32, #tpu.memory_space<vmem>>, vector<16xf32>,
        %mul3A_784 = arith.constant 8 : i32
        %mul3A_785 = arith.muli %add3A_484, %mul3A_784 : i32
        %add3A_786 = arith.constant 2 : i32
        %add3A_787 = arith.addi %mul3A_785, %add3A_786 : i32
        %swap3A_788 = arith.index_cast %add3A_787 : i32 to index
        %swap3A_789 = arith.constant 48 : index
        %swap3A_790 = tpu.vector_load %arg9[%swap3A_788, %swap3A_789] {strides = array<i32>} : memref<256x65xf32, #tpu.memory_space<vmem>>, vector<16xf32>,
        tpu.vector_store %arg9[%swap3A_788, %swap3A_789], %get3A_567 {strides = array<i32>} : memref<256x65xf32, #tpu.memory_space<vmem>>, vector<16xf32>,
        %mul3A_791 = arith.constant 8 : i32
        %mul3A_792 = arith.muli %add3A_484, %mul3A_791 : i32
        %add3A_793 = arith.constant 3 : i32
        %add3A_794 = arith.addi %mul3A_792, %add3A_793 : i32
        %swap3A_795 = arith.index_cast %add3A_794 : i32 to index
        %swap3A_796 = arith.constant 0 : index
        %swap3A_797 = tpu.vector_load %arg9[%swap3A_795, %swap3A_796] {strides = array<i32>} : memref<256x65xf32, #tpu.memory_space<vmem>>, vector<16xf32>,
        tpu.vector_store %arg9[%swap3A_795, %swap3A_796], %get3A_574 {strides = array<i32>} : memref<256x65xf32, #tpu.memory_space<vmem>>, vector<16xf32>,
        %mul3A_798 = arith.constant 8 : i32
        %mul3A_799 = arith.muli %add3A_484, %mul3A_798 : i32
        %add3A_800 = arith.constant 3 : i32
        %add3A_801 = arith.addi %mul3A_799, %add3A_800 : i32
        %swap3A_802 = arith.index_cast %add3A_801 : i32 to index
        %swap3A_803 = arith.constant 16 : index
        %swap3A_804 = tpu.vector_load %arg9[%swap3A_802, %swap3A_803] {strides = array<i32>} : memref<256x65xf32, #tpu.memory_space<vmem>>, vector<16xf32>,
        tpu.vector_store %arg9[%swap3A_802, %swap3A_803], %get3A_581 {strides = array<i32>} : memref<256x65xf32, #tpu.memory_space<vmem>>, vector<16xf32>,
        %mul3A_805 = arith.constant 8 : i32
        %mul3A_806 = arith.muli %add3A_484, %mul3A_805 : i32
        %add3A_807 = arith.constant 3 : i32
        %add3A_808 = arith.addi %mul3A_806, %add3A_807 : i32
        %swap3A_809 = arith.index_cast %add3A_808 : i32 to index
        %swap3A_810 = arith.constant 32 : index
        %swap3A_811 = tpu.vector_load %arg9[%swap3A_809, %swap3A_810] {strides = array<i32>} : memref<256x65xf32, #tpu.memory_space<vmem>>, vector<16xf32>,
        tpu.vector_store %arg9[%swap3A_809, %swap3A_810], %get3A_588 {strides = array<i32>} : memref<256x65xf32, #tpu.memory_space<vmem>>, vector<16xf32>,
        %mul3A_812 = arith.constant 8 : i32
        %mul3A_813 = arith.muli %add3A_484, %mul3A_812 : i32
        %add3A_814 = arith.constant 3 : i32
        %add3A_815 = arith.addi %mul3A_813, %add3A_814 : i32
        %swap3A_816 = arith.index_cast %add3A_815 : i32 to index
        %swap3A_817 = arith.constant 48 : index
        %swap3A_818 = tpu.vector_load %arg9[%swap3A_816, %swap3A_817] {strides = array<i32>} : memref<256x65xf32, #tpu.memory_space<vmem>>, vector<16xf32>,
        tpu.vector_store %arg9[%swap3A_816, %swap3A_817], %get3A_595 {strides = array<i32>} : memref<256x65xf32, #tpu.memory_space<vmem>>, vector<16xf32>,
        %mul3A_819 = arith.constant 8 : i32
        %mul3A_820 = arith.muli %add3A_484, %mul3A_819 : i32
        %add3A_821 = arith.constant 4 : i32
        %add3A_822 = arith.addi %mul3A_820, %add3A_821 : i32
        %swap3A_823 = arith.index_cast %add3A_822 : i32 to index
        %swap3A_824 = arith.constant 0 : index
        %swap3A_825 = tpu.vector_load %arg9[%swap3A_823, %swap3A_824] {strides = array<i32>} : memref<256x65xf32, #tpu.memory_space<vmem>>, vector<16xf32>,
        tpu.vector_store %arg9[%swap3A_823, %swap3A_824], %get3A_602 {strides = array<i32>} : memref<256x65xf32, #tpu.memory_space<vmem>>, vector<16xf32>,
        %mul3A_826 = arith.constant 8 : i32
        %mul3A_827 = arith.muli %add3A_484, %mul3A_826 : i32
        %add3A_828 = arith.constant 4 : i32
        %add3A_829 = arith.addi %mul3A_827, %add3A_828 : i32
        %swap3A_830 = arith.index_cast %add3A_829 : i32 to index
        %swap3A_831 = arith.constant 16 : index
        %swap3A_832 = tpu.vector_load %arg9[%swap3A_830, %swap3A_831] {strides = array<i32>} : memref<256x65xf32, #tpu.memory_space<vmem>>, vector<16xf32>,
        tpu.vector_store %arg9[%swap3A_830, %swap3A_831], %get3A_609 {strides = array<i32>} : memref<256x65xf32, #tpu.memory_space<vmem>>, vector<16xf32>,
        %mul3A_833 = arith.constant 8 : i32
        %mul3A_834 = arith.muli %add3A_484, %mul3A_833 : i32
        %add3A_835 = arith.constant 4 : i32
        %add3A_836 = arith.addi %mul3A_834, %add3A_835 : i32
        %swap3A_837 = arith.index_cast %add3A_836 : i32 to index
        %swap3A_838 = arith.constant 32 : index
        %swap3A_839 = tpu.vector_load %arg9[%swap3A_837, %swap3A_838] {strides = array<i32>} : memref<256x65xf32, #tpu.memory_space<vmem>>, vector<16xf32>,
        tpu.vector_store %arg9[%swap3A_837, %swap3A_838], %get3A_616 {strides = array<i32>} : memref<256x65xf32, #tpu.memory_space<vmem>>, vector<16xf32>,
        %mul3A_840 = arith.constant 8 : i32
        %mul3A_841 = arith.muli %add3A_484, %mul3A_840 : i32
        %add3A_842 = arith.constant 4 : i32
        %add3A_843 = arith.addi %mul3A_841, %add3A_842 : i32
        %swap3A_844 = arith.index_cast %add3A_843 : i32 to index
        %swap3A_845 = arith.constant 48 : index
        %swap3A_846 = tpu.vector_load %arg9[%swap3A_844, %swap3A_845] {strides = array<i32>} : memref<256x65xf32, #tpu.memory_space<vmem>>, vector<16xf32>,
        tpu.vector_store %arg9[%swap3A_844, %swap3A_845], %get3A_623 {strides = array<i32>} : memref<256x65xf32, #tpu.memory_space<vmem>>, vector<16xf32>,
        %mul3A_847 = arith.constant 8 : i32
        %mul3A_848 = arith.muli %add3A_484, %mul3A_847 : i32
        %add3A_849 = arith.constant 5 : i32
        %add3A_850 = arith.addi %mul3A_848, %add3A_849 : i32
        %swap3A_851 = arith.index_cast %add3A_850 : i32 to index
        %swap3A_852 = arith.constant 0 : index
        %swap3A_853 = tpu.vector_load %arg9[%swap3A_851, %swap3A_852] {strides = array<i32>} : memref<256x65xf32, #tpu.memory_space<vmem>>, vector<16xf32>,
        tpu.vector_store %arg9[%swap3A_851, %swap3A_852], %get3A_630 {strides = array<i32>} : memref<256x65xf32, #tpu.memory_space<vmem>>, vector<16xf32>,
        %mul3A_854 = arith.constant 8 : i32
        %mul3A_855 = arith.muli %add3A_484, %mul3A_854 : i32
        %add3A_856 = arith.constant 5 : i32
        %add3A_857 = arith.addi %mul3A_855, %add3A_856 : i32
        %swap3A_858 = arith.index_cast %add3A_857 : i32 to index
        %swap3A_859 = arith.constant 16 : index
        %swap3A_860 = tpu.vector_load %arg9[%swap3A_858, %swap3A_859] {strides = array<i32>} : memref<256x65xf32, #tpu.memory_space<vmem>>, vector<16xf32>,
        tpu.vector_store %arg9[%swap3A_858, %swap3A_859], %get3A_637 {strides = array<i32>} : memref<256x65xf32, #tpu.memory_space<vmem>>, vector<16xf32>,
        %mul3A_861 = arith.constant 8 : i32
        %mul3A_862 = arith.muli %add3A_484, %mul3A_861 : i32
        %add3A_863 = arith.constant 5 : i32
        %add3A_864 = arith.addi %mul3A_862, %add3A_863 : i32
        %swap3A_865 = arith.index_cast %add3A_864 : i32 to index
        %swap3A_866 = arith.constant 32 : index
        %swap3A_867 = tpu.vector_load %arg9[%swap3A_865, %swap3A_866] {strides = array<i32>} : memref<256x65xf32, #tpu.memory_space<vmem>>, vector<16xf32>,
        tpu.vector_store %arg9[%swap3A_865, %swap3A_866], %get3A_644 {strides = array<i32>} : memref<256x65xf32, #tpu.memory_space<vmem>>, vector<16xf32>,
        %mul3A_868 = arith.constant 8 : i32
        %mul3A_869 = arith.muli %add3A_484, %mul3A_868 : i32
        %add3A_870 = arith.constant 5 : i32
        %add3A_871 = arith.addi %mul3A_869, %add3A_870 : i32
        %swap3A_872 = arith.index_cast %add3A_871 : i32 to index
        %swap3A_873 = arith.constant 48 : index
        %swap3A_874 = tpu.vector_load %arg9[%swap3A_872, %swap3A_873] {strides = array<i32>} : memref<256x65xf32, #tpu.memory_space<vmem>>, vector<16xf32>,
        tpu.vector_store %arg9[%swap3A_872, %swap3A_873], %get3A_651 {strides = array<i32>} : memref<256x65xf32, #tpu.memory_space<vmem>>, vector<16xf32>,
        %mul3A_875 = arith.constant 8 : i32
        %mul3A_876 = arith.muli %add3A_484, %mul3A_875 : i32
        %add3A_877 = arith.constant 6 : i32
        %add3A_878 = arith.addi %mul3A_876, %add3A_877 : i32
        %swap3A_879 = arith.index_cast %add3A_878 : i32 to index
        %swap3A_880 = arith.constant 0 : index
        %swap3A_881 = tpu.vector_load %arg9[%swap3A_879, %swap3A_880] {strides = array<i32>} : memref<256x65xf32, #tpu.memory_space<vmem>>, vector<16xf32>,
        tpu.vector_store %arg9[%swap3A_879, %swap3A_880], %get3A_658 {strides = array<i32>} : memref<256x65xf32, #tpu.memory_space<vmem>>, vector<16xf32>,
        %mul3A_882 = arith.constant 8 : i32
        %mul3A_883 = arith.muli %add3A_484, %mul3A_882 : i32
        %add3A_884 = arith.constant 6 : i32
        %add3A_885 = arith.addi %mul3A_883, %add3A_884 : i32
        %swap3A_886 = arith.index_cast %add3A_885 : i32 to index
        %swap3A_887 = arith.constant 16 : index
        %swap3A_888 = tpu.vector_load %arg9[%swap3A_886, %swap3A_887] {strides = array<i32>} : memref<256x65xf32, #tpu.memory_space<vmem>>, vector<16xf32>,
        tpu.vector_store %arg9[%swap3A_886, %swap3A_887], %get3A_665 {strides = array<i32>} : memref<256x65xf32, #tpu.memory_space<vmem>>, vector<16xf32>,
        %mul3A_889 = arith.constant 8 : i32
        %mul3A_890 = arith.muli %add3A_484, %mul3A_889 : i32
        %add3A_891 = arith.constant 6 : i32
        %add3A_892 = arith.addi %mul3A_890, %add3A_891 : i32
        %swap3A_893 = arith.index_cast %add3A_892 : i32 to index
        %swap3A_894 = arith.constant 32 : index
        %swap3A_895 = tpu.vector_load %arg9[%swap3A_893, %swap3A_894] {strides = array<i32>} : memref<256x65xf32, #tpu.memory_space<vmem>>, vector<16xf32>,
        tpu.vector_store %arg9[%swap3A_893, %swap3A_894], %get3A_672 {strides = array<i32>} : memref<256x65xf32, #tpu.memory_space<vmem>>, vector<16xf32>,
        %mul3A_896 = arith.constant 8 : i32
        %mul3A_897 = arith.muli %add3A_484, %mul3A_896 : i32
        %add3A_898 = arith.constant 6 : i32
        %add3A_899 = arith.addi %mul3A_897, %add3A_898 : i32
        %swap3A_900 = arith.index_cast %add3A_899 : i32 to index
        %swap3A_901 = arith.constant 48 : index
        %swap3A_902 = tpu.vector_load %arg9[%swap3A_900, %swap3A_901] {strides = array<i32>} : memref<256x65xf32, #tpu.memory_space<vmem>>, vector<16xf32>,
        tpu.vector_store %arg9[%swap3A_900, %swap3A_901], %get3A_679 {strides = array<i32>} : memref<256x65xf32, #tpu.memory_space<vmem>>, vector<16xf32>,
        %mul3A_903 = arith.constant 8 : i32
        %mul3A_904 = arith.muli %add3A_484, %mul3A_903 : i32
        %add3A_905 = arith.constant 7 : i32
        %add3A_906 = arith.addi %mul3A_904, %add3A_905 : i32
        %swap3A_907 = arith.index_cast %add3A_906 : i32 to index
        %swap3A_908 = arith.constant 0 : index
        %swap3A_909 = tpu.vector_load %arg9[%swap3A_907, %swap3A_908] {strides = array<i32>} : memref<256x65xf32, #tpu.memory_space<vmem>>, vector<16xf32>,
        tpu.vector_store %arg9[%swap3A_907, %swap3A_908], %get3A_686 {strides = array<i32>} : memref<256x65xf32, #tpu.memory_space<vmem>>, vector<16xf32>,
        %mul3A_910 = arith.constant 8 : i32
        %mul3A_911 = arith.muli %add3A_484, %mul3A_910 : i32
        %add3A_912 = arith.constant 7 : i32
        %add3A_913 = arith.addi %mul3A_911, %add3A_912 : i32
        %swap3A_914 = arith.index_cast %add3A_913 : i32 to index
        %swap3A_915 = arith.constant 16 : index
        %swap3A_916 = tpu.vector_load %arg9[%swap3A_914, %swap3A_915] {strides = array<i32>} : memref<256x65xf32, #tpu.memory_space<vmem>>, vector<16xf32>,
        tpu.vector_store %arg9[%swap3A_914, %swap3A_915], %get3A_693 {strides = array<i32>} : memref<256x65xf32, #tpu.memory_space<vmem>>, vector<16xf32>,
        %mul3A_917 = arith.constant 8 : i32
        %mul3A_918 = arith.muli %add3A_484, %mul3A_917 : i32
        %add3A_919 = arith.constant 7 : i32
        %add3A_920 = arith.addi %mul3A_918, %add3A_919 : i32
        %swap3A_921 = arith.index_cast %add3A_920 : i32 to index
        %swap3A_922 = arith.constant 32 : index
        %swap3A_923 = tpu.vector_load %arg9[%swap3A_921, %swap3A_922] {strides = array<i32>} : memref<256x65xf32, #tpu.memory_space<vmem>>, vector<16xf32>,
        tpu.vector_store %arg9[%swap3A_921, %swap3A_922], %get3A_700 {strides = array<i32>} : memref<256x65xf32, #tpu.memory_space<vmem>>, vector<16xf32>,
        %mul3A_924 = arith.constant 8 : i32
        %mul3A_925 = arith.muli %add3A_484, %mul3A_924 : i32
        %add3A_926 = arith.constant 7 : i32
        %add3A_927 = arith.addi %mul3A_925, %add3A_926 : i32
        %swap3A_928 = arith.index_cast %add3A_927 : i32 to index
        %swap3A_929 = arith.constant 48 : index
        %swap3A_930 = tpu.vector_load %arg9[%swap3A_928, %swap3A_929] {strides = array<i32>} : memref<256x65xf32, #tpu.memory_space<vmem>>, vector<16xf32>,
        tpu.vector_store %arg9[%swap3A_928, %swap3A_929], %get3A_707 {strides = array<i32>} : memref<256x65xf32, #tpu.memory_space<vmem>>, vector<16xf32>,
      }
      %scan3A_467 = arith.constant 32 : i32
      %scan3A_468 = arith.constant 0 : i32
      %scan3A_469 = arith.constant 8 : i32
      %scan3A_470 = arith.addi %scan3A_468, %scan3A_469 : i32
      %scan3A_471 = arith.constant 1 : i32
      scf.for %scan3A_480 = %scan3A_468 to %scan3A_470 step %scan3A_471  : i32 {
        %mul3A_481 = arith.constant 1 : i32
        %mul3A_482 = arith.muli %scan3A_480, %mul3A_481 : i32
        %add3A_483 = arith.constant 0 : i32
        %add3A_484 = arith.addi %add3A_483, %mul3A_482 : i32
        %mul3A_485 = arith.constant 16 : i32
        %mul3A_486 = arith.muli %add3A_484, %mul3A_485 : i32
        %add3A_487 = arith.constant 0 : i32
        %add3A_488 = arith.addi %mul3A_486, %add3A_487 : i32
        %add3A_489 = arith.constant 0 : i32
        %add3A_490 = arith.addi %add3A_488, %add3A_489 : i32
        %mul3A_491 = arith.constant 8 : i32
        %mul3A_492 = arith.muli %add3A_484, %mul3A_491 : i32
        %add3A_493 = arith.constant 0 : i32
        %add3A_494 = arith.addi %mul3A_492, %add3A_493 : i32
        %broadcast_in_dim3A = vector.broadcast %add3A_494 : i32 to vector<16xi32>
        %gather3A = tpu.vector_load_idx %arg9[%add3A_3, %broadcast_in_dim3A] : memref<256x65xf32, #tpu.memory_space<vmem>>[vector<16xi32>, vector<16xi32>], vector<16xf32>,
        %gather3A_495 = tpu.vector_load_idx %arg9[%add3A_6, %broadcast_in_dim3A] : memref<256x65xf32, #tpu.memory_space<vmem>>[vector<16xi32>, vector<16xi32>], vector<16xf32>,
        %gather3A_496 = tpu.vector_load_idx %arg9[%add3A_9, %broadcast_in_dim3A] : memref<256x65xf32, #tpu.memory_space<vmem>>[vector<16xi32>, vector<16xi32>], vector<16xf32>,
        %gather3A_497 = tpu.vector_load_idx %arg9[%add3A_12, %broadcast_in_dim3A] : memref<256x65xf32, #tpu.memory_space<vmem>>[vector<16xi32>, vector<16xi32>], vector<16xf32>,
        %gather3A_498 = tpu.vector_load_idx %arg9[%add3A_15, %broadcast_in_dim3A] : memref<256x65xf32, #tpu.memory_space<vmem>>[vector<16xi32>, vector<16xi32>], vector<16xf32>,
        %gather3A_499 = tpu.vector_load_idx %arg9[%add3A_18, %broadcast_in_dim3A] : memref<256x65xf32, #tpu.memory_space<vmem>>[vector<16xi32>, vector<16xi32>], vector<16xf32>,
        %gather3A_500 = tpu.vector_load_idx %arg9[%add3A_21, %broadcast_in_dim3A] : memref<256x65xf32, #tpu.memory_space<vmem>>[vector<16xi32>, vector<16xi32>], vector<16xf32>,
        %gather3A_501 = tpu.vector_load_idx %arg9[%add3A_24, %broadcast_in_dim3A] : memref<256x65xf32, #tpu.memory_space<vmem>>[vector<16xi32>, vector<16xi32>], vector<16xf32>,
        %swap3A = arith.index_cast %add3A_490 : i32 to index
        %swap3A_502 = arith.constant 0 : index
        %swap3A_503 = tpu.vector_load %arg11[%swap3A, %swap3A_502] {strides = array<i32>} : memref<128x128xf32, #tpu.memory_space<vmem>>, vector<16xf32>,
        tpu.vector_store %arg11[%swap3A, %swap3A_502], %gather3A {strides = array<i32>} : memref<128x128xf32, #tpu.memory_space<vmem>>, vector<16xf32>,
        %swap3A_504 = arith.index_cast %add3A_490 : i32 to index
        %swap3A_505 = arith.constant 16 : index
        %swap3A_506 = tpu.vector_load %arg11[%swap3A_504, %swap3A_505] {strides = array<i32>} : memref<128x128xf32, #tpu.memory_space<vmem>>, vector<16xf32>,
        tpu.vector_store %arg11[%swap3A_504, %swap3A_505], %gather3A_495 {strides = array<i32>} : memref<128x128xf32, #tpu.memory_space<vmem>>, vector<16xf32>,
        %swap3A_507 = arith.index_cast %add3A_490 : i32 to index
        %swap3A_508 = arith.constant 32 : index
        %swap3A_509 = tpu.vector_load %arg11[%swap3A_507, %swap3A_508] {strides = array<i32>} : memref<128x128xf32, #tpu.memory_space<vmem>>, vector<16xf32>,
        tpu.vector_store %arg11[%swap3A_507, %swap3A_508], %gather3A_496 {strides = array<i32>} : memref<128x128xf32, #tpu.memory_space<vmem>>, vector<16xf32>,
        %swap3A_510 = arith.index_cast %add3A_490 : i32 to index
        %swap3A_511 = arith.constant 48 : index
        %swap3A_512 = tpu.vector_load %arg11[%swap3A_510, %swap3A_511] {strides = array<i32>} : memref<128x128xf32, #tpu.memory_space<vmem>>, vector<16xf32>,
        tpu.vector_store %arg11[%swap3A_510, %swap3A_511], %gather3A_497 {strides = array<i32>} : memref<128x128xf32, #tpu.memory_space<vmem>>, vector<16xf32>,
        %swap3A_513 = arith.index_cast %add3A_490 : i32 to index
        %swap3A_514 = arith.constant 64 : index
        %swap3A_515 = tpu.vector_load %arg11[%swap3A_513, %swap3A_514] {strides = array<i32>} : memref<128x128xf32, #tpu.memory_space<vmem>>, vector<16xf32>,
        tpu.vector_store %arg11[%swap3A_513, %swap3A_514], %gather3A_498 {strides = array<i32>} : memref<128x128xf32, #tpu.memory_space<vmem>>, vector<16xf32>,
        %swap3A_516 = arith.index_cast %add3A_490 : i32 to index
        %swap3A_517 = arith.constant 80 : index
        %swap3A_518 = tpu.vector_load %arg11[%swap3A_516, %swap3A_517] {strides = array<i32>} : memref<128x128xf32, #tpu.memory_space<vmem>>, vector<16xf32>,
        tpu.vector_store %arg11[%swap3A_516, %swap3A_517], %gather3A_499 {strides = array<i32>} : memref<128x128xf32, #tpu.memory_space<vmem>>, vector<16xf32>,
        %swap3A_519 = arith.index_cast %add3A_490 : i32 to index
        %swap3A_520 = arith.constant 96 : index
        %swap3A_521 = tpu.vector_load %arg11[%swap3A_519, %swap3A_520] {strides = array<i32>} : memref<128x128xf32, #tpu.memory_space<vmem>>, vector<16xf32>,
        tpu.vector_store %arg11[%swap3A_519, %swap3A_520], %gather3A_500 {strides = array<i32>} : memref<128x128xf32, #tpu.memory_space<vmem>>, vector<16xf32>,
        %swap3A_522 = arith.index_cast %add3A_490 : i32 to index
        %swap3A_523 = arith.constant 112 : index
        %swap3A_524 = tpu.vector_load %arg11[%swap3A_522, %swap3A_523] {strides = array<i32>} : memref<128x128xf32, #tpu.memory_space<vmem>>, vector<16xf32>,
        tpu.vector_store %arg11[%swap3A_522, %swap3A_523], %gather3A_501 {strides = array<i32>} : memref<128x128xf32, #tpu.memory_space<vmem>>, vector<16xf32>,
        %mul3A_525 = arith.constant 16 : i32
        %mul3A_526 = arith.muli %add3A_484, %mul3A_525 : i32
        %add3A_527 = arith.constant 0 : i32
        %add3A_528 = arith.addi %mul3A_526, %add3A_527 : i32
        %add3A_529 = arith.constant 1 : i32
        %add3A_530 = arith.addi %add3A_528, %add3A_529 : i32
        %mul3A_531 = arith.constant 8 : i32
        %mul3A_532 = arith.muli %add3A_484, %mul3A_531 : i32
        %add3A_533 = arith.constant 1 : i32
        %add3A_534 = arith.addi %mul3A_532, %add3A_533 : i32
        %broadcast_in_dim3A_535 = vector.broadcast %add3A_534 : i32 to vector<16xi32>
        %gather3A_536 = tpu.vector_load_idx %arg9[%add3A_3, %broadcast_in_dim3A_535] : memref<256x65xf32, #tpu.memory_space<vmem>>[vector<16xi32>, vector<16xi32>], vector<16xf32>,
        %gather3A_537 = tpu.vector_load_idx %arg9[%add3A_6, %broadcast_in_dim3A_535] : memref<256x65xf32, #tpu.memory_space<vmem>>[vector<16xi32>, vector<16xi32>], vector<16xf32>,
        %gather3A_538 = tpu.vector_load_idx %arg9[%add3A_9, %broadcast_in_dim3A_535] : memref<256x65xf32, #tpu.memory_space<vmem>>[vector<16xi32>, vector<16xi32>], vector<16xf32>,
        %gather3A_539 = tpu.vector_load_idx %arg9[%add3A_12, %broadcast_in_dim3A_535] : memref<256x65xf32, #tpu.memory_space<vmem>>[vector<16xi32>, vector<16xi32>], vector<16xf32>,
        %gather3A_540 = tpu.vector_load_idx %arg9[%add3A_15, %broadcast_in_dim3A_535] : memref<256x65xf32, #tpu.memory_space<vmem>>[vector<16xi32>, vector<16xi32>], vector<16xf32>,
        %gather3A_541 = tpu.vector_load_idx %arg9[%add3A_18, %broadcast_in_dim3A_535] : memref<256x65xf32, #tpu.memory_space<vmem>>[vector<16xi32>, vector<16xi32>], vector<16xf32>,
        %gather3A_542 = tpu.vector_load_idx %arg9[%add3A_21, %broadcast_in_dim3A_535] : memref<256x65xf32, #tpu.memory_space<vmem>>[vector<16xi32>, vector<16xi32>], vector<16xf32>,
        %gather3A_543 = tpu.vector_load_idx %arg9[%add3A_24, %broadcast_in_dim3A_535] : memref<256x65xf32, #tpu.memory_space<vmem>>[vector<16xi32>, vector<16xi32>], vector<16xf32>,
        %swap3A_544 = arith.index_cast %add3A_530 : i32 to index
        %swap3A_545 = arith.constant 0 : index
        %swap3A_546 = tpu.vector_load %arg11[%swap3A_544, %swap3A_545] {strides = array<i32>} : memref<128x128xf32, #tpu.memory_space<vmem>>, vector<16xf32>,
        tpu.vector_store %arg11[%swap3A_544, %swap3A_545], %gather3A_536 {strides = array<i32>} : memref<128x128xf32, #tpu.memory_space<vmem>>, vector<16xf32>,
        %swap3A_547 = arith.index_cast %add3A_530 : i32 to index
        %swap3A_548 = arith.constant 16 : index
        %swap3A_549 = tpu.vector_load %arg11[%swap3A_547, %swap3A_548] {strides = array<i32>} : memref<128x128xf32, #tpu.memory_space<vmem>>, vector<16xf32>,
        tpu.vector_store %arg11[%swap3A_547, %swap3A_548], %gather3A_537 {strides = array<i32>} : memref<128x128xf32, #tpu.memory_space<vmem>>, vector<16xf32>,
        %swap3A_550 = arith.index_cast %add3A_530 : i32 to index
        %swap3A_551 = arith.constant 32 : index
        %swap3A_552 = tpu.vector_load %arg11[%swap3A_550, %swap3A_551] {strides = array<i32>} : memref<128x128xf32, #tpu.memory_space<vmem>>, vector<16xf32>,
        tpu.vector_store %arg11[%swap3A_550, %swap3A_551], %gather3A_538 {strides = array<i32>} : memref<128x128xf32, #tpu.memory_space<vmem>>, vector<16xf32>,
        %swap3A_553 = arith.index_cast %add3A_530 : i32 to index
        %swap3A_554 = arith.constant 48 : index
        %swap3A_555 = tpu.vector_load %arg11[%swap3A_553, %swap3A_554] {strides = array<i32>} : memref<128x128xf32, #tpu.memory_space<vmem>>, vector<16xf32>,
        tpu.vector_store %arg11[%swap3A_553, %swap3A_554], %gather3A_539 {strides = array<i32>} : memref<128x128xf32, #tpu.memory_space<vmem>>, vector<16xf32>,
        %swap3A_556 = arith.index_cast %add3A_530 : i32 to index
        %swap3A_557 = arith.constant 64 : index
        %swap3A_558 = tpu.vector_load %arg11[%swap3A_556, %swap3A_557] {strides = array<i32>} : memref<128x128xf32, #tpu.memory_space<vmem>>, vector<16xf32>,
        tpu.vector_store %arg11[%swap3A_556, %swap3A_557], %gather3A_540 {strides = array<i32>} : memref<128x128xf32, #tpu.memory_space<vmem>>, vector<16xf32>,
        %swap3A_559 = arith.index_cast %add3A_530 : i32 to index
        %swap3A_560 = arith.constant 80 : index
        %swap3A_561 = tpu.vector_load %arg11[%swap3A_559, %swap3A_560] {strides = array<i32>} : memref<128x128xf32, #tpu.memory_space<vmem>>, vector<16xf32>,
        tpu.vector_store %arg11[%swap3A_559, %swap3A_560], %gather3A_541 {strides = array<i32>} : memref<128x128xf32, #tpu.memory_space<vmem>>, vector<16xf32>,
        %swap3A_562 = arith.index_cast %add3A_530 : i32 to index
        %swap3A_563 = arith.constant 96 : index
        %swap3A_564 = tpu.vector_load %arg11[%swap3A_562, %swap3A_563] {strides = array<i32>} : memref<128x128xf32, #tpu.memory_space<vmem>>, vector<16xf32>,
        tpu.vector_store %arg11[%swap3A_562, %swap3A_563], %gather3A_542 {strides = array<i32>} : memref<128x128xf32, #tpu.memory_space<vmem>>, vector<16xf32>,
        %swap3A_565 = arith.index_cast %add3A_530 : i32 to index
        %swap3A_566 = arith.constant 112 : index
        %swap3A_567 = tpu.vector_load %arg11[%swap3A_565, %swap3A_566] {strides = array<i32>} : memref<128x128xf32, #tpu.memory_space<vmem>>, vector<16xf32>,
        tpu.vector_store %arg11[%swap3A_565, %swap3A_566], %gather3A_543 {strides = array<i32>} : memref<128x128xf32, #tpu.memory_space<vmem>>, vector<16xf32>,
        %mul3A_568 = arith.constant 16 : i32
        %mul3A_569 = arith.muli %add3A_484, %mul3A_568 : i32
        %add3A_570 = arith.constant 0 : i32
        %add3A_571 = arith.addi %mul3A_569, %add3A_570 : i32
        %add3A_572 = arith.constant 2 : i32
        %add3A_573 = arith.addi %add3A_571, %add3A_572 : i32
        %mul3A_574 = arith.constant 8 : i32
        %mul3A_575 = arith.muli %add3A_484, %mul3A_574 : i32
        %add3A_576 = arith.constant 2 : i32
        %add3A_577 = arith.addi %mul3A_575, %add3A_576 : i32
        %broadcast_in_dim3A_578 = vector.broadcast %add3A_577 : i32 to vector<16xi32>
        %gather3A_579 = tpu.vector_load_idx %arg9[%add3A_3, %broadcast_in_dim3A_578] : memref<256x65xf32, #tpu.memory_space<vmem>>[vector<16xi32>, vector<16xi32>], vector<16xf32>,
        %gather3A_580 = tpu.vector_load_idx %arg9[%add3A_6, %broadcast_in_dim3A_578] : memref<256x65xf32, #tpu.memory_space<vmem>>[vector<16xi32>, vector<16xi32>], vector<16xf32>,
        %gather3A_581 = tpu.vector_load_idx %arg9[%add3A_9, %broadcast_in_dim3A_578] : memref<256x65xf32, #tpu.memory_space<vmem>>[vector<16xi32>, vector<16xi32>], vector<16xf32>,
        %gather3A_582 = tpu.vector_load_idx %arg9[%add3A_12, %broadcast_in_dim3A_578] : memref<256x65xf32, #tpu.memory_space<vmem>>[vector<16xi32>, vector<16xi32>], vector<16xf32>,
        %gather3A_583 = tpu.vector_load_idx %arg9[%add3A_15, %broadcast_in_dim3A_578] : memref<256x65xf32, #tpu.memory_space<vmem>>[vector<16xi32>, vector<16xi32>], vector<16xf32>,
        %gather3A_584 = tpu.vector_load_idx %arg9[%add3A_18, %broadcast_in_dim3A_578] : memref<256x65xf32, #tpu.memory_space<vmem>>[vector<16xi32>, vector<16xi32>], vector<16xf32>,
        %gather3A_585 = tpu.vector_load_idx %arg9[%add3A_21, %broadcast_in_dim3A_578] : memref<256x65xf32, #tpu.memory_space<vmem>>[vector<16xi32>, vector<16xi32>], vector<16xf32>,
        %gather3A_586 = tpu.vector_load_idx %arg9[%add3A_24, %broadcast_in_dim3A_578] : memref<256x65xf32, #tpu.memory_space<vmem>>[vector<16xi32>, vector<16xi32>], vector<16xf32>,
        %swap3A_587 = arith.index_cast %add3A_573 : i32 to index
        %swap3A_588 = arith.constant 0 : index
        %swap3A_589 = tpu.vector_load %arg11[%swap3A_587, %swap3A_588] {strides = array<i32>} : memref<128x128xf32, #tpu.memory_space<vmem>>, vector<16xf32>,
        tpu.vector_store %arg11[%swap3A_587, %swap3A_588], %gather3A_579 {strides = array<i32>} : memref<128x128xf32, #tpu.memory_space<vmem>>, vector<16xf32>,
        %swap3A_590 = arith.index_cast %add3A_573 : i32 to index
        %swap3A_591 = arith.constant 16 : index
        %swap3A_592 = tpu.vector_load %arg11[%swap3A_590, %swap3A_591] {strides = array<i32>} : memref<128x128xf32, #tpu.memory_space<vmem>>, vector<16xf32>,
        tpu.vector_store %arg11[%swap3A_590, %swap3A_591], %gather3A_580 {strides = array<i32>} : memref<128x128xf32, #tpu.memory_space<vmem>>, vector<16xf32>,
        %swap3A_593 = arith.index_cast %add3A_573 : i32 to index
        %swap3A_594 = arith.constant 32 : index
        %swap3A_595 = tpu.vector_load %arg11[%swap3A_593, %swap3A_594] {strides = array<i32>} : memref<128x128xf32, #tpu.memory_space<vmem>>, vector<16xf32>,
        tpu.vector_store %arg11[%swap3A_593, %swap3A_594], %gather3A_581 {strides = array<i32>} : memref<128x128xf32, #tpu.memory_space<vmem>>, vector<16xf32>,
        %swap3A_596 = arith.index_cast %add3A_573 : i32 to index
        %swap3A_597 = arith.constant 48 : index
        %swap3A_598 = tpu.vector_load %arg11[%swap3A_596, %swap3A_597] {strides = array<i32>} : memref<128x128xf32, #tpu.memory_space<vmem>>, vector<16xf32>,
        tpu.vector_store %arg11[%swap3A_596, %swap3A_597], %gather3A_582 {strides = array<i32>} : memref<128x128xf32, #tpu.memory_space<vmem>>, vector<16xf32>,
        %swap3A_599 = arith.index_cast %add3A_573 : i32 to index
        %swap3A_600 = arith.constant 64 : index
        %swap3A_601 = tpu.vector_load %arg11[%swap3A_599, %swap3A_600] {strides = array<i32>} : memref<128x128xf32, #tpu.memory_space<vmem>>, vector<16xf32>,
        tpu.vector_store %arg11[%swap3A_599, %swap3A_600], %gather3A_583 {strides = array<i32>} : memref<128x128xf32, #tpu.memory_space<vmem>>, vector<16xf32>,
        %swap3A_602 = arith.index_cast %add3A_573 : i32 to index
        %swap3A_603 = arith.constant 80 : index
        %swap3A_604 = tpu.vector_load %arg11[%swap3A_602, %swap3A_603] {strides = array<i32>} : memref<128x128xf32, #tpu.memory_space<vmem>>, vector<16xf32>,
        tpu.vector_store %arg11[%swap3A_602, %swap3A_603], %gather3A_584 {strides = array<i32>} : memref<128x128xf32, #tpu.memory_space<vmem>>, vector<16xf32>,
        %swap3A_605 = arith.index_cast %add3A_573 : i32 to index
        %swap3A_606 = arith.constant 96 : index
        %swap3A_607 = tpu.vector_load %arg11[%swap3A_605, %swap3A_606] {strides = array<i32>} : memref<128x128xf32, #tpu.memory_space<vmem>>, vector<16xf32>,
        tpu.vector_store %arg11[%swap3A_605, %swap3A_606], %gather3A_585 {strides = array<i32>} : memref<128x128xf32, #tpu.memory_space<vmem>>, vector<16xf32>,
        %swap3A_608 = arith.index_cast %add3A_573 : i32 to index
        %swap3A_609 = arith.constant 112 : index
        %swap3A_610 = tpu.vector_load %arg11[%swap3A_608, %swap3A_609] {strides = array<i32>} : memref<128x128xf32, #tpu.memory_space<vmem>>, vector<16xf32>,
        tpu.vector_store %arg11[%swap3A_608, %swap3A_609], %gather3A_586 {strides = array<i32>} : memref<128x128xf32, #tpu.memory_space<vmem>>, vector<16xf32>,
        %mul3A_611 = arith.constant 16 : i32
        %mul3A_612 = arith.muli %add3A_484, %mul3A_611 : i32
        %add3A_613 = arith.constant 0 : i32
        %add3A_614 = arith.addi %mul3A_612, %add3A_613 : i32
        %add3A_615 = arith.constant 3 : i32
        %add3A_616 = arith.addi %add3A_614, %add3A_615 : i32
        %mul3A_617 = arith.constant 8 : i32
        %mul3A_618 = arith.muli %add3A_484, %mul3A_617 : i32
        %add3A_619 = arith.constant 3 : i32
        %add3A_620 = arith.addi %mul3A_618, %add3A_619 : i32
        %broadcast_in_dim3A_621 = vector.broadcast %add3A_620 : i32 to vector<16xi32>
        %gather3A_622 = tpu.vector_load_idx %arg9[%add3A_3, %broadcast_in_dim3A_621] : memref<256x65xf32, #tpu.memory_space<vmem>>[vector<16xi32>, vector<16xi32>], vector<16xf32>,
        %gather3A_623 = tpu.vector_load_idx %arg9[%add3A_6, %broadcast_in_dim3A_621] : memref<256x65xf32, #tpu.memory_space<vmem>>[vector<16xi32>, vector<16xi32>], vector<16xf32>,
        %gather3A_624 = tpu.vector_load_idx %arg9[%add3A_9, %broadcast_in_dim3A_621] : memref<256x65xf32, #tpu.memory_space<vmem>>[vector<16xi32>, vector<16xi32>], vector<16xf32>,
        %gather3A_625 = tpu.vector_load_idx %arg9[%add3A_12, %broadcast_in_dim3A_621] : memref<256x65xf32, #tpu.memory_space<vmem>>[vector<16xi32>, vector<16xi32>], vector<16xf32>,
        %gather3A_626 = tpu.vector_load_idx %arg9[%add3A_15, %broadcast_in_dim3A_621] : memref<256x65xf32, #tpu.memory_space<vmem>>[vector<16xi32>, vector<16xi32>], vector<16xf32>,
        %gather3A_627 = tpu.vector_load_idx %arg9[%add3A_18, %broadcast_in_dim3A_621] : memref<256x65xf32, #tpu.memory_space<vmem>>[vector<16xi32>, vector<16xi32>], vector<16xf32>,
        %gather3A_628 = tpu.vector_load_idx %arg9[%add3A_21, %broadcast_in_dim3A_621] : memref<256x65xf32, #tpu.memory_space<vmem>>[vector<16xi32>, vector<16xi32>], vector<16xf32>,
        %gather3A_629 = tpu.vector_load_idx %arg9[%add3A_24, %broadcast_in_dim3A_621] : memref<256x65xf32, #tpu.memory_space<vmem>>[vector<16xi32>, vector<16xi32>], vector<16xf32>,
        %swap3A_630 = arith.index_cast %add3A_616 : i32 to index
        %swap3A_631 = arith.constant 0 : index
        %swap3A_632 = tpu.vector_load %arg11[%swap3A_630, %swap3A_631] {strides = array<i32>} : memref<128x128xf32, #tpu.memory_space<vmem>>, vector<16xf32>,
        tpu.vector_store %arg11[%swap3A_630, %swap3A_631], %gather3A_622 {strides = array<i32>} : memref<128x128xf32, #tpu.memory_space<vmem>>, vector<16xf32>,
        %swap3A_633 = arith.index_cast %add3A_616 : i32 to index
        %swap3A_634 = arith.constant 16 : index
        %swap3A_635 = tpu.vector_load %arg11[%swap3A_633, %swap3A_634] {strides = array<i32>} : memref<128x128xf32, #tpu.memory_space<vmem>>, vector<16xf32>,
        tpu.vector_store %arg11[%swap3A_633, %swap3A_634], %gather3A_623 {strides = array<i32>} : memref<128x128xf32, #tpu.memory_space<vmem>>, vector<16xf32>,
        %swap3A_636 = arith.index_cast %add3A_616 : i32 to index
        %swap3A_637 = arith.constant 32 : index
        %swap3A_638 = tpu.vector_load %arg11[%swap3A_636, %swap3A_637] {strides = array<i32>} : memref<128x128xf32, #tpu.memory_space<vmem>>, vector<16xf32>,
        tpu.vector_store %arg11[%swap3A_636, %swap3A_637], %gather3A_624 {strides = array<i32>} : memref<128x128xf32, #tpu.memory_space<vmem>>, vector<16xf32>,
        %swap3A_639 = arith.index_cast %add3A_616 : i32 to index
        %swap3A_640 = arith.constant 48 : index
        %swap3A_641 = tpu.vector_load %arg11[%swap3A_639, %swap3A_640] {strides = array<i32>} : memref<128x128xf32, #tpu.memory_space<vmem>>, vector<16xf32>,
        tpu.vector_store %arg11[%swap3A_639, %swap3A_640], %gather3A_625 {strides = array<i32>} : memref<128x128xf32, #tpu.memory_space<vmem>>, vector<16xf32>,
        %swap3A_642 = arith.index_cast %add3A_616 : i32 to index
        %swap3A_643 = arith.constant 64 : index
        %swap3A_644 = tpu.vector_load %arg11[%swap3A_642, %swap3A_643] {strides = array<i32>} : memref<128x128xf32, #tpu.memory_space<vmem>>, vector<16xf32>,
        tpu.vector_store %arg11[%swap3A_642, %swap3A_643], %gather3A_626 {strides = array<i32>} : memref<128x128xf32, #tpu.memory_space<vmem>>, vector<16xf32>,
        %swap3A_645 = arith.index_cast %add3A_616 : i32 to index
        %swap3A_646 = arith.constant 80 : index
        %swap3A_647 = tpu.vector_load %arg11[%swap3A_645, %swap3A_646] {strides = array<i32>} : memref<128x128xf32, #tpu.memory_space<vmem>>, vector<16xf32>,
        tpu.vector_store %arg11[%swap3A_645, %swap3A_646], %gather3A_627 {strides = array<i32>} : memref<128x128xf32, #tpu.memory_space<vmem>>, vector<16xf32>,
        %swap3A_648 = arith.index_cast %add3A_616 : i32 to index
        %swap3A_649 = arith.constant 96 : index
        %swap3A_650 = tpu.vector_load %arg11[%swap3A_648, %swap3A_649] {strides = array<i32>} : memref<128x128xf32, #tpu.memory_space<vmem>>, vector<16xf32>,
        tpu.vector_store %arg11[%swap3A_648, %swap3A_649], %gather3A_628 {strides = array<i32>} : memref<128x128xf32, #tpu.memory_space<vmem>>, vector<16xf32>,
        %swap3A_651 = arith.index_cast %add3A_616 : i32 to index
        %swap3A_652 = arith.constant 112 : index
        %swap3A_653 = tpu.vector_load %arg11[%swap3A_651, %swap3A_652] {strides = array<i32>} : memref<128x128xf32, #tpu.memory_space<vmem>>, vector<16xf32>,
        tpu.vector_store %arg11[%swap3A_651, %swap3A_652], %gather3A_629 {strides = array<i32>} : memref<128x128xf32, #tpu.memory_space<vmem>>, vector<16xf32>,
        %mul3A_654 = arith.constant 16 : i32
        %mul3A_655 = arith.muli %add3A_484, %mul3A_654 : i32
        %add3A_656 = arith.constant 0 : i32
        %add3A_657 = arith.addi %mul3A_655, %add3A_656 : i32
        %add3A_658 = arith.constant 4 : i32
        %add3A_659 = arith.addi %add3A_657, %add3A_658 : i32
        %mul3A_660 = arith.constant 8 : i32
        %mul3A_661 = arith.muli %add3A_484, %mul3A_660 : i32
        %add3A_662 = arith.constant 4 : i32
        %add3A_663 = arith.addi %mul3A_661, %add3A_662 : i32
        %broadcast_in_dim3A_664 = vector.broadcast %add3A_663 : i32 to vector<16xi32>
        %gather3A_665 = tpu.vector_load_idx %arg9[%add3A_3, %broadcast_in_dim3A_664] : memref<256x65xf32, #tpu.memory_space<vmem>>[vector<16xi32>, vector<16xi32>], vector<16xf32>,
        %gather3A_666 = tpu.vector_load_idx %arg9[%add3A_6, %broadcast_in_dim3A_664] : memref<256x65xf32, #tpu.memory_space<vmem>>[vector<16xi32>, vector<16xi32>], vector<16xf32>,
        %gather3A_667 = tpu.vector_load_idx %arg9[%add3A_9, %broadcast_in_dim3A_664] : memref<256x65xf32, #tpu.memory_space<vmem>>[vector<16xi32>, vector<16xi32>], vector<16xf32>,
        %gather3A_668 = tpu.vector_load_idx %arg9[%add3A_12, %broadcast_in_dim3A_664] : memref<256x65xf32, #tpu.memory_space<vmem>>[vector<16xi32>, vector<16xi32>], vector<16xf32>,
        %gather3A_669 = tpu.vector_load_idx %arg9[%add3A_15, %broadcast_in_dim3A_664] : memref<256x65xf32, #tpu.memory_space<vmem>>[vector<16xi32>, vector<16xi32>], vector<16xf32>,
        %gather3A_670 = tpu.vector_load_idx %arg9[%add3A_18, %broadcast_in_dim3A_664] : memref<256x65xf32, #tpu.memory_space<vmem>>[vector<16xi32>, vector<16xi32>], vector<16xf32>,
        %gather3A_671 = tpu.vector_load_idx %arg9[%add3A_21, %broadcast_in_dim3A_664] : memref<256x65xf32, #tpu.memory_space<vmem>>[vector<16xi32>, vector<16xi32>], vector<16xf32>,
        %gather3A_672 = tpu.vector_load_idx %arg9[%add3A_24, %broadcast_in_dim3A_664] : memref<256x65xf32, #tpu.memory_space<vmem>>[vector<16xi32>, vector<16xi32>], vector<16xf32>,
        %swap3A_673 = arith.index_cast %add3A_659 : i32 to index
        %swap3A_674 = arith.constant 0 : index
        %swap3A_675 = tpu.vector_load %arg11[%swap3A_673, %swap3A_674] {strides = array<i32>} : memref<128x128xf32, #tpu.memory_space<vmem>>, vector<16xf32>,
        tpu.vector_store %arg11[%swap3A_673, %swap3A_674], %gather3A_665 {strides = array<i32>} : memref<128x128xf32, #tpu.memory_space<vmem>>, vector<16xf32>,
        %swap3A_676 = arith.index_cast %add3A_659 : i32 to index
        %swap3A_677 = arith.constant 16 : index
        %swap3A_678 = tpu.vector_load %arg11[%swap3A_676, %swap3A_677] {strides = array<i32>} : memref<128x128xf32, #tpu.memory_space<vmem>>, vector<16xf32>,
        tpu.vector_store %arg11[%swap3A_676, %swap3A_677], %gather3A_666 {strides = array<i32>} : memref<128x128xf32, #tpu.memory_space<vmem>>, vector<16xf32>,
        %swap3A_679 = arith.index_cast %add3A_659 : i32 to index
        %swap3A_680 = arith.constant 32 : index
        %swap3A_681 = tpu.vector_load %arg11[%swap3A_679, %swap3A_680] {strides = array<i32>} : memref<128x128xf32, #tpu.memory_space<vmem>>, vector<16xf32>,
        tpu.vector_store %arg11[%swap3A_679, %swap3A_680], %gather3A_667 {strides = array<i32>} : memref<128x128xf32, #tpu.memory_space<vmem>>, vector<16xf32>,
        %swap3A_682 = arith.index_cast %add3A_659 : i32 to index
        %swap3A_683 = arith.constant 48 : index
        %swap3A_684 = tpu.vector_load %arg11[%swap3A_682, %swap3A_683] {strides = array<i32>} : memref<128x128xf32, #tpu.memory_space<vmem>>, vector<16xf32>,
        tpu.vector_store %arg11[%swap3A_682, %swap3A_683], %gather3A_668 {strides = array<i32>} : memref<128x128xf32, #tpu.memory_space<vmem>>, vector<16xf32>,
        %swap3A_685 = arith.index_cast %add3A_659 : i32 to index
        %swap3A_686 = arith.constant 64 : index
        %swap3A_687 = tpu.vector_load %arg11[%swap3A_685, %swap3A_686] {strides = array<i32>} : memref<128x128xf32, #tpu.memory_space<vmem>>, vector<16xf32>,
        tpu.vector_store %arg11[%swap3A_685, %swap3A_686], %gather3A_669 {strides = array<i32>} : memref<128x128xf32, #tpu.memory_space<vmem>>, vector<16xf32>,
        %swap3A_688 = arith.index_cast %add3A_659 : i32 to index
        %swap3A_689 = arith.constant 80 : index
        %swap3A_690 = tpu.vector_load %arg11[%swap3A_688, %swap3A_689] {strides = array<i32>} : memref<128x128xf32, #tpu.memory_space<vmem>>, vector<16xf32>,
        tpu.vector_store %arg11[%swap3A_688, %swap3A_689], %gather3A_670 {strides = array<i32>} : memref<128x128xf32, #tpu.memory_space<vmem>>, vector<16xf32>,
        %swap3A_691 = arith.index_cast %add3A_659 : i32 to index
        %swap3A_692 = arith.constant 96 : index
        %swap3A_693 = tpu.vector_load %arg11[%swap3A_691, %swap3A_692] {strides = array<i32>} : memref<128x128xf32, #tpu.memory_space<vmem>>, vector<16xf32>,
        tpu.vector_store %arg11[%swap3A_691, %swap3A_692], %gather3A_671 {strides = array<i32>} : memref<128x128xf32, #tpu.memory_space<vmem>>, vector<16xf32>,
        %swap3A_694 = arith.index_cast %add3A_659 : i32 to index
        %swap3A_695 = arith.constant 112 : index
        %swap3A_696 = tpu.vector_load %arg11[%swap3A_694, %swap3A_695] {strides = array<i32>} : memref<128x128xf32, #tpu.memory_space<vmem>>, vector<16xf32>,
        tpu.vector_store %arg11[%swap3A_694, %swap3A_695], %gather3A_672 {strides = array<i32>} : memref<128x128xf32, #tpu.memory_space<vmem>>, vector<16xf32>,
        %mul3A_697 = arith.constant 16 : i32
        %mul3A_698 = arith.muli %add3A_484, %mul3A_697 : i32
        %add3A_699 = arith.constant 0 : i32
        %add3A_700 = arith.addi %mul3A_698, %add3A_699 : i32
        %add3A_701 = arith.constant 5 : i32
        %add3A_702 = arith.addi %add3A_700, %add3A_701 : i32
        %mul3A_703 = arith.constant 8 : i32
        %mul3A_704 = arith.muli %add3A_484, %mul3A_703 : i32
        %add3A_705 = arith.constant 5 : i32
        %add3A_706 = arith.addi %mul3A_704, %add3A_705 : i32
        %broadcast_in_dim3A_707 = vector.broadcast %add3A_706 : i32 to vector<16xi32>
        %gather3A_708 = tpu.vector_load_idx %arg9[%add3A_3, %broadcast_in_dim3A_707] : memref<256x65xf32, #tpu.memory_space<vmem>>[vector<16xi32>, vector<16xi32>], vector<16xf32>,
        %gather3A_709 = tpu.vector_load_idx %arg9[%add3A_6, %broadcast_in_dim3A_707] : memref<256x65xf32, #tpu.memory_space<vmem>>[vector<16xi32>, vector<16xi32>], vector<16xf32>,
        %gather3A_710 = tpu.vector_load_idx %arg9[%add3A_9, %broadcast_in_dim3A_707] : memref<256x65xf32, #tpu.memory_space<vmem>>[vector<16xi32>, vector<16xi32>], vector<16xf32>,
        %gather3A_711 = tpu.vector_load_idx %arg9[%add3A_12, %broadcast_in_dim3A_707] : memref<256x65xf32, #tpu.memory_space<vmem>>[vector<16xi32>, vector<16xi32>], vector<16xf32>,
        %gather3A_712 = tpu.vector_load_idx %arg9[%add3A_15, %broadcast_in_dim3A_707] : memref<256x65xf32, #tpu.memory_space<vmem>>[vector<16xi32>, vector<16xi32>], vector<16xf32>,
        %gather3A_713 = tpu.vector_load_idx %arg9[%add3A_18, %broadcast_in_dim3A_707] : memref<256x65xf32, #tpu.memory_space<vmem>>[vector<16xi32>, vector<16xi32>], vector<16xf32>,
        %gather3A_714 = tpu.vector_load_idx %arg9[%add3A_21, %broadcast_in_dim3A_707] : memref<256x65xf32, #tpu.memory_space<vmem>>[vector<16xi32>, vector<16xi32>], vector<16xf32>,
        %gather3A_715 = tpu.vector_load_idx %arg9[%add3A_24, %broadcast_in_dim3A_707] : memref<256x65xf32, #tpu.memory_space<vmem>>[vector<16xi32>, vector<16xi32>], vector<16xf32>,
        %swap3A_716 = arith.index_cast %add3A_702 : i32 to index
        %swap3A_717 = arith.constant 0 : index
        %swap3A_718 = tpu.vector_load %arg11[%swap3A_716, %swap3A_717] {strides = array<i32>} : memref<128x128xf32, #tpu.memory_space<vmem>>, vector<16xf32>,
        tpu.vector_store %arg11[%swap3A_716, %swap3A_717], %gather3A_708 {strides = array<i32>} : memref<128x128xf32, #tpu.memory_space<vmem>>, vector<16xf32>,
        %swap3A_719 = arith.index_cast %add3A_702 : i32 to index
        %swap3A_720 = arith.constant 16 : index
        %swap3A_721 = tpu.vector_load %arg11[%swap3A_719, %swap3A_720] {strides = array<i32>} : memref<128x128xf32, #tpu.memory_space<vmem>>, vector<16xf32>,
        tpu.vector_store %arg11[%swap3A_719, %swap3A_720], %gather3A_709 {strides = array<i32>} : memref<128x128xf32, #tpu.memory_space<vmem>>, vector<16xf32>,
        %swap3A_722 = arith.index_cast %add3A_702 : i32 to index
        %swap3A_723 = arith.constant 32 : index
        %swap3A_724 = tpu.vector_load %arg11[%swap3A_722, %swap3A_723] {strides = array<i32>} : memref<128x128xf32, #tpu.memory_space<vmem>>, vector<16xf32>,
        tpu.vector_store %arg11[%swap3A_722, %swap3A_723], %gather3A_710 {strides = array<i32>} : memref<128x128xf32, #tpu.memory_space<vmem>>, vector<16xf32>,
        %swap3A_725 = arith.index_cast %add3A_702 : i32 to index
        %swap3A_726 = arith.constant 48 : index
        %swap3A_727 = tpu.vector_load %arg11[%swap3A_725, %swap3A_726] {strides = array<i32>} : memref<128x128xf32, #tpu.memory_space<vmem>>, vector<16xf32>,
        tpu.vector_store %arg11[%swap3A_725, %swap3A_726], %gather3A_711 {strides = array<i32>} : memref<128x128xf32, #tpu.memory_space<vmem>>, vector<16xf32>,
        %swap3A_728 = arith.index_cast %add3A_702 : i32 to index
        %swap3A_729 = arith.constant 64 : index
        %swap3A_730 = tpu.vector_load %arg11[%swap3A_728, %swap3A_729] {strides = array<i32>} : memref<128x128xf32, #tpu.memory_space<vmem>>, vector<16xf32>,
        tpu.vector_store %arg11[%swap3A_728, %swap3A_729], %gather3A_712 {strides = array<i32>} : memref<128x128xf32, #tpu.memory_space<vmem>>, vector<16xf32>,
        %swap3A_731 = arith.index_cast %add3A_702 : i32 to index
        %swap3A_732 = arith.constant 80 : index
        %swap3A_733 = tpu.vector_load %arg11[%swap3A_731, %swap3A_732] {strides = array<i32>} : memref<128x128xf32, #tpu.memory_space<vmem>>, vector<16xf32>,
        tpu.vector_store %arg11[%swap3A_731, %swap3A_732], %gather3A_713 {strides = array<i32>} : memref<128x128xf32, #tpu.memory_space<vmem>>, vector<16xf32>,
        %swap3A_734 = arith.index_cast %add3A_702 : i32 to index
        %swap3A_735 = arith.constant 96 : index
        %swap3A_736 = tpu.vector_load %arg11[%swap3A_734, %swap3A_735] {strides = array<i32>} : memref<128x128xf32, #tpu.memory_space<vmem>>, vector<16xf32>,
        tpu.vector_store %arg11[%swap3A_734, %swap3A_735], %gather3A_714 {strides = array<i32>} : memref<128x128xf32, #tpu.memory_space<vmem>>, vector<16xf32>,
        %swap3A_737 = arith.index_cast %add3A_702 : i32 to index
        %swap3A_738 = arith.constant 112 : index
        %swap3A_739 = tpu.vector_load %arg11[%swap3A_737, %swap3A_738] {strides = array<i32>} : memref<128x128xf32, #tpu.memory_space<vmem>>, vector<16xf32>,
        tpu.vector_store %arg11[%swap3A_737, %swap3A_738], %gather3A_715 {strides = array<i32>} : memref<128x128xf32, #tpu.memory_space<vmem>>, vector<16xf32>,
        %mul3A_740 = arith.constant 16 : i32
        %mul3A_741 = arith.muli %add3A_484, %mul3A_740 : i32
        %add3A_742 = arith.constant 0 : i32
        %add3A_743 = arith.addi %mul3A_741, %add3A_742 : i32
        %add3A_744 = arith.constant 6 : i32
        %add3A_745 = arith.addi %add3A_743, %add3A_744 : i32
        %mul3A_746 = arith.constant 8 : i32
        %mul3A_747 = arith.muli %add3A_484, %mul3A_746 : i32
        %add3A_748 = arith.constant 6 : i32
        %add3A_749 = arith.addi %mul3A_747, %add3A_748 : i32
        %broadcast_in_dim3A_750 = vector.broadcast %add3A_749 : i32 to vector<16xi32>
        %gather3A_751 = tpu.vector_load_idx %arg9[%add3A_3, %broadcast_in_dim3A_750] : memref<256x65xf32, #tpu.memory_space<vmem>>[vector<16xi32>, vector<16xi32>], vector<16xf32>,
        %gather3A_752 = tpu.vector_load_idx %arg9[%add3A_6, %broadcast_in_dim3A_750] : memref<256x65xf32, #tpu.memory_space<vmem>>[vector<16xi32>, vector<16xi32>], vector<16xf32>,
        %gather3A_753 = tpu.vector_load_idx %arg9[%add3A_9, %broadcast_in_dim3A_750] : memref<256x65xf32, #tpu.memory_space<vmem>>[vector<16xi32>, vector<16xi32>], vector<16xf32>,
        %gather3A_754 = tpu.vector_load_idx %arg9[%add3A_12, %broadcast_in_dim3A_750] : memref<256x65xf32, #tpu.memory_space<vmem>>[vector<16xi32>, vector<16xi32>], vector<16xf32>,
        %gather3A_755 = tpu.vector_load_idx %arg9[%add3A_15, %broadcast_in_dim3A_750] : memref<256x65xf32, #tpu.memory_space<vmem>>[vector<16xi32>, vector<16xi32>], vector<16xf32>,
        %gather3A_756 = tpu.vector_load_idx %arg9[%add3A_18, %broadcast_in_dim3A_750] : memref<256x65xf32, #tpu.memory_space<vmem>>[vector<16xi32>, vector<16xi32>], vector<16xf32>,
        %gather3A_757 = tpu.vector_load_idx %arg9[%add3A_21, %broadcast_in_dim3A_750] : memref<256x65xf32, #tpu.memory_space<vmem>>[vector<16xi32>, vector<16xi32>], vector<16xf32>,
        %gather3A_758 = tpu.vector_load_idx %arg9[%add3A_24, %broadcast_in_dim3A_750] : memref<256x65xf32, #tpu.memory_space<vmem>>[vector<16xi32>, vector<16xi32>], vector<16xf32>,
        %swap3A_759 = arith.index_cast %add3A_745 : i32 to index
        %swap3A_760 = arith.constant 0 : index
        %swap3A_761 = tpu.vector_load %arg11[%swap3A_759, %swap3A_760] {strides = array<i32>} : memref<128x128xf32, #tpu.memory_space<vmem>>, vector<16xf32>,
        tpu.vector_store %arg11[%swap3A_759, %swap3A_760], %gather3A_751 {strides = array<i32>} : memref<128x128xf32, #tpu.memory_space<vmem>>, vector<16xf32>,
        %swap3A_762 = arith.index_cast %add3A_745 : i32 to index
        %swap3A_763 = arith.constant 16 : index
        %swap3A_764 = tpu.vector_load %arg11[%swap3A_762, %swap3A_763] {strides = array<i32>} : memref<128x128xf32, #tpu.memory_space<vmem>>, vector<16xf32>,
        tpu.vector_store %arg11[%swap3A_762, %swap3A_763], %gather3A_752 {strides = array<i32>} : memref<128x128xf32, #tpu.memory_space<vmem>>, vector<16xf32>,
        %swap3A_765 = arith.index_cast %add3A_745 : i32 to index
        %swap3A_766 = arith.constant 32 : index
        %swap3A_767 = tpu.vector_load %arg11[%swap3A_765, %swap3A_766] {strides = array<i32>} : memref<128x128xf32, #tpu.memory_space<vmem>>, vector<16xf32>,
        tpu.vector_store %arg11[%swap3A_765, %swap3A_766], %gather3A_753 {strides = array<i32>} : memref<128x128xf32, #tpu.memory_space<vmem>>, vector<16xf32>,
        %swap3A_768 = arith.index_cast %add3A_745 : i32 to index
        %swap3A_769 = arith.constant 48 : index
        %swap3A_770 = tpu.vector_load %arg11[%swap3A_768, %swap3A_769] {strides = array<i32>} : memref<128x128xf32, #tpu.memory_space<vmem>>, vector<16xf32>,
        tpu.vector_store %arg11[%swap3A_768, %swap3A_769], %gather3A_754 {strides = array<i32>} : memref<128x128xf32, #tpu.memory_space<vmem>>, vector<16xf32>,
        %swap3A_771 = arith.index_cast %add3A_745 : i32 to index
        %swap3A_772 = arith.constant 64 : index
        %swap3A_773 = tpu.vector_load %arg11[%swap3A_771, %swap3A_772] {strides = array<i32>} : memref<128x128xf32, #tpu.memory_space<vmem>>, vector<16xf32>,
        tpu.vector_store %arg11[%swap3A_771, %swap3A_772], %gather3A_755 {strides = array<i32>} : memref<128x128xf32, #tpu.memory_space<vmem>>, vector<16xf32>,
        %swap3A_774 = arith.index_cast %add3A_745 : i32 to index
        %swap3A_775 = arith.constant 80 : index
        %swap3A_776 = tpu.vector_load %arg11[%swap3A_774, %swap3A_775] {strides = array<i32>} : memref<128x128xf32, #tpu.memory_space<vmem>>, vector<16xf32>,
        tpu.vector_store %arg11[%swap3A_774, %swap3A_775], %gather3A_756 {strides = array<i32>} : memref<128x128xf32, #tpu.memory_space<vmem>>, vector<16xf32>,
        %swap3A_777 = arith.index_cast %add3A_745 : i32 to index
        %swap3A_778 = arith.constant 96 : index
        %swap3A_779 = tpu.vector_load %arg11[%swap3A_777, %swap3A_778] {strides = array<i32>} : memref<128x128xf32, #tpu.memory_space<vmem>>, vector<16xf32>,
        tpu.vector_store %arg11[%swap3A_777, %swap3A_778], %gather3A_757 {strides = array<i32>} : memref<128x128xf32, #tpu.memory_space<vmem>>, vector<16xf32>,
        %swap3A_780 = arith.index_cast %add3A_745 : i32 to index
        %swap3A_781 = arith.constant 112 : index
        %swap3A_782 = tpu.vector_load %arg11[%swap3A_780, %swap3A_781] {strides = array<i32>} : memref<128x128xf32, #tpu.memory_space<vmem>>, vector<16xf32>,
        tpu.vector_store %arg11[%swap3A_780, %swap3A_781], %gather3A_758 {strides = array<i32>} : memref<128x128xf32, #tpu.memory_space<vmem>>, vector<16xf32>,
        %mul3A_783 = arith.constant 16 : i32
        %mul3A_784 = arith.muli %add3A_484, %mul3A_783 : i32
        %add3A_785 = arith.constant 0 : i32
        %add3A_786 = arith.addi %mul3A_784, %add3A_785 : i32
        %add3A_787 = arith.constant 7 : i32
        %add3A_788 = arith.addi %add3A_786, %add3A_787 : i32
        %mul3A_789 = arith.constant 8 : i32
        %mul3A_790 = arith.muli %add3A_484, %mul3A_789 : i32
        %add3A_791 = arith.constant 7 : i32
        %add3A_792 = arith.addi %mul3A_790, %add3A_791 : i32
        %broadcast_in_dim3A_793 = vector.broadcast %add3A_792 : i32 to vector<16xi32>
        %gather3A_794 = tpu.vector_load_idx %arg9[%add3A_3, %broadcast_in_dim3A_793] : memref<256x65xf32, #tpu.memory_space<vmem>>[vector<16xi32>, vector<16xi32>], vector<16xf32>,
        %gather3A_795 = tpu.vector_load_idx %arg9[%add3A_6, %broadcast_in_dim3A_793] : memref<256x65xf32, #tpu.memory_space<vmem>>[vector<16xi32>, vector<16xi32>], vector<16xf32>,
        %gather3A_796 = tpu.vector_load_idx %arg9[%add3A_9, %broadcast_in_dim3A_793] : memref<256x65xf32, #tpu.memory_space<vmem>>[vector<16xi32>, vector<16xi32>], vector<16xf32>,
        %gather3A_797 = tpu.vector_load_idx %arg9[%add3A_12, %broadcast_in_dim3A_793] : memref<256x65xf32, #tpu.memory_space<vmem>>[vector<16xi32>, vector<16xi32>], vector<16xf32>,
        %gather3A_798 = tpu.vector_load_idx %arg9[%add3A_15, %broadcast_in_dim3A_793] : memref<256x65xf32, #tpu.memory_space<vmem>>[vector<16xi32>, vector<16xi32>], vector<16xf32>,
        %gather3A_799 = tpu.vector_load_idx %arg9[%add3A_18, %broadcast_in_dim3A_793] : memref<256x65xf32, #tpu.memory_space<vmem>>[vector<16xi32>, vector<16xi32>], vector<16xf32>,
        %gather3A_800 = tpu.vector_load_idx %arg9[%add3A_21, %broadcast_in_dim3A_793] : memref<256x65xf32, #tpu.memory_space<vmem>>[vector<16xi32>, vector<16xi32>], vector<16xf32>,
        %gather3A_801 = tpu.vector_load_idx %arg9[%add3A_24, %broadcast_in_dim3A_793] : memref<256x65xf32, #tpu.memory_space<vmem>>[vector<16xi32>, vector<16xi32>], vector<16xf32>,
        %swap3A_802 = arith.index_cast %add3A_788 : i32 to index
        %swap3A_803 = arith.constant 0 : index
        %swap3A_804 = tpu.vector_load %arg11[%swap3A_802, %swap3A_803] {strides = array<i32>} : memref<128x128xf32, #tpu.memory_space<vmem>>, vector<16xf32>,
        tpu.vector_store %arg11[%swap3A_802, %swap3A_803], %gather3A_794 {strides = array<i32>} : memref<128x128xf32, #tpu.memory_space<vmem>>, vector<16xf32>,
        %swap3A_805 = arith.index_cast %add3A_788 : i32 to index
        %swap3A_806 = arith.constant 16 : index
        %swap3A_807 = tpu.vector_load %arg11[%swap3A_805, %swap3A_806] {strides = array<i32>} : memref<128x128xf32, #tpu.memory_space<vmem>>, vector<16xf32>,
        tpu.vector_store %arg11[%swap3A_805, %swap3A_806], %gather3A_795 {strides = array<i32>} : memref<128x128xf32, #tpu.memory_space<vmem>>, vector<16xf32>,
        %swap3A_808 = arith.index_cast %add3A_788 : i32 to index
        %swap3A_809 = arith.constant 32 : index
        %swap3A_810 = tpu.vector_load %arg11[%swap3A_808, %swap3A_809] {strides = array<i32>} : memref<128x128xf32, #tpu.memory_space<vmem>>, vector<16xf32>,
        tpu.vector_store %arg11[%swap3A_808, %swap3A_809], %gather3A_796 {strides = array<i32>} : memref<128x128xf32, #tpu.memory_space<vmem>>, vector<16xf32>,
        %swap3A_811 = arith.index_cast %add3A_788 : i32 to index
        %swap3A_812 = arith.constant 48 : index
        %swap3A_813 = tpu.vector_load %arg11[%swap3A_811, %swap3A_812] {strides = array<i32>} : memref<128x128xf32, #tpu.memory_space<vmem>>, vector<16xf32>,
        tpu.vector_store %arg11[%swap3A_811, %swap3A_812], %gather3A_797 {strides = array<i32>} : memref<128x128xf32, #tpu.memory_space<vmem>>, vector<16xf32>,
        %swap3A_814 = arith.index_cast %add3A_788 : i32 to index
        %swap3A_815 = arith.constant 64 : index
        %swap3A_816 = tpu.vector_load %arg11[%swap3A_814, %swap3A_815] {strides = array<i32>} : memref<128x128xf32, #tpu.memory_space<vmem>>, vector<16xf32>,
        tpu.vector_store %arg11[%swap3A_814, %swap3A_815], %gather3A_798 {strides = array<i32>} : memref<128x128xf32, #tpu.memory_space<vmem>>, vector<16xf32>,
        %swap3A_817 = arith.index_cast %add3A_788 : i32 to index
        %swap3A_818 = arith.constant 80 : index
        %swap3A_819 = tpu.vector_load %arg11[%swap3A_817, %swap3A_818] {strides = array<i32>} : memref<128x128xf32, #tpu.memory_space<vmem>>, vector<16xf32>,
        tpu.vector_store %arg11[%swap3A_817, %swap3A_818], %gather3A_799 {strides = array<i32>} : memref<128x128xf32, #tpu.memory_space<vmem>>, vector<16xf32>,
        %swap3A_820 = arith.index_cast %add3A_788 : i32 to index
        %swap3A_821 = arith.constant 96 : index
        %swap3A_822 = tpu.vector_load %arg11[%swap3A_820, %swap3A_821] {strides = array<i32>} : memref<128x128xf32, #tpu.memory_space<vmem>>, vector<16xf32>,
        tpu.vector_store %arg11[%swap3A_820, %swap3A_821], %gather3A_800 {strides = array<i32>} : memref<128x128xf32, #tpu.memory_space<vmem>>, vector<16xf32>,
        %swap3A_823 = arith.index_cast %add3A_788 : i32 to index
        %swap3A_824 = arith.constant 112 : index
        %swap3A_825 = tpu.vector_load %arg11[%swap3A_823, %swap3A_824] {strides = array<i32>} : memref<128x128xf32, #tpu.memory_space<vmem>>, vector<16xf32>,
        tpu.vector_store %arg11[%swap3A_823, %swap3A_824], %gather3A_801 {strides = array<i32>} : memref<128x128xf32, #tpu.memory_space<vmem>>, vector<16xf32>,
        %mul3A_826 = arith.constant 16 : i32
        %mul3A_827 = arith.muli %add3A_484, %mul3A_826 : i32
        %add3A_828 = arith.constant 8 : i32
        %add3A_829 = arith.addi %mul3A_827, %add3A_828 : i32
        %add3A_830 = arith.constant 0 : i32
        %add3A_831 = arith.addi %add3A_829, %add3A_830 : i32
        %mul3A_832 = arith.constant 8 : i32
        %mul3A_833 = arith.muli %add3A_484, %mul3A_832 : i32
        %add3A_834 = arith.constant 0 : i32
        %add3A_835 = arith.addi %mul3A_833, %add3A_834 : i32
        %broadcast_in_dim3A_836 = vector.broadcast %add3A_835 : i32 to vector<16xi32>
        %gather3A_837 = tpu.vector_load_idx %arg9[%add3A_27, %broadcast_in_dim3A_836] : memref<256x65xf32, #tpu.memory_space<vmem>>[vector<16xi32>, vector<16xi32>], vector<16xf32>,
        %gather3A_838 = tpu.vector_load_idx %arg9[%add3A_30, %broadcast_in_dim3A_836] : memref<256x65xf32, #tpu.memory_space<vmem>>[vector<16xi32>, vector<16xi32>], vector<16xf32>,
        %gather3A_839 = tpu.vector_load_idx %arg9[%add3A_33, %broadcast_in_dim3A_836] : memref<256x65xf32, #tpu.memory_space<vmem>>[vector<16xi32>, vector<16xi32>], vector<16xf32>,
        %gather3A_840 = tpu.vector_load_idx %arg9[%add3A_36, %broadcast_in_dim3A_836] : memref<256x65xf32, #tpu.memory_space<vmem>>[vector<16xi32>, vector<16xi32>], vector<16xf32>,
        %gather3A_841 = tpu.vector_load_idx %arg9[%add3A_39, %broadcast_in_dim3A_836] : memref<256x65xf32, #tpu.memory_space<vmem>>[vector<16xi32>, vector<16xi32>], vector<16xf32>,
        %gather3A_842 = tpu.vector_load_idx %arg9[%add3A_42, %broadcast_in_dim3A_836] : memref<256x65xf32, #tpu.memory_space<vmem>>[vector<16xi32>, vector<16xi32>], vector<16xf32>,
        %gather3A_843 = tpu.vector_load_idx %arg9[%add3A_45, %broadcast_in_dim3A_836] : memref<256x65xf32, #tpu.memory_space<vmem>>[vector<16xi32>, vector<16xi32>], vector<16xf32>,
        %gather3A_844 = tpu.vector_load_idx %arg9[%add3A_48, %broadcast_in_dim3A_836] : memref<256x65xf32, #tpu.memory_space<vmem>>[vector<16xi32>, vector<16xi32>], vector<16xf32>,
        %swap3A_845 = arith.index_cast %add3A_831 : i32 to index
        %swap3A_846 = arith.constant 0 : index
        %swap3A_847 = tpu.vector_load %arg11[%swap3A_845, %swap3A_846] {strides = array<i32>} : memref<128x128xf32, #tpu.memory_space<vmem>>, vector<16xf32>,
        tpu.vector_store %arg11[%swap3A_845, %swap3A_846], %gather3A_837 {strides = array<i32>} : memref<128x128xf32, #tpu.memory_space<vmem>>, vector<16xf32>,
        %swap3A_848 = arith.index_cast %add3A_831 : i32 to index
        %swap3A_849 = arith.constant 16 : index
        %swap3A_850 = tpu.vector_load %arg11[%swap3A_848, %swap3A_849] {strides = array<i32>} : memref<128x128xf32, #tpu.memory_space<vmem>>, vector<16xf32>,
        tpu.vector_store %arg11[%swap3A_848, %swap3A_849], %gather3A_838 {strides = array<i32>} : memref<128x128xf32, #tpu.memory_space<vmem>>, vector<16xf32>,
        %swap3A_851 = arith.index_cast %add3A_831 : i32 to index
        %swap3A_852 = arith.constant 32 : index
        %swap3A_853 = tpu.vector_load %arg11[%swap3A_851, %swap3A_852] {strides = array<i32>} : memref<128x128xf32, #tpu.memory_space<vmem>>, vector<16xf32>,
        tpu.vector_store %arg11[%swap3A_851, %swap3A_852], %gather3A_839 {strides = array<i32>} : memref<128x128xf32, #tpu.memory_space<vmem>>, vector<16xf32>,
        %swap3A_854 = arith.index_cast %add3A_831 : i32 to index
        %swap3A_855 = arith.constant 48 : index
        %swap3A_856 = tpu.vector_load %arg11[%swap3A_854, %swap3A_855] {strides = array<i32>} : memref<128x128xf32, #tpu.memory_space<vmem>>, vector<16xf32>,
        tpu.vector_store %arg11[%swap3A_854, %swap3A_855], %gather3A_840 {strides = array<i32>} : memref<128x128xf32, #tpu.memory_space<vmem>>, vector<16xf32>,
        %swap3A_857 = arith.index_cast %add3A_831 : i32 to index
        %swap3A_858 = arith.constant 64 : index
        %swap3A_859 = tpu.vector_load %arg11[%swap3A_857, %swap3A_858] {strides = array<i32>} : memref<128x128xf32, #tpu.memory_space<vmem>>, vector<16xf32>,
        tpu.vector_store %arg11[%swap3A_857, %swap3A_858], %gather3A_841 {strides = array<i32>} : memref<128x128xf32, #tpu.memory_space<vmem>>, vector<16xf32>,
        %swap3A_860 = arith.index_cast %add3A_831 : i32 to index
        %swap3A_861 = arith.constant 80 : index
        %swap3A_862 = tpu.vector_load %arg11[%swap3A_860, %swap3A_861] {strides = array<i32>} : memref<128x128xf32, #tpu.memory_space<vmem>>, vector<16xf32>,
        tpu.vector_store %arg11[%swap3A_860, %swap3A_861], %gather3A_842 {strides = array<i32>} : memref<128x128xf32, #tpu.memory_space<vmem>>, vector<16xf32>,
        %swap3A_863 = arith.index_cast %add3A_831 : i32 to index
        %swap3A_864 = arith.constant 96 : index
        %swap3A_865 = tpu.vector_load %arg11[%swap3A_863, %swap3A_864] {strides = array<i32>} : memref<128x128xf32, #tpu.memory_space<vmem>>, vector<16xf32>,
        tpu.vector_store %arg11[%swap3A_863, %swap3A_864], %gather3A_843 {strides = array<i32>} : memref<128x128xf32, #tpu.memory_space<vmem>>, vector<16xf32>,
        %swap3A_866 = arith.index_cast %add3A_831 : i32 to index
        %swap3A_867 = arith.constant 112 : index
        %swap3A_868 = tpu.vector_load %arg11[%swap3A_866, %swap3A_867] {strides = array<i32>} : memref<128x128xf32, #tpu.memory_space<vmem>>, vector<16xf32>,
        tpu.vector_store %arg11[%swap3A_866, %swap3A_867], %gather3A_844 {strides = array<i32>} : memref<128x128xf32, #tpu.memory_space<vmem>>, vector<16xf32>,
        %mul3A_869 = arith.constant 16 : i32
        %mul3A_870 = arith.muli %add3A_484, %mul3A_869 : i32
        %add3A_871 = arith.constant 8 : i32
        %add3A_872 = arith.addi %mul3A_870, %add3A_871 : i32
        %add3A_873 = arith.constant 1 : i32
        %add3A_874 = arith.addi %add3A_872, %add3A_873 : i32
        %mul3A_875 = arith.constant 8 : i32
        %mul3A_876 = arith.muli %add3A_484, %mul3A_875 : i32
        %add3A_877 = arith.constant 1 : i32
        %add3A_878 = arith.addi %mul3A_876, %add3A_877 : i32
        %broadcast_in_dim3A_879 = vector.broadcast %add3A_878 : i32 to vector<16xi32>
        %gather3A_880 = tpu.vector_load_idx %arg9[%add3A_27, %broadcast_in_dim3A_879] : memref<256x65xf32, #tpu.memory_space<vmem>>[vector<16xi32>, vector<16xi32>], vector<16xf32>,
        %gather3A_881 = tpu.vector_load_idx %arg9[%add3A_30, %broadcast_in_dim3A_879] : memref<256x65xf32, #tpu.memory_space<vmem>>[vector<16xi32>, vector<16xi32>], vector<16xf32>,
        %gather3A_882 = tpu.vector_load_idx %arg9[%add3A_33, %broadcast_in_dim3A_879] : memref<256x65xf32, #tpu.memory_space<vmem>>[vector<16xi32>, vector<16xi32>], vector<16xf32>,
        %gather3A_883 = tpu.vector_load_idx %arg9[%add3A_36, %broadcast_in_dim3A_879] : memref<256x65xf32, #tpu.memory_space<vmem>>[vector<16xi32>, vector<16xi32>], vector<16xf32>,
        %gather3A_884 = tpu.vector_load_idx %arg9[%add3A_39, %broadcast_in_dim3A_879] : memref<256x65xf32, #tpu.memory_space<vmem>>[vector<16xi32>, vector<16xi32>], vector<16xf32>,
        %gather3A_885 = tpu.vector_load_idx %arg9[%add3A_42, %broadcast_in_dim3A_879] : memref<256x65xf32, #tpu.memory_space<vmem>>[vector<16xi32>, vector<16xi32>], vector<16xf32>,
        %gather3A_886 = tpu.vector_load_idx %arg9[%add3A_45, %broadcast_in_dim3A_879] : memref<256x65xf32, #tpu.memory_space<vmem>>[vector<16xi32>, vector<16xi32>], vector<16xf32>,
        %gather3A_887 = tpu.vector_load_idx %arg9[%add3A_48, %broadcast_in_dim3A_879] : memref<256x65xf32, #tpu.memory_space<vmem>>[vector<16xi32>, vector<16xi32>], vector<16xf32>,
        %swap3A_888 = arith.index_cast %add3A_874 : i32 to index
        %swap3A_889 = arith.constant 0 : index
        %swap3A_890 = tpu.vector_load %arg11[%swap3A_888, %swap3A_889] {strides = array<i32>} : memref<128x128xf32, #tpu.memory_space<vmem>>, vector<16xf32>,
        tpu.vector_store %arg11[%swap3A_888, %swap3A_889], %gather3A_880 {strides = array<i32>} : memref<128x128xf32, #tpu.memory_space<vmem>>, vector<16xf32>,
        %swap3A_891 = arith.index_cast %add3A_874 : i32 to index
        %swap3A_892 = arith.constant 16 : index
        %swap3A_893 = tpu.vector_load %arg11[%swap3A_891, %swap3A_892] {strides = array<i32>} : memref<128x128xf32, #tpu.memory_space<vmem>>, vector<16xf32>,
        tpu.vector_store %arg11[%swap3A_891, %swap3A_892], %gather3A_881 {strides = array<i32>} : memref<128x128xf32, #tpu.memory_space<vmem>>, vector<16xf32>,
        %swap3A_894 = arith.index_cast %add3A_874 : i32 to index
        %swap3A_895 = arith.constant 32 : index
        %swap3A_896 = tpu.vector_load %arg11[%swap3A_894, %swap3A_895] {strides = array<i32>} : memref<128x128xf32, #tpu.memory_space<vmem>>, vector<16xf32>,
        tpu.vector_store %arg11[%swap3A_894, %swap3A_895], %gather3A_882 {strides = array<i32>} : memref<128x128xf32, #tpu.memory_space<vmem>>, vector<16xf32>,
        %swap3A_897 = arith.index_cast %add3A_874 : i32 to index
        %swap3A_898 = arith.constant 48 : index
        %swap3A_899 = tpu.vector_load %arg11[%swap3A_897, %swap3A_898] {strides = array<i32>} : memref<128x128xf32, #tpu.memory_space<vmem>>, vector<16xf32>,
        tpu.vector_store %arg11[%swap3A_897, %swap3A_898], %gather3A_883 {strides = array<i32>} : memref<128x128xf32, #tpu.memory_space<vmem>>, vector<16xf32>,
        %swap3A_900 = arith.index_cast %add3A_874 : i32 to index
        %swap3A_901 = arith.constant 64 : index
        %swap3A_902 = tpu.vector_load %arg11[%swap3A_900, %swap3A_901] {strides = array<i32>} : memref<128x128xf32, #tpu.memory_space<vmem>>, vector<16xf32>,
        tpu.vector_store %arg11[%swap3A_900, %swap3A_901], %gather3A_884 {strides = array<i32>} : memref<128x128xf32, #tpu.memory_space<vmem>>, vector<16xf32>,
        %swap3A_903 = arith.index_cast %add3A_874 : i32 to index
        %swap3A_904 = arith.constant 80 : index
        %swap3A_905 = tpu.vector_load %arg11[%swap3A_903, %swap3A_904] {strides = array<i32>} : memref<128x128xf32, #tpu.memory_space<vmem>>, vector<16xf32>,
        tpu.vector_store %arg11[%swap3A_903, %swap3A_904], %gather3A_885 {strides = array<i32>} : memref<128x128xf32, #tpu.memory_space<vmem>>, vector<16xf32>,
        %swap3A_906 = arith.index_cast %add3A_874 : i32 to index
        %swap3A_907 = arith.constant 96 : index
        %swap3A_908 = tpu.vector_load %arg11[%swap3A_906, %swap3A_907] {strides = array<i32>} : memref<128x128xf32, #tpu.memory_space<vmem>>, vector<16xf32>,
        tpu.vector_store %arg11[%swap3A_906, %swap3A_907], %gather3A_886 {strides = array<i32>} : memref<128x128xf32, #tpu.memory_space<vmem>>, vector<16xf32>,
        %swap3A_909 = arith.index_cast %add3A_874 : i32 to index
        %swap3A_910 = arith.constant 112 : index
        %swap3A_911 = tpu.vector_load %arg11[%swap3A_909, %swap3A_910] {strides = array<i32>} : memref<128x128xf32, #tpu.memory_space<vmem>>, vector<16xf32>,
        tpu.vector_store %arg11[%swap3A_909, %swap3A_910], %gather3A_887 {strides = array<i32>} : memref<128x128xf32, #tpu.memory_space<vmem>>, vector<16xf32>,
        %mul3A_912 = arith.constant 16 : i32
        %mul3A_913 = arith.muli %add3A_484, %mul3A_912 : i32
        %add3A_914 = arith.constant 8 : i32
        %add3A_915 = arith.addi %mul3A_913, %add3A_914 : i32
        %add3A_916 = arith.constant 2 : i32
        %add3A_917 = arith.addi %add3A_915, %add3A_916 : i32
        %mul3A_918 = arith.constant 8 : i32
        %mul3A_919 = arith.muli %add3A_484, %mul3A_918 : i32
        %add3A_920 = arith.constant 2 : i32
        %add3A_921 = arith.addi %mul3A_919, %add3A_920 : i32
        %broadcast_in_dim3A_922 = vector.broadcast %add3A_921 : i32 to vector<16xi32>
        %gather3A_923 = tpu.vector_load_idx %arg9[%add3A_27, %broadcast_in_dim3A_922] : memref<256x65xf32, #tpu.memory_space<vmem>>[vector<16xi32>, vector<16xi32>], vector<16xf32>,
        %gather3A_924 = tpu.vector_load_idx %arg9[%add3A_30, %broadcast_in_dim3A_922] : memref<256x65xf32, #tpu.memory_space<vmem>>[vector<16xi32>, vector<16xi32>], vector<16xf32>,
        %gather3A_925 = tpu.vector_load_idx %arg9[%add3A_33, %broadcast_in_dim3A_922] : memref<256x65xf32, #tpu.memory_space<vmem>>[vector<16xi32>, vector<16xi32>], vector<16xf32>,
        %gather3A_926 = tpu.vector_load_idx %arg9[%add3A_36, %broadcast_in_dim3A_922] : memref<256x65xf32, #tpu.memory_space<vmem>>[vector<16xi32>, vector<16xi32>], vector<16xf32>,
        %gather3A_927 = tpu.vector_load_idx %arg9[%add3A_39, %broadcast_in_dim3A_922] : memref<256x65xf32, #tpu.memory_space<vmem>>[vector<16xi32>, vector<16xi32>], vector<16xf32>,
        %gather3A_928 = tpu.vector_load_idx %arg9[%add3A_42, %broadcast_in_dim3A_922] : memref<256x65xf32, #tpu.memory_space<vmem>>[vector<16xi32>, vector<16xi32>], vector<16xf32>,
        %gather3A_929 = tpu.vector_load_idx %arg9[%add3A_45, %broadcast_in_dim3A_922] : memref<256x65xf32, #tpu.memory_space<vmem>>[vector<16xi32>, vector<16xi32>], vector<16xf32>,
        %gather3A_930 = tpu.vector_load_idx %arg9[%add3A_48, %broadcast_in_dim3A_922] : memref<256x65xf32, #tpu.memory_space<vmem>>[vector<16xi32>, vector<16xi32>], vector<16xf32>,
        %swap3A_931 = arith.index_cast %add3A_917 : i32 to index
        %swap3A_932 = arith.constant 0 : index
        %swap3A_933 = tpu.vector_load %arg11[%swap3A_931, %swap3A_932] {strides = array<i32>} : memref<128x128xf32, #tpu.memory_space<vmem>>, vector<16xf32>,
        tpu.vector_store %arg11[%swap3A_931, %swap3A_932], %gather3A_923 {strides = array<i32>} : memref<128x128xf32, #tpu.memory_space<vmem>>, vector<16xf32>,
        %swap3A_934 = arith.index_cast %add3A_917 : i32 to index
        %swap3A_935 = arith.constant 16 : index
        %swap3A_936 = tpu.vector_load %arg11[%swap3A_934, %swap3A_935] {strides = array<i32>} : memref<128x128xf32, #tpu.memory_space<vmem>>, vector<16xf32>,
        tpu.vector_store %arg11[%swap3A_934, %swap3A_935], %gather3A_924 {strides = array<i32>} : memref<128x128xf32, #tpu.memory_space<vmem>>, vector<16xf32>,
        %swap3A_937 = arith.index_cast %add3A_917 : i32 to index
        %swap3A_938 = arith.constant 32 : index
        %swap3A_939 = tpu.vector_load %arg11[%swap3A_937, %swap3A_938] {strides = array<i32>} : memref<128x128xf32, #tpu.memory_space<vmem>>, vector<16xf32>,
        tpu.vector_store %arg11[%swap3A_937, %swap3A_938], %gather3A_925 {strides = array<i32>} : memref<128x128xf32, #tpu.memory_space<vmem>>, vector<16xf32>,
        %swap3A_940 = arith.index_cast %add3A_917 : i32 to index
        %swap3A_941 = arith.constant 48 : index
        %swap3A_942 = tpu.vector_load %arg11[%swap3A_940, %swap3A_941] {strides = array<i32>} : memref<128x128xf32, #tpu.memory_space<vmem>>, vector<16xf32>,
        tpu.vector_store %arg11[%swap3A_940, %swap3A_941], %gather3A_926 {strides = array<i32>} : memref<128x128xf32, #tpu.memory_space<vmem>>, vector<16xf32>,
        %swap3A_943 = arith.index_cast %add3A_917 : i32 to index
        %swap3A_944 = arith.constant 64 : index
        %swap3A_945 = tpu.vector_load %arg11[%swap3A_943, %swap3A_944] {strides = array<i32>} : memref<128x128xf32, #tpu.memory_space<vmem>>, vector<16xf32>,
        tpu.vector_store %arg11[%swap3A_943, %swap3A_944], %gather3A_927 {strides = array<i32>} : memref<128x128xf32, #tpu.memory_space<vmem>>, vector<16xf32>,
        %swap3A_946 = arith.index_cast %add3A_917 : i32 to index
        %swap3A_947 = arith.constant 80 : index
        %swap3A_948 = tpu.vector_load %arg11[%swap3A_946, %swap3A_947] {strides = array<i32>} : memref<128x128xf32, #tpu.memory_space<vmem>>, vector<16xf32>,
        tpu.vector_store %arg11[%swap3A_946, %swap3A_947], %gather3A_928 {strides = array<i32>} : memref<128x128xf32, #tpu.memory_space<vmem>>, vector<16xf32>,
        %swap3A_949 = arith.index_cast %add3A_917 : i32 to index
        %swap3A_950 = arith.constant 96 : index
        %swap3A_951 = tpu.vector_load %arg11[%swap3A_949, %swap3A_950] {strides = array<i32>} : memref<128x128xf32, #tpu.memory_space<vmem>>, vector<16xf32>,
        tpu.vector_store %arg11[%swap3A_949, %swap3A_950], %gather3A_929 {strides = array<i32>} : memref<128x128xf32, #tpu.memory_space<vmem>>, vector<16xf32>,
        %swap3A_952 = arith.index_cast %add3A_917 : i32 to index
        %swap3A_953 = arith.constant 112 : index
        %swap3A_954 = tpu.vector_load %arg11[%swap3A_952, %swap3A_953] {strides = array<i32>} : memref<128x128xf32, #tpu.memory_space<vmem>>, vector<16xf32>,
        tpu.vector_store %arg11[%swap3A_952, %swap3A_953], %gather3A_930 {strides = array<i32>} : memref<128x128xf32, #tpu.memory_space<vmem>>, vector<16xf32>,
        %mul3A_955 = arith.constant 16 : i32
        %mul3A_956 = arith.muli %add3A_484, %mul3A_955 : i32
        %add3A_957 = arith.constant 8 : i32
        %add3A_958 = arith.addi %mul3A_956, %add3A_957 : i32
        %add3A_959 = arith.constant 3 : i32
        %add3A_960 = arith.addi %add3A_958, %add3A_959 : i32
        %mul3A_961 = arith.constant 8 : i32
        %mul3A_962 = arith.muli %add3A_484, %mul3A_961 : i32
        %add3A_963 = arith.constant 3 : i32
        %add3A_964 = arith.addi %mul3A_962, %add3A_963 : i32
        %broadcast_in_dim3A_965 = vector.broadcast %add3A_964 : i32 to vector<16xi32>
        %gather3A_966 = tpu.vector_load_idx %arg9[%add3A_27, %broadcast_in_dim3A_965] : memref<256x65xf32, #tpu.memory_space<vmem>>[vector<16xi32>, vector<16xi32>], vector<16xf32>,
        %gather3A_967 = tpu.vector_load_idx %arg9[%add3A_30, %broadcast_in_dim3A_965] : memref<256x65xf32, #tpu.memory_space<vmem>>[vector<16xi32>, vector<16xi32>], vector<16xf32>,
        %gather3A_968 = tpu.vector_load_idx %arg9[%add3A_33, %broadcast_in_dim3A_965] : memref<256x65xf32, #tpu.memory_space<vmem>>[vector<16xi32>, vector<16xi32>], vector<16xf32>,
        %gather3A_969 = tpu.vector_load_idx %arg9[%add3A_36, %broadcast_in_dim3A_965] : memref<256x65xf32, #tpu.memory_space<vmem>>[vector<16xi32>, vector<16xi32>], vector<16xf32>,
        %gather3A_970 = tpu.vector_load_idx %arg9[%add3A_39, %broadcast_in_dim3A_965] : memref<256x65xf32, #tpu.memory_space<vmem>>[vector<16xi32>, vector<16xi32>], vector<16xf32>,
        %gather3A_971 = tpu.vector_load_idx %arg9[%add3A_42, %broadcast_in_dim3A_965] : memref<256x65xf32, #tpu.memory_space<vmem>>[vector<16xi32>, vector<16xi32>], vector<16xf32>,
        %gather3A_972 = tpu.vector_load_idx %arg9[%add3A_45, %broadcast_in_dim3A_965] : memref<256x65xf32, #tpu.memory_space<vmem>>[vector<16xi32>, vector<16xi32>], vector<16xf32>,
        %gather3A_973 = tpu.vector_load_idx %arg9[%add3A_48, %broadcast_in_dim3A_965] : memref<256x65xf32, #tpu.memory_space<vmem>>[vector<16xi32>, vector<16xi32>], vector<16xf32>,
        %swap3A_974 = arith.index_cast %add3A_960 : i32 to index
        %swap3A_975 = arith.constant 0 : index
        %swap3A_976 = tpu.vector_load %arg11[%swap3A_974, %swap3A_975] {strides = array<i32>} : memref<128x128xf32, #tpu.memory_space<vmem>>, vector<16xf32>,
        tpu.vector_store %arg11[%swap3A_974, %swap3A_975], %gather3A_966 {strides = array<i32>} : memref<128x128xf32, #tpu.memory_space<vmem>>, vector<16xf32>,
        %swap3A_977 = arith.index_cast %add3A_960 : i32 to index
        %swap3A_978 = arith.constant 16 : index
        %swap3A_979 = tpu.vector_load %arg11[%swap3A_977, %swap3A_978] {strides = array<i32>} : memref<128x128xf32, #tpu.memory_space<vmem>>, vector<16xf32>,
        tpu.vector_store %arg11[%swap3A_977, %swap3A_978], %gather3A_967 {strides = array<i32>} : memref<128x128xf32, #tpu.memory_space<vmem>>, vector<16xf32>,
        %swap3A_980 = arith.index_cast %add3A_960 : i32 to index
        %swap3A_981 = arith.constant 32 : index
        %swap3A_982 = tpu.vector_load %arg11[%swap3A_980, %swap3A_981] {strides = array<i32>} : memref<128x128xf32, #tpu.memory_space<vmem>>, vector<16xf32>,
        tpu.vector_store %arg11[%swap3A_980, %swap3A_981], %gather3A_968 {strides = array<i32>} : memref<128x128xf32, #tpu.memory_space<vmem>>, vector<16xf32>,
        %swap3A_983 = arith.index_cast %add3A_960 : i32 to index
        %swap3A_984 = arith.constant 48 : index
        %swap3A_985 = tpu.vector_load %arg11[%swap3A_983, %swap3A_984] {strides = array<i32>} : memref<128x128xf32, #tpu.memory_space<vmem>>, vector<16xf32>,
        tpu.vector_store %arg11[%swap3A_983, %swap3A_984], %gather3A_969 {strides = array<i32>} : memref<128x128xf32, #tpu.memory_space<vmem>>, vector<16xf32>,
        %swap3A_986 = arith.index_cast %add3A_960 : i32 to index
        %swap3A_987 = arith.constant 64 : index
        %swap3A_988 = tpu.vector_load %arg11[%swap3A_986, %swap3A_987] {strides = array<i32>} : memref<128x128xf32, #tpu.memory_space<vmem>>, vector<16xf32>,
        tpu.vector_store %arg11[%swap3A_986, %swap3A_987], %gather3A_970 {strides = array<i32>} : memref<128x128xf32, #tpu.memory_space<vmem>>, vector<16xf32>,
        %swap3A_989 = arith.index_cast %add3A_960 : i32 to index
        %swap3A_990 = arith.constant 80 : index
        %swap3A_991 = tpu.vector_load %arg11[%swap3A_989, %swap3A_990] {strides = array<i32>} : memref<128x128xf32, #tpu.memory_space<vmem>>, vector<16xf32>,
        tpu.vector_store %arg11[%swap3A_989, %swap3A_990], %gather3A_971 {strides = array<i32>} : memref<128x128xf32, #tpu.memory_space<vmem>>, vector<16xf32>,
        %swap3A_992 = arith.index_cast %add3A_960 : i32 to index
        %swap3A_993 = arith.constant 96 : index
        %swap3A_994 = tpu.vector_load %arg11[%swap3A_992, %swap3A_993] {strides = array<i32>} : memref<128x128xf32, #tpu.memory_space<vmem>>, vector<16xf32>,
        tpu.vector_store %arg11[%swap3A_992, %swap3A_993], %gather3A_972 {strides = array<i32>} : memref<128x128xf32, #tpu.memory_space<vmem>>, vector<16xf32>,
        %swap3A_995 = arith.index_cast %add3A_960 : i32 to index
        %swap3A_996 = arith.constant 112 : index
        %swap3A_997 = tpu.vector_load %arg11[%swap3A_995, %swap3A_996] {strides = array<i32>} : memref<128x128xf32, #tpu.memory_space<vmem>>, vector<16xf32>,
        tpu.vector_store %arg11[%swap3A_995, %swap3A_996], %gather3A_973 {strides = array<i32>} : memref<128x128xf32, #tpu.memory_space<vmem>>, vector<16xf32>,
        %mul3A_998 = arith.constant 16 : i32
        %mul3A_999 = arith.muli %add3A_484, %mul3A_998 : i32
        %add3A_1000 = arith.constant 8 : i32
        %add3A_1001 = arith.addi %mul3A_999, %add3A_1000 : i32
        %add3A_1002 = arith.constant 4 : i32
        %add3A_1003 = arith.addi %add3A_1001, %add3A_1002 : i32
        %mul3A_1004 = arith.constant 8 : i32
        %mul3A_1005 = arith.muli %add3A_484, %mul3A_1004 : i32
        %add3A_1006 = arith.constant 4 : i32
        %add3A_1007 = arith.addi %mul3A_1005, %add3A_1006 : i32
        %broadcast_in_dim3A_1008 = vector.broadcast %add3A_1007 : i32 to vector<16xi32>
        %gather3A_1009 = tpu.vector_load_idx %arg9[%add3A_27, %broadcast_in_dim3A_1008] : memref<256x65xf32, #tpu.memory_space<vmem>>[vector<16xi32>, vector<16xi32>], vector<16xf32>,
        %gather3A_1010 = tpu.vector_load_idx %arg9[%add3A_30, %broadcast_in_dim3A_1008] : memref<256x65xf32, #tpu.memory_space<vmem>>[vector<16xi32>, vector<16xi32>], vector<16xf32>,
        %gather3A_1011 = tpu.vector_load_idx %arg9[%add3A_33, %broadcast_in_dim3A_1008] : memref<256x65xf32, #tpu.memory_space<vmem>>[vector<16xi32>, vector<16xi32>], vector<16xf32>,
        %gather3A_1012 = tpu.vector_load_idx %arg9[%add3A_36, %broadcast_in_dim3A_1008] : memref<256x65xf32, #tpu.memory_space<vmem>>[vector<16xi32>, vector<16xi32>], vector<16xf32>,
        %gather3A_1013 = tpu.vector_load_idx %arg9[%add3A_39, %broadcast_in_dim3A_1008] : memref<256x65xf32, #tpu.memory_space<vmem>>[vector<16xi32>, vector<16xi32>], vector<16xf32>,
        %gather3A_1014 = tpu.vector_load_idx %arg9[%add3A_42, %broadcast_in_dim3A_1008] : memref<256x65xf32, #tpu.memory_space<vmem>>[vector<16xi32>, vector<16xi32>], vector<16xf32>,
        %gather3A_1015 = tpu.vector_load_idx %arg9[%add3A_45, %broadcast_in_dim3A_1008] : memref<256x65xf32, #tpu.memory_space<vmem>>[vector<16xi32>, vector<16xi32>], vector<16xf32>,
        %gather3A_1016 = tpu.vector_load_idx %arg9[%add3A_48, %broadcast_in_dim3A_1008] : memref<256x65xf32, #tpu.memory_space<vmem>>[vector<16xi32>, vector<16xi32>], vector<16xf32>,
        %swap3A_1017 = arith.index_cast %add3A_1003 : i32 to index
        %swap3A_1018 = arith.constant 0 : index
        %swap3A_1019 = tpu.vector_load %arg11[%swap3A_1017, %swap3A_1018] {strides = array<i32>} : memref<128x128xf32, #tpu.memory_space<vmem>>, vector<16xf32>,
        tpu.vector_store %arg11[%swap3A_1017, %swap3A_1018], %gather3A_1009 {strides = array<i32>} : memref<128x128xf32, #tpu.memory_space<vmem>>, vector<16xf32>,
        %swap3A_1020 = arith.index_cast %add3A_1003 : i32 to index
        %swap3A_1021 = arith.constant 16 : index
        %swap3A_1022 = tpu.vector_load %arg11[%swap3A_1020, %swap3A_1021] {strides = array<i32>} : memref<128x128xf32, #tpu.memory_space<vmem>>, vector<16xf32>,
        tpu.vector_store %arg11[%swap3A_1020, %swap3A_1021], %gather3A_1010 {strides = array<i32>} : memref<128x128xf32, #tpu.memory_space<vmem>>, vector<16xf32>,
        %swap3A_1023 = arith.index_cast %add3A_1003 : i32 to index
        %swap3A_1024 = arith.constant 32 : index
        %swap3A_1025 = tpu.vector_load %arg11[%swap3A_1023, %swap3A_1024] {strides = array<i32>} : memref<128x128xf32, #tpu.memory_space<vmem>>, vector<16xf32>,
        tpu.vector_store %arg11[%swap3A_1023, %swap3A_1024], %gather3A_1011 {strides = array<i32>} : memref<128x128xf32, #tpu.memory_space<vmem>>, vector<16xf32>,
        %swap3A_1026 = arith.index_cast %add3A_1003 : i32 to index
        %swap3A_1027 = arith.constant 48 : index
        %swap3A_1028 = tpu.vector_load %arg11[%swap3A_1026, %swap3A_1027] {strides = array<i32>} : memref<128x128xf32, #tpu.memory_space<vmem>>, vector<16xf32>,
        tpu.vector_store %arg11[%swap3A_1026, %swap3A_1027], %gather3A_1012 {strides = array<i32>} : memref<128x128xf32, #tpu.memory_space<vmem>>, vector<16xf32>,
        %swap3A_1029 = arith.index_cast %add3A_1003 : i32 to index
        %swap3A_1030 = arith.constant 64 : index
        %swap3A_1031 = tpu.vector_load %arg11[%swap3A_1029, %swap3A_1030] {strides = array<i32>} : memref<128x128xf32, #tpu.memory_space<vmem>>, vector<16xf32>,
        tpu.vector_store %arg11[%swap3A_1029, %swap3A_1030], %gather3A_1013 {strides = array<i32>} : memref<128x128xf32, #tpu.memory_space<vmem>>, vector<16xf32>,
        %swap3A_1032 = arith.index_cast %add3A_1003 : i32 to index
        %swap3A_1033 = arith.constant 80 : index
        %swap3A_1034 = tpu.vector_load %arg11[%swap3A_1032, %swap3A_1033] {strides = array<i32>} : memref<128x128xf32, #tpu.memory_space<vmem>>, vector<16xf32>,
        tpu.vector_store %arg11[%swap3A_1032, %swap3A_1033], %gather3A_1014 {strides = array<i32>} : memref<128x128xf32, #tpu.memory_space<vmem>>, vector<16xf32>,
        %swap3A_1035 = arith.index_cast %add3A_1003 : i32 to index
        %swap3A_1036 = arith.constant 96 : index
        %swap3A_1037 = tpu.vector_load %arg11[%swap3A_1035, %swap3A_1036] {strides = array<i32>} : memref<128x128xf32, #tpu.memory_space<vmem>>, vector<16xf32>,
        tpu.vector_store %arg11[%swap3A_1035, %swap3A_1036], %gather3A_1015 {strides = array<i32>} : memref<128x128xf32, #tpu.memory_space<vmem>>, vector<16xf32>,
        %swap3A_1038 = arith.index_cast %add3A_1003 : i32 to index
        %swap3A_1039 = arith.constant 112 : index
        %swap3A_1040 = tpu.vector_load %arg11[%swap3A_1038, %swap3A_1039] {strides = array<i32>} : memref<128x128xf32, #tpu.memory_space<vmem>>, vector<16xf32>,
        tpu.vector_store %arg11[%swap3A_1038, %swap3A_1039], %gather3A_1016 {strides = array<i32>} : memref<128x128xf32, #tpu.memory_space<vmem>>, vector<16xf32>,
        %mul3A_1041 = arith.constant 16 : i32
        %mul3A_1042 = arith.muli %add3A_484, %mul3A_1041 : i32
        %add3A_1043 = arith.constant 8 : i32
        %add3A_1044 = arith.addi %mul3A_1042, %add3A_1043 : i32
        %add3A_1045 = arith.constant 5 : i32
        %add3A_1046 = arith.addi %add3A_1044, %add3A_1045 : i32
        %mul3A_1047 = arith.constant 8 : i32
        %mul3A_1048 = arith.muli %add3A_484, %mul3A_1047 : i32
        %add3A_1049 = arith.constant 5 : i32
        %add3A_1050 = arith.addi %mul3A_1048, %add3A_1049 : i32
        %broadcast_in_dim3A_1051 = vector.broadcast %add3A_1050 : i32 to vector<16xi32>
        %gather3A_1052 = tpu.vector_load_idx %arg9[%add3A_27, %broadcast_in_dim3A_1051] : memref<256x65xf32, #tpu.memory_space<vmem>>[vector<16xi32>, vector<16xi32>], vector<16xf32>,
        %gather3A_1053 = tpu.vector_load_idx %arg9[%add3A_30, %broadcast_in_dim3A_1051] : memref<256x65xf32, #tpu.memory_space<vmem>>[vector<16xi32>, vector<16xi32>], vector<16xf32>,
        %gather3A_1054 = tpu.vector_load_idx %arg9[%add3A_33, %broadcast_in_dim3A_1051] : memref<256x65xf32, #tpu.memory_space<vmem>>[vector<16xi32>, vector<16xi32>], vector<16xf32>,
        %gather3A_1055 = tpu.vector_load_idx %arg9[%add3A_36, %broadcast_in_dim3A_1051] : memref<256x65xf32, #tpu.memory_space<vmem>>[vector<16xi32>, vector<16xi32>], vector<16xf32>,
        %gather3A_1056 = tpu.vector_load_idx %arg9[%add3A_39, %broadcast_in_dim3A_1051] : memref<256x65xf32, #tpu.memory_space<vmem>>[vector<16xi32>, vector<16xi32>], vector<16xf32>,
        %gather3A_1057 = tpu.vector_load_idx %arg9[%add3A_42, %broadcast_in_dim3A_1051] : memref<256x65xf32, #tpu.memory_space<vmem>>[vector<16xi32>, vector<16xi32>], vector<16xf32>,
        %gather3A_1058 = tpu.vector_load_idx %arg9[%add3A_45, %broadcast_in_dim3A_1051] : memref<256x65xf32, #tpu.memory_space<vmem>>[vector<16xi32>, vector<16xi32>], vector<16xf32>,
        %gather3A_1059 = tpu.vector_load_idx %arg9[%add3A_48, %broadcast_in_dim3A_1051] : memref<256x65xf32, #tpu.memory_space<vmem>>[vector<16xi32>, vector<16xi32>], vector<16xf32>,
        %swap3A_1060 = arith.index_cast %add3A_1046 : i32 to index
        %swap3A_1061 = arith.constant 0 : index
        %swap3A_1062 = tpu.vector_load %arg11[%swap3A_1060, %swap3A_1061] {strides = array<i32>} : memref<128x128xf32, #tpu.memory_space<vmem>>, vector<16xf32>,
        tpu.vector_store %arg11[%swap3A_1060, %swap3A_1061], %gather3A_1052 {strides = array<i32>} : memref<128x128xf32, #tpu.memory_space<vmem>>, vector<16xf32>,
        %swap3A_1063 = arith.index_cast %add3A_1046 : i32 to index
        %swap3A_1064 = arith.constant 16 : index
        %swap3A_1065 = tpu.vector_load %arg11[%swap3A_1063, %swap3A_1064] {strides = array<i32>} : memref<128x128xf32, #tpu.memory_space<vmem>>, vector<16xf32>,
        tpu.vector_store %arg11[%swap3A_1063, %swap3A_1064], %gather3A_1053 {strides = array<i32>} : memref<128x128xf32, #tpu.memory_space<vmem>>, vector<16xf32>,
        %swap3A_1066 = arith.index_cast %add3A_1046 : i32 to index
        %swap3A_1067 = arith.constant 32 : index
        %swap3A_1068 = tpu.vector_load %arg11[%swap3A_1066, %swap3A_1067] {strides = array<i32>} : memref<128x128xf32, #tpu.memory_space<vmem>>, vector<16xf32>,
        tpu.vector_store %arg11[%swap3A_1066, %swap3A_1067], %gather3A_1054 {strides = array<i32>} : memref<128x128xf32, #tpu.memory_space<vmem>>, vector<16xf32>,
        %swap3A_1069 = arith.index_cast %add3A_1046 : i32 to index
        %swap3A_1070 = arith.constant 48 : index
        %swap3A_1071 = tpu.vector_load %arg11[%swap3A_1069, %swap3A_1070] {strides = array<i32>} : memref<128x128xf32, #tpu.memory_space<vmem>>, vector<16xf32>,
        tpu.vector_store %arg11[%swap3A_1069, %swap3A_1070], %gather3A_1055 {strides = array<i32>} : memref<128x128xf32, #tpu.memory_space<vmem>>, vector<16xf32>,
        %swap3A_1072 = arith.index_cast %add3A_1046 : i32 to index
        %swap3A_1073 = arith.constant 64 : index
        %swap3A_1074 = tpu.vector_load %arg11[%swap3A_1072, %swap3A_1073] {strides = array<i32>} : memref<128x128xf32, #tpu.memory_space<vmem>>, vector<16xf32>,
        tpu.vector_store %arg11[%swap3A_1072, %swap3A_1073], %gather3A_1056 {strides = array<i32>} : memref<128x128xf32, #tpu.memory_space<vmem>>, vector<16xf32>,
        %swap3A_1075 = arith.index_cast %add3A_1046 : i32 to index
        %swap3A_1076 = arith.constant 80 : index
        %swap3A_1077 = tpu.vector_load %arg11[%swap3A_1075, %swap3A_1076] {strides = array<i32>} : memref<128x128xf32, #tpu.memory_space<vmem>>, vector<16xf32>,
        tpu.vector_store %arg11[%swap3A_1075, %swap3A_1076], %gather3A_1057 {strides = array<i32>} : memref<128x128xf32, #tpu.memory_space<vmem>>, vector<16xf32>,
        %swap3A_1078 = arith.index_cast %add3A_1046 : i32 to index
        %swap3A_1079 = arith.constant 96 : index
        %swap3A_1080 = tpu.vector_load %arg11[%swap3A_1078, %swap3A_1079] {strides = array<i32>} : memref<128x128xf32, #tpu.memory_space<vmem>>, vector<16xf32>,
        tpu.vector_store %arg11[%swap3A_1078, %swap3A_1079], %gather3A_1058 {strides = array<i32>} : memref<128x128xf32, #tpu.memory_space<vmem>>, vector<16xf32>,
        %swap3A_1081 = arith.index_cast %add3A_1046 : i32 to index
        %swap3A_1082 = arith.constant 112 : index
        %swap3A_1083 = tpu.vector_load %arg11[%swap3A_1081, %swap3A_1082] {strides = array<i32>} : memref<128x128xf32, #tpu.memory_space<vmem>>, vector<16xf32>,
        tpu.vector_store %arg11[%swap3A_1081, %swap3A_1082], %gather3A_1059 {strides = array<i32>} : memref<128x128xf32, #tpu.memory_space<vmem>>, vector<16xf32>,
        %mul3A_1084 = arith.constant 16 : i32
        %mul3A_1085 = arith.muli %add3A_484, %mul3A_1084 : i32
        %add3A_1086 = arith.constant 8 : i32
        %add3A_1087 = arith.addi %mul3A_1085, %add3A_1086 : i32
        %add3A_1088 = arith.constant 6 : i32
        %add3A_1089 = arith.addi %add3A_1087, %add3A_1088 : i32
        %mul3A_1090 = arith.constant 8 : i32
        %mul3A_1091 = arith.muli %add3A_484, %mul3A_1090 : i32
        %add3A_1092 = arith.constant 6 : i32
        %add3A_1093 = arith.addi %mul3A_1091, %add3A_1092 : i32
        %broadcast_in_dim3A_1094 = vector.broadcast %add3A_1093 : i32 to vector<16xi32>
        %gather3A_1095 = tpu.vector_load_idx %arg9[%add3A_27, %broadcast_in_dim3A_1094] : memref<256x65xf32, #tpu.memory_space<vmem>>[vector<16xi32>, vector<16xi32>], vector<16xf32>,
        %gather3A_1096 = tpu.vector_load_idx %arg9[%add3A_30, %broadcast_in_dim3A_1094] : memref<256x65xf32, #tpu.memory_space<vmem>>[vector<16xi32>, vector<16xi32>], vector<16xf32>,
        %gather3A_1097 = tpu.vector_load_idx %arg9[%add3A_33, %broadcast_in_dim3A_1094] : memref<256x65xf32, #tpu.memory_space<vmem>>[vector<16xi32>, vector<16xi32>], vector<16xf32>,
        %gather3A_1098 = tpu.vector_load_idx %arg9[%add3A_36, %broadcast_in_dim3A_1094] : memref<256x65xf32, #tpu.memory_space<vmem>>[vector<16xi32>, vector<16xi32>], vector<16xf32>,
        %gather3A_1099 = tpu.vector_load_idx %arg9[%add3A_39, %broadcast_in_dim3A_1094] : memref<256x65xf32, #tpu.memory_space<vmem>>[vector<16xi32>, vector<16xi32>], vector<16xf32>,
        %gather3A_1100 = tpu.vector_load_idx %arg9[%add3A_42, %broadcast_in_dim3A_1094] : memref<256x65xf32, #tpu.memory_space<vmem>>[vector<16xi32>, vector<16xi32>], vector<16xf32>,
        %gather3A_1101 = tpu.vector_load_idx %arg9[%add3A_45, %broadcast_in_dim3A_1094] : memref<256x65xf32, #tpu.memory_space<vmem>>[vector<16xi32>, vector<16xi32>], vector<16xf32>,
        %gather3A_1102 = tpu.vector_load_idx %arg9[%add3A_48, %broadcast_in_dim3A_1094] : memref<256x65xf32, #tpu.memory_space<vmem>>[vector<16xi32>, vector<16xi32>], vector<16xf32>,
        %swap3A_1103 = arith.index_cast %add3A_1089 : i32 to index
        %swap3A_1104 = arith.constant 0 : index
        %swap3A_1105 = tpu.vector_load %arg11[%swap3A_1103, %swap3A_1104] {strides = array<i32>} : memref<128x128xf32, #tpu.memory_space<vmem>>, vector<16xf32>,
        tpu.vector_store %arg11[%swap3A_1103, %swap3A_1104], %gather3A_1095 {strides = array<i32>} : memref<128x128xf32, #tpu.memory_space<vmem>>, vector<16xf32>,
        %swap3A_1106 = arith.index_cast %add3A_1089 : i32 to index
        %swap3A_1107 = arith.constant 16 : index
        %swap3A_1108 = tpu.vector_load %arg11[%swap3A_1106, %swap3A_1107] {strides = array<i32>} : memref<128x128xf32, #tpu.memory_space<vmem>>, vector<16xf32>,
        tpu.vector_store %arg11[%swap3A_1106, %swap3A_1107], %gather3A_1096 {strides = array<i32>} : memref<128x128xf32, #tpu.memory_space<vmem>>, vector<16xf32>,
        %swap3A_1109 = arith.index_cast %add3A_1089 : i32 to index
        %swap3A_1110 = arith.constant 32 : index
        %swap3A_1111 = tpu.vector_load %arg11[%swap3A_1109, %swap3A_1110] {strides = array<i32>} : memref<128x128xf32, #tpu.memory_space<vmem>>, vector<16xf32>,
        tpu.vector_store %arg11[%swap3A_1109, %swap3A_1110], %gather3A_1097 {strides = array<i32>} : memref<128x128xf32, #tpu.memory_space<vmem>>, vector<16xf32>,
        %swap3A_1112 = arith.index_cast %add3A_1089 : i32 to index
        %swap3A_1113 = arith.constant 48 : index
        %swap3A_1114 = tpu.vector_load %arg11[%swap3A_1112, %swap3A_1113] {strides = array<i32>} : memref<128x128xf32, #tpu.memory_space<vmem>>, vector<16xf32>,
        tpu.vector_store %arg11[%swap3A_1112, %swap3A_1113], %gather3A_1098 {strides = array<i32>} : memref<128x128xf32, #tpu.memory_space<vmem>>, vector<16xf32>,
        %swap3A_1115 = arith.index_cast %add3A_1089 : i32 to index
        %swap3A_1116 = arith.constant 64 : index
        %swap3A_1117 = tpu.vector_load %arg11[%swap3A_1115, %swap3A_1116] {strides = array<i32>} : memref<128x128xf32, #tpu.memory_space<vmem>>, vector<16xf32>,
        tpu.vector_store %arg11[%swap3A_1115, %swap3A_1116], %gather3A_1099 {strides = array<i32>} : memref<128x128xf32, #tpu.memory_space<vmem>>, vector<16xf32>,
        %swap3A_1118 = arith.index_cast %add3A_1089 : i32 to index
        %swap3A_1119 = arith.constant 80 : index
        %swap3A_1120 = tpu.vector_load %arg11[%swap3A_1118, %swap3A_1119] {strides = array<i32>} : memref<128x128xf32, #tpu.memory_space<vmem>>, vector<16xf32>,
        tpu.vector_store %arg11[%swap3A_1118, %swap3A_1119], %gather3A_1100 {strides = array<i32>} : memref<128x128xf32, #tpu.memory_space<vmem>>, vector<16xf32>,
        %swap3A_1121 = arith.index_cast %add3A_1089 : i32 to index
        %swap3A_1122 = arith.constant 96 : index
        %swap3A_1123 = tpu.vector_load %arg11[%swap3A_1121, %swap3A_1122] {strides = array<i32>} : memref<128x128xf32, #tpu.memory_space<vmem>>, vector<16xf32>,
        tpu.vector_store %arg11[%swap3A_1121, %swap3A_1122], %gather3A_1101 {strides = array<i32>} : memref<128x128xf32, #tpu.memory_space<vmem>>, vector<16xf32>,
        %swap3A_1124 = arith.index_cast %add3A_1089 : i32 to index
        %swap3A_1125 = arith.constant 112 : index
        %swap3A_1126 = tpu.vector_load %arg11[%swap3A_1124, %swap3A_1125] {strides = array<i32>} : memref<128x128xf32, #tpu.memory_space<vmem>>, vector<16xf32>,
        tpu.vector_store %arg11[%swap3A_1124, %swap3A_1125], %gather3A_1102 {strides = array<i32>} : memref<128x128xf32, #tpu.memory_space<vmem>>, vector<16xf32>,
        %mul3A_1127 = arith.constant 16 : i32
        %mul3A_1128 = arith.muli %add3A_484, %mul3A_1127 : i32
        %add3A_1129 = arith.constant 8 : i32
        %add3A_1130 = arith.addi %mul3A_1128, %add3A_1129 : i32
        %add3A_1131 = arith.constant 7 : i32
        %add3A_1132 = arith.addi %add3A_1130, %add3A_1131 : i32
        %mul3A_1133 = arith.constant 8 : i32
        %mul3A_1134 = arith.muli %add3A_484, %mul3A_1133 : i32
        %add3A_1135 = arith.constant 7 : i32
        %add3A_1136 = arith.addi %mul3A_1134, %add3A_1135 : i32
        %broadcast_in_dim3A_1137 = vector.broadcast %add3A_1136 : i32 to vector<16xi32>
        %gather3A_1138 = tpu.vector_load_idx %arg9[%add3A_27, %broadcast_in_dim3A_1137] : memref<256x65xf32, #tpu.memory_space<vmem>>[vector<16xi32>, vector<16xi32>], vector<16xf32>,
        %gather3A_1139 = tpu.vector_load_idx %arg9[%add3A_30, %broadcast_in_dim3A_1137] : memref<256x65xf32, #tpu.memory_space<vmem>>[vector<16xi32>, vector<16xi32>], vector<16xf32>,
        %gather3A_1140 = tpu.vector_load_idx %arg9[%add3A_33, %broadcast_in_dim3A_1137] : memref<256x65xf32, #tpu.memory_space<vmem>>[vector<16xi32>, vector<16xi32>], vector<16xf32>,
        %gather3A_1141 = tpu.vector_load_idx %arg9[%add3A_36, %broadcast_in_dim3A_1137] : memref<256x65xf32, #tpu.memory_space<vmem>>[vector<16xi32>, vector<16xi32>], vector<16xf32>,
        %gather3A_1142 = tpu.vector_load_idx %arg9[%add3A_39, %broadcast_in_dim3A_1137] : memref<256x65xf32, #tpu.memory_space<vmem>>[vector<16xi32>, vector<16xi32>], vector<16xf32>,
        %gather3A_1143 = tpu.vector_load_idx %arg9[%add3A_42, %broadcast_in_dim3A_1137] : memref<256x65xf32, #tpu.memory_space<vmem>>[vector<16xi32>, vector<16xi32>], vector<16xf32>,
        %gather3A_1144 = tpu.vector_load_idx %arg9[%add3A_45, %broadcast_in_dim3A_1137] : memref<256x65xf32, #tpu.memory_space<vmem>>[vector<16xi32>, vector<16xi32>], vector<16xf32>,
        %gather3A_1145 = tpu.vector_load_idx %arg9[%add3A_48, %broadcast_in_dim3A_1137] : memref<256x65xf32, #tpu.memory_space<vmem>>[vector<16xi32>, vector<16xi32>], vector<16xf32>,
        %swap3A_1146 = arith.index_cast %add3A_1132 : i32 to index
        %swap3A_1147 = arith.constant 0 : index
        %swap3A_1148 = tpu.vector_load %arg11[%swap3A_1146, %swap3A_1147] {strides = array<i32>} : memref<128x128xf32, #tpu.memory_space<vmem>>, vector<16xf32>,
        tpu.vector_store %arg11[%swap3A_1146, %swap3A_1147], %gather3A_1138 {strides = array<i32>} : memref<128x128xf32, #tpu.memory_space<vmem>>, vector<16xf32>,
        %swap3A_1149 = arith.index_cast %add3A_1132 : i32 to index
        %swap3A_1150 = arith.constant 16 : index
        %swap3A_1151 = tpu.vector_load %arg11[%swap3A_1149, %swap3A_1150] {strides = array<i32>} : memref<128x128xf32, #tpu.memory_space<vmem>>, vector<16xf32>,
        tpu.vector_store %arg11[%swap3A_1149, %swap3A_1150], %gather3A_1139 {strides = array<i32>} : memref<128x128xf32, #tpu.memory_space<vmem>>, vector<16xf32>,
        %swap3A_1152 = arith.index_cast %add3A_1132 : i32 to index
        %swap3A_1153 = arith.constant 32 : index
        %swap3A_1154 = tpu.vector_load %arg11[%swap3A_1152, %swap3A_1153] {strides = array<i32>} : memref<128x128xf32, #tpu.memory_space<vmem>>, vector<16xf32>,
        tpu.vector_store %arg11[%swap3A_1152, %swap3A_1153], %gather3A_1140 {strides = array<i32>} : memref<128x128xf32, #tpu.memory_space<vmem>>, vector<16xf32>,
        %swap3A_1155 = arith.index_cast %add3A_1132 : i32 to index
        %swap3A_1156 = arith.constant 48 : index
        %swap3A_1157 = tpu.vector_load %arg11[%swap3A_1155, %swap3A_1156] {strides = array<i32>} : memref<128x128xf32, #tpu.memory_space<vmem>>, vector<16xf32>,
        tpu.vector_store %arg11[%swap3A_1155, %swap3A_1156], %gather3A_1141 {strides = array<i32>} : memref<128x128xf32, #tpu.memory_space<vmem>>, vector<16xf32>,
        %swap3A_1158 = arith.index_cast %add3A_1132 : i32 to index
        %swap3A_1159 = arith.constant 64 : index
        %swap3A_1160 = tpu.vector_load %arg11[%swap3A_1158, %swap3A_1159] {strides = array<i32>} : memref<128x128xf32, #tpu.memory_space<vmem>>, vector<16xf32>,
        tpu.vector_store %arg11[%swap3A_1158, %swap3A_1159], %gather3A_1142 {strides = array<i32>} : memref<128x128xf32, #tpu.memory_space<vmem>>, vector<16xf32>,
        %swap3A_1161 = arith.index_cast %add3A_1132 : i32 to index
        %swap3A_1162 = arith.constant 80 : index
        %swap3A_1163 = tpu.vector_load %arg11[%swap3A_1161, %swap3A_1162] {strides = array<i32>} : memref<128x128xf32, #tpu.memory_space<vmem>>, vector<16xf32>,
        tpu.vector_store %arg11[%swap3A_1161, %swap3A_1162], %gather3A_1143 {strides = array<i32>} : memref<128x128xf32, #tpu.memory_space<vmem>>, vector<16xf32>,
        %swap3A_1164 = arith.index_cast %add3A_1132 : i32 to index
        %swap3A_1165 = arith.constant 96 : index
        %swap3A_1166 = tpu.vector_load %arg11[%swap3A_1164, %swap3A_1165] {strides = array<i32>} : memref<128x128xf32, #tpu.memory_space<vmem>>, vector<16xf32>,
        tpu.vector_store %arg11[%swap3A_1164, %swap3A_1165], %gather3A_1144 {strides = array<i32>} : memref<128x128xf32, #tpu.memory_space<vmem>>, vector<16xf32>,
        %swap3A_1167 = arith.index_cast %add3A_1132 : i32 to index
        %swap3A_1168 = arith.constant 112 : index
        %swap3A_1169 = tpu.vector_load %arg11[%swap3A_1167, %swap3A_1168] {strides = array<i32>} : memref<128x128xf32, #tpu.memory_space<vmem>>, vector<16xf32>,
        tpu.vector_store %arg11[%swap3A_1167, %swap3A_1168], %gather3A_1145 {strides = array<i32>} : memref<128x128xf32, #tpu.memory_space<vmem>>, vector<16xf32>,
        %mul3A_1170 = arith.constant 2 : i32
        %mul3A_1171 = arith.muli %add3A_484, %mul3A_1170 : i32
        %mul3A_1172 = arith.constant 8 : i32
        %mul3A_1173 = arith.muli %mul3A_1171, %mul3A_1172 : i32
        %jit3A = arith.constant 2 : i32
        %div3A = arith.divsi %add3A_437, %jit3A : i32
        %sign3A = arith.constant 0 : i32
        %sign3A_1174 = arith.cmpi sgt, %add3A_437, %sign3A : i32
        %sign3A_1175 = arith.extui %sign3A_1174 : i1 to i32
        %sign3A_1176 = arith.constant 0 : i32
        %sign3A_1177 = arith.cmpi slt, %add3A_437, %sign3A_1176 : i32
        %sign3A_1178 = arith.extui %sign3A_1177 : i1 to i32
        %sign3A_1179 = arith.subi %sign3A_1175, %sign3A_1178 : i32
        %sign3A_1180 = arith.constant 0 : i32
        %sign3A_1181 = arith.cmpi sgt, %jit3A, %sign3A_1180 : i32
        %sign3A_1182 = arith.extui %sign3A_1181 : i1 to i32
        %sign3A_1183 = arith.constant 0 : i32
        %sign3A_1184 = arith.cmpi slt, %jit3A, %sign3A_1183 : i32
        %sign3A_1185 = arith.extui %sign3A_1184 : i1 to i32
        %sign3A_1186 = arith.subi %sign3A_1182, %sign3A_1185 : i32
        %ne3A = arith.cmpi ne, %sign3A_1179, %sign3A_1186 : i32
        %rem3A = arith.remsi %add3A_437, %jit3A : i32
        %ne3A_1187 = arith.constant 0 : i32
        %ne3A_1188 = arith.cmpi ne, %rem3A, %ne3A_1187 : i32
        %and3A = arith.andi %ne3A, %ne3A_1188 : i1
        %sub3A = arith.constant 1 : i32
        %sub3A_1189 = arith.subi %div3A, %sub3A : i32
        %select_n3A = arith.select %and3A, %sub3A_1189, %div3A : i32
        %jit3A_1190 = arith.constant 2 : i32
        %eq3A = arith.constant 0 : i32
        %eq3A_1191 = arith.cmpi eq, %jit3A_1190, %eq3A : i32
        %jit3A_1192 = arith.constant 1 : i32
        %select_n3A_1193 = arith.select %eq3A_1191, %jit3A_1192, %jit3A_1190 : i32
        %rem3A_1194 = arith.remsi %add3A_437, %select_n3A_1193 : i32
        %ne3A_1195 = arith.constant 0 : i32
        %ne3A_1196 = arith.cmpi ne, %rem3A_1194, %ne3A_1195 : i32
        %lt3A_1197 = arith.constant 0 : i32
        %lt3A_1198 = arith.cmpi slt, %rem3A_1194, %lt3A_1197 : i32
        %lt3A_1199 = arith.constant 0 : i32
        %lt3A_1200 = arith.cmpi slt, %select_n3A_1193, %lt3A_1199 : i32
        %ne3A_1201 = arith.xori %lt3A_1198, %lt3A_1200 : i1
        %and3A_1202 = arith.andi %ne3A_1201, %ne3A_1196 : i1
        %add3A_1203 = arith.addi %rem3A_1194, %select_n3A_1193 : i32
        %select_n3A_1204 = arith.select %and3A_1202, %add3A_1203, %rem3A_1194 : i32
        %mul3A_1205 = arith.constant 8 : i32
        %mul3A_1206 = arith.muli %select_n3A, %mul3A_1205 : i32
        %add3A_1207 = arith.addi %mul3A_1206, %add3A_484 : i32
        %mul3A_1208 = arith.constant 128 : i32
        %mul3A_1209 = arith.muli %add3A_1207, %mul3A_1208 : i32
        %mul3A_1210 = arith.constant 4 : i32
        %mul3A_1211 = arith.muli %mul3A_1210, %add3A : i32
        %add3A_1212 = arith.addi %mul3A_1209, %mul3A_1211 : i32
        %mul3A_1213 = arith.constant 2 : i32
        %mul3A_1214 = arith.muli %mul3A_1213, %select_n3A_1204 : i32
        %add3A_1215 = arith.addi %add3A_1212, %mul3A_1214 : i32
        %mul3A_1216 = arith.constant 8 : i32
        %mul3A_1217 = arith.muli %add3A_1215, %mul3A_1216 : i32
        %dma_start3A_1218 = arith.constant 0 : i32
        %dma_start3A_1219 = tpu.memref_slice %arg11[%mul3A_1173, %dma_start3A_1218] : memref<128x128xf32, #tpu.memory_space<vmem>> -> memref<16x128xf32, #tpu.memory_space<vmem>>
        %dma_start3A_1220 = arith.constant 0 : i32
        %dma_start3A_1221 = tpu.memref_slice %arg4[%mul3A_1217, %dma_start3A_1220] : memref<409600x128xf32, #tpu.memory_space<hbm>> -> memref<16x128xf32, #tpu.memory_space<hbm>>
        %dma_start3A_1222 = arith.constant 0 : i32
        %dma_start3A_1223 = tpu.memref_slice %arg4[%mul3A_1217, %dma_start3A_1222] : memref<409600x128xf32, #tpu.memory_space<hbm>> -> memref<16x128xf32, #tpu.memory_space<hbm>>
        %dma_start3A_1224 = arith.constant 0 : i32
        %dma_start3A_1225 = tpu.memref_slice %arg11[%mul3A_1173, %dma_start3A_1224] : memref<128x128xf32, #tpu.memory_space<vmem>> -> memref<16x128xf32, #tpu.memory_space<vmem>>
        tpu.enqueue_dma source(%dma_start3A_1225 : memref<16x128xf32, #tpu.memory_space<vmem>>) target(%dma_start3A_1223 : memref<16x128xf32, #tpu.memory_space<hbm>>) target_semaphore(%arg15 : memref<!tpu.dma_semaphore, #tpu.memory_space<semaphore_mem>>)
      }
      %scan3A_472 = arith.constant 8 : i32
      %add3A_473 = arith.constant 2 : i32
      %add3A_474 = arith.addi %add3A_437, %add3A_473 : i32
      %lt3A_475 = arith.constant 100 : i32
      %lt3A_476 = arith.cmpi slt, %add3A_474, %lt3A_475 : i32
      %convert_element_type3A_477 = arith.extui %lt3A_476 : i1 to i32
      %cond3A_478 = arith.constant 0 : i32
      %cond3A_479 = arith.cmpi ne, %convert_element_type3A_477, %cond3A_478 : i32
      scf.if %cond3A_479 {
        %add3A_480 = arith.constant 2 : i32
        %add3A_481 = arith.addi %add3A_437, %add3A_480 : i32
        %jit3A = arith.constant 2 : i32
        %div3A = arith.divsi %add3A_481, %jit3A : i32
        %sign3A = arith.constant 0 : i32
        %sign3A_482 = arith.cmpi sgt, %add3A_481, %sign3A : i32
        %sign3A_483 = arith.extui %sign3A_482 : i1 to i32
        %sign3A_484 = arith.constant 0 : i32
        %sign3A_485 = arith.cmpi slt, %add3A_481, %sign3A_484 : i32
        %sign3A_486 = arith.extui %sign3A_485 : i1 to i32
        %sign3A_487 = arith.subi %sign3A_483, %sign3A_486 : i32
        %sign3A_488 = arith.constant 0 : i32
        %sign3A_489 = arith.cmpi sgt, %jit3A, %sign3A_488 : i32
        %sign3A_490 = arith.extui %sign3A_489 : i1 to i32
        %sign3A_491 = arith.constant 0 : i32
        %sign3A_492 = arith.cmpi slt, %jit3A, %sign3A_491 : i32
        %sign3A_493 = arith.extui %sign3A_492 : i1 to i32
        %sign3A_494 = arith.subi %sign3A_490, %sign3A_493 : i32
        %ne3A = arith.cmpi ne, %sign3A_487, %sign3A_494 : i32
        %rem3A = arith.remsi %add3A_481, %jit3A : i32
        %ne3A_495 = arith.constant 0 : i32
        %ne3A_496 = arith.cmpi ne, %rem3A, %ne3A_495 : i32
        %and3A = arith.andi %ne3A, %ne3A_496 : i1
        %sub3A = arith.constant 1 : i32
        %sub3A_497 = arith.subi %div3A, %sub3A : i32
        %select_n3A = arith.select %and3A, %sub3A_497, %div3A : i32
        %jit3A_498 = arith.constant 2 : i32
        %eq3A = arith.constant 0 : i32
        %eq3A_499 = arith.cmpi eq, %jit3A_498, %eq3A : i32
        %jit3A_500 = arith.constant 1 : i32
        %select_n3A_501 = arith.select %eq3A_499, %jit3A_500, %jit3A_498 : i32
        %rem3A_502 = arith.remsi %add3A_481, %select_n3A_501 : i32
        %ne3A_503 = arith.constant 0 : i32
        %ne3A_504 = arith.cmpi ne, %rem3A_502, %ne3A_503 : i32
        %lt3A_505 = arith.constant 0 : i32
        %lt3A_506 = arith.cmpi slt, %rem3A_502, %lt3A_505 : i32
        %lt3A_507 = arith.constant 0 : i32
        %lt3A_508 = arith.cmpi slt, %select_n3A_501, %lt3A_507 : i32
        %ne3A_509 = arith.xori %lt3A_506, %lt3A_508 : i1
        %and3A_510 = arith.andi %ne3A_509, %ne3A_504 : i1
        %add3A_511 = arith.addi %rem3A_502, %select_n3A_501 : i32
        %select_n3A_512 = arith.select %and3A_510, %add3A_511, %rem3A_502 : i32
        %mul3A_513 = arith.constant 128 : i32
        %mul3A_514 = arith.muli %select_n3A, %mul3A_513 : i32
        %mul3A_515 = arith.constant 4 : i32
        %mul3A_516 = arith.muli %mul3A_515, %add3A : i32
        %add3A_517 = arith.addi %mul3A_514, %mul3A_516 : i32
        %mul3A_518 = arith.constant 2 : i32
        %mul3A_519 = arith.muli %mul3A_518, %select_n3A_512 : i32
        %add3A_520 = arith.addi %add3A_517, %mul3A_519 : i32
        "tpu.region"() ({
          %run_scoped3A = tpu.sem_alloc : memref<!tpu.dma_semaphore, #tpu.memory_space<semaphore_mem>>
          %dma_start3A_543 = arith.constant 0 : i32
          %dma_start3A_544 = tpu.memref_slice %arg2[%add3A_520, %dma_start3A_543] : memref<6400x128xi32, #tpu.memory_space<hbm>> -> memref<2x128xi32, #tpu.memory_space<hbm>>
          %dma_start3A_545 = arith.constant 0 : i32
          %dma_start3A_546 = tpu.memref_slice %arg2[%add3A_520, %dma_start3A_545] : memref<6400x128xi32, #tpu.memory_space<hbm>> -> memref<2x128xi32, #tpu.memory_space<hbm>>
          tpu.enqueue_dma source(%dma_start3A_546 : memref<2x128xi32, #tpu.memory_space<hbm>>) target(%arg6 : memref<2x128xi32, #tpu.memory_space<vmem>>) target_semaphore(%run_scoped3A : memref<!tpu.dma_semaphore, #tpu.memory_space<semaphore_mem>>)
          %dma_wait3A_547 = arith.constant 0 : i32
          %dma_wait3A_548 = tpu.memref_slice %arg2[%add3A_520, %dma_wait3A_547] : memref<6400x128xi32, #tpu.memory_space<hbm>> -> memref<2x128xi32, #tpu.memory_space<hbm>>
          %dma_wait3A_549 = arith.constant 0 : i32
          %dma_wait3A_550 = tpu.memref_slice %arg2[%add3A_520, %dma_wait3A_549] : memref<6400x128xi32, #tpu.memory_space<hbm>> -> memref<2x128xi32, #tpu.memory_space<hbm>>
          tpu.wait_dma2 semaphore(%run_scoped3A : memref<!tpu.dma_semaphore, #tpu.memory_space<semaphore_mem>>) src(%dma_wait3A_550 : memref<2x128xi32, #tpu.memory_space<hbm>>) dst(%arg6 : memref<2x128xi32, #tpu.memory_space<vmem>>)
          tpu.yield
        }) : () -> ()
        %add3A_521 = arith.constant 2 : i32
        %add3A_522 = arith.addi %add3A_437, %add3A_521 : i32
        %dma_start3A_523 = arith.constant 0 : i32
        %dma_start3A_524 = arith.constant 0 : i32
        %dma_start3A_525 = arith.constant 0 : i32
        %dma_start3A_526 = tpu.memref_slice %arg8[%dma_start3A_524, %dma_start3A_525] : memref<256x64xf32, #tpu.memory_space<vmem>> -> memref<128x64xf32, #tpu.memory_space<vmem>>
        %dma_start3A_527 = arith.constant 0 : i32
        %dma_start3A_528 = tpu.memref_slice %arg6[%dma_start3A_523, %dma_start3A_527] : memref<2x128xi32, #tpu.memory_space<vmem>> -> memref<1x128xi32, #tpu.memory_space<vmem>>
        %dma_start3A_529 = tpu.memref_squeeze %dma_start3A_528 : memref<1x128xi32, #tpu.memory_space<vmem>> -> memref<128xi32, #tpu.memory_space<vmem>>
        %dma_start3A_530 = arith.constant 0 : i32
        %dma_start3A_531 = arith.constant 0 : i32
        %dma_start3A_532 = tpu.memref_slice %arg3[%dma_start3A_530, %dma_start3A_531] : memref<1000000x64xf32, #tpu.memory_space<hbm>> -> memref<1000000x64xf32, #tpu.memory_space<hbm>>
        tpu.enqueue_indirect_dma source(%dma_start3A_532 : memref<1000000x64xf32, #tpu.memory_space<hbm>>) target(%dma_start3A_526 : memref<128x64xf32, #tpu.memory_space<vmem>>) offsets(%dma_start3A_529 : memref<128xi32, #tpu.memory_space<vmem>>) semaphore(%arg13 : memref<!tpu.dma_semaphore, #tpu.memory_space<semaphore_mem>>)
        %dma_start3A_533 = arith.constant 1 : i32
        %dma_start3A_534 = arith.constant 128 : i32
        %dma_start3A_535 = arith.constant 0 : i32
        %dma_start3A_536 = tpu.memref_slice %arg8[%dma_start3A_534, %dma_start3A_535] : memref<256x64xf32, #tpu.memory_space<vmem>> -> memref<128x64xf32, #tpu.memory_space<vmem>>
        %dma_start3A_537 = arith.constant 0 : i32
        %dma_start3A_538 = tpu.memref_slice %arg6[%dma_start3A_533, %dma_start3A_537] : memref<2x128xi32, #tpu.memory_space<vmem>> -> memref<1x128xi32, #tpu.memory_space<vmem>>
        %dma_start3A_539 = tpu.memref_squeeze %dma_start3A_538 : memref<1x128xi32, #tpu.memory_space<vmem>> -> memref<128xi32, #tpu.memory_space<vmem>>
        %dma_start3A_540 = arith.constant 0 : i32
        %dma_start3A_541 = arith.constant 0 : i32
        %dma_start3A_542 = tpu.memref_slice %arg3[%dma_start3A_540, %dma_start3A_541] : memref<1000000x64xf32, #tpu.memory_space<hbm>> -> memref<1000000x64xf32, #tpu.memory_space<hbm>>
        tpu.enqueue_indirect_dma source(%dma_start3A_542 : memref<1000000x64xf32, #tpu.memory_space<hbm>>) target(%dma_start3A_536 : memref<128x64xf32, #tpu.memory_space<vmem>>) offsets(%dma_start3A_539 : memref<128xi32, #tpu.memory_space<vmem>>) semaphore(%arg13 : memref<!tpu.dma_semaphore, #tpu.memory_space<semaphore_mem>>)
      } else {
      }
    }
    %scan3A_103 = arith.constant 50 : i32
    %mul3A_104 = arith.constant 4 : i32
    %mul3A_105 = arith.muli %mul3A_104, %add3A : i32
    %add3A_106 = arith.constant 50176 : i32
    %add3A_107 = arith.addi %add3A_106, %mul3A_105 : i32
    %add3A_108 = arith.constant 0 : i32
    %add3A_109 = arith.addi %add3A_107, %add3A_108 : i32
    %mul3A_110 = arith.constant 8 : i32
    %mul3A_111 = arith.muli %add3A_109, %mul3A_110 : i32
    %dma_wait3A = arith.constant 0 : i32
    %dma_wait3A_112 = arith.constant 0 : i32
    %dma_wait3A_113 = tpu.memref_slice %arg10[%dma_wait3A, %dma_wait3A_112] : memref<128x128xf32, #tpu.memory_space<vmem>> -> memref<16x128xf32, #tpu.memory_space<vmem>>
    %dma_wait3A_114 = arith.constant 0 : i32
    %dma_wait3A_115 = tpu.memref_slice %arg4[%mul3A_111, %dma_wait3A_114] : memref<409600x128xf32, #tpu.memory_space<hbm>> -> memref<16x128xf32, #tpu.memory_space<hbm>>
    %dma_wait3A_116 = arith.constant 0 : i32
    %dma_wait3A_117 = tpu.memref_slice %arg4[%mul3A_111, %dma_wait3A_116] : memref<409600x128xf32, #tpu.memory_space<hbm>> -> memref<16x128xf32, #tpu.memory_space<hbm>>
    %dma_wait3A_118 = arith.constant 0 : i32
    %dma_wait3A_119 = arith.constant 0 : i32
    %dma_wait3A_120 = tpu.memref_slice %arg10[%dma_wait3A_118, %dma_wait3A_119] : memref<128x128xf32, #tpu.memory_space<vmem>> -> memref<16x128xf32, #tpu.memory_space<vmem>>
    tpu.wait_dma2 semaphore(%arg14 : memref<!tpu.dma_semaphore, #tpu.memory_space<semaphore_mem>>) src(%dma_wait3A_120 : memref<16x128xf32, #tpu.memory_space<vmem>>) dst(%dma_wait3A_117 : memref<16x128xf32, #tpu.memory_space<hbm>>)
    %mul3A_121 = arith.constant 4 : i32
    %mul3A_122 = arith.muli %mul3A_121, %add3A : i32
    %add3A_123 = arith.constant 50304 : i32
    %add3A_124 = arith.addi %add3A_123, %mul3A_122 : i32
    %add3A_125 = arith.constant 0 : i32
    %add3A_126 = arith.addi %add3A_124, %add3A_125 : i32
    %mul3A_127 = arith.constant 8 : i32
    %mul3A_128 = arith.muli %add3A_126, %mul3A_127 : i32
    %dma_wait3A_129 = arith.constant 16 : i32
    %dma_wait3A_130 = arith.constant 0 : i32
    %dma_wait3A_131 = tpu.memref_slice %arg10[%dma_wait3A_129, %dma_wait3A_130] : memref<128x128xf32, #tpu.memory_space<vmem>> -> memref<16x128xf32, #tpu.memory_space<vmem>>
    %dma_wait3A_132 = arith.constant 0 : i32
    %dma_wait3A_133 = tpu.memref_slice %arg4[%mul3A_128, %dma_wait3A_132] : memref<409600x128xf32, #tpu.memory_space<hbm>> -> memref<16x128xf32, #tpu.memory_space<hbm>>
    %dma_wait3A_134 = arith.constant 0 : i32
    %dma_wait3A_135 = tpu.memref_slice %arg4[%mul3A_128, %dma_wait3A_134] : memref<409600x128xf32, #tpu.memory_space<hbm>> -> memref<16x128xf32, #tpu.memory_space<hbm>>
    %dma_wait3A_136 = arith.constant 16 : i32
    %dma_wait3A_137 = arith.constant 0 : i32
    %dma_wait3A_138 = tpu.memref_slice %arg10[%dma_wait3A_136, %dma_wait3A_137] : memref<128x128xf32, #tpu.memory_space<vmem>> -> memref<16x128xf32, #tpu.memory_space<vmem>>
    tpu.wait_dma2 semaphore(%arg14 : memref<!tpu.dma_semaphore, #tpu.memory_space<semaphore_mem>>) src(%dma_wait3A_138 : memref<16x128xf32, #tpu.memory_space<vmem>>) dst(%dma_wait3A_135 : memref<16x128xf32, #tpu.memory_space<hbm>>)
    %mul3A_139 = arith.constant 4 : i32
    %mul3A_140 = arith.muli %mul3A_139, %add3A : i32
    %add3A_141 = arith.constant 50432 : i32
    %add3A_142 = arith.addi %add3A_141, %mul3A_140 : i32
    %add3A_143 = arith.constant 0 : i32
    %add3A_144 = arith.addi %add3A_142, %add3A_143 : i32
    %mul3A_145 = arith.constant 8 : i32
    %mul3A_146 = arith.muli %add3A_144, %mul3A_145 : i32
    %dma_wait3A_147 = arith.constant 32 : i32
    %dma_wait3A_148 = arith.constant 0 : i32
    %dma_wait3A_149 = tpu.memref_slice %arg10[%dma_wait3A_147, %dma_wait3A_148] : memref<128x128xf32, #tpu.memory_space<vmem>> -> memref<16x128xf32, #tpu.memory_space<vmem>>
    %dma_wait3A_150 = arith.constant 0 : i32
    %dma_wait3A_151 = tpu.memref_slice %arg4[%mul3A_146, %dma_wait3A_150] : memref<409600x128xf32, #tpu.memory_space<hbm>> -> memref<16x128xf32, #tpu.memory_space<hbm>>
    %dma_wait3A_152 = arith.constant 0 : i32
    %dma_wait3A_153 = tpu.memref_slice %arg4[%mul3A_146, %dma_wait3A_152] : memref<409600x128xf32, #tpu.memory_space<hbm>> -> memref<16x128xf32, #tpu.memory_space<hbm>>
    %dma_wait3A_154 = arith.constant 32 : i32
    %dma_wait3A_155 = arith.constant 0 : i32
    %dma_wait3A_156 = tpu.memref_slice %arg10[%dma_wait3A_154, %dma_wait3A_155] : memref<128x128xf32, #tpu.memory_space<vmem>> -> memref<16x128xf32, #tpu.memory_space<vmem>>
    tpu.wait_dma2 semaphore(%arg14 : memref<!tpu.dma_semaphore, #tpu.memory_space<semaphore_mem>>) src(%dma_wait3A_156 : memref<16x128xf32, #tpu.memory_space<vmem>>) dst(%dma_wait3A_153 : memref<16x128xf32, #tpu.memory_space<hbm>>)
    %mul3A_157 = arith.constant 4 : i32
    %mul3A_158 = arith.muli %mul3A_157, %add3A : i32
    %add3A_159 = arith.constant 50560 : i32
    %add3A_160 = arith.addi %add3A_159, %mul3A_158 : i32
    %add3A_161 = arith.constant 0 : i32
    %add3A_162 = arith.addi %add3A_160, %add3A_161 : i32
    %mul3A_163 = arith.constant 8 : i32
    %mul3A_164 = arith.muli %add3A_162, %mul3A_163 : i32
    %dma_wait3A_165 = arith.constant 48 : i32
    %dma_wait3A_166 = arith.constant 0 : i32
    %dma_wait3A_167 = tpu.memref_slice %arg10[%dma_wait3A_165, %dma_wait3A_166] : memref<128x128xf32, #tpu.memory_space<vmem>> -> memref<16x128xf32, #tpu.memory_space<vmem>>
    %dma_wait3A_168 = arith.constant 0 : i32
    %dma_wait3A_169 = tpu.memref_slice %arg4[%mul3A_164, %dma_wait3A_168] : memref<409600x128xf32, #tpu.memory_space<hbm>> -> memref<16x128xf32, #tpu.memory_space<hbm>>
    %dma_wait3A_170 = arith.constant 0 : i32
    %dma_wait3A_171 = tpu.memref_slice %arg4[%mul3A_164, %dma_wait3A_170] : memref<409600x128xf32, #tpu.memory_space<hbm>> -> memref<16x128xf32, #tpu.memory_space<hbm>>
    %dma_wait3A_172 = arith.constant 48 : i32
    %dma_wait3A_173 = arith.constant 0 : i32
    %dma_wait3A_174 = tpu.memref_slice %arg10[%dma_wait3A_172, %dma_wait3A_173] : memref<128x128xf32, #tpu.memory_space<vmem>> -> memref<16x128xf32, #tpu.memory_space<vmem>>
    tpu.wait_dma2 semaphore(%arg14 : memref<!tpu.dma_semaphore, #tpu.memory_space<semaphore_mem>>) src(%dma_wait3A_174 : memref<16x128xf32, #tpu.memory_space<vmem>>) dst(%dma_wait3A_171 : memref<16x128xf32, #tpu.memory_space<hbm>>)
    %mul3A_175 = arith.constant 4 : i32
    %mul3A_176 = arith.muli %mul3A_175, %add3A : i32
    %add3A_177 = arith.constant 50688 : i32
    %add3A_178 = arith.addi %add3A_177, %mul3A_176 : i32
    %add3A_179 = arith.constant 0 : i32
    %add3A_180 = arith.addi %add3A_178, %add3A_179 : i32
    %mul3A_181 = arith.constant 8 : i32
    %mul3A_182 = arith.muli %add3A_180, %mul3A_181 : i32
    %dma_wait3A_183 = arith.constant 64 : i32
    %dma_wait3A_184 = arith.constant 0 : i32
    %dma_wait3A_185 = tpu.memref_slice %arg10[%dma_wait3A_183, %dma_wait3A_184] : memref<128x128xf32, #tpu.memory_space<vmem>> -> memref<16x128xf32, #tpu.memory_space<vmem>>
    %dma_wait3A_186 = arith.constant 0 : i32
    %dma_wait3A_187 = tpu.memref_slice %arg4[%mul3A_182, %dma_wait3A_186] : memref<409600x128xf32, #tpu.memory_space<hbm>> -> memref<16x128xf32, #tpu.memory_space<hbm>>
    %dma_wait3A_188 = arith.constant 0 : i32
    %dma_wait3A_189 = tpu.memref_slice %arg4[%mul3A_182, %dma_wait3A_188] : memref<409600x128xf32, #tpu.memory_space<hbm>> -> memref<16x128xf32, #tpu.memory_space<hbm>>
    %dma_wait3A_190 = arith.constant 64 : i32
    %dma_wait3A_191 = arith.constant 0 : i32
    %dma_wait3A_192 = tpu.memref_slice %arg10[%dma_wait3A_190, %dma_wait3A_191] : memref<128x128xf32, #tpu.memory_space<vmem>> -> memref<16x128xf32, #tpu.memory_space<vmem>>
    tpu.wait_dma2 semaphore(%arg14 : memref<!tpu.dma_semaphore, #tpu.memory_space<semaphore_mem>>) src(%dma_wait3A_192 : memref<16x128xf32, #tpu.memory_space<vmem>>) dst(%dma_wait3A_189 : memref<16x128xf32, #tpu.memory_space<hbm>>)
    %mul3A_193 = arith.constant 4 : i32
    %mul3A_194 = arith.muli %mul3A_193, %add3A : i32
    %add3A_195 = arith.constant 50816 : i32
    %add3A_196 = arith.addi %add3A_195, %mul3A_194 : i32
    %add3A_197 = arith.constant 0 : i32
    %add3A_198 = arith.addi %add3A_196, %add3A_197 : i32
    %mul3A_199 = arith.constant 8 : i32
    %mul3A_200 = arith.muli %add3A_198, %mul3A_199 : i32
    %dma_wait3A_201 = arith.constant 80 : i32
    %dma_wait3A_202 = arith.constant 0 : i32
    %dma_wait3A_203 = tpu.memref_slice %arg10[%dma_wait3A_201, %dma_wait3A_202] : memref<128x128xf32, #tpu.memory_space<vmem>> -> memref<16x128xf32, #tpu.memory_space<vmem>>
    %dma_wait3A_204 = arith.constant 0 : i32
    %dma_wait3A_205 = tpu.memref_slice %arg4[%mul3A_200, %dma_wait3A_204] : memref<409600x128xf32, #tpu.memory_space<hbm>> -> memref<16x128xf32, #tpu.memory_space<hbm>>
    %dma_wait3A_206 = arith.constant 0 : i32
    %dma_wait3A_207 = tpu.memref_slice %arg4[%mul3A_200, %dma_wait3A_206] : memref<409600x128xf32, #tpu.memory_space<hbm>> -> memref<16x128xf32, #tpu.memory_space<hbm>>
    %dma_wait3A_208 = arith.constant 80 : i32
    %dma_wait3A_209 = arith.constant 0 : i32
    %dma_wait3A_210 = tpu.memref_slice %arg10[%dma_wait3A_208, %dma_wait3A_209] : memref<128x128xf32, #tpu.memory_space<vmem>> -> memref<16x128xf32, #tpu.memory_space<vmem>>
    tpu.wait_dma2 semaphore(%arg14 : memref<!tpu.dma_semaphore, #tpu.memory_space<semaphore_mem>>) src(%dma_wait3A_210 : memref<16x128xf32, #tpu.memory_space<vmem>>) dst(%dma_wait3A_207 : memref<16x128xf32, #tpu.memory_space<hbm>>)
    %mul3A_211 = arith.constant 4 : i32
    %mul3A_212 = arith.muli %mul3A_211, %add3A : i32
    %add3A_213 = arith.constant 50944 : i32
    %add3A_214 = arith.addi %add3A_213, %mul3A_212 : i32
    %add3A_215 = arith.constant 0 : i32
    %add3A_216 = arith.addi %add3A_214, %add3A_215 : i32
    %mul3A_217 = arith.constant 8 : i32
    %mul3A_218 = arith.muli %add3A_216, %mul3A_217 : i32
    %dma_wait3A_219 = arith.constant 96 : i32
    %dma_wait3A_220 = arith.constant 0 : i32
    %dma_wait3A_221 = tpu.memref_slice %arg10[%dma_wait3A_219, %dma_wait3A_220] : memref<128x128xf32, #tpu.memory_space<vmem>> -> memref<16x128xf32, #tpu.memory_space<vmem>>
    %dma_wait3A_222 = arith.constant 0 : i32
    %dma_wait3A_223 = tpu.memref_slice %arg4[%mul3A_218, %dma_wait3A_222] : memref<409600x128xf32, #tpu.memory_space<hbm>> -> memref<16x128xf32, #tpu.memory_space<hbm>>
    %dma_wait3A_224 = arith.constant 0 : i32
    %dma_wait3A_225 = tpu.memref_slice %arg4[%mul3A_218, %dma_wait3A_224] : memref<409600x128xf32, #tpu.memory_space<hbm>> -> memref<16x128xf32, #tpu.memory_space<hbm>>
    %dma_wait3A_226 = arith.constant 96 : i32
    %dma_wait3A_227 = arith.constant 0 : i32
    %dma_wait3A_228 = tpu.memref_slice %arg10[%dma_wait3A_226, %dma_wait3A_227] : memref<128x128xf32, #tpu.memory_space<vmem>> -> memref<16x128xf32, #tpu.memory_space<vmem>>
    tpu.wait_dma2 semaphore(%arg14 : memref<!tpu.dma_semaphore, #tpu.memory_space<semaphore_mem>>) src(%dma_wait3A_228 : memref<16x128xf32, #tpu.memory_space<vmem>>) dst(%dma_wait3A_225 : memref<16x128xf32, #tpu.memory_space<hbm>>)
    %mul3A_229 = arith.constant 4 : i32
    %mul3A_230 = arith.muli %mul3A_229, %add3A : i32
    %add3A_231 = arith.constant 51072 : i32
    %add3A_232 = arith.addi %add3A_231, %mul3A_230 : i32
    %add3A_233 = arith.constant 0 : i32
    %add3A_234 = arith.addi %add3A_232, %add3A_233 : i32
    %mul3A_235 = arith.constant 8 : i32
    %mul3A_236 = arith.muli %add3A_234, %mul3A_235 : i32
    %dma_wait3A_237 = arith.constant 112 : i32
    %dma_wait3A_238 = arith.constant 0 : i32
    %dma_wait3A_239 = tpu.memref_slice %arg10[%dma_wait3A_237, %dma_wait3A_238] : memref<128x128xf32, #tpu.memory_space<vmem>> -> memref<16x128xf32, #tpu.memory_space<vmem>>
    %dma_wait3A_240 = arith.constant 0 : i32
    %dma_wait3A_241 = tpu.memref_slice %arg4[%mul3A_236, %dma_wait3A_240] : memref<409600x128xf32, #tpu.memory_space<hbm>> -> memref<16x128xf32, #tpu.memory_space<hbm>>
    %dma_wait3A_242 = arith.constant 0 : i32
    %dma_wait3A_243 = tpu.memref_slice %arg4[%mul3A_236, %dma_wait3A_242] : memref<409600x128xf32, #tpu.memory_space<hbm>> -> memref<16x128xf32, #tpu.memory_space<hbm>>
    %dma_wait3A_244 = arith.constant 112 : i32
    %dma_wait3A_245 = arith.constant 0 : i32
    %dma_wait3A_246 = tpu.memref_slice %arg10[%dma_wait3A_244, %dma_wait3A_245] : memref<128x128xf32, #tpu.memory_space<vmem>> -> memref<16x128xf32, #tpu.memory_space<vmem>>
    tpu.wait_dma2 semaphore(%arg14 : memref<!tpu.dma_semaphore, #tpu.memory_space<semaphore_mem>>) src(%dma_wait3A_246 : memref<16x128xf32, #tpu.memory_space<vmem>>) dst(%dma_wait3A_243 : memref<16x128xf32, #tpu.memory_space<hbm>>)
    %mul3A_247 = arith.constant 4 : i32
    %mul3A_248 = arith.muli %mul3A_247, %add3A : i32
    %add3A_249 = arith.constant 50176 : i32
    %add3A_250 = arith.addi %add3A_249, %mul3A_248 : i32
    %add3A_251 = arith.constant 2 : i32
    %add3A_252 = arith.addi %add3A_250, %add3A_251 : i32
    %mul3A_253 = arith.constant 8 : i32
    %mul3A_254 = arith.muli %add3A_252, %mul3A_253 : i32
    %dma_wait3A_255 = arith.constant 0 : i32
    %dma_wait3A_256 = arith.constant 0 : i32
    %dma_wait3A_257 = tpu.memref_slice %arg11[%dma_wait3A_255, %dma_wait3A_256] : memref<128x128xf32, #tpu.memory_space<vmem>> -> memref<16x128xf32, #tpu.memory_space<vmem>>
    %dma_wait3A_258 = arith.constant 0 : i32
    %dma_wait3A_259 = tpu.memref_slice %arg4[%mul3A_254, %dma_wait3A_258] : memref<409600x128xf32, #tpu.memory_space<hbm>> -> memref<16x128xf32, #tpu.memory_space<hbm>>
    %dma_wait3A_260 = arith.constant 0 : i32
    %dma_wait3A_261 = tpu.memref_slice %arg4[%mul3A_254, %dma_wait3A_260] : memref<409600x128xf32, #tpu.memory_space<hbm>> -> memref<16x128xf32, #tpu.memory_space<hbm>>
    %dma_wait3A_262 = arith.constant 0 : i32
    %dma_wait3A_263 = arith.constant 0 : i32
    %dma_wait3A_264 = tpu.memref_slice %arg11[%dma_wait3A_262, %dma_wait3A_263] : memref<128x128xf32, #tpu.memory_space<vmem>> -> memref<16x128xf32, #tpu.memory_space<vmem>>
    tpu.wait_dma2 semaphore(%arg15 : memref<!tpu.dma_semaphore, #tpu.memory_space<semaphore_mem>>) src(%dma_wait3A_264 : memref<16x128xf32, #tpu.memory_space<vmem>>) dst(%dma_wait3A_261 : memref<16x128xf32, #tpu.memory_space<hbm>>)
    %mul3A_265 = arith.constant 4 : i32
    %mul3A_266 = arith.muli %mul3A_265, %add3A : i32
    %add3A_267 = arith.constant 50304 : i32
    %add3A_268 = arith.addi %add3A_267, %mul3A_266 : i32
    %add3A_269 = arith.constant 2 : i32
    %add3A_270 = arith.addi %add3A_268, %add3A_269 : i32
    %mul3A_271 = arith.constant 8 : i32
    %mul3A_272 = arith.muli %add3A_270, %mul3A_271 : i32
    %dma_wait3A_273 = arith.constant 16 : i32
    %dma_wait3A_274 = arith.constant 0 : i32
    %dma_wait3A_275 = tpu.memref_slice %arg11[%dma_wait3A_273, %dma_wait3A_274] : memref<128x128xf32, #tpu.memory_space<vmem>> -> memref<16x128xf32, #tpu.memory_space<vmem>>
    %dma_wait3A_276 = arith.constant 0 : i32
    %dma_wait3A_277 = tpu.memref_slice %arg4[%mul3A_272, %dma_wait3A_276] : memref<409600x128xf32, #tpu.memory_space<hbm>> -> memref<16x128xf32, #tpu.memory_space<hbm>>
    %dma_wait3A_278 = arith.constant 0 : i32
    %dma_wait3A_279 = tpu.memref_slice %arg4[%mul3A_272, %dma_wait3A_278] : memref<409600x128xf32, #tpu.memory_space<hbm>> -> memref<16x128xf32, #tpu.memory_space<hbm>>
    %dma_wait3A_280 = arith.constant 16 : i32
    %dma_wait3A_281 = arith.constant 0 : i32
    %dma_wait3A_282 = tpu.memref_slice %arg11[%dma_wait3A_280, %dma_wait3A_281] : memref<128x128xf32, #tpu.memory_space<vmem>> -> memref<16x128xf32, #tpu.memory_space<vmem>>
    tpu.wait_dma2 semaphore(%arg15 : memref<!tpu.dma_semaphore, #tpu.memory_space<semaphore_mem>>) src(%dma_wait3A_282 : memref<16x128xf32, #tpu.memory_space<vmem>>) dst(%dma_wait3A_279 : memref<16x128xf32, #tpu.memory_space<hbm>>)
    %mul3A_283 = arith.constant 4 : i32
    %mul3A_284 = arith.muli %mul3A_283, %add3A : i32
    %add3A_285 = arith.constant 50432 : i32
    %add3A_286 = arith.addi %add3A_285, %mul3A_284 : i32
    %add3A_287 = arith.constant 2 : i32
    %add3A_288 = arith.addi %add3A_286, %add3A_287 : i32
    %mul3A_289 = arith.constant 8 : i32
    %mul3A_290 = arith.muli %add3A_288, %mul3A_289 : i32
    %dma_wait3A_291 = arith.constant 32 : i32
    %dma_wait3A_292 = arith.constant 0 : i32
    %dma_wait3A_293 = tpu.memref_slice %arg11[%dma_wait3A_291, %dma_wait3A_292] : memref<128x128xf32, #tpu.memory_space<vmem>> -> memref<16x128xf32, #tpu.memory_space<vmem>>
    %dma_wait3A_294 = arith.constant 0 : i32
    %dma_wait3A_295 = tpu.memref_slice %arg4[%mul3A_290, %dma_wait3A_294] : memref<409600x128xf32, #tpu.memory_space<hbm>> -> memref<16x128xf32, #tpu.memory_space<hbm>>
    %dma_wait3A_296 = arith.constant 0 : i32
    %dma_wait3A_297 = tpu.memref_slice %arg4[%mul3A_290, %dma_wait3A_296] : memref<409600x128xf32, #tpu.memory_space<hbm>> -> memref<16x128xf32, #tpu.memory_space<hbm>>
    %dma_wait3A_298 = arith.constant 32 : i32
    %dma_wait3A_299 = arith.constant 0 : i32
    %dma_wait3A_300 = tpu.memref_slice %arg11[%dma_wait3A_298, %dma_wait3A_299] : memref<128x128xf32, #tpu.memory_space<vmem>> -> memref<16x128xf32, #tpu.memory_space<vmem>>
    tpu.wait_dma2 semaphore(%arg15 : memref<!tpu.dma_semaphore, #tpu.memory_space<semaphore_mem>>) src(%dma_wait3A_300 : memref<16x128xf32, #tpu.memory_space<vmem>>) dst(%dma_wait3A_297 : memref<16x128xf32, #tpu.memory_space<hbm>>)
    %mul3A_301 = arith.constant 4 : i32
    %mul3A_302 = arith.muli %mul3A_301, %add3A : i32
    %add3A_303 = arith.constant 50560 : i32
    %add3A_304 = arith.addi %add3A_303, %mul3A_302 : i32
    %add3A_305 = arith.constant 2 : i32
    %add3A_306 = arith.addi %add3A_304, %add3A_305 : i32
    %mul3A_307 = arith.constant 8 : i32
    %mul3A_308 = arith.muli %add3A_306, %mul3A_307 : i32
    %dma_wait3A_309 = arith.constant 48 : i32
    %dma_wait3A_310 = arith.constant 0 : i32
    %dma_wait3A_311 = tpu.memref_slice %arg11[%dma_wait3A_309, %dma_wait3A_310] : memref<128x128xf32, #tpu.memory_space<vmem>> -> memref<16x128xf32, #tpu.memory_space<vmem>>
    %dma_wait3A_312 = arith.constant 0 : i32
    %dma_wait3A_313 = tpu.memref_slice %arg4[%mul3A_308, %dma_wait3A_312] : memref<409600x128xf32, #tpu.memory_space<hbm>> -> memref<16x128xf32, #tpu.memory_space<hbm>>
    %dma_wait3A_314 = arith.constant 0 : i32
    %dma_wait3A_315 = tpu.memref_slice %arg4[%mul3A_308, %dma_wait3A_314] : memref<409600x128xf32, #tpu.memory_space<hbm>> -> memref<16x128xf32, #tpu.memory_space<hbm>>
    %dma_wait3A_316 = arith.constant 48 : i32
    %dma_wait3A_317 = arith.constant 0 : i32
    %dma_wait3A_318 = tpu.memref_slice %arg11[%dma_wait3A_316, %dma_wait3A_317] : memref<128x128xf32, #tpu.memory_space<vmem>> -> memref<16x128xf32, #tpu.memory_space<vmem>>
    tpu.wait_dma2 semaphore(%arg15 : memref<!tpu.dma_semaphore, #tpu.memory_space<semaphore_mem>>) src(%dma_wait3A_318 : memref<16x128xf32, #tpu.memory_space<vmem>>) dst(%dma_wait3A_315 : memref<16x128xf32, #tpu.memory_space<hbm>>)
    %mul3A_319 = arith.constant 4 : i32
    %mul3A_320 = arith.muli %mul3A_319, %add3A : i32
    %add3A_321 = arith.constant 50688 : i32
    %add3A_322 = arith.addi %add3A_321, %mul3A_320 : i32
    %add3A_323 = arith.constant 2 : i32
    %add3A_324 = arith.addi %add3A_322, %add3A_323 : i32
    %mul3A_325 = arith.constant 8 : i32
    %mul3A_326 = arith.muli %add3A_324, %mul3A_325 : i32
    %dma_wait3A_327 = arith.constant 64 : i32
    %dma_wait3A_328 = arith.constant 0 : i32
    %dma_wait3A_329 = tpu.memref_slice %arg11[%dma_wait3A_327, %dma_wait3A_328] : memref<128x128xf32, #tpu.memory_space<vmem>> -> memref<16x128xf32, #tpu.memory_space<vmem>>
    %dma_wait3A_330 = arith.constant 0 : i32
    %dma_wait3A_331 = tpu.memref_slice %arg4[%mul3A_326, %dma_wait3A_330] : memref<409600x128xf32, #tpu.memory_space<hbm>> -> memref<16x128xf32, #tpu.memory_space<hbm>>
    %dma_wait3A_332 = arith.constant 0 : i32
    %dma_wait3A_333 = tpu.memref_slice %arg4[%mul3A_326, %dma_wait3A_332] : memref<409600x128xf32, #tpu.memory_space<hbm>> -> memref<16x128xf32, #tpu.memory_space<hbm>>
    %dma_wait3A_334 = arith.constant 64 : i32
    %dma_wait3A_335 = arith.constant 0 : i32
    %dma_wait3A_336 = tpu.memref_slice %arg11[%dma_wait3A_334, %dma_wait3A_335] : memref<128x128xf32, #tpu.memory_space<vmem>> -> memref<16x128xf32, #tpu.memory_space<vmem>>
    tpu.wait_dma2 semaphore(%arg15 : memref<!tpu.dma_semaphore, #tpu.memory_space<semaphore_mem>>) src(%dma_wait3A_336 : memref<16x128xf32, #tpu.memory_space<vmem>>) dst(%dma_wait3A_333 : memref<16x128xf32, #tpu.memory_space<hbm>>)
    %mul3A_337 = arith.constant 4 : i32
    %mul3A_338 = arith.muli %mul3A_337, %add3A : i32
    %add3A_339 = arith.constant 50816 : i32
    %add3A_340 = arith.addi %add3A_339, %mul3A_338 : i32
    %add3A_341 = arith.constant 2 : i32
    %add3A_342 = arith.addi %add3A_340, %add3A_341 : i32
    %mul3A_343 = arith.constant 8 : i32
    %mul3A_344 = arith.muli %add3A_342, %mul3A_343 : i32
    %dma_wait3A_345 = arith.constant 80 : i32
    %dma_wait3A_346 = arith.constant 0 : i32
    %dma_wait3A_347 = tpu.memref_slice %arg11[%dma_wait3A_345, %dma_wait3A_346] : memref<128x128xf32, #tpu.memory_space<vmem>> -> memref<16x128xf32, #tpu.memory_space<vmem>>
    %dma_wait3A_348 = arith.constant 0 : i32
    %dma_wait3A_349 = tpu.memref_slice %arg4[%mul3A_344, %dma_wait3A_348] : memref<409600x128xf32, #tpu.memory_space<hbm>> -> memref<16x128xf32, #tpu.memory_space<hbm>>
    %dma_wait3A_350 = arith.constant 0 : i32
    %dma_wait3A_351 = tpu.memref_slice %arg4[%mul3A_344, %dma_wait3A_350] : memref<409600x128xf32, #tpu.memory_space<hbm>> -> memref<16x128xf32, #tpu.memory_space<hbm>>
    %dma_wait3A_352 = arith.constant 80 : i32
    %dma_wait3A_353 = arith.constant 0 : i32
    %dma_wait3A_354 = tpu.memref_slice %arg11[%dma_wait3A_352, %dma_wait3A_353] : memref<128x128xf32, #tpu.memory_space<vmem>> -> memref<16x128xf32, #tpu.memory_space<vmem>>
    tpu.wait_dma2 semaphore(%arg15 : memref<!tpu.dma_semaphore, #tpu.memory_space<semaphore_mem>>) src(%dma_wait3A_354 : memref<16x128xf32, #tpu.memory_space<vmem>>) dst(%dma_wait3A_351 : memref<16x128xf32, #tpu.memory_space<hbm>>)
    %mul3A_355 = arith.constant 4 : i32
    %mul3A_356 = arith.muli %mul3A_355, %add3A : i32
    %add3A_357 = arith.constant 50944 : i32
    %add3A_358 = arith.addi %add3A_357, %mul3A_356 : i32
    %add3A_359 = arith.constant 2 : i32
    %add3A_360 = arith.addi %add3A_358, %add3A_359 : i32
    %mul3A_361 = arith.constant 8 : i32
    %mul3A_362 = arith.muli %add3A_360, %mul3A_361 : i32
    %dma_wait3A_363 = arith.constant 96 : i32
    %dma_wait3A_364 = arith.constant 0 : i32
    %dma_wait3A_365 = tpu.memref_slice %arg11[%dma_wait3A_363, %dma_wait3A_364] : memref<128x128xf32, #tpu.memory_space<vmem>> -> memref<16x128xf32, #tpu.memory_space<vmem>>
    %dma_wait3A_366 = arith.constant 0 : i32
    %dma_wait3A_367 = tpu.memref_slice %arg4[%mul3A_362, %dma_wait3A_366] : memref<409600x128xf32, #tpu.memory_space<hbm>> -> memref<16x128xf32, #tpu.memory_space<hbm>>
    %dma_wait3A_368 = arith.constant 0 : i32
    %dma_wait3A_369 = tpu.memref_slice %arg4[%mul3A_362, %dma_wait3A_368] : memref<409600x128xf32, #tpu.memory_space<hbm>> -> memref<16x128xf32, #tpu.memory_space<hbm>>
    %dma_wait3A_370 = arith.constant 96 : i32
    %dma_wait3A_371 = arith.constant 0 : i32
    %dma_wait3A_372 = tpu.memref_slice %arg11[%dma_wait3A_370, %dma_wait3A_371] : memref<128x128xf32, #tpu.memory_space<vmem>> -> memref<16x128xf32, #tpu.memory_space<vmem>>
    tpu.wait_dma2 semaphore(%arg15 : memref<!tpu.dma_semaphore, #tpu.memory_space<semaphore_mem>>) src(%dma_wait3A_372 : memref<16x128xf32, #tpu.memory_space<vmem>>) dst(%dma_wait3A_369 : memref<16x128xf32, #tpu.memory_space<hbm>>)
    %mul3A_373 = arith.constant 4 : i32
    %mul3A_374 = arith.muli %mul3A_373, %add3A : i32
    %add3A_375 = arith.constant 51072 : i32
    %add3A_376 = arith.addi %add3A_375, %mul3A_374 : i32
    %add3A_377 = arith.constant 2 : i32
    %add3A_378 = arith.addi %add3A_376, %add3A_377 : i32
    %mul3A_379 = arith.constant 8 : i32
    %mul3A_380 = arith.muli %add3A_378, %mul3A_379 : i32
    %dma_wait3A_381 = arith.constant 112 : i32
    %dma_wait3A_382 = arith.constant 0 : i32
    %dma_wait3A_383 = tpu.memref_slice %arg11[%dma_wait3A_381, %dma_wait3A_382] : memref<128x128xf32, #tpu.memory_space<vmem>> -> memref<16x128xf32, #tpu.memory_space<vmem>>
    %dma_wait3A_384 = arith.constant 0 : i32
    %dma_wait3A_385 = tpu.memref_slice %arg4[%mul3A_380, %dma_wait3A_384] : memref<409600x128xf32, #tpu.memory_space<hbm>> -> memref<16x128xf32, #tpu.memory_space<hbm>>
    %dma_wait3A_386 = arith.constant 0 : i32
    %dma_wait3A_387 = tpu.memref_slice %arg4[%mul3A_380, %dma_wait3A_386] : memref<409600x128xf32, #tpu.memory_space<hbm>> -> memref<16x128xf32, #tpu.memory_space<hbm>>
    %dma_wait3A_388 = arith.constant 112 : i32
    %dma_wait3A_389 = arith.constant 0 : i32
    %dma_wait3A_390 = tpu.memref_slice %arg11[%dma_wait3A_388, %dma_wait3A_389] : memref<128x128xf32, #tpu.memory_space<vmem>> -> memref<16x128xf32, #tpu.memory_space<vmem>>
    tpu.wait_dma2 semaphore(%arg15 : memref<!tpu.dma_semaphore, #tpu.memory_space<semaphore_mem>>) src(%dma_wait3A_390 : memref<16x128xf32, #tpu.memory_space<vmem>>) dst(%dma_wait3A_387 : memref<16x128xf32, #tpu.memory_space<hbm>>)
    return
  }
}

</mosaic_0001>

<sc_bundles>
// kernel: kernel.3.cloned.1.call-start
scs
__scs_entry_jumppad:
0x0: {  	(pc) =	sbr.rel $0x88, $3  }
0x1: {  	(tag) =	ssettag $0x0;
	lr =	simm.s32 $0x1  }
0x2: {  	[smem:$0x3F9F] =	sst lr;
	_ =	strace $0xD0000000  }
0x3: {  	_ = 	snop  }
0x4: {  	_ = 	snop  }
0x5: {  	_ = 	snop  }
0x6: {  	_ = 	snop  }
0x7: {  	_ = 	snop  }
__scs_overlays_trampoline_lowered:
0x8: {  	[smem:$0x3FAE] =	sst s0  }
0x9: {  	[smem:$0x3FAF] =	sst s1  }
0xa: {  	[smem:$0x3FB0] =	sst s2  }
0xb: {  	[smem:$0x3FB1] =	sst s3  }
0xc: {  	[smem:$0x3FB2] =	sst s4  }
0xd: {  	[smem:$0x3FB3] =	sst s5  }
0xe: {  	[smem:$0x3FB4] =	sst s6  }
0xf: {  	[smem:$0x3FB5] =	sst s7  }
0x10: {  	[smem:$0x3FB6] =	sst s8  }
0x11: {  	[smem:$0x3FB7] =	sst s9;
	s0 =	simm.s32 @!p0 $0x0  }
0x12: {  	s1 =	sld [smem:$0x3F9D];
	s0 =	simm.s32 @p0 $0x1  }
0x13: {  	[smem:$0x3FB8] =	sst s0;
	s0 =	simm.s32 @!p1 $0x0  }
0x14: {  	s2 =	sld [smem:$0x3F9C];
	s0 =	simm.s32 @p1 $0x1  }
0x15: {  	[smem:$0x3FB9] =	sst s0;
	s0 =	simm.s32 @!p2 $0x0  }
0x16: {  	s3 =	sld [smem:$0x3FDB];
	s0 =	simm.s32 @p2 $0x1  }
0x17: {  	s4 =	simm.s32 $0x1BF5;
	[smem:$0x3FBB] =	sst s0  }
0x18: {  	s0 =	sld [smem:$0x3F9E];
	_ =	swait.ge [sflag:s4], $0x0  }
0x19: {  	s7 =	sld [smem:$0x3F9F]  }
0x1a: {  	s8 =	sadd.s32 $0xFFFFE003, lr  }
0x1b: {  	s9 =	sadd.s32 $0xFFFFFEF7, lr;
	s5 =	simm.s32 $0xFFFFFFFF;
	p2 =	slt.u32 s8, $0xFFFFF086  }
0x1c: {  	p1 =	slt.u32 s9, $0xF7A;
	s5 =	simm.s32 @!p2 $0x0  }
0x1d: {  	s5 =	simm.s32 @p1 $0x1;
	p0 =	seq.s32 s7, s2  }
0x1e: {  	s7 =	smul.u32 @!p0 $0xF7A, s2;
	p2 =	seq.s32 @!p0 s5, $0x0  }
0x1f: {  	s9 =	smul.u32 $0xF7A, s1;
	s8 =	simm.s32 @!p0 $0x1BF5;
	p2 =	por !p2, p0  }
0x20: {  	[sflag:s8] =	ssyncset.s32 @!p0 $0xFFFFF086;
	s6 =	sadd.s32 @!p0 s3, s7;
	s7 =	simm.s32 @!p0 $0x108  }
0x21: {  	s3 =	sadd.s32 s3, s9;
	s6 =	sadd.s32 @!p0 $0x88, s6;
	s7 =	simm.s32 @p2 $0x1082  }
0x22: {  	[simem:s7], [sflag:s8] =	dma.local @!p0 [hbm:s6], $0xF7A  }
0x23: {  	s9 =	sor.u32 $0xD0000000, s2;
	s6 =	simm.s32 $0x108;
	_ =	swait.ge @!p0 [sflag:s8], $0x0  }
0x24: {  	s3 =	sadd.s32 $0x88, s3;
	s6 =	simm.s32 @!p1 $0x1082;
	[sflag:s4] =	ssyncset.s32 $0xFFFFF086  }
0x25: {  	[simem:s6], [sflag:s4] =	dma.local [hbm:s3], $0xF7A  }
0x26: {  	[smem:$0x3F9F] =	sst s1;
	(tag) =	ssettag s2;
	_ =	strace s9  }
0x27: {  	s1 =	sld [smem:$0x3FAF]  }
0x28: {  	s2 =	sld [smem:$0x3FB0]  }
0x29: {  	s4 =	sld [smem:$0x3FB2]  }
0x2a: {  	p0 =	seq.s32 s5, $0x0;
	s5 =	sld [smem:$0x3FB3]  }
0x2b: {  	s6 =	sld [smem:$0x3FB4]  }
0x2c: {  	s7 =	sld [smem:$0x3FB5]  }
0x2d: {  	s3 =	simm.s32 $0x108;
	s8 =	sld [smem:$0x3FB6]  }
0x2e: {  	s3 =	simm.s32 @!p0 $0x1082;
	s9 =	sld [smem:$0x3FB7]  }
0x2f: {  	lr =	sadd.s32 s0, s3;
	s0 =	sld [smem:$0x3FAE]  }
0x30: {  	s3 =	sld [smem:$0x3FB1]  }
0x31: {  	[smem:$0x3FBA] =	sst s10  }
0x32: {  	s10 =	sld [smem:$0x3FB8];
	_ =	sdelay $0x3  }
0x33: {  	p0 =	seq.s32 s10, $0x1;
	s10 =	sld [smem:$0x3FBA];
	_ =	sdelay $0x3  }
0x34: {  	[smem:$0x3FBA] =	sst s10  }
0x35: {  	s10 =	sld [smem:$0x3FB9];
	_ =	sdelay $0x3  }
0x36: {  	p1 =	seq.s32 s10, $0x1;
	s10 =	sld [smem:$0x3FBA];
	_ =	sdelay $0x3  }
0x37: {  	[smem:$0x3FBA] =	sst s10  }
0x38: {  	s10 =	sld [smem:$0x3FBB]  }
0x39: {  	_ = 	snop;
	(pc) =	sbr.ind lr, $3  }
0x3a: {  	_ = 	snop  }
0x3b: {  	_ = 	snop  }
0x3c: {  	p2 =	seq.s32 s10, $0x1;
	s10 =	sld [smem:$0x3FBA]  }
0x3d: {  	_ =	shalt  }
0x3e: {  	_ =	shalt  }
0x3f: {  	_ =	shalt  }
0x40: {  	_ =	shalt  }
0x41: {  	_ =	shalt  }
0x42: {  	_ =	shalt  }
0x43: {  	_ =	shalt  }
0x44: {  	_ =	shalt  }
0x45: {  	_ =	shalt  }
0x46: {  	_ =	shalt  }
0x47: {  	_ =	shalt  }
0x48: {  	_ =	shalt  }
0x49: {  	_ =	shalt  }
0x4a: {  	_ =	shalt  }
0x4b: {  	_ =	shalt  }
0x4c: {  	_ =	shalt  }
0x4d: {  	_ =	shalt  }
0x4e: {  	_ =	shalt  }
0x4f: {  	_ =	shalt  }
0x50: {  	_ =	shalt  }
0x51: {  	_ =	shalt  }
0x52: {  	_ =	shalt  }
0x53: {  	_ =	shalt  }
0x54: {  	_ =	shalt  }
0x55: {  	_ =	shalt  }
0x56: {  	_ =	shalt  }
0x57: {  	_ =	shalt  }
0x58: {  	_ =	shalt  }
0x59: {  	_ =	shalt  }
0x5a: {  	_ =	shalt  }
0x5b: {  	_ =	shalt  }
0x5c: {  	_ =	shalt  }
0x5d: {  	_ =	shalt  }
0x5e: {  	_ =	shalt  }
0x5f: {  	_ =	shalt  }
0x60: {  	_ =	shalt  }
0x61: {  	_ =	shalt  }
0x62: {  	_ =	shalt  }
0x63: {  	_ =	shalt  }
0x64: {  	_ =	shalt  }
0x65: {  	_ =	shalt  }
0x66: {  	_ =	shalt  }
0x67: {  	_ =	shalt  }
0x68: {  	_ =	shalt  }
0x69: {  	_ =	shalt  }
0x6a: {  	_ =	shalt  }
0x6b: {  	_ =	shalt  }
0x6c: {  	_ =	shalt  }
0x6d: {  	_ =	shalt  }
0x6e: {  	_ =	shalt  }
0x6f: {  	_ =	shalt  }
0x70: {  	_ =	shalt  }
0x71: {  	_ =	shalt  }
0x72: {  	_ =	shalt  }
0x73: {  	_ =	shalt  }
0x74: {  	_ =	shalt  }
0x75: {  	_ =	shalt  }
0x76: {  	_ =	shalt  }
0x77: {  	_ =	shalt  }
0x78: {  	_ =	shalt  }
0x79: {  	_ =	shalt  }
0x7a: {  	_ =	shalt  }
0x7b: {  	_ =	shalt  }
0x7c: {  	_ =	shalt  }
0x7d: {  	_ =	shalt  }
0x7e: {  	_ =	shalt  }
0x7f: {  	_ =	shalt  }
0x80: {  	_ =	shalt  }
0x81: {  	_ =	shalt  }
0x82: {  	_ =	shalt  }
0x83: {  	_ =	shalt  }
0x84: {  	_ =	shalt  }
0x85: {  	_ =	shalt  }
0x86: {  	_ =	shalt  }
0x87: {  	_ =	shalt  }
.Lfunc_end0:
.L_simem_size_0:
called_computation_lowered:
.L_overlay_start_0:
0x88: {  	s2 =	sld [smem:$0x3FD9]  }
0x89: {  	s3 =	sld [smem:$0x3FFE];
	_ =	sdelay $0x1  }
0x8a: {  	s1 =	srdreg.scid  }
0x8b: {  	s0 =	sand.u32 $0x1, s1  }
0x8c: {  	s17 =	sshll.u32 s0, $0xA;
	s2 =	sadd.s32 s3, s2  }
0x8d: {  	s2 =	sadd.s32 s2, s17  }
0x8e: {  	[smem:$0x3FC6] =	sst s2  }
0x8f: {  	_ = 	snop  }
0x90: {  	s2 =	sld [smem:$0x3FD0];
	(tm) =	ssettm $0x1  }
0x91: {  	s18 =	sld [smem:$0x3FFB];
	_ =	sdelay $0x3  }
0x92: {  	_ =	strace s18  }
0x93: {  	s3 =	sld [smem:$0x3FFC];
	_ =	sdelay $0x3  }
0x94: {  	_ =	strace s3  }
0x95: {  	s3 =	sld [smem:$0x3FFD];
	_ =	sdelay $0x3  }
0x96: {  	_ =	strace s3  }
0x97: {  	_ =	strace $0x8FFFFFFF  }
0x98: {  	s19 =	sld [smem:$0x3FDB];
	_ =	sdelay $0x1  }
0x99: {  	s4 =	simm.s32 $_scs_section_size  }
0x9a: {  	s5 =	simm.s32 $_size__tile_overlayer_lowered;
	s6 =	simm.s32 $_tile_overlayer_lowered  }
0x9b: {  	s22 =	simm.s32 $0x1BFF;
	s21 =	sshll.u32 s6, $0x1;
	s3 =	sadd.s32 s4, s19  }
0x9c: {  	s7 =	simm.s32 $0x0;
	s20 =	sshll.u32 s5, $0x1;
	s5 =	sadd.s32 s21, s3  }
0x9d: {  	[timem:s7], [sflag:s22] =	dma.local [hbm:s5], s20  }
0x9e: {  	_ =	swait.ge [sflag:s22], s20  }
0x9f: {  	s4 =	ssub.s32 $0x0, s20;
	[sflag:s22] =	ssyncset.done $0x0  }
0xa0: {  	[sflag:s22] =	ssyncadd.s32 s4;
	_ =	sdelay $0x1  }
0xa1: {  	s23 =	simm.s32 $0x1B8B  }
0xa2: {  	_ =	swait.ge [sflag:s23], $0x1  }
0xa3: {  	[sflag:s23] =	ssyncset.done $0x0  }
0xa4: {  	s25 =	simm.s32 $0x1B8E;
	s24 =	sld [smem:$0x3FFE];
	[sflag:s23] =	ssyncadd.s32 $0xFFFFFFFF  }
0xa5: {  	s26 =	simm.s32 $execute0_lowered;
	[smem:$0x3FD2] =	sst s25  }
0xa6: {  	s5 =	sshll.u32 s26, $0x1;
	_ =	strace $0x80000046;
	[dreg:$0x1] =	wrdreg $0xFFFFFFFF  }
0xa7: {  	s28 =	simm.s32 $_size_execute0_lowered;
	s3 =	sadd.s32 s3, s5;
	[dreg:$0x0] =	wrdreg $0x0  }
0xa8: {  	s5 =	sshll.u32 s28, $0x1;
	[dreg:$0x2] =	wrdreg s3  }
0xa9: {  	[dreg:$0x3] =	wrdreg s5  }
0xaa: {  	[dreg:$0x4] =	wrdreg $0xC0  }
0xab: {  	_ =	task [dreg:s7], $0x5FFFF  }
0xac: {  	[dreg:$0x1] =	wrdreg $0xFFFFFFFF  }
0xad: {  	[dreg:$0x0] =	wrdreg $0x60  }
0xae: {  	[dreg:$0x2] =	wrdreg s24  }
0xaf: {  	[dreg:$0x3] =	wrdreg s2  }
0xb0: {  	[dreg:$0x4] =	wrdreg $0x9  }
0xb1: {  	_ =	task.clear_ibuf [dreg:s7], $0x5FFFF;
	_ =	strace $0x90000046  }
0xb2: {  	s29 =	simm.s32 $0x9;
	_ =	strace $0x80000048  }
0xb3: {  	_ =	swait.ge [sflag:s29], $0x1  }
0xb4: {  	[sflag:s29] =	ssyncadd.s32 $0xFFFFFFFF  }
0xb5: {  	_ =	strace $0x90000048  }
0xb6: {  	_ =	sfence  }
0xb7: {  	s30 =	sld [smem:$0x0];
	_ =	sdelay $0x2  }
0xb8: {  	s31 =	sshll.u32 s1, $0xD;
	s1 =	sshrl.u32 s1, $0x2  }
0xb9: {  	s3 =	sand.u32 $0x4000, s31;
	s1 =	sadd.s32 s1, s30  }
0xba: {  	s0 =	sor.u32 s3, s0;
	s1 =	sshll.u32 s1, $0x11  }
0xbb: {  	s0 =	sor.u32 s1, s0  }
0xbc: {  	s0 =	sadd.s32 $0x8F2B, s0  }
0xbd: {  	[sflag:s0] =	ssyncadd.remote.s32 $0x1  }
0xbe: {  	_ =	sfence.sel $0xFFFF  }
0xbf: {  	[dreg:$0x0] =	wrdreg $0xFFFFFFFF;
	(pc) =	sbr.abs _section_cstart, $3  }
0xc0: {  	[dreg:$0x1] =	wrdreg $0xFFFFFFFF  }
0xc1: {  	_ =	task.clear_ibuf [dreg:s7], $0x2FFFF;
	_ =	strace $0x9FFFFFFF  }
0xc2: {  	(tm) =	ssettm $0x7FFFFFFF  }
0xc3: {  	_ =	shalt  }
tec
execute0_lowered:
.L_overlay_start_1:
0x0: {  	(tag) =	ssettag $0x1  }
0x1: {  	v0 =	vlaneseq.u32  }
0x2: {  	v0 =	vmul.u32 $0x48, v0;
	_ =	sdelay $0x1  }
0x3: {  	s0 =	rddreg [dreg:$0x0];
	s1 =	simm.s32 $0x0;
	v1 =	vor.u32 $0x3, v0  }
0x4: {  	[smem:$0x7FF] =	sst s1;
	v33 =	vadd.s32 $0x480, v0;
	[tilespmem:$0x1FC10] =	vst v1  }
0x5: {  	s7 =	rddreg [dreg:$0x1];
	v16 =	vadd.s32 $0x900, v0;
	_ =	strace $0x80000047;
	[tilespmem:$0x1FC20] =	vst v33  }
0x6: {  	v17 =	vadd.s32 $0xD80, v0;
	[tilespmem:$0x1FC30] =	vst v16  }
0x7: {  	v18 =	vadd.s32 $0x1200, v0;
	[tilespmem:$0x1FC40] =	vst v17  }
0x8: {  	v19 =	vadd.s32 $0x1680, v0;
	[tilespmem:$0x1FC50] =	vst v18  }
0x9: {  	v20 =	vadd.s32 $0x1B00, v0;
	[tilespmem:$0x1FC60] =	vst v19  }
0xa: {  	v21 =	vadd.s32 $0x1F80, v0;
	[tilespmem:$0x1FC70] =	vst v20  }
0xb: {  	v47 =	vor.u32 $0x1, v0;
	[tilespmem:$0x1FC80] =	vst v21  }
0xc: {  	v48 =	vadd.s32 $0x481, v0;
	[tilespmem:$0x1FC90] =	vst v47  }
0xd: {  	v49 =	vadd.s32 $0x901, v0;
	[tilespmem:$0x1FCA0] =	vst v48  }
0xe: {  	v50 =	vadd.s32 $0xD81, v0;
	[tilespmem:$0x1FCB0] =	vst v49  }
0xf: {  	v51 =	vadd.s32 $0x1201, v0;
	[tilespmem:$0x1FCC0] =	vst v50  }
0x10: {  	v52 =	vadd.s32 $0x1681, v0;
	[tilespmem:$0x1FCD0] =	vst v51  }
0x11: {  	v53 =	vadd.s32 $0x1B01, v0;
	[tilespmem:$0x1FCE0] =	vst v52  }
0x12: {  	v54 =	vadd.s32 $0x1F81, v0;
	[tilespmem:$0x1FCF0] =	vst v53  }
0x13: {  	v55 =	vor.u32 $0x2, v0;
	[tilespmem:$0x1FD00] =	vst v54  }
0x14: {  	v56 =	vadd.s32 $0x482, v0;
	[tilespmem:$0x1FD10] =	vst v55  }
0x15: {  	v57 =	vadd.s32 $0x902, v0;
	[tilespmem:$0x1FD20] =	vst v56  }
0x16: {  	v58 =	vadd.s32 $0xD82, v0;
	[tilespmem:$0x1FD30] =	vst v57  }
0x17: {  	v59 =	vadd.s32 $0x1202, v0;
	[tilespmem:$0x1FD40] =	vst v58  }
0x18: {  	v60 =	vadd.s32 $0x1682, v0;
	[tilespmem:$0x1FD50] =	vst v59  }
0x19: {  	v61 =	vadd.s32 $0x1B02, v0;
	[tilespmem:$0x1FD60] =	vst v60  }
0x1a: {  	v62 =	vadd.s32 $0x1F82, v0;
	[tilespmem:$0x1FD70] =	vst v61  }
0x1b: {  	v40 =	vadd.s32 $0x483, v0;
	[tilespmem:$0x1FD80] =	vst v62  }
0x1c: {  	v1 =	vadd.s32 $0x903, v0;
	[tilespmem:$0x1FD90] =	vst v40  }
0x1d: {  	v2 =	vadd.s32 $0xD83, v0;
	[tilespmem:$0x1FDA0] =	vst v1  }
0x1e: {  	v3 =	vadd.s32 $0x1203, v0;
	[tilespmem:$0x1FDB0] =	vst v2  }
0x1f: {  	v4 =	vadd.s32 $0x1683, v0;
	[tilespmem:$0x1FDC0] =	vst v3  }
0x20: {  	v5 =	vadd.s32 $0x1B03, v0;
	[tilespmem:$0x1FDD0] =	vst v4  }
0x21: {  	v6 =	vadd.s32 $0x1F83, v0;
	[tilespmem:$0x1FDE0] =	vst v5  }
0x22: {  	v7 =	vor.u32 $0x4, v0;
	[tilespmem:$0x1FDF0] =	vst v6  }
0x23: {  	v8 =	vadd.s32 $0x484, v0;
	[tilespmem:$0x1FE00] =	vst v7  }
0x24: {  	v9 =	vadd.s32 $0x904, v0;
	[tilespmem:$0x1FE10] =	vst v8  }
0x25: {  	v10 =	vadd.s32 $0xD84, v0;
	[tilespmem:$0x1FE20] =	vst v9  }
0x26: {  	v11 =	vadd.s32 $0x1204, v0;
	[tilespmem:$0x1FE30] =	vst v10  }
0x27: {  	v12 =	vadd.s32 $0x1684, v0;
	[tilespmem:$0x1FE40] =	vst v11  }
0x28: {  	v13 =	vadd.s32 $0x1B04, v0;
	[tilespmem:$0x1FE50] =	vst v12  }
0x29: {  	v14 =	vadd.s32 $0x1F84, v0;
	[tilespmem:$0x1FE60] =	vst v13  }
0x2a: {  	v15 =	vor.u32 $0x5, v0;
	[tilespmem:$0x1FE70] =	vst v14  }
0x2b: {  	v41 =	vadd.s32 $0x485, v0;
	[tilespmem:$0x1FE80] =	vst v15  }
0x2c: {  	v42 =	vadd.s32 $0x905, v0;
	[tilespmem:$0x1FE90] =	vst v41  }
0x2d: {  	v43 =	vadd.s32 $0xD85, v0;
	[tilespmem:$0x1FEA0] =	vst v42  }
0x2e: {  	v44 =	vadd.s32 $0x1205, v0;
	[tilespmem:$0x1FEB0] =	vst v43  }
0x2f: {  	v45 =	vadd.s32 $0x1685, v0;
	[tilespmem:$0x1FEC0] =	vst v44  }
0x30: {  	v46 =	vadd.s32 $0x1B05, v0;
	[tilespmem:$0x1FED0] =	vst v45  }
0x31: {  	v22 =	vadd.s32 $0x1F85, v0;
	[tilespmem:$0x1FEE0] =	vst v46  }
0x32: {  	v23 =	vor.u32 $0x6, v0;
	[tilespmem:$0x1FEF0] =	vst v22  }
0x33: {  	v24 =	vadd.s32 $0x486, v0;
	[tilespmem:$0x1FF00] =	vst v23  }
0x34: {  	v25 =	vadd.s32 $0x906, v0;
	[tilespmem:$0x1FF10] =	vst v24  }
0x35: {  	v26 =	vadd.s32 $0xD86, v0;
	[tilespmem:$0x1FF20] =	vst v25  }
0x36: {  	v27 =	vadd.s32 $0x1206, v0;
	[tilespmem:$0x1FF30] =	vst v26  }
0x37: {  	s3 =	srdreg.scid;
	s2 =	stileid.u32;
	s12 =	simm.s32 $0x80;
	v28 =	vadd.s32 $0x1686, v0;
	[tilespmem:$0x1FF40] =	vst v27  }
0x38: {  	s13 =	simm.s32 $0x200;
	s14 =	simm.s32 $0x2200;
	s15 =	simm.s32 $0x100;
	v29 =	vadd.s32 $0x1B06, v0;
	[tilespmem:$0x1FF50] =	vst v28  }
0x39: {  	s16 =	simm.s32 $0x4200;
	s17 =	simm.s32 $0x180;
	s18 =	simm.s32 $0x6200;
	v30 =	vadd.s32 $0x1F86, v0;
	[tilespmem:$0x1FF60] =	vst v29  }
0x3a: {  	s19 =	simm.s32 $0x1;
	s20 =	simm.s32 $0x8200;
	s21 =	simm.s32 $0x2;
	v31 =	vor.u32 $0x7, v0;
	[tilespmem:$0x1FF70] =	vst v30  }
0x3b: {  	s22 =	simm.s32 $0x3;
	s23 =	simm.s32 $0x4;
	s24 =	simm.s32 $0x0;
	v32 =	vadd.s32 $0x487, v0;
	[tilespmem:$0x1FF80] =	vst v31  }
0x3c: {  	s8 =	sand.u32 $0x1, s3;
	s29 =	sshll.u32 s2, $0x7;
	s10 =	sshll.u32 s2, $0xA;
	v39 =	vadd.s32 $0x907, v0;
	[tilespmem:$0x1FF90] =	vst v32  }
0x3d: {  	s4 =	sshll.u32 s8, $0x6;
	s5 =	ssub.s32 $0x2, s8;
	s10 =	sadd.s32 s10, s7;
	v34 =	vadd.s32 $0xD87, v0;
	[tilespmem:$0x1FFA0] =	vst v39  }
.Ltmp0:
0x3e: {  	s11 =	sshll.u32 s8, $0x9;
	s3 =	sor.u32 s4, s29;
	v35 =	vadd.s32 $0x1207, v0;
	[tilespmem:$0x1FFB0] =	vst v34;
	(pc) =	sbr.rel .LBB2_1-.Ltmp0, $4  }
0x3f: {  	s30 =	sshrl.u32 s5, $0x1;
	v36 =	vadd.s32 $0x1687, v0;
	s9 =	sadd.s32 s3, s0;
	s3 =	sadd.s32 $0xF42A00, s0;
	[tilespmem:$0x1FFC0] =	vst v35  }
0x40: {  	v37 =	vadd.s32 $0x1B07, v0;
	s31 =	ssub.s32 s5, s30;
	s4 =	sadd.s32 $0x600, s9;
	s5 =	sadd.s32 $0x620, s9;
	[tilespmem:$0x1FFD0] =	vst v36  }
0x41: {  	v38 =	vadd.s32 $0x1F87, v0;
	s6 =	sadd.s32 $0xE00, s9;
	s7 =	sadd.s32 $0xE20, s9;
	s9 =	sadd.s32 s11, s10;
	[tilespmem:$0x1FFE0] =	vst v37  }
0x42: {  	s8 =	smax.u32 s31, $0x1;
	s11 =	simm.s32 $0x5;
	[tilespmem:$0x1FFF0] =	vst v38;
	s10 =	sadd.s32 $0x100, s9  }
.LBB2_12:
0x43: {  	_ =	swait.ge [sflag:s22], $0x800  }
0x44: {  	[sflag:s22] =	ssyncset.done $0x0  }
0x45: {  	[sflag:s22] =	ssyncadd.s32 $0xFFFFF800  }
0x46: {  	_ =	swait.ge [sflag:s22], $0x800  }
0x47: {  	[sflag:s22] =	ssyncset.done $0x0  }
0x48: {  	[sflag:s22] =	ssyncadd.s32 $0xFFFFF800  }
0x49: {  	_ =	swait.ge [sflag:s22], $0x800  }
0x4a: {  	[sflag:s22] =	ssyncset.done $0x0  }
0x4b: {  	[sflag:s22] =	ssyncadd.s32 $0xFFFFF800  }
0x4c: {  	_ =	swait.ge [sflag:s22], $0x800  }
0x4d: {  	[sflag:s22] =	ssyncset.done $0x0  }
0x4e: {  	[sflag:s22] =	ssyncadd.s32 $0xFFFFF800  }
0x4f: {  	_ =	swait.ge [sflag:s22], $0x800  }
0x50: {  	[sflag:s22] =	ssyncset.done $0x0  }
0x51: {  	[sflag:s22] =	ssyncadd.s32 $0xFFFFF800  }
0x52: {  	_ =	swait.ge [sflag:s22], $0x800  }
0x53: {  	[sflag:s22] =	ssyncset.done $0x0  }
0x54: {  	[sflag:s22] =	ssyncadd.s32 $0xFFFFF800  }
0x55: {  	_ =	swait.ge [sflag:s22], $0x800  }
0x56: {  	[sflag:s22] =	ssyncset.done $0x0  }
0x57: {  	[sflag:s22] =	ssyncadd.s32 $0xFFFFF800  }
0x58: {  	_ =	swait.ge [sflag:s22], $0x800  }
0x59: {  	[sflag:s22] =	ssyncset.done $0x0  }
0x5a: {  	[sflag:s22] =	ssyncadd.s32 $0xFFFFF800  }
0x5b: {  	_ =	swait.ge [sflag:s23], $0x800  }
0x5c: {  	[sflag:s23] =	ssyncset.done $0x0  }
0x5d: {  	[sflag:s23] =	ssyncadd.s32 $0xFFFFF800  }
0x5e: {  	_ =	swait.ge [sflag:s23], $0x800  }
0x5f: {  	[sflag:s23] =	ssyncset.done $0x0  }
0x60: {  	[sflag:s23] =	ssyncadd.s32 $0xFFFFF800  }
0x61: {  	_ =	swait.ge [sflag:s23], $0x800  }
0x62: {  	[sflag:s23] =	ssyncset.done $0x0  }
0x63: {  	[sflag:s23] =	ssyncadd.s32 $0xFFFFF800  }
0x64: {  	_ =	swait.ge [sflag:s23], $0x800  }
0x65: {  	[sflag:s23] =	ssyncset.done $0x0  }
0x66: {  	[sflag:s23] =	ssyncadd.s32 $0xFFFFF800  }
0x67: {  	_ =	swait.ge [sflag:s23], $0x800  }
0x68: {  	[sflag:s23] =	ssyncset.done $0x0  }
0x69: {  	[sflag:s23] =	ssyncadd.s32 $0xFFFFF800  }
0x6a: {  	_ =	swait.ge [sflag:s23], $0x800  }
0x6b: {  	[sflag:s23] =	ssyncset.done $0x0  }
0x6c: {  	s24 =	sadd.s32 $0x1, s24;
	[sflag:s23] =	ssyncadd.s32 $0xFFFFF800  }
0x6d: {  	p0 =	sne.s32 s24, s8;
	_ =	swait.ge [sflag:s23], $0x800  }
.Ltmp1:
0x6e: {  	[sflag:s23] =	ssyncset.done $0x0;
	(pc) =	sbr.rel @!p0 .LBB2_13-.Ltmp1, $4  }
0x6f: {  	[sflag:s23] =	ssyncadd.s32 $0xFFFFF800  }
0x70: {  	_ =	swait.ge [sflag:s23], $0x800  }
0x71: {  	[sflag:s23] =	ssyncset.done $0x0  }
0x72: {  	[sflag:s23] =	ssyncadd.s32 $0xFFFFF800  }
.LBB2_1:
0x73: {  	[tilespmem:s1], [sflag:$0x5] =	stream.linear.gather [hbm4b:s4+s1], $0x100, $0x38;
	[tilespmem:$0x14A00] =	vst v63  }
0x74: {  	_ =	swait.ge [sflag:s11], $0x100  }
0x75: {  	[sflag:s11] =	ssyncset.done $0x0  }
0x76: {  	[sflag:s11] =	ssyncadd.s32 $0xFFFFFF00  }
0x77: {  	[tilespmem:s13], [sflag:$0x1] =	stream.indirect.gather [hbm4b:s3+s12], $0x40, s1, s12, $0xb8;
	[tilespmem:$0x14A00] =	vst v63  }
0x78: {  	_ = 	snop  }
0x79: {  	[tilespmem:s14], [sflag:$0x1] =	stream.indirect.gather [hbm4b:s3+s12], $0x40, s12, s12, $0xb8;
	[tilespmem:$0x14A00] =	vst v63  }
0x7a: {  	_ = 	snop  }
0x7b: {  	[tilespmem:s15], [sflag:$0x5] =	stream.linear.gather [hbm4b:s5+s1], $0x100, $0x38;
	[tilespmem:$0x14A00] =	vst v63  }
0x7c: {  	_ =	swait.ge [sflag:s11], $0x100  }
0x7d: {  	[sflag:s11] =	ssyncset.done $0x0  }
0x7e: {  	[sflag:s11] =	ssyncadd.s32 $0xFFFFFF00  }
0x7f: {  	[tilespmem:s16], [sflag:$0x2] =	stream.indirect.gather [hbm4b:s3+s12], $0x40, s15, s12, $0xb8;
	[tilespmem:$0x14A00] =	vst v63  }
0x80: {  	s25 =	smov.u32 s10;
	s26 =	smov.u32 s9;
	s28 =	simm.s32 $0x0  }
0x81: {  	[tilespmem:s18], [sflag:$0x2] =	stream.indirect.gather [hbm4b:s3+s12], $0x40, s17, s12, $0xb8;
	[tilespmem:$0x14A00] =	vst v63  }
.LBB2_2:
0x82: {  	_ =	swait.ge [sflag:s19], $0x2000  }
0x83: {  	[sflag:s19] =	ssyncset.done $0x0  }
0x84: {  	[sflag:s19] =	ssyncadd.s32 $0xFFFFE000  }
0x85: {  	_ =	swait.ge [sflag:s19], $0x2000  }
0x86: {  	p0 =	sne.s32 s28, $0x0;
	[sflag:s19] =	ssyncset.done $0x0  }
0x87: {  	s0 =	simm.s32 @p0 $0x3;
	[sflag:s19] =	ssyncadd.s32 $0xFFFFE000  }
0x88: {  	_ =	swait.ge @p0 [sflag:s0], $0x800  }
0x89: {  	[sflag:s0] =	ssyncset.done @p0 $0x0  }
0x8a: {  	[sflag:s0] =	ssyncadd.s32 @p0 $0xFFFFF800  }
0x8b: {  	_ =	swait.ge @p0 [sflag:s0], $0x800  }
0x8c: {  	[sflag:s0] =	ssyncset.done @p0 $0x0  }
0x8d: {  	[sflag:s0] =	ssyncadd.s32 @p0 $0xFFFFF800  }
0x8e: {  	_ =	swait.ge @p0 [sflag:s0], $0x800  }
0x8f: {  	[sflag:s0] =	ssyncset.done @p0 $0x0  }
0x90: {  	[sflag:s0] =	ssyncadd.s32 @p0 $0xFFFFF800  }
0x91: {  	_ =	swait.ge @p0 [sflag:s0], $0x800  }
0x92: {  	[sflag:s0] =	ssyncset.done @p0 $0x0  }
0x93: {  	[sflag:s0] =	ssyncadd.s32 @p0 $0xFFFFF800  }
0x94: {  	_ =	swait.ge @p0 [sflag:s0], $0x800  }
0x95: {  	[sflag:s0] =	ssyncset.done @p0 $0x0  }
0x96: {  	[sflag:s0] =	ssyncadd.s32 @p0 $0xFFFFF800  }
0x97: {  	_ =	swait.ge @p0 [sflag:s0], $0x800  }
0x98: {  	[sflag:s0] =	ssyncset.done @p0 $0x0  }
0x99: {  	[sflag:s0] =	ssyncadd.s32 @p0 $0xFFFFF800  }
0x9a: {  	_ =	swait.ge @p0 [sflag:s0], $0x800  }
0x9b: {  	[sflag:s0] =	ssyncset.done @p0 $0x0  }
0x9c: {  	[sflag:s0] =	ssyncadd.s32 @p0 $0xFFFFF800  }
0x9d: {  	_ =	swait.ge @p0 [sflag:s0], $0x800  }
0x9e: {  	[sflag:s0] =	ssyncset.done @p0 $0x0  }
0x9f: {  	[sflag:s0] =	ssyncadd.s32 @p0 $0xFFFFF800;
	s0 =	simm.s32 $0x0  }
0xa0: {  	v1 =	vld [tilespmem:s0+$0x200]  }
0xa1: {  	v2 =	vld [tilespmem:s0+$0x210]  }
0xa2: {  	v3 =	vld [tilespmem:s0+$0x220]  }
0xa3: {  	v4 =	vld [tilespmem:s0+$0x230]  }
0xa4: {  	v5 =	vld [tilespmem:s0+$0x240]  }
0xa5: {  	v6 =	vld [tilespmem:s0+$0x250]  }
0xa6: {  	v7 =	vld [tilespmem:s0+$0x260]  }
0xa7: {  	v8 =	vld [tilespmem:s0+$0x270]  }
0xa8: {  	v9 =	vld [tilespmem:s0+$0x280]  }
0xa9: {  	v10 =	vld [tilespmem:s0+$0x290]  }
0xaa: {  	v11 =	vld [tilespmem:s0+$0x2A0]  }
0xab: {  	v12 =	vld [tilespmem:s0+$0x2B0]  }
0xac: {  	v13 =	vld [tilespmem:s0+$0x2C0]  }
0xad: {  	v14 =	vld [tilespmem:s0+$0x2D0]  }
0xae: {  	v15 =	vld [tilespmem:s0+$0x2E0]  }
0xaf: {  	v16 =	vld [tilespmem:s0+$0x2F0]  }
0xb0: {  	v17 =	vld [tilespmem:s0+$0x300]  }
0xb1: {  	v18 =	vld [tilespmem:s0+$0x310]  }
0xb2: {  	v19 =	vld [tilespmem:s0+$0x320]  }
0xb3: {  	v20 =	vld [tilespmem:s0+$0x330]  }
0xb4: {  	v21 =	vld [tilespmem:s0+$0x340]  }
0xb5: {  	v22 =	vld [tilespmem:s0+$0x350]  }
0xb6: {  	v23 =	vld [tilespmem:s0+$0x360]  }
0xb7: {  	v24 =	vld [tilespmem:s0+$0x370]  }
0xb8: {  	v25 =	vld [tilespmem:s0+$0x380]  }
0xb9: {  	v26 =	vld [tilespmem:s0+$0x390]  }
0xba: {  	v27 =	vld [tilespmem:s0+$0x3F0]  }
0xbb: {  	v28 =	vld [tilespmem:s0+$0x3A0]  }
0xbc: {  	v29 =	vld [tilespmem:s0+$0x3B0]  }
0xbd: {  	v30 =	vld [tilespmem:s0+$0x3C0]  }
0xbe: {  	s30 =	simm.s32 $0x8320;
	v31 =	vld [tilespmem:s0+$0x3D0]  }
0xbf: {  	v32 =	vld [tilespmem:s0+$0x3E0];
	[tilespmem:s30+$0x108] =	vst v27  }
0xc0: {  	[tilespmem:s30+$0xFFFFFEE0] =	vst v1  }
0xc1: {  	[tilespmem:s30+$0xFFFFFEF0] =	vst v2  }
0xc2: {  	[tilespmem:s30+$0xFFFFFF00] =	vst v3  }
0xc3: {  	[tilespmem:s30+$0xFFFFFF10] =	vst v4  }
0xc4: {  	[tilespmem:s30+$0xFFFFFF28] =	vst v5  }
0xc5: {  	[tilespmem:s30+$0xFFFFFF38] =	vst v6  }
0xc6: {  	[tilespmem:s30+$0xFFFFFF48] =	vst v7  }
0xc7: {  	[tilespmem:s30+$0xFFFFFF58] =	vst v8  }
0xc8: {  	[tilespmem:s30+$0xFFFFFF70] =	vst v9  }
0xc9: {  	[tilespmem:s30+$0xFFFFFF80] =	vst v10  }
0xca: {  	[tilespmem:s30+$0xFFFFFF90] =	vst v11  }
0xcb: {  	[tilespmem:s30+$0xFFFFFFA0] =	vst v12  }
0xcc: {  	[tilespmem:s30+$0xFFFFFFB8] =	vst v13  }
0xcd: {  	[tilespmem:s30+$0xFFFFFFC8] =	vst v14  }
0xce: {  	[tilespmem:s30+$0xFFFFFFD8] =	vst v15  }
0xcf: {  	[tilespmem:s30+$0xFFFFFFE8] =	vst v16  }
0xd0: {  	[tilespmem:s30+$0x0] =	vst v17  }
0xd1: {  	[tilespmem:s30+$0x10] =	vst v18  }
0xd2: {  	[tilespmem:s30+$0x20] =	vst v19  }
0xd3: {  	[tilespmem:s30+$0x30] =	vst v20  }
0xd4: {  	[tilespmem:s30+$0x48] =	vst v21  }
0xd5: {  	[tilespmem:s30+$0x58] =	vst v22  }
0xd6: {  	[tilespmem:s30+$0x68] =	vst v23  }
0xd7: {  	[tilespmem:s30+$0x78] =	vst v24  }
0xd8: {  	[tilespmem:s30+$0x90] =	vst v25  }
0xd9: {  	[tilespmem:s30+$0xA0] =	vst v26  }
0xda: {  	[tilespmem:s30+$0xB0] =	vst v28  }
0xdb: {  	[tilespmem:s30+$0xC0] =	vst v29  }
0xdc: {  	[tilespmem:s30+$0xD8] =	vst v30  }
0xdd: {  	[tilespmem:s30+$0xE8] =	vst v31  }
0xde: {  	s0 =	simm.s32 $0x200;
	[tilespmem:s30+$0xF8] =	vst v32  }
0xdf: {  	v1 =	vld [tilespmem:s0+$0x200]  }
0xe0: {  	v2 =	vld [tilespmem:s0+$0x210]  }
0xe1: {  	v3 =	vld [tilespmem:s0+$0x220]  }
0xe2: {  	v4 =	vld [tilespmem:s0+$0x230]  }
0xe3: {  	v5 =	vld [tilespmem:s0+$0x240]  }
0xe4: {  	v6 =	vld [tilespmem:s0+$0x250]  }
0xe5: {  	v7 =	vld [tilespmem:s0+$0x260]  }
0xe6: {  	v8 =	vld [tilespmem:s0+$0x270]  }
0xe7: {  	v9 =	vld [tilespmem:s0+$0x280]  }
0xe8: {  	v10 =	vld [tilespmem:s0+$0x290]  }
0xe9: {  	v11 =	vld [tilespmem:s0+$0x2A0]  }
0xea: {  	v12 =	vld [tilespmem:s0+$0x2B0]  }
0xeb: {  	v13 =	vld [tilespmem:s0+$0x2C0]  }
0xec: {  	v14 =	vld [tilespmem:s0+$0x2D0]  }
0xed: {  	v15 =	vld [tilespmem:s0+$0x2E0]  }
0xee: {  	v16 =	vld [tilespmem:s0+$0x2F0]  }
0xef: {  	v17 =	vld [tilespmem:s0+$0x300]  }
0xf0: {  	v18 =	vld [tilespmem:s0+$0x310]  }
0xf1: {  	v19 =	vld [tilespmem:s0+$0x320]  }
0xf2: {  	v20 =	vld [tilespmem:s0+$0x330]  }
0xf3: {  	v21 =	vld [tilespmem:s0+$0x340]  }
0xf4: {  	v22 =	vld [tilespmem:s0+$0x350]  }
0xf5: {  	v23 =	vld [tilespmem:s0+$0x360]  }
0xf6: {  	v24 =	vld [tilespmem:s0+$0x370]  }
0xf7: {  	v25 =	vld [tilespmem:s0+$0x380]  }
0xf8: {  	s29 =	simm.s32 $0x0;
	s31 =	simm.s32 $0x1000;
	v26 =	vld [tilespmem:s0+$0x390]  }
.LBB2_3:
0xf9: {  	p1 =	sne.s32 s31, $0xF800;
	v27 =	vld [tilespmem:s0+$0x3F0]  }
0xfa: {  	v28 =	vld [tilespmem:s0+$0x3A0]  }
0xfb: {  	v29 =	vld [tilespmem:s0+$0x3B0]  }
0xfc: {  	v30 =	vld [tilespmem:s0+$0x3C0]  }
0xfd: {  	s30 =	sadd.s32 $0x240, s30;
	v31 =	vld [tilespmem:s0+$0x3D0]  }
0xfe: {  	v32 =	vld [tilespmem:s0+$0x3E0];
	[tilespmem:s30+$0x108] =	vst v27  }
0xff: {  	[tilespmem:s30+$0xFFFFFEE0] =	vst v1  }
0x100: {  	[tilespmem:s30+$0xFFFFFEF0] =	vst v2  }
0x101: {  	[tilespmem:s30+$0xFFFFFF00] =	vst v3  }
0x102: {  	[tilespmem:s30+$0xFFFFFF10] =	vst v4  }
0x103: {  	[tilespmem:s30+$0xFFFFFF28] =	vst v5  }
0x104: {  	[tilespmem:s30+$0xFFFFFF38] =	vst v6  }
0x105: {  	[tilespmem:s30+$0xFFFFFF48] =	vst v7  }
0x106: {  	[tilespmem:s30+$0xFFFFFF58] =	vst v8  }
0x107: {  	[tilespmem:s30+$0xFFFFFF70] =	vst v9  }
0x108: {  	[tilespmem:s30+$0xFFFFFF80] =	vst v10  }
0x109: {  	[tilespmem:s30+$0xFFFFFF90] =	vst v11  }
0x10a: {  	[tilespmem:s30+$0xFFFFFFA0] =	vst v12  }
0x10b: {  	[tilespmem:s30+$0xFFFFFFB8] =	vst v13  }
0x10c: {  	[tilespmem:s30+$0xFFFFFFC8] =	vst v14  }
0x10d: {  	[tilespmem:s30+$0xFFFFFFD8] =	vst v15  }
0x10e: {  	[tilespmem:s30+$0xFFFFFFE8] =	vst v16  }
0x10f: {  	[tilespmem:s30+$0x0] =	vst v17  }
0x110: {  	[tilespmem:s30+$0x10] =	vst v18  }
0x111: {  	[tilespmem:s30+$0x20] =	vst v19  }
0x112: {  	[tilespmem:s30+$0x30] =	vst v20  }
0x113: {  	[tilespmem:s30+$0x48] =	vst v21  }
0x114: {  	[tilespmem:s30+$0x58] =	vst v22  }
0x115: {  	[tilespmem:s30+$0x68] =	vst v23  }
0x116: {  	[tilespmem:s30+$0x78] =	vst v24  }
0x117: {  	[tilespmem:s30+$0x90] =	vst v25  }
0x118: {  	[tilespmem:s30+$0xA0] =	vst v26  }
0x119: {  	[tilespmem:s30+$0xB0] =	vst v28  }
0x11a: {  	[tilespmem:s30+$0xC0] =	vst v29  }
0x11b: {  	[tilespmem:s30+$0xD8] =	vst v30  }
0x11c: {  	[tilespmem:s30+$0xE8] =	vst v31  }
0x11d: {  	s0 =	sshra.s32 s31, $0x2;
	[tilespmem:s30+$0xF8] =	vst v32  }
0x11e: {  	v1 =	vld [tilespmem:s0+$0x200]  }
0x11f: {  	v2 =	vld [tilespmem:s0+$0x210]  }
0x120: {  	v3 =	vld [tilespmem:s0+$0x220]  }
0x121: {  	v4 =	vld [tilespmem:s0+$0x230]  }
0x122: {  	v5 =	vld [tilespmem:s0+$0x240]  }
0x123: {  	v6 =	vld [tilespmem:s0+$0x250]  }
0x124: {  	v7 =	vld [tilespmem:s0+$0x260]  }
0x125: {  	v8 =	vld [tilespmem:s0+$0x270]  }
0x126: {  	v9 =	vld [tilespmem:s0+$0x280]  }
0x127: {  	v10 =	vld [tilespmem:s0+$0x290]  }
0x128: {  	v11 =	vld [tilespmem:s0+$0x2A0]  }
0x129: {  	v12 =	vld [tilespmem:s0+$0x2B0]  }
0x12a: {  	v13 =	vld [tilespmem:s0+$0x2C0]  }
0x12b: {  	v14 =	vld [tilespmem:s0+$0x2D0]  }
0x12c: {  	v15 =	vld [tilespmem:s0+$0x2E0]  }
0x12d: {  	v16 =	vld [tilespmem:s0+$0x2F0]  }
0x12e: {  	v17 =	vld [tilespmem:s0+$0x300]  }
0x12f: {  	v18 =	vld [tilespmem:s0+$0x310]  }
0x130: {  	v19 =	vld [tilespmem:s0+$0x320]  }
0x131: {  	v20 =	vld [tilespmem:s0+$0x330]  }
0x132: {  	v21 =	vld [tilespmem:s0+$0x340]  }
.Ltmp2:
0x133: {  	v22 =	vld [tilespmem:s0+$0x350];
	(pc) =	sbr.rel @p1 .LBB2_3-.Ltmp2, $4  }
0x134: {  	v23 =	vld [tilespmem:s0+$0x360]  }
0x135: {  	v24 =	vld [tilespmem:s0+$0x370]  }
0x136: {  	v25 =	vld [tilespmem:s0+$0x380]  }
0x137: {  	s31 =	sadd.s32 $0x800, s31;
	v26 =	vld [tilespmem:s0+$0x390]  }
0x138: {  	v27 =	vld [tilespmem:s0+$0x3F0]  }
0x139: {  	v28 =	vld [tilespmem:s0+$0x3A0]  }
0x13a: {  	v29 =	vld [tilespmem:s0+$0x3B0]  }
0x13b: {  	v30 =	vld [tilespmem:s0+$0x3C0]  }
0x13c: {  	v31 =	vld [tilespmem:s0+$0x3D0];
	s30 =	sadd.s32 $0x240, s30  }
0x13d: {  	v32 =	vld [tilespmem:s0+$0x3E0];
	[tilespmem:s30+$0xFFFFFEE0] =	vst v1  }
0x13e: {  	[tilespmem:s30+$0xFFFFFEF0] =	vst v2  }
0x13f: {  	[tilespmem:s30+$0xFFFFFF00] =	vst v3  }
0x140: {  	[tilespmem:s30+$0xFFFFFF10] =	vst v4  }
0x141: {  	[tilespmem:s30+$0xFFFFFF28] =	vst v5  }
0x142: {  	[tilespmem:s30+$0xFFFFFF38] =	vst v6  }
0x143: {  	[tilespmem:s30+$0xFFFFFF48] =	vst v7  }
0x144: {  	[tilespmem:s30+$0xFFFFFF58] =	vst v8  }
0x145: {  	[tilespmem:s30+$0xFFFFFF70] =	vst v9  }
0x146: {  	[tilespmem:s30+$0xFFFFFF80] =	vst v10  }
0x147: {  	[tilespmem:s30+$0xFFFFFF90] =	vst v11  }
0x148: {  	[tilespmem:s30+$0xFFFFFFA0] =	vst v12  }
0x149: {  	[tilespmem:s30+$0xFFFFFFB8] =	vst v13  }
0x14a: {  	[tilespmem:s30+$0xFFFFFFC8] =	vst v14  }
0x14b: {  	[tilespmem:s30+$0xFFFFFFD8] =	vst v15  }
0x14c: {  	[tilespmem:s30+$0xFFFFFFE8] =	vst v16  }
0x14d: {  	[tilespmem:s30+$0x0] =	vst v17  }
0x14e: {  	[tilespmem:s30+$0x10] =	vst v18  }
0x14f: {  	[tilespmem:s30+$0x20] =	vst v19  }
0x150: {  	[tilespmem:s30+$0x30] =	vst v20  }
0x151: {  	[tilespmem:s30+$0x48] =	vst v21  }
0x152: {  	[tilespmem:s30+$0x58] =	vst v22  }
0x153: {  	[tilespmem:s30+$0x68] =	vst v23  }
0x154: {  	[tilespmem:s30+$0x78] =	vst v24  }
0x155: {  	[tilespmem:s30+$0x90] =	vst v25  }
0x156: {  	[tilespmem:s30+$0xA0] =	vst v26  }
0x157: {  	[tilespmem:s30+$0x108] =	vst v27  }
0x158: {  	[tilespmem:s30+$0xB0] =	vst v28  }
0x159: {  	[tilespmem:s30+$0xC0] =	vst v29  }
0x15a: {  	[tilespmem:s30+$0xD8] =	vst v30  }
0x15b: {  	[tilespmem:s30+$0xE8] =	vst v31  }
0x15c: {  	s31 =	smov.u32 s26;
	[tilespmem:s30+$0xF8] =	vst v32;
	s30 =	simm.s32 $0xCA00  }
.LBB2_5:
0x15d: {  	v1 =	vmov s29  }
0x15e: {  	v3 =	vld [tilespmem:$0x1FC20];
	v1 =	vshrl.u32 v1, $0x3  }
0x15f: {  	v4 =	vld [tilespmem:$0x1FC30];
	v1 =	vshll.u32 v1, $0x3  }
0x160: {  	v5 =	vld [tilespmem:$0x1FC40];
	v2 =	vbroadcast v1, $0x0  }
0x161: {  	v6 =	vld [tilespmem:$0x1FC50]  }
0x162: {  	v7 =	vld [tilespmem:$0x1FC60];
	v1 =	vadd.s32 v0, v2  }
0x163: {  	v8 =	vld [tilespmem:$0x1FC70];
	v3 =	vadd.s32 v3, v2  }
0x164: {  	v9 =	vld [tilespmem:$0x1FC80];
	v4 =	vadd.s32 v4, v2  }
0x165: {  	v44 =	vld [tilespmem:$0x1FCB0];
	v5 =	vadd.s32 v5, v2  }
0x166: {  	v45 =	vld [tilespmem:$0x1FCC0];
	v6 =	vadd.s32 v6, v2  }
0x167: {  	v7 =	vadd.s32 v7, v2;
	v1 =	vld.idx.msk [tilespmem:v1+s20+$0x0], $0xffff  }
0x168: {  	v8 =	vadd.s32 v8, v2;
	v3 =	vld.idx.msk [tilespmem:v3+s20+$0x0], $0xffff  }
0x169: {  	v9 =	vadd.s32 v9, v2;
	v4 =	vld.idx.msk [tilespmem:v4+s20+$0x0], $0xffff  }
0x16a: {  	v5 =	vld.idx.msk [tilespmem:v5+s20+$0x0], $0xffff  }
0x16b: {  	v6 =	vld.idx.msk [tilespmem:v6+s20+$0x0], $0xffff  }
0x16c: {  	v7 =	vld.idx.msk [tilespmem:v7+s20+$0x0], $0xffff  }
0x16d: {  	v8 =	vld.idx.msk [tilespmem:v8+s20+$0x0], $0xffff  }
0x16e: {  	v9 =	vld.idx.msk [tilespmem:v9+s20+$0x0], $0xffff;
	[tilespmem:s30+$0x0] =	vst v1  }
0x16f: {  	v46 =	vld [tilespmem:$0x1FCD0];
	[tilespmem:s30+$0x10] =	vst v3  }
0x170: {  	v47 =	vld [tilespmem:$0x1FCE0];
	[tilespmem:s30+$0x20] =	vst v4  }
0x171: {  	[tilespmem:s30+$0x30] =	vst v5;
	v1 =	vld [tilespmem:$0x1FC90]  }
0x172: {  	[tilespmem:s30+$0x40] =	vst v6;
	v3 =	vld [tilespmem:$0x1FCA0];
	v4 =	vadd.s32 v44, v2  }
0x173: {  	[tilespmem:s30+$0x60] =	vst v8;
	v5 =	vadd.s32 v45, v2;
	v8 =	vld [tilespmem:$0x1FCF0]  }
0x174: {  	[tilespmem:s30+$0x70] =	vst v9;
	v6 =	vadd.s32 v46, v2;
	v9 =	vld [tilespmem:$0x1FD00]  }
0x175: {  	v48 =	vld [tilespmem:$0x1FD30];
	[tilespmem:s30+$0x50] =	vst v7;
	v7 =	vadd.s32 v47, v2  }
0x176: {  	v49 =	vld [tilespmem:$0x1FD40];
	v1 =	vadd.s32 v1, v2  }
0x177: {  	v3 =	vadd.s32 v3, v2;
	v4 =	vld.idx.msk [tilespmem:v4+s20+$0x0], $0xffff  }
0x178: {  	v8 =	vadd.s32 v8, v2;
	v5 =	vld.idx.msk [tilespmem:v5+s20+$0x0], $0xffff  }
0x179: {  	v9 =	vadd.s32 v9, v2;
	v6 =	vld.idx.msk [tilespmem:v6+s20+$0x0], $0xffff  }
0x17a: {  	v7 =	vld.idx.msk [tilespmem:v7+s20+$0x0], $0xffff  }
0x17b: {  	v1 =	vld.idx.msk [tilespmem:v1+s20+$0x0], $0xffff  }
0x17c: {  	v3 =	vld.idx.msk [tilespmem:v3+s20+$0x0], $0xffff  }
0x17d: {  	v8 =	vld.idx.msk [tilespmem:v8+s20+$0x0], $0xffff  }
0x17e: {  	v9 =	vld.idx.msk [tilespmem:v9+s20+$0x0], $0xffff;
	[tilespmem:s30+$0xA0] =	vst v4  }
0x17f: {  	v50 =	vld [tilespmem:$0x1FD50];
	[tilespmem:s30+$0xB0] =	vst v5  }
0x180: {  	v51 =	vld [tilespmem:$0x1FD60];
	[tilespmem:s30+$0xC0] =	vst v6  }
0x181: {  	[tilespmem:s30+$0x80] =	vst v1;
	v1 =	vld [tilespmem:$0x1FD10]  }
0x182: {  	v4 =	vadd.s32 v48, v2;
	[tilespmem:s30+$0x90] =	vst v3;
	v3 =	vld [tilespmem:$0x1FD20]  }
0x183: {  	v5 =	vadd.s32 v49, v2;
	[tilespmem:s30+$0xE0] =	vst v8;
	v8 =	vld [tilespmem:$0x1FD70]  }
0x184: {  	v6 =	vadd.s32 v50, v2;
	[tilespmem:s30+$0xF0] =	vst v9;
	v9 =	vld [tilespmem:$0x1FD80]  }
0x185: {  	v52 =	vld [tilespmem:$0x1FDA0];
	[tilespmem:s30+$0xD0] =	vst v7;
	v7 =	vadd.s32 v51, v2  }
0x186: {  	v53 =	vld [tilespmem:$0x1FDB0];
	v1 =	vadd.s32 v1, v2  }
0x187: {  	v4 =	vld.idx.msk [tilespmem:v4+s20+$0x0], $0xffff;
	v3 =	vadd.s32 v3, v2  }
0x188: {  	v5 =	vld.idx.msk [tilespmem:v5+s20+$0x0], $0xffff;
	v8 =	vadd.s32 v8, v2  }
0x189: {  	v6 =	vld.idx.msk [tilespmem:v6+s20+$0x0], $0xffff;
	v9 =	vadd.s32 v9, v2  }
0x18a: {  	v7 =	vld.idx.msk [tilespmem:v7+s20+$0x0], $0xffff  }
0x18b: {  	v1 =	vld.idx.msk [tilespmem:v1+s20+$0x0], $0xffff  }
0x18c: {  	v3 =	vld.idx.msk [tilespmem:v3+s20+$0x0], $0xffff  }
0x18d: {  	v8 =	vld.idx.msk [tilespmem:v8+s20+$0x0], $0xffff  }
0x18e: {  	v9 =	vld.idx.msk [tilespmem:v9+s20+$0x0], $0xffff;
	[tilespmem:s30+$0x120] =	vst v4  }
0x18f: {  	v54 =	vld [tilespmem:$0x1FDC0];
	[tilespmem:s30+$0x130] =	vst v5  }
0x190: {  	v55 =	vld [tilespmem:$0x1FDD0];
	[tilespmem:s30+$0x140] =	vst v6  }
0x191: {  	[tilespmem:s30+$0x100] =	vst v1;
	v1 =	vld [tilespmem:$0x1FC10]  }
0x192: {  	v4 =	vadd.s32 v52, v2;
	[tilespmem:s30+$0x110] =	vst v3;
	v3 =	vld [tilespmem:$0x1FD90]  }
0x193: {  	v5 =	vadd.s32 v53, v2;
	[tilespmem:s30+$0x160] =	vst v8;
	v8 =	vld [tilespmem:$0x1FDE0]  }
0x194: {  	v6 =	vadd.s32 v54, v2;
	[tilespmem:s30+$0x170] =	vst v9;
	v9 =	vld [tilespmem:$0x1FDF0]  }
0x195: {  	v56 =	vld [tilespmem:$0x1FE20];
	[tilespmem:s30+$0x150] =	vst v7;
	v7 =	vadd.s32 v55, v2  }
0x196: {  	v57 =	vld [tilespmem:$0x1FE30];
	v1 =	vadd.s32 v1, v2  }
0x197: {  	v4 =	vld.idx.msk [tilespmem:v4+s20+$0x0], $0xffff;
	v3 =	vadd.s32 v3, v2  }
0x198: {  	v5 =	vld.idx.msk [tilespmem:v5+s20+$0x0], $0xffff;
	v8 =	vadd.s32 v8, v2  }
0x199: {  	v6 =	vld.idx.msk [tilespmem:v6+s20+$0x0], $0xffff;
	v9 =	vadd.s32 v9, v2  }
0x19a: {  	v7 =	vld.idx.msk [tilespmem:v7+s20+$0x0], $0xffff  }
0x19b: {  	v1 =	vld.idx.msk [tilespmem:v1+s20+$0x0], $0xffff  }
0x19c: {  	v3 =	vld.idx.msk [tilespmem:v3+s20+$0x0], $0xffff  }
0x19d: {  	v8 =	vld.idx.msk [tilespmem:v8+s20+$0x0], $0xffff  }
0x19e: {  	v9 =	vld.idx.msk [tilespmem:v9+s20+$0x0], $0xffff;
	[tilespmem:s30+$0x1A0] =	vst v4  }
0x19f: {  	v58 =	vld [tilespmem:$0x1FE40];
	[tilespmem:s30+$0x1B0] =	vst v5  }
0x1a0: {  	v59 =	vld [tilespmem:$0x1FE50];
	[tilespmem:s30+$0x1C0] =	vst v6  }
0x1a1: {  	[tilespmem:s30+$0x180] =	vst v1;
	v1 =	vld [tilespmem:$0x1FE00]  }
0x1a2: {  	v4 =	vadd.s32 v56, v2;
	[tilespmem:s30+$0x190] =	vst v3;
	v3 =	vld [tilespmem:$0x1FE10]  }
0x1a3: {  	v5 =	vadd.s32 v57, v2;
	[tilespmem:s30+$0x1E0] =	vst v8;
	v8 =	vld [tilespmem:$0x1FE60]  }
0x1a4: {  	v6 =	vadd.s32 v58, v2;
	[tilespmem:s30+$0x1F0] =	vst v9;
	v9 =	vld [tilespmem:$0x1FE70]  }
0x1a5: {  	v60 =	vld [tilespmem:$0x1FEA0];
	[tilespmem:s30+$0x1D0] =	vst v7;
	v7 =	vadd.s32 v59, v2  }
0x1a6: {  	v61 =	vld [tilespmem:$0x1FEB0];
	v1 =	vadd.s32 v1, v2  }
0x1a7: {  	v4 =	vld.idx.msk [tilespmem:v4+s20+$0x0], $0xffff;
	v3 =	vadd.s32 v3, v2  }
0x1a8: {  	v5 =	vld.idx.msk [tilespmem:v5+s20+$0x0], $0xffff;
	v8 =	vadd.s32 v8, v2  }
0x1a9: {  	v6 =	vld.idx.msk [tilespmem:v6+s20+$0x0], $0xffff;
	v9 =	vadd.s32 v9, v2  }
0x1aa: {  	v7 =	vld.idx.msk [tilespmem:v7+s20+$0x0], $0xffff  }
0x1ab: {  	v1 =	vld.idx.msk [tilespmem:v1+s20+$0x0], $0xffff  }
0x1ac: {  	v3 =	vld.idx.msk [tilespmem:v3+s20+$0x0], $0xffff  }
0x1ad: {  	v8 =	vld.idx.msk [tilespmem:v8+s20+$0x0], $0xffff  }
0x1ae: {  	v9 =	vld.idx.msk [tilespmem:v9+s20+$0x0], $0xffff;
	[tilespmem:s30+$0x220] =	vst v4  }
0x1af: {  	v62 =	vld [tilespmem:$0x1FEC0];
	[tilespmem:s30+$0x230] =	vst v5  }
0x1b0: {  	v63 =	vld [tilespmem:$0x1FED0];
	[tilespmem:s30+$0x240] =	vst v6  }
0x1b1: {  	[tilespmem:s30+$0x200] =	vst v1;
	v1 =	vld [tilespmem:$0x1FE80]  }
0x1b2: {  	v4 =	vadd.s32 v60, v2;
	[tilespmem:s30+$0x210] =	vst v3;
	v3 =	vld [tilespmem:$0x1FE90]  }
0x1b3: {  	v5 =	vadd.s32 v61, v2;
	[tilespmem:s30+$0x260] =	vst v8;
	v8 =	vld [tilespmem:$0x1FEE0]  }
0x1b4: {  	v6 =	vadd.s32 v62, v2;
	[tilespmem:s30+$0x270] =	vst v9;
	v9 =	vld [tilespmem:$0x1FEF0]  }
0x1b5: {  	v32 =	vld [tilespmem:$0x1FF20];
	[tilespmem:s30+$0x250] =	vst v7;
	v7 =	vadd.s32 v63, v2  }
0x1b6: {  	v33 =	vld [tilespmem:$0x1FF30];
	v1 =	vadd.s32 v1, v2  }
0x1b7: {  	v4 =	vld.idx.msk [tilespmem:v4+s20+$0x0], $0xffff;
	v3 =	vadd.s32 v3, v2  }
0x1b8: {  	v5 =	vld.idx.msk [tilespmem:v5+s20+$0x0], $0xffff;
	v8 =	vadd.s32 v8, v2  }
0x1b9: {  	v6 =	vld.idx.msk [tilespmem:v6+s20+$0x0], $0xffff;
	v9 =	vadd.s32 v9, v2  }
0x1ba: {  	v7 =	vld.idx.msk [tilespmem:v7+s20+$0x0], $0xffff  }
0x1bb: {  	v1 =	vld.idx.msk [tilespmem:v1+s20+$0x0], $0xffff  }
0x1bc: {  	v3 =	vld.idx.msk [tilespmem:v3+s20+$0x0], $0xffff  }
0x1bd: {  	v8 =	vld.idx.msk [tilespmem:v8+s20+$0x0], $0xffff  }
0x1be: {  	v9 =	vld.idx.msk [tilespmem:v9+s20+$0x0], $0xffff;
	[tilespmem:s30+$0x2A0] =	vst v4  }
0x1bf: {  	v34 =	vld [tilespmem:$0x1FF40];
	[tilespmem:s30+$0x2B0] =	vst v5  }
0x1c0: {  	v35 =	vld [tilespmem:$0x1FF50];
	[tilespmem:s30+$0x2C0] =	vst v6  }
0x1c1: {  	[tilespmem:s30+$0x280] =	vst v1;
	v1 =	vld [tilespmem:$0x1FF00]  }
0x1c2: {  	v4 =	vadd.s32 v32, v2;
	[tilespmem:s30+$0x290] =	vst v3;
	v3 =	vld [tilespmem:$0x1FF10]  }
0x1c3: {  	v5 =	vadd.s32 v33, v2;
	[tilespmem:s30+$0x2E0] =	vst v8;
	v8 =	vld [tilespmem:$0x1FF60]  }
0x1c4: {  	v6 =	vadd.s32 v34, v2;
	[tilespmem:s30+$0x2F0] =	vst v9;
	v9 =	vld [tilespmem:$0x1FF70]  }
0x1c5: {  	v36 =	vld [tilespmem:$0x1FFA0];
	[tilespmem:s30+$0x2D0] =	vst v7;
	v7 =	vadd.s32 v35, v2  }
0x1c6: {  	v37 =	vld [tilespmem:$0x1FFB0];
	v1 =	vadd.s32 v1, v2  }
0x1c7: {  	v4 =	vld.idx.msk [tilespmem:v4+s20+$0x0], $0xffff;
	v3 =	vadd.s32 v3, v2  }
0x1c8: {  	v5 =	vld.idx.msk [tilespmem:v5+s20+$0x0], $0xffff;
	v8 =	vadd.s32 v8, v2  }
0x1c9: {  	v6 =	vld.idx.msk [tilespmem:v6+s20+$0x0], $0xffff;
	v9 =	vadd.s32 v9, v2  }
0x1ca: {  	v7 =	vld.idx.msk [tilespmem:v7+s20+$0x0], $0xffff  }
0x1cb: {  	v1 =	vld.idx.msk [tilespmem:v1+s20+$0x0], $0xffff  }
0x1cc: {  	v3 =	vld.idx.msk [tilespmem:v3+s20+$0x0], $0xffff  }
0x1cd: {  	v8 =	vld.idx.msk [tilespmem:v8+s20+$0x0], $0xffff  }
0x1ce: {  	v9 =	vld.idx.msk [tilespmem:v9+s20+$0x0], $0xffff;
	[tilespmem:s30+$0x320] =	vst v4  }
0x1cf: {  	v38 =	vld [tilespmem:$0x1FFC0];
	[tilespmem:s30+$0x330] =	vst v5  }
0x1d0: {  	v39 =	vld [tilespmem:$0x1FFD0];
	[tilespmem:s30+$0x340] =	vst v6  }
0x1d1: {  	[tilespmem:s30+$0x300] =	vst v1;
	v1 =	vld [tilespmem:$0x1FF80]  }
0x1d2: {  	v4 =	vadd.s32 v36, v2;
	[tilespmem:s30+$0x310] =	vst v3;
	v3 =	vld [tilespmem:$0x1FF90]  }
0x1d3: {  	v5 =	vadd.s32 v37, v2;
	[tilespmem:s30+$0x360] =	vst v8;
	v8 =	vld [tilespmem:$0x1FFE0]  }
0x1d4: {  	v6 =	vadd.s32 v38, v2;
	[tilespmem:s30+$0x370] =	vst v9;
	v9 =	vld [tilespmem:$0x1FFF0]  }
0x1d5: {  	[tilespmem:s30+$0x350] =	vst v7;
	v7 =	vadd.s32 v39, v2  }
0x1d6: {  	v1 =	vadd.s32 v1, v2  }
0x1d7: {  	v4 =	vld.idx.msk [tilespmem:v4+s20+$0x0], $0xffff;
	v3 =	vadd.s32 v3, v2  }
0x1d8: {  	v5 =	vld.idx.msk [tilespmem:v5+s20+$0x0], $0xffff;
	v8 =	vadd.s32 v8, v2  }
0x1d9: {  	v6 =	vld.idx.msk [tilespmem:v6+s20+$0x0], $0xffff;
	v9 =	vadd.s32 v9, v2  }
0x1da: {  	v7 =	vld.idx.msk [tilespmem:v7+s20+$0x0], $0xffff  }
0x1db: {  	v1 =	vld.idx.msk [tilespmem:v1+s20+$0x0], $0xffff  }
0x1dc: {  	v3 =	vld.idx.msk [tilespmem:v3+s20+$0x0], $0xffff  }
0x1dd: {  	v8 =	vld.idx.msk [tilespmem:v8+s20+$0x0], $0xffff  }
0x1de: {  	v9 =	vld.idx.msk [tilespmem:v9+s20+$0x0], $0xffff;
	[tilespmem:s30+$0x3A0] =	vst v4  }
0x1df: {  	[tilespmem:s30+$0x3B0] =	vst v5  }
0x1e0: {  	[tilespmem:s30+$0x3C0] =	vst v6  }
0x1e1: {  	v40 =	vadd.s32 $0x2D00, v0;
	[tilespmem:s30+$0x3D0] =	vst v7  }
0x1e2: {  	v41 =	vadd.s32 $0x3180, v0;
	v4 =	vadd.s32 v40, v2;
	[tilespmem:s30+$0x380] =	vst v1  }
0x1e3: {  	v42 =	vadd.s32 $0x3600, v0;
	v5 =	vadd.s32 v41, v2;
	[tilespmem:s30+$0x390] =	vst v3  }
0x1e4: {  	v43 =	vadd.s32 $0x3A80, v0;
	v6 =	vadd.s32 v42, v2;
	[tilespmem:s30+$0x3E0] =	vst v8  }
0x1e5: {  	v7 =	vadd.s32 v43, v2;
	v1 =	vadd.s32 $0x2400, v0;
	[tilespmem:s30+$0x3F0] =	vst v9  }
0x1e6: {  	v3 =	vadd.s32 $0x2880, v0;
	[tilespmem:$0x1FB80] =	vst v1;
	v1 =	vadd.s32 v1, v2  }
0x1e7: {  	v8 =	vadd.s32 $0x3F00, v0;
	[tilespmem:$0x1FB90] =	vst v3;
	v3 =	vadd.s32 v3, v2;
	v4 =	vld.idx.msk [tilespmem:v4+s20+$0x0], $0xffff  }
0x1e8: {  	v9 =	vadd.s32 $0x4380, v0;
	[tilespmem:$0x1FBE0] =	vst v8;
	v8 =	vadd.s32 v8, v2;
	v5 =	vld.idx.msk [tilespmem:v5+s20+$0x0], $0xffff  }
0x1e9: {  	[tilespmem:$0x1FBF0] =	vst v9;
	v9 =	vadd.s32 v9, v2;
	v6 =	vld.idx.msk [tilespmem:v6+s20+$0x0], $0xffff  }
0x1ea: {  	v7 =	vld.idx.msk [tilespmem:v7+s20+$0x0], $0xffff  }
0x1eb: {  	v1 =	vld.idx.msk [tilespmem:v1+s20+$0x0], $0xffff  }
0x1ec: {  	v3 =	vld.idx.msk [tilespmem:v3+s20+$0x0], $0xffff  }
0x1ed: {  	v8 =	vld.idx.msk [tilespmem:v8+s20+$0x0], $0xffff  }
0x1ee: {  	v9 =	vld.idx.msk [tilespmem:v9+s20+$0x0], $0xffff;
	[tilespmem:s30+$0x420] =	vst v4  }
0x1ef: {  	[tilespmem:s30+$0x430] =	vst v5  }
0x1f0: {  	v10 =	vadd.s32 $0x2D01, v0;
	[tilespmem:s30+$0x440] =	vst v6  }
0x1f1: {  	v11 =	vadd.s32 $0x3181, v0;
	v44 =	vadd.s32 v10, v2;
	[tilespmem:s30+$0x450] =	vst v7  }
0x1f2: {  	v12 =	vadd.s32 $0x3601, v0;
	v45 =	vadd.s32 v11, v2;
	[tilespmem:s30+$0x400] =	vst v1  }
0x1f3: {  	v13 =	vadd.s32 $0x3A81, v0;
	v46 =	vadd.s32 v12, v2;
	[tilespmem:s30+$0x410] =	vst v3  }
0x1f4: {  	v23 =	vadd.s32 $0x2881, v0;
	v47 =	vadd.s32 v13, v2;
	[tilespmem:s30+$0x460] =	vst v8  }
0x1f5: {  	v14 =	vadd.s32 $0x3F01, v0;
	v3 =	vadd.s32 v23, v2;
	[tilespmem:s30+$0x470] =	vst v9  }
0x1f6: {  	v15 =	vadd.s32 $0x4381, v0;
	v8 =	vadd.s32 v14, v2;
	v4 =	vld.idx.msk [tilespmem:v44+s20+$0x0], $0xffff  }
0x1f7: {  	v1 =	vadd.s32 $0x2401, v0;
	v9 =	vadd.s32 v15, v2;
	v5 =	vld.idx.msk [tilespmem:v45+s20+$0x0], $0xffff  }
0x1f8: {  	[tilespmem:$0x1FC00] =	vst v1;
	v1 =	vadd.s32 v1, v2;
	v6 =	vld.idx.msk [tilespmem:v46+s20+$0x0], $0xffff  }
0x1f9: {  	v7 =	vld.idx.msk [tilespmem:v47+s20+$0x0], $0xffff  }
0x1fa: {  	v3 =	vld.idx.msk [tilespmem:v3+s20+$0x0], $0xffff  }
0x1fb: {  	v8 =	vld.idx.msk [tilespmem:v8+s20+$0x0], $0xffff  }
0x1fc: {  	v9 =	vld.idx.msk [tilespmem:v9+s20+$0x0], $0xffff  }
0x1fd: {  	v1 =	vld.idx.msk [tilespmem:v1+s20+$0x0], $0xffff;
	[tilespmem:s30+$0x4A0] =	vst v4  }
0x1fe: {  	[tilespmem:s30+$0x4B0] =	vst v5  }
0x1ff: {  	v18 =	vadd.s32 $0x2D02, v0;
	[tilespmem:s30+$0x4C0] =	vst v6  }
0x200: {  	v19 =	vadd.s32 $0x3182, v0;
	v48 =	vadd.s32 v18, v2;
	[tilespmem:s30+$0x4D0] =	vst v7  }
0x201: {  	v20 =	vadd.s32 $0x3602, v0;
	v49 =	vadd.s32 v19, v2;
	[tilespmem:s30+$0x490] =	vst v3  }
0x202: {  	v21 =	vadd.s32 $0x3A82, v0;
	v50 =	vadd.s32 v20, v2;
	[tilespmem:s30+$0x4E0] =	vst v8  }
0x203: {  	v17 =	vadd.s32 $0x2882, v0;
	v51 =	vadd.s32 v21, v2;
	[tilespmem:s30+$0x4F0] =	vst v9  }
0x204: {  	v22 =	vadd.s32 $0x3F02, v0;
	v3 =	vadd.s32 v17, v2;
	[tilespmem:s30+$0x480] =	vst v1  }
0x205: {  	v34 =	vadd.s32 $0x4382, v0;
	v8 =	vadd.s32 v22, v2;
	v4 =	vld.idx.msk [tilespmem:v48+s20+$0x0], $0xffff  }
0x206: {  	v16 =	vadd.s32 $0x2402, v0;
	v9 =	vadd.s32 v34, v2;
	v5 =	vld.idx.msk [tilespmem:v49+s20+$0x0], $0xffff  }
0x207: {  	v1 =	vadd.s32 v16, v2;
	v6 =	vld.idx.msk [tilespmem:v50+s20+$0x0], $0xffff  }
0x208: {  	v7 =	vld.idx.msk [tilespmem:v51+s20+$0x0], $0xffff  }
0x209: {  	v3 =	vld.idx.msk [tilespmem:v3+s20+$0x0], $0xffff  }
0x20a: {  	[tilespmem:$0x1FBA0] =	vst v40;
	v8 =	vld.idx.msk [tilespmem:v8+s20+$0x0], $0xffff  }
0x20b: {  	[tilespmem:$0x1FBB0] =	vst v41;
	v9 =	vld.idx.msk [tilespmem:v9+s20+$0x0], $0xffff  }
0x20c: {  	v1 =	vld.idx.msk [tilespmem:v1+s20+$0x0], $0xffff;
	[tilespmem:s30+$0x520] =	vst v4  }
0x20d: {  	[tilespmem:s30+$0x530] =	vst v5  }
0x20e: {  	v37 =	vadd.s32 $0x2D03, v0;
	[tilespmem:s30+$0x540] =	vst v6  }
0x20f: {  	v38 =	vadd.s32 $0x3183, v0;
	v52 =	vadd.s32 v37, v2;
	[tilespmem:s30+$0x550] =	vst v7  }
0x210: {  	v39 =	vadd.s32 $0x3603, v0;
	v53 =	vadd.s32 v38, v2;
	[tilespmem:s30+$0x510] =	vst v3  }
0x211: {  	v54 =	vadd.s32 v39, v2;
	v40 =	vadd.s32 $0x3A83, v0;
	[tilespmem:s30+$0x560] =	vst v8  }
0x212: {  	v36 =	vadd.s32 $0x2883, v0;
	v55 =	vadd.s32 v40, v2;
	[tilespmem:s30+$0x570] =	vst v9  }
0x213: {  	v41 =	vadd.s32 $0x3F03, v0;
	v3 =	vadd.s32 v36, v2;
	[tilespmem:s30+$0x500] =	vst v1  }
0x214: {  	[tilespmem:$0x1FBC0] =	vst v42;
	v42 =	vadd.s32 $0x4383, v0;
	v8 =	vadd.s32 v41, v2;
	v4 =	vld.idx.msk [tilespmem:v52+s20+$0x0], $0xffff  }
0x215: {  	v35 =	vadd.s32 $0x2403, v0;
	v9 =	vadd.s32 v42, v2;
	v5 =	vld.idx.msk [tilespmem:v53+s20+$0x0], $0xffff  }
0x216: {  	v1 =	vadd.s32 v35, v2;
	v6 =	vld.idx.msk [tilespmem:v54+s20+$0x0], $0xffff  }
0x217: {  	v7 =	vld.idx.msk [tilespmem:v55+s20+$0x0], $0xffff  }
0x218: {  	v3 =	vld.idx.msk [tilespmem:v3+s20+$0x0], $0xffff  }
0x219: {  	v8 =	vld.idx.msk [tilespmem:v8+s20+$0x0], $0xffff  }
0x21a: {  	v9 =	vld.idx.msk [tilespmem:v9+s20+$0x0], $0xffff  }
0x21b: {  	v1 =	vld.idx.msk [tilespmem:v1+s20+$0x0], $0xffff;
	[tilespmem:s30+$0x5A0] =	vst v4  }
0x21c: {  	[tilespmem:s30+$0x5B0] =	vst v5  }
0x21d: {  	v45 =	vadd.s32 $0x2D04, v0;
	[tilespmem:s30+$0x5C0] =	vst v6  }
0x21e: {  	v46 =	vadd.s32 $0x3184, v0;
	v56 =	vadd.s32 v45, v2;
	[tilespmem:s30+$0x5D0] =	vst v7  }
0x21f: {  	v47 =	vadd.s32 $0x3604, v0;
	v57 =	vadd.s32 v46, v2;
	[tilespmem:s30+$0x590] =	vst v3  }
0x220: {  	v58 =	vadd.s32 v47, v2;
	v48 =	vadd.s32 $0x3A84, v0;
	[tilespmem:s30+$0x5E0] =	vst v8  }
0x221: {  	v44 =	vadd.s32 $0x2884, v0;
	v59 =	vadd.s32 v48, v2;
	[tilespmem:s30+$0x5F0] =	vst v9  }
0x222: {  	v49 =	vadd.s32 $0x3F04, v0;
	v3 =	vadd.s32 v44, v2;
	[tilespmem:s30+$0x580] =	vst v1  }
0x223: {  	v50 =	vadd.s32 $0x4384, v0;
	v8 =	vadd.s32 v49, v2;
	v4 =	vld.idx.msk [tilespmem:v56+s20+$0x0], $0xffff  }
0x224: {  	[tilespmem:$0x1FBD0] =	vst v43;
	v43 =	vadd.s32 $0x2404, v0;
	v9 =	vadd.s32 v50, v2;
	v5 =	vld.idx.msk [tilespmem:v57+s20+$0x0], $0xffff  }
0x225: {  	v1 =	vadd.s32 v43, v2;
	v6 =	vld.idx.msk [tilespmem:v58+s20+$0x0], $0xffff  }
0x226: {  	v7 =	vld.idx.msk [tilespmem:v59+s20+$0x0], $0xffff  }
0x227: {  	v3 =	vld.idx.msk [tilespmem:v3+s20+$0x0], $0xffff  }
0x228: {  	v8 =	vld.idx.msk [tilespmem:v8+s20+$0x0], $0xffff  }
0x229: {  	v9 =	vld.idx.msk [tilespmem:v9+s20+$0x0], $0xffff  }
0x22a: {  	v1 =	vld.idx.msk [tilespmem:v1+s20+$0x0], $0xffff;
	[tilespmem:s30+$0x620] =	vst v4  }
0x22b: {  	[tilespmem:s30+$0x630] =	vst v5  }
0x22c: {  	v53 =	vadd.s32 $0x2D05, v0;
	[tilespmem:s30+$0x640] =	vst v6  }
0x22d: {  	v54 =	vadd.s32 $0x3185, v0;
	v60 =	vadd.s32 v53, v2;
	[tilespmem:s30+$0x650] =	vst v7  }
0x22e: {  	v55 =	vadd.s32 $0x3605, v0;
	v61 =	vadd.s32 v54, v2;
	[tilespmem:s30+$0x610] =	vst v3  }
0x22f: {  	v62 =	vadd.s32 v55, v2;
	v56 =	vadd.s32 $0x3A85, v0;
	[tilespmem:s30+$0x660] =	vst v8  }
0x230: {  	v52 =	vadd.s32 $0x2885, v0;
	v63 =	vadd.s32 v56, v2;
	[tilespmem:s30+$0x670] =	vst v9  }
0x231: {  	v57 =	vadd.s32 $0x3F05, v0;
	v3 =	vadd.s32 v52, v2;
	[tilespmem:s30+$0x600] =	vst v1  }
0x232: {  	v58 =	vadd.s32 $0x4385, v0;
	v8 =	vadd.s32 v57, v2;
	v4 =	vld.idx.msk [tilespmem:v60+s20+$0x0], $0xffff  }
0x233: {  	v51 =	vadd.s32 $0x2405, v0;
	v9 =	vadd.s32 v58, v2;
	v5 =	vld.idx.msk [tilespmem:v61+s20+$0x0], $0xffff  }
0x234: {  	v1 =	vadd.s32 v51, v2;
	v6 =	vld.idx.msk [tilespmem:v62+s20+$0x0], $0xffff  }
0x235: {  	v7 =	vld.idx.msk [tilespmem:v63+s20+$0x0], $0xffff  }
0x236: {  	v3 =	vld.idx.msk [tilespmem:v3+s20+$0x0], $0xffff  }
0x237: {  	v8 =	vld.idx.msk [tilespmem:v8+s20+$0x0], $0xffff  }
0x238: {  	v9 =	vld.idx.msk [tilespmem:v9+s20+$0x0], $0xffff  }
0x239: {  	v1 =	vld.idx.msk [tilespmem:v1+s20+$0x0], $0xffff;
	[tilespmem:s30+$0x6A0] =	vst v4  }
0x23a: {  	[tilespmem:s30+$0x6B0] =	vst v5  }
0x23b: {  	v61 =	vadd.s32 $0x2D06, v0;
	[tilespmem:s30+$0x6C0] =	vst v6  }
0x23c: {  	v62 =	vadd.s32 $0x3186, v0;
	[tilespmem:s30+$0x6D0] =	vst v7;
	v4 =	vadd.s32 v61, v2  }
0x23d: {  	v63 =	vadd.s32 $0x3606, v0;
	v5 =	vadd.s32 v62, v2;
	[tilespmem:s30+$0x690] =	vst v3  }
0x23e: {  	v24 =	vadd.s32 $0x3A86, v0;
	v6 =	vadd.s32 v63, v2;
	[tilespmem:s30+$0x6E0] =	vst v8  }
0x23f: {  	v60 =	vadd.s32 $0x2886, v0;
	v7 =	vadd.s32 v24, v2;
	[tilespmem:s30+$0x6F0] =	vst v9  }
0x240: {  	v59 =	vadd.s32 $0x2406, v0;
	v3 =	vadd.s32 v60, v2;
	[tilespmem:s30+$0x680] =	vst v1  }
0x241: {  	v33 =	vadd.s32 $0x3F06, v0;
	v1 =	vadd.s32 v59, v2;
	v4 =	vld.idx.msk [tilespmem:v4+s20+$0x0], $0xffff  }
0x242: {  	v25 =	vadd.s32 $0x4386, v0;
	v8 =	vadd.s32 v33, v2;
	v5 =	vld.idx.msk [tilespmem:v5+s20+$0x0], $0xffff  }
0x243: {  	v9 =	vadd.s32 v25, v2;
	v6 =	vld.idx.msk [tilespmem:v6+s20+$0x0], $0xffff  }
0x244: {  	v7 =	vld.idx.msk [tilespmem:v7+s20+$0x0], $0xffff  }
0x245: {  	v3 =	vld.idx.msk [tilespmem:v3+s20+$0x0], $0xffff  }
0x246: {  	v1 =	vld.idx.msk [tilespmem:v1+s20+$0x0], $0xffff  }
0x247: {  	v8 =	vld.idx.msk [tilespmem:v8+s20+$0x0], $0xffff  }
0x248: {  	v9 =	vld.idx.msk [tilespmem:v9+s20+$0x0], $0xffff;
	[tilespmem:s30+$0x720] =	vst v4  }
0x249: {  	[tilespmem:s30+$0x730] =	vst v5  }
0x24a: {  	v26 =	vadd.s32 $0x2407, v0;
	[tilespmem:s30+$0x740] =	vst v6  }
0x24b: {  	v28 =	vadd.s32 $0x2D07, v0;
	[tilespmem:s30+$0x700] =	vst v1;
	v1 =	vadd.s32 v26, v2  }
0x24c: {  	v29 =	vadd.s32 $0x3187, v0;
	[tilespmem:s30+$0x750] =	vst v7;
	v4 =	vadd.s32 v28, v2  }
0x24d: {  	v27 =	vadd.s32 $0x2887, v0;
	v5 =	vadd.s32 v29, v2;
	[tilespmem:s30+$0x710] =	vst v3  }
0x24e: {  	v30 =	vadd.s32 $0x3607, v0;
	v3 =	vadd.s32 v27, v2;
	[tilespmem:s30+$0x760] =	vst v8  }
0x24f: {  	v31 =	vadd.s32 $0x3A87, v0;
	v6 =	vadd.s32 v30, v2;
	[tilespmem:s30+$0x770] =	vst v9  }
0x250: {  	v8 =	vadd.s32 v31, v2;
	v7 =	vld.idx.msk [tilespmem:v1+s20+$0x0], $0xffff;
	v1 =	vadd.s32 $0x3F07, v0  }
0x251: {  	v32 =	vadd.s32 $0x4387, v0;
	v4 =	vld.idx.msk [tilespmem:v4+s20+$0x0], $0xffff;
	v9 =	vadd.s32 v1, v2  }
0x252: {  	v5 =	vld.idx.msk [tilespmem:v5+s20+$0x0], $0xffff;
	v2 =	vadd.s32 v32, v2  }
0x253: {  	v3 =	vld.idx.msk [tilespmem:v3+s20+$0x0], $0xffff  }
0x254: {  	v6 =	vld.idx.msk [tilespmem:v6+s20+$0x0], $0xffff  }
0x255: {  	v8 =	vld.idx.msk [tilespmem:v8+s20+$0x0], $0xffff  }
0x256: {  	v9 =	vld.idx.msk [tilespmem:v9+s20+$0x0], $0xffff  }
0x257: {  	v2 =	vld.idx.msk [tilespmem:v2+s20+$0x0], $0xffff;
	[tilespmem:s30+$0x780] =	vst v7  }
0x258: {  	[tilespmem:s30+$0x790] =	vst v3  }
0x259: {  	[tilespmem:s30+$0x7A0] =	vst v4  }
0x25a: {  	[tilespmem:s30+$0x7B0] =	vst v5  }
0x25b: {  	p1 =	sne.s32 s29, $0x38;
	[tilespmem:s30+$0x7C0] =	vst v6  }
.Ltmp3:
0x25c: {  	[tilespmem:s30+$0x7D0] =	vst v8;
	(pc) =	sbr.rel @p1 .LBB2_5-.Ltmp3, $4  }
0x25d: {  	[tilespmem:s30+$0x7E0] =	vst v9  }
0x25e: {  	[tilespmem:s30+$0x7F0] =	vst v2  }
0x25f: {  	[hbm4b:s31+s1] =	stream.linear.scatter [tilespmem:s30], [sflag:$0x3], $0x800, $0x38;
	[tilespmem:$0x14A00] =	vst v63  }
0x260: {  	s29 =	sadd.s32 $0x8, s29;
	s31 =	sadd.s32 $0x4000, s31;
	s30 =	sadd.s32 $0x800, s30  }
0x261: {  	[tilespmem:$0x1F810] =	vst v32  }
0x262: {  	[tilespmem:$0x1F820] =	vst v1  }
0x263: {  	[tilespmem:$0x1F830] =	vst v31  }
0x264: {  	[tilespmem:$0x1F840] =	vst v30  }
0x265: {  	[tilespmem:$0x1F850] =	vst v29  }
0x266: {  	[tilespmem:$0x1F860] =	vst v28  }
0x267: {  	[tilespmem:$0x1F870] =	vst v27  }
0x268: {  	[tilespmem:$0x1F880] =	vst v26  }
0x269: {  	[tilespmem:$0x1F890] =	vst v25  }
0x26a: {  	[tilespmem:$0x1F8A0] =	vst v33  }
0x26b: {  	[tilespmem:$0x1F8B0] =	vst v24  }
0x26c: {  	[tilespmem:$0x1F8C0] =	vst v63  }
0x26d: {  	[tilespmem:$0x1F8D0] =	vst v62  }
0x26e: {  	[tilespmem:$0x1F8E0] =	vst v61  }
0x26f: {  	[tilespmem:$0x1F8F0] =	vst v60  }
0x270: {  	[tilespmem:$0x1F900] =	vst v59  }
0x271: {  	[tilespmem:$0x1F910] =	vst v58  }
0x272: {  	[tilespmem:$0x1F920] =	vst v57  }
0x273: {  	[tilespmem:$0x1F930] =	vst v56  }
0x274: {  	[tilespmem:$0x1F940] =	vst v55  }
0x275: {  	[tilespmem:$0x1F950] =	vst v54  }
0x276: {  	[tilespmem:$0x1F960] =	vst v53  }
0x277: {  	[tilespmem:$0x1F970] =	vst v52  }
0x278: {  	[tilespmem:$0x1F980] =	vst v51  }
0x279: {  	[tilespmem:$0x1F990] =	vst v50  }
0x27a: {  	[tilespmem:$0x1F9A0] =	vst v49  }
0x27b: {  	[tilespmem:$0x1F9B0] =	vst v48  }
0x27c: {  	[tilespmem:$0x1F9C0] =	vst v47  }
0x27d: {  	[tilespmem:$0x1F9D0] =	vst v46  }
0x27e: {  	[tilespmem:$0x1F9E0] =	vst v45  }
0x27f: {  	[tilespmem:$0x1F9F0] =	vst v44  }
0x280: {  	[tilespmem:$0x1FA00] =	vst v43  }
0x281: {  	[tilespmem:$0x1FA10] =	vst v42  }
0x282: {  	[tilespmem:$0x1FA20] =	vst v41  }
0x283: {  	[tilespmem:$0x1FA30] =	vst v40  }
0x284: {  	[tilespmem:$0x1FA40] =	vst v39  }
0x285: {  	[tilespmem:$0x1FA50] =	vst v38  }
0x286: {  	[tilespmem:$0x1FA60] =	vst v37  }
0x287: {  	[tilespmem:$0x1FA70] =	vst v36  }
0x288: {  	[tilespmem:$0x1FA80] =	vst v35  }
0x289: {  	[tilespmem:$0x1FA90] =	vst v34  }
0x28a: {  	[tilespmem:$0x1FAA0] =	vst v22  }
0x28b: {  	[tilespmem:$0x1FAB0] =	vst v21  }
0x28c: {  	[tilespmem:$0x1FAC0] =	vst v20  }
0x28d: {  	[tilespmem:$0x1FAD0] =	vst v19  }
0x28e: {  	[tilespmem:$0x1FAE0] =	vst v18  }
0x28f: {  	[tilespmem:$0x1FAF0] =	vst v17  }
0x290: {  	[tilespmem:$0x1FB00] =	vst v16  }
0x291: {  	[tilespmem:$0x1FB10] =	vst v15  }
0x292: {  	[tilespmem:$0x1FB20] =	vst v14  }
0x293: {  	[tilespmem:$0x1FB30] =	vst v13  }
0x294: {  	[tilespmem:$0x1FB40] =	vst v12;
	p1 =	seq.s32 s28, $0x31  }
0x295: {  	[tilespmem:$0x1FB50] =	vst v11;
	s0 =	sshll.u32 @!p1 s28, $0xB  }
0x296: {  	[tilespmem:$0x1FB60] =	vst v10;
	s29 =	simm.s32 @!p1 $0x0;
	s0 =	sadd.s32 @!p1 s0, s6  }
0x297: {  	[tilespmem:s29], [sflag:$0x5] =	stream.linear.gather @!p1 [hbm4b:s0+s29], $0x100, $0x38;
	[tilespmem:$0x14A00] =	vst v63  }
0x298: {  	[tilespmem:$0x1FB70] =	vst v23;
	s0 =	simm.s32 @!p1 $0x5  }
0x299: {  	_ =	swait.ge @!p1 [sflag:s0], $0x100  }
0x29a: {  	[sflag:s0] =	ssyncset.done @!p1 $0x0  }
0x29b: {  	s30 =	simm.s32 @!p1 $0x200;
	[sflag:s0] =	ssyncadd.s32 @!p1 $0xFFFFFF00;
	s0 =	simm.s32 @!p1 $0x80  }
0x29c: {  	[tilespmem:s30], [sflag:$0x1] =	stream.indirect.gather @!p1 [hbm4b:s3+s0], $0x40, s29, s0, $0xb8;
	[tilespmem:$0x14A00] =	vst v63  }
0x29d: {  	s29 =	simm.s32 @!p1 $0x2200  }
0x29e: {  	[tilespmem:s29], [sflag:$0x1] =	stream.indirect.gather @!p1 [hbm4b:s3+s0], $0x40, s0, s0, $0xb8;
	[tilespmem:$0x14A00] =	vst v63  }
0x29f: {  	_ =	swait.ge [sflag:s21], $0x2000  }
0x2a0: {  	[sflag:s21] =	ssyncset.done $0x0  }
0x2a1: {  	[sflag:s21] =	ssyncadd.s32 $0xFFFFE000  }
0x2a2: {  	_ =	swait.ge [sflag:s21], $0x2000  }
0x2a3: {  	[sflag:s21] =	ssyncset.done $0x0  }
0x2a4: {  	s0 =	simm.s32 @p0 $0x4;
	[sflag:s21] =	ssyncadd.s32 $0xFFFFE000  }
0x2a5: {  	_ =	swait.ge @p0 [sflag:s0], $0x800  }
0x2a6: {  	[sflag:s0] =	ssyncset.done @p0 $0x0  }
0x2a7: {  	[sflag:s0] =	ssyncadd.s32 @p0 $0xFFFFF800  }
0x2a8: {  	_ =	swait.ge @p0 [sflag:s0], $0x800  }
0x2a9: {  	[sflag:s0] =	ssyncset.done @p0 $0x0  }
0x2aa: {  	[sflag:s0] =	ssyncadd.s32 @p0 $0xFFFFF800  }
0x2ab: {  	_ =	swait.ge @p0 [sflag:s0], $0x800  }
0x2ac: {  	[sflag:s0] =	ssyncset.done @p0 $0x0  }
0x2ad: {  	[sflag:s0] =	ssyncadd.s32 @p0 $0xFFFFF800  }
0x2ae: {  	_ =	swait.ge @p0 [sflag:s0], $0x800  }
0x2af: {  	[sflag:s0] =	ssyncset.done @p0 $0x0  }
0x2b0: {  	[sflag:s0] =	ssyncadd.s32 @p0 $0xFFFFF800  }
0x2b1: {  	_ =	swait.ge @p0 [sflag:s0], $0x800  }
0x2b2: {  	[sflag:s0] =	ssyncset.done @p0 $0x0  }
0x2b3: {  	[sflag:s0] =	ssyncadd.s32 @p0 $0xFFFFF800  }
0x2b4: {  	_ =	swait.ge @p0 [sflag:s0], $0x800  }
0x2b5: {  	[sflag:s0] =	ssyncset.done @p0 $0x0  }
0x2b6: {  	[sflag:s0] =	ssyncadd.s32 @p0 $0xFFFFF800  }
0x2b7: {  	_ =	swait.ge @p0 [sflag:s0], $0x800  }
0x2b8: {  	[sflag:s0] =	ssyncset.done @p0 $0x0  }
0x2b9: {  	[sflag:s0] =	ssyncadd.s32 @p0 $0xFFFFF800  }
0x2ba: {  	_ =	swait.ge @p0 [sflag:s0], $0x800  }
0x2bb: {  	[sflag:s0] =	ssyncset.done @p0 $0x0  }
0x2bc: {  	[sflag:s0] =	ssyncadd.s32 @p0 $0xFFFFF800;
	s0 =	simm.s32 $0x0  }
0x2bd: {  	v1 =	vld [tilespmem:s0+$0x4200]  }
0x2be: {  	v28 =	vld [tilespmem:s0+$0x4210]  }
0x2bf: {  	v29 =	vld [tilespmem:s0+$0x4220]  }
0x2c0: {  	v61 =	vld [tilespmem:s0+$0x4230]  }
0x2c1: {  	v62 =	vld [tilespmem:s0+$0x4240]  }
0x2c2: {  	v63 =	vld [tilespmem:s0+$0x4250]  }
0x2c3: {  	v8 =	vld [tilespmem:s0+$0x4260]  }
0x2c4: {  	v9 =	vld [tilespmem:s0+$0x4270]  }
0x2c5: {  	v10 =	vld [tilespmem:s0+$0x4280]  }
0x2c6: {  	v11 =	vld [tilespmem:s0+$0x4290]  }
0x2c7: {  	v12 =	vld [tilespmem:s0+$0x42A0]  }
0x2c8: {  	v13 =	vld [tilespmem:s0+$0x42B0]  }
0x2c9: {  	v14 =	vld [tilespmem:s0+$0x42C0]  }
0x2ca: {  	v15 =	vld [tilespmem:s0+$0x42D0]  }
0x2cb: {  	v16 =	vld [tilespmem:s0+$0x42E0]  }
0x2cc: {  	v17 =	vld [tilespmem:s0+$0x42F0]  }
0x2cd: {  	v18 =	vld [tilespmem:s0+$0x4300]  }
0x2ce: {  	v19 =	vld [tilespmem:s0+$0x4310]  }
0x2cf: {  	v20 =	vld [tilespmem:s0+$0x4320]  }
0x2d0: {  	v21 =	vld [tilespmem:s0+$0x4330]  }
0x2d1: {  	v22 =	vld [tilespmem:s0+$0x4340]  }
0x2d2: {  	v23 =	vld [tilespmem:s0+$0x4350]  }
0x2d3: {  	v24 =	vld [tilespmem:s0+$0x4360]  }
0x2d4: {  	v25 =	vld [tilespmem:s0+$0x4370]  }
0x2d5: {  	v26 =	vld [tilespmem:s0+$0x4380]  }
0x2d6: {  	v27 =	vld [tilespmem:s0+$0x4390]  }
0x2d7: {  	v2 =	vld [tilespmem:s0+$0x43F0]  }
0x2d8: {  	v3 =	vld [tilespmem:s0+$0x43A0]  }
0x2d9: {  	v4 =	vld [tilespmem:s0+$0x43B0]  }
0x2da: {  	v5 =	vld [tilespmem:s0+$0x43C0]  }
0x2db: {  	s30 =	simm.s32 $0x8320;
	v6 =	vld [tilespmem:s0+$0x43D0]  }
0x2dc: {  	v7 =	vld [tilespmem:s0+$0x43E0];
	[tilespmem:s30+$0x108] =	vst v2  }
0x2dd: {  	[tilespmem:s30+$0xFFFFFEE0] =	vst v1  }
0x2de: {  	[tilespmem:s30+$0xFFFFFEF0] =	vst v28  }
0x2df: {  	[tilespmem:s30+$0xFFFFFF00] =	vst v29  }
0x2e0: {  	[tilespmem:s30+$0xFFFFFF10] =	vst v61  }
0x2e1: {  	[tilespmem:s30+$0xFFFFFF28] =	vst v62  }
0x2e2: {  	[tilespmem:s30+$0xFFFFFF38] =	vst v63  }
0x2e3: {  	[tilespmem:s30+$0xFFFFFF48] =	vst v8  }
0x2e4: {  	[tilespmem:s30+$0xFFFFFF58] =	vst v9  }
0x2e5: {  	[tilespmem:s30+$0xFFFFFF70] =	vst v10  }
0x2e6: {  	[tilespmem:s30+$0xFFFFFF80] =	vst v11  }
0x2e7: {  	[tilespmem:s30+$0xFFFFFF90] =	vst v12  }
0x2e8: {  	[tilespmem:s30+$0xFFFFFFA0] =	vst v13  }
0x2e9: {  	[tilespmem:s30+$0xFFFFFFB8] =	vst v14  }
0x2ea: {  	[tilespmem:s30+$0xFFFFFFC8] =	vst v15  }
0x2eb: {  	[tilespmem:s30+$0xFFFFFFD8] =	vst v16  }
0x2ec: {  	[tilespmem:s30+$0xFFFFFFE8] =	vst v17  }
0x2ed: {  	[tilespmem:s30+$0x0] =	vst v18  }
0x2ee: {  	[tilespmem:s30+$0x10] =	vst v19  }
0x2ef: {  	[tilespmem:s30+$0x20] =	vst v20  }
0x2f0: {  	[tilespmem:s30+$0x30] =	vst v21  }
0x2f1: {  	[tilespmem:s30+$0x48] =	vst v22  }
0x2f2: {  	[tilespmem:s30+$0x58] =	vst v23  }
0x2f3: {  	[tilespmem:s30+$0x68] =	vst v24  }
0x2f4: {  	[tilespmem:s30+$0x78] =	vst v25  }
0x2f5: {  	[tilespmem:s30+$0x90] =	vst v26  }
0x2f6: {  	[tilespmem:s30+$0xA0] =	vst v27  }
0x2f7: {  	[tilespmem:s30+$0xB0] =	vst v3  }
0x2f8: {  	[tilespmem:s30+$0xC0] =	vst v4  }
0x2f9: {  	[tilespmem:s30+$0xD8] =	vst v5  }
0x2fa: {  	[tilespmem:s30+$0xE8] =	vst v6  }
0x2fb: {  	s0 =	simm.s32 $0x200;
	[tilespmem:s30+$0xF8] =	vst v7  }
0x2fc: {  	v2 =	vld [tilespmem:s0+$0x4200]  }
0x2fd: {  	v3 =	vld [tilespmem:s0+$0x4210]  }
0x2fe: {  	v4 =	vld [tilespmem:s0+$0x4220]  }
0x2ff: {  	v5 =	vld [tilespmem:s0+$0x4230]  }
0x300: {  	v6 =	vld [tilespmem:s0+$0x4240]  }
0x301: {  	v7 =	vld [tilespmem:s0+$0x4250]  }
0x302: {  	v8 =	vld [tilespmem:s0+$0x4260]  }
0x303: {  	v9 =	vld [tilespmem:s0+$0x4270]  }
0x304: {  	v10 =	vld [tilespmem:s0+$0x4280]  }
0x305: {  	v11 =	vld [tilespmem:s0+$0x4290]  }
0x306: {  	v12 =	vld [tilespmem:s0+$0x42A0]  }
0x307: {  	v13 =	vld [tilespmem:s0+$0x42B0]  }
0x308: {  	v14 =	vld [tilespmem:s0+$0x42C0]  }
0x309: {  	v15 =	vld [tilespmem:s0+$0x42D0]  }
0x30a: {  	v16 =	vld [tilespmem:s0+$0x42E0]  }
0x30b: {  	v17 =	vld [tilespmem:s0+$0x42F0]  }
0x30c: {  	v18 =	vld [tilespmem:s0+$0x4300]  }
0x30d: {  	v19 =	vld [tilespmem:s0+$0x4310]  }
0x30e: {  	v20 =	vld [tilespmem:s0+$0x4320]  }
0x30f: {  	v21 =	vld [tilespmem:s0+$0x4330]  }
0x310: {  	v22 =	vld [tilespmem:s0+$0x4340]  }
0x311: {  	v23 =	vld [tilespmem:s0+$0x4350]  }
0x312: {  	v24 =	vld [tilespmem:s0+$0x4360]  }
0x313: {  	v25 =	vld [tilespmem:s0+$0x4370]  }
0x314: {  	v26 =	vld [tilespmem:s0+$0x4380]  }
0x315: {  	s31 =	simm.s32 $0x1000;
	s29 =	simm.s32 $0x0;
	v27 =	vld [tilespmem:s0+$0x4390]  }
.LBB2_7:
0x316: {  	p0 =	sne.s32 s31, $0xF800;
	v28 =	vld [tilespmem:s0+$0x43F0]  }
0x317: {  	v29 =	vld [tilespmem:s0+$0x43A0]  }
0x318: {  	v30 =	vld [tilespmem:s0+$0x43B0]  }
0x319: {  	v31 =	vld [tilespmem:s0+$0x43C0]  }
0x31a: {  	s30 =	sadd.s32 $0x240, s30;
	v32 =	vld [tilespmem:s0+$0x43D0]  }
0x31b: {  	v33 =	vld [tilespmem:s0+$0x43E0];
	[tilespmem:s30+$0x108] =	vst v28  }
0x31c: {  	[tilespmem:s30+$0xFFFFFEE0] =	vst v2  }
0x31d: {  	[tilespmem:s30+$0xFFFFFEF0] =	vst v3  }
0x31e: {  	[tilespmem:s30+$0xFFFFFF00] =	vst v4  }
0x31f: {  	[tilespmem:s30+$0xFFFFFF10] =	vst v5  }
0x320: {  	[tilespmem:s30+$0xFFFFFF28] =	vst v6  }
0x321: {  	[tilespmem:s30+$0xFFFFFF38] =	vst v7  }
0x322: {  	[tilespmem:s30+$0xFFFFFF48] =	vst v8  }
0x323: {  	[tilespmem:s30+$0xFFFFFF58] =	vst v9  }
0x324: {  	[tilespmem:s30+$0xFFFFFF70] =	vst v10  }
0x325: {  	[tilespmem:s30+$0xFFFFFF80] =	vst v11  }
0x326: {  	[tilespmem:s30+$0xFFFFFF90] =	vst v12  }
0x327: {  	[tilespmem:s30+$0xFFFFFFA0] =	vst v13  }
0x328: {  	[tilespmem:s30+$0xFFFFFFB8] =	vst v14  }
0x329: {  	[tilespmem:s30+$0xFFFFFFC8] =	vst v15  }
0x32a: {  	[tilespmem:s30+$0xFFFFFFD8] =	vst v16  }
0x32b: {  	[tilespmem:s30+$0xFFFFFFE8] =	vst v17  }
0x32c: {  	[tilespmem:s30+$0x0] =	vst v18  }
0x32d: {  	[tilespmem:s30+$0x10] =	vst v19  }
0x32e: {  	[tilespmem:s30+$0x20] =	vst v20  }
0x32f: {  	[tilespmem:s30+$0x30] =	vst v21  }
0x330: {  	[tilespmem:s30+$0x48] =	vst v22  }
0x331: {  	[tilespmem:s30+$0x58] =	vst v23  }
0x332: {  	[tilespmem:s30+$0x68] =	vst v24  }
0x333: {  	[tilespmem:s30+$0x78] =	vst v25  }
0x334: {  	[tilespmem:s30+$0x90] =	vst v26  }
0x335: {  	[tilespmem:s30+$0xA0] =	vst v27  }
0x336: {  	[tilespmem:s30+$0xB0] =	vst v29  }
0x337: {  	[tilespmem:s30+$0xC0] =	vst v30  }
0x338: {  	[tilespmem:s30+$0xD8] =	vst v31  }
0x339: {  	[tilespmem:s30+$0xE8] =	vst v32  }
0x33a: {  	s0 =	sshra.s32 s31, $0x2;
	[tilespmem:s30+$0xF8] =	vst v33  }
0x33b: {  	v2 =	vld [tilespmem:s0+$0x4200]  }
0x33c: {  	v3 =	vld [tilespmem:s0+$0x4210]  }
0x33d: {  	v4 =	vld [tilespmem:s0+$0x4220]  }
0x33e: {  	v5 =	vld [tilespmem:s0+$0x4230]  }
0x33f: {  	v6 =	vld [tilespmem:s0+$0x4240]  }
0x340: {  	v7 =	vld [tilespmem:s0+$0x4250]  }
0x341: {  	v8 =	vld [tilespmem:s0+$0x4260]  }
0x342: {  	v9 =	vld [tilespmem:s0+$0x4270]  }
0x343: {  	v10 =	vld [tilespmem:s0+$0x4280]  }
0x344: {  	v11 =	vld [tilespmem:s0+$0x4290]  }
0x345: {  	v12 =	vld [tilespmem:s0+$0x42A0]  }
0x346: {  	v13 =	vld [tilespmem:s0+$0x42B0]  }
0x347: {  	v14 =	vld [tilespmem:s0+$0x42C0]  }
0x348: {  	v15 =	vld [tilespmem:s0+$0x42D0]  }
0x349: {  	v16 =	vld [tilespmem:s0+$0x42E0]  }
0x34a: {  	v17 =	vld [tilespmem:s0+$0x42F0]  }
0x34b: {  	v18 =	vld [tilespmem:s0+$0x4300]  }
0x34c: {  	v19 =	vld [tilespmem:s0+$0x4310]  }
0x34d: {  	v20 =	vld [tilespmem:s0+$0x4320]  }
0x34e: {  	v21 =	vld [tilespmem:s0+$0x4330]  }
0x34f: {  	v22 =	vld [tilespmem:s0+$0x4340]  }
.Ltmp4:
0x350: {  	v23 =	vld [tilespmem:s0+$0x4350];
	(pc) =	sbr.rel @p0 .LBB2_7-.Ltmp4, $4  }
0x351: {  	v24 =	vld [tilespmem:s0+$0x4360]  }
0x352: {  	v25 =	vld [tilespmem:s0+$0x4370]  }
0x353: {  	v26 =	vld [tilespmem:s0+$0x4380]  }
0x354: {  	s31 =	sadd.s32 $0x800, s31;
	v27 =	vld [tilespmem:s0+$0x4390]  }
0x355: {  	v28 =	vld [tilespmem:s0+$0x43F0]  }
0x356: {  	v29 =	vld [tilespmem:s0+$0x43A0]  }
0x357: {  	v30 =	vld [tilespmem:s0+$0x43B0]  }
0x358: {  	v31 =	vld [tilespmem:s0+$0x43C0]  }
0x359: {  	v32 =	vld [tilespmem:s0+$0x43D0]  }
0x35a: {  	v33 =	vld [tilespmem:s0+$0x43E0]  }
0x35b: {  	v34 =	vld [tilespmem:$0x1FA80]  }
0x35c: {  	v35 =	vld [tilespmem:$0x1FA70]  }
0x35d: {  	v36 =	vld [tilespmem:$0x1FA60]  }
0x35e: {  	v37 =	vld [tilespmem:$0x1FA50]  }
0x35f: {  	v38 =	vld [tilespmem:$0x1FA40]  }
0x360: {  	v39 =	vld [tilespmem:$0x1FA30]  }
0x361: {  	v40 =	vld [tilespmem:$0x1FA20]  }
0x362: {  	v41 =	vld [tilespmem:$0x1FA10]  }
0x363: {  	v42 =	vld [tilespmem:$0x1FA00]  }
0x364: {  	v43 =	vld [tilespmem:$0x1F9F0]  }
0x365: {  	v44 =	vld [tilespmem:$0x1F9E0]  }
0x366: {  	v45 =	vld [tilespmem:$0x1F9D0]  }
0x367: {  	v46 =	vld [tilespmem:$0x1F9C0]  }
0x368: {  	v47 =	vld [tilespmem:$0x1F9B0]  }
0x369: {  	v48 =	vld [tilespmem:$0x1F9A0]  }
0x36a: {  	v49 =	vld [tilespmem:$0x1F990]  }
0x36b: {  	v50 =	vld [tilespmem:$0x1F980]  }
0x36c: {  	v51 =	vld [tilespmem:$0x1F970]  }
0x36d: {  	v52 =	vld [tilespmem:$0x1F960]  }
0x36e: {  	v53 =	vld [tilespmem:$0x1F950]  }
0x36f: {  	v54 =	vld [tilespmem:$0x1F940]  }
0x370: {  	s30 =	sadd.s32 $0x240, s30;
	v55 =	vld [tilespmem:$0x1F930]  }
0x371: {  	v56 =	vld [tilespmem:$0x1F920];
	[tilespmem:s30+$0xFFFFFEE0] =	vst v2  }
0x372: {  	v57 =	vld [tilespmem:$0x1F910];
	[tilespmem:s30+$0xFFFFFEF0] =	vst v3  }
0x373: {  	v58 =	vld [tilespmem:$0x1F900];
	[tilespmem:s30+$0xFFFFFF00] =	vst v4  }
0x374: {  	v59 =	vld [tilespmem:$0x1F8F0];
	[tilespmem:s30+$0xFFFFFF10] =	vst v5  }
0x375: {  	v60 =	vld [tilespmem:$0x1F8E0];
	[tilespmem:s30+$0xFFFFFF28] =	vst v6  }
0x376: {  	v61 =	vld [tilespmem:$0x1F8D0];
	[tilespmem:s30+$0xFFFFFF38] =	vst v7  }
0x377: {  	v62 =	vld [tilespmem:$0x1F8C0];
	[tilespmem:s30+$0xFFFFFF48] =	vst v8  }
0x378: {  	v63 =	vld [tilespmem:$0x1F8B0];
	[tilespmem:s30+$0xFFFFFF58] =	vst v9  }
0x379: {  	v1 =	vld [tilespmem:$0x1F810];
	[tilespmem:s30+$0xFFFFFF70] =	vst v10  }
0x37a: {  	[tilespmem:s30+$0xFFFFFF80] =	vst v11;
	v4 =	vld [tilespmem:$0x1FC20]  }
0x37b: {  	[tilespmem:s30+$0xFFFFFF90] =	vst v12;
	v5 =	vld [tilespmem:$0x1FC30]  }
0x37c: {  	[tilespmem:s30+$0xFFFFFFA0] =	vst v13;
	v6 =	vld [tilespmem:$0x1FC40]  }
0x37d: {  	[tilespmem:s30+$0xFFFFFFB8] =	vst v14;
	v7 =	vld [tilespmem:$0x1FC50]  }
0x37e: {  	[tilespmem:s30+$0xFFFFFFC8] =	vst v15;
	v8 =	vld [tilespmem:$0x1FC60]  }
0x37f: {  	[tilespmem:s30+$0xFFFFFFD8] =	vst v16;
	v9 =	vld [tilespmem:$0x1FC70]  }
0x380: {  	[tilespmem:s30+$0xFFFFFFE8] =	vst v17;
	v10 =	vld [tilespmem:$0x1FC80]  }
0x381: {  	[tilespmem:s30+$0x48] =	vst v22;
	v22 =	vld [tilespmem:$0x1FAF0]  }
0x382: {  	[tilespmem:s30+$0x58] =	vst v23;
	v23 =	vld [tilespmem:$0x1FAE0]  }
0x383: {  	[tilespmem:s30+$0x68] =	vst v24;
	v24 =	vld [tilespmem:$0x1FAD0]  }
0x384: {  	[tilespmem:s30+$0x0] =	vst v18;
	v11 =	vld [tilespmem:$0x1F860]  }
0x385: {  	[tilespmem:s30+$0x10] =	vst v19;
	v12 =	vld [tilespmem:$0x1F850]  }
0x386: {  	[tilespmem:s30+$0x20] =	vst v20;
	v13 =	vld [tilespmem:$0x1F840]  }
0x387: {  	[tilespmem:s30+$0x30] =	vst v21;
	v14 =	vld [tilespmem:$0x1F830]  }
0x388: {  	v15 =	vld [tilespmem:$0x1F820];
	[tilespmem:s30+$0x78] =	vst v25  }
0x389: {  	v25 =	vld [tilespmem:$0x1FAC0];
	[tilespmem:s30+$0x90] =	vst v26  }
0x38a: {  	v26 =	vld [tilespmem:$0x1FAB0];
	[tilespmem:s30+$0xA0] =	vst v27  }
0x38b: {  	v27 =	vld [tilespmem:$0x1F870];
	[tilespmem:s30+$0x108] =	vst v28  }
0x38c: {  	[tilespmem:s30+$0xB0] =	vst v29;
	v28 =	vld [tilespmem:$0x1FAA0]  }
0x38d: {  	[tilespmem:s30+$0xC0] =	vst v30;
	v29 =	vld [tilespmem:$0x1FA90]  }
0x38e: {  	[tilespmem:s30+$0xD8] =	vst v31;
	v30 =	vld [tilespmem:$0x1F8A0]  }
0x38f: {  	[tilespmem:s30+$0xE8] =	vst v32;
	v31 =	vld [tilespmem:$0x1F890]  }
0x390: {  	s31 =	smov.u32 s25;
	[tilespmem:s30+$0xF8] =	vst v33;
	s30 =	simm.s32 $0x10A00;
	v32 =	vld [tilespmem:$0x1F880]  }
.LBB2_9:
0x391: {  	v2 =	vmov s29  }
0x392: {  	v2 =	vshrl.u32 v2, $0x3  }
0x393: {  	v2 =	vshll.u32 v2, $0x3  }
0x394: {  	v2 =	vbroadcast v2, $0x0;
	_ =	sdelay $0x1  }
0x395: {  	v3 =	vadd.s32 v0, v2  }
0x396: {  	v33 =	vmov v4;
	v4 =	vadd.s32 v4, v2  }
0x397: {  	v16 =	vmov v5;
	v5 =	vadd.s32 v5, v2  }
0x398: {  	v17 =	vmov v6;
	v6 =	vadd.s32 v6, v2  }
0x399: {  	v18 =	vmov v7;
	v7 =	vadd.s32 v7, v2  }
0x39a: {  	v19 =	vmov v8;
	v8 =	vadd.s32 v8, v2;
	v3 =	vld.idx.msk [tilespmem:v3+s20+$0x0], $0xffff  }
0x39b: {  	v20 =	vmov v9;
	v9 =	vadd.s32 v9, v2;
	v4 =	vld.idx.msk [tilespmem:v4+s20+$0x0], $0xffff  }
0x39c: {  	v21 =	vmov v10;
	v10 =	vadd.s32 v10, v2;
	v5 =	vld.idx.msk [tilespmem:v5+s20+$0x0], $0xffff  }
0x39d: {  	v6 =	vld.idx.msk [tilespmem:v6+s20+$0x0], $0xffff  }
0x39e: {  	v7 =	vld.idx.msk [tilespmem:v7+s20+$0x0], $0xffff  }
0x39f: {  	v8 =	vld.idx.msk [tilespmem:v8+s20+$0x0], $0xffff  }
0x3a0: {  	v9 =	vld.idx.msk [tilespmem:v9+s20+$0x0], $0xffff  }
0x3a1: {  	v10 =	vld.idx.msk [tilespmem:v10+s20+$0x0], $0xffff  }
0x3a2: {  	[tilespmem:s30+$0x0] =	vst v3;
	v3 =	vld [tilespmem:$0x1FC90]  }
0x3a3: {  	[tilespmem:s30+$0x10] =	vst v4;
	v4 =	vld [tilespmem:$0x1FCA0]  }
0x3a4: {  	[tilespmem:s30+$0x20] =	vst v5;
	v5 =	vld [tilespmem:$0x1FCB0]  }
0x3a5: {  	[tilespmem:s30+$0x30] =	vst v6;
	v6 =	vld [tilespmem:$0x1FCC0]  }
0x3a6: {  	[tilespmem:s30+$0x40] =	vst v7;
	v7 =	vld [tilespmem:$0x1FCD0]  }
0x3a7: {  	[tilespmem:s30+$0x50] =	vst v8;
	v8 =	vld [tilespmem:$0x1FCE0];
	v3 =	vadd.s32 v3, v2  }
0x3a8: {  	[tilespmem:s30+$0x60] =	vst v9;
	v9 =	vld [tilespmem:$0x1FCF0];
	v4 =	vadd.s32 v4, v2  }
0x3a9: {  	[tilespmem:s30+$0x70] =	vst v10;
	v10 =	vld [tilespmem:$0x1FD00];
	v5 =	vadd.s32 v5, v2  }
0x3aa: {  	v6 =	vadd.s32 v6, v2  }
0x3ab: {  	v7 =	vadd.s32 v7, v2  }
0x3ac: {  	v8 =	vadd.s32 v8, v2;
	v3 =	vld.idx.msk [tilespmem:v3+s20+$0x0], $0xffff  }
0x3ad: {  	v9 =	vadd.s32 v9, v2;
	v4 =	vld.idx.msk [tilespmem:v4+s20+$0x0], $0xffff  }
0x3ae: {  	v10 =	vadd.s32 v10, v2;
	v5 =	vld.idx.msk [tilespmem:v5+s20+$0x0], $0xffff  }
0x3af: {  	v6 =	vld.idx.msk [tilespmem:v6+s20+$0x0], $0xffff  }
0x3b0: {  	v7 =	vld.idx.msk [tilespmem:v7+s20+$0x0], $0xffff  }
0x3b1: {  	v8 =	vld.idx.msk [tilespmem:v8+s20+$0x0], $0xffff  }
0x3b2: {  	v9 =	vld.idx.msk [tilespmem:v9+s20+$0x0], $0xffff  }
0x3b3: {  	v10 =	vld.idx.msk [tilespmem:v10+s20+$0x0], $0xffff  }
0x3b4: {  	[tilespmem:s30+$0x80] =	vst v3;
	v3 =	vld [tilespmem:$0x1FD10]  }
0x3b5: {  	[tilespmem:s30+$0x90] =	vst v4;
	v4 =	vld [tilespmem:$0x1FD20]  }
0x3b6: {  	[tilespmem:s30+$0xA0] =	vst v5;
	v5 =	vld [tilespmem:$0x1FD30]  }
0x3b7: {  	[tilespmem:s30+$0xB0] =	vst v6;
	v6 =	vld [tilespmem:$0x1FD40]  }
0x3b8: {  	[tilespmem:s30+$0xC0] =	vst v7;
	v7 =	vld [tilespmem:$0x1FD50]  }
0x3b9: {  	[tilespmem:s30+$0xD0] =	vst v8;
	v8 =	vld [tilespmem:$0x1FD60];
	v3 =	vadd.s32 v3, v2  }
0x3ba: {  	[tilespmem:s30+$0xE0] =	vst v9;
	v9 =	vld [tilespmem:$0x1FD70];
	v4 =	vadd.s32 v4, v2  }
0x3bb: {  	[tilespmem:s30+$0xF0] =	vst v10;
	v10 =	vld [tilespmem:$0x1FD80];
	v5 =	vadd.s32 v5, v2  }
0x3bc: {  	v6 =	vadd.s32 v6, v2  }
0x3bd: {  	v7 =	vadd.s32 v7, v2  }
0x3be: {  	v8 =	vadd.s32 v8, v2;
	v3 =	vld.idx.msk [tilespmem:v3+s20+$0x0], $0xffff  }
0x3bf: {  	v9 =	vadd.s32 v9, v2;
	v4 =	vld.idx.msk [tilespmem:v4+s20+$0x0], $0xffff  }
0x3c0: {  	v10 =	vadd.s32 v10, v2;
	v5 =	vld.idx.msk [tilespmem:v5+s20+$0x0], $0xffff  }
0x3c1: {  	v6 =	vld.idx.msk [tilespmem:v6+s20+$0x0], $0xffff  }
0x3c2: {  	v7 =	vld.idx.msk [tilespmem:v7+s20+$0x0], $0xffff  }
0x3c3: {  	v8 =	vld.idx.msk [tilespmem:v8+s20+$0x0], $0xffff  }
0x3c4: {  	v9 =	vld.idx.msk [tilespmem:v9+s20+$0x0], $0xffff  }
0x3c5: {  	v10 =	vld.idx.msk [tilespmem:v10+s20+$0x0], $0xffff  }
0x3c6: {  	[tilespmem:s30+$0x100] =	vst v3;
	v3 =	vld [tilespmem:$0x1FC10]  }
0x3c7: {  	[tilespmem:s30+$0x110] =	vst v4;
	v4 =	vld [tilespmem:$0x1FD90]  }
0x3c8: {  	[tilespmem:s30+$0x120] =	vst v5;
	v5 =	vld [tilespmem:$0x1FDA0]  }
0x3c9: {  	[tilespmem:s30+$0x130] =	vst v6;
	v6 =	vld [tilespmem:$0x1FDB0]  }
0x3ca: {  	[tilespmem:s30+$0x140] =	vst v7;
	v7 =	vld [tilespmem:$0x1FDC0]  }
0x3cb: {  	[tilespmem:s30+$0x150] =	vst v8;
	v8 =	vld [tilespmem:$0x1FDD0];
	v3 =	vadd.s32 v3, v2  }
0x3cc: {  	[tilespmem:s30+$0x160] =	vst v9;
	v9 =	vld [tilespmem:$0x1FDE0];
	v4 =	vadd.s32 v4, v2  }
0x3cd: {  	[tilespmem:s30+$0x170] =	vst v10;
	v10 =	vld [tilespmem:$0x1FDF0];
	v5 =	vadd.s32 v5, v2  }
0x3ce: {  	v6 =	vadd.s32 v6, v2  }
0x3cf: {  	v7 =	vadd.s32 v7, v2  }
0x3d0: {  	v8 =	vadd.s32 v8, v2;
	v3 =	vld.idx.msk [tilespmem:v3+s20+$0x0], $0xffff  }
0x3d1: {  	v9 =	vadd.s32 v9, v2;
	v4 =	vld.idx.msk [tilespmem:v4+s20+$0x0], $0xffff  }
0x3d2: {  	v10 =	vadd.s32 v10, v2;
	v5 =	vld.idx.msk [tilespmem:v5+s20+$0x0], $0xffff  }
0x3d3: {  	v6 =	vld.idx.msk [tilespmem:v6+s20+$0x0], $0xffff  }
0x3d4: {  	v7 =	vld.idx.msk [tilespmem:v7+s20+$0x0], $0xffff  }
0x3d5: {  	v8 =	vld.idx.msk [tilespmem:v8+s20+$0x0], $0xffff  }
0x3d6: {  	v9 =	vld.idx.msk [tilespmem:v9+s20+$0x0], $0xffff  }
0x3d7: {  	v10 =	vld.idx.msk [tilespmem:v10+s20+$0x0], $0xffff  }
0x3d8: {  	[tilespmem:s30+$0x180] =	vst v3;
	v3 =	vld [tilespmem:$0x1FE00]  }
0x3d9: {  	[tilespmem:s30+$0x190] =	vst v4;
	v4 =	vld [tilespmem:$0x1FE10]  }
0x3da: {  	[tilespmem:s30+$0x1A0] =	vst v5;
	v5 =	vld [tilespmem:$0x1FE20]  }
0x3db: {  	[tilespmem:s30+$0x1B0] =	vst v6;
	v6 =	vld [tilespmem:$0x1FE30]  }
0x3dc: {  	[tilespmem:s30+$0x1C0] =	vst v7;
	v7 =	vld [tilespmem:$0x1FE40]  }
0x3dd: {  	[tilespmem:s30+$0x1D0] =	vst v8;
	v8 =	vld [tilespmem:$0x1FE50];
	v3 =	vadd.s32 v3, v2  }
0x3de: {  	[tilespmem:s30+$0x1E0] =	vst v9;
	v9 =	vld [tilespmem:$0x1FE60];
	v4 =	vadd.s32 v4, v2  }
0x3df: {  	[tilespmem:s30+$0x1F0] =	vst v10;
	v10 =	vld [tilespmem:$0x1FE70];
	v5 =	vadd.s32 v5, v2  }
0x3e0: {  	v6 =	vadd.s32 v6, v2  }
0x3e1: {  	v7 =	vadd.s32 v7, v2  }
0x3e2: {  	v8 =	vadd.s32 v8, v2;
	v3 =	vld.idx.msk [tilespmem:v3+s20+$0x0], $0xffff  }
0x3e3: {  	v9 =	vadd.s32 v9, v2;
	v4 =	vld.idx.msk [tilespmem:v4+s20+$0x0], $0xffff  }
0x3e4: {  	v10 =	vadd.s32 v10, v2;
	v5 =	vld.idx.msk [tilespmem:v5+s20+$0x0], $0xffff  }
0x3e5: {  	v6 =	vld.idx.msk [tilespmem:v6+s20+$0x0], $0xffff  }
0x3e6: {  	v7 =	vld.idx.msk [tilespmem:v7+s20+$0x0], $0xffff  }
0x3e7: {  	v8 =	vld.idx.msk [tilespmem:v8+s20+$0x0], $0xffff  }
0x3e8: {  	v9 =	vld.idx.msk [tilespmem:v9+s20+$0x0], $0xffff  }
0x3e9: {  	v10 =	vld.idx.msk [tilespmem:v10+s20+$0x0], $0xffff  }
0x3ea: {  	[tilespmem:s30+$0x200] =	vst v3;
	v3 =	vld [tilespmem:$0x1FE80]  }
0x3eb: {  	[tilespmem:s30+$0x210] =	vst v4;
	v4 =	vld [tilespmem:$0x1FE90]  }
0x3ec: {  	[tilespmem:s30+$0x220] =	vst v5;
	v5 =	vld [tilespmem:$0x1FEA0]  }
0x3ed: {  	[tilespmem:s30+$0x230] =	vst v6;
	v6 =	vld [tilespmem:$0x1FEB0]  }
0x3ee: {  	[tilespmem:s30+$0x240] =	vst v7;
	v7 =	vld [tilespmem:$0x1FEC0]  }
0x3ef: {  	[tilespmem:s30+$0x250] =	vst v8;
	v8 =	vld [tilespmem:$0x1FED0];
	v3 =	vadd.s32 v3, v2  }
0x3f0: {  	[tilespmem:s30+$0x260] =	vst v9;
	v9 =	vld [tilespmem:$0x1FEE0];
	v4 =	vadd.s32 v4, v2  }
0x3f1: {  	[tilespmem:s30+$0x270] =	vst v10;
	v10 =	vld [tilespmem:$0x1FEF0];
	v5 =	vadd.s32 v5, v2  }
0x3f2: {  	v6 =	vadd.s32 v6, v2  }
0x3f3: {  	v7 =	vadd.s32 v7, v2  }
0x3f4: {  	v8 =	vadd.s32 v8, v2;
	v3 =	vld.idx.msk [tilespmem:v3+s20+$0x0], $0xffff  }
0x3f5: {  	v9 =	vadd.s32 v9, v2;
	v4 =	vld.idx.msk [tilespmem:v4+s20+$0x0], $0xffff  }
0x3f6: {  	v10 =	vadd.s32 v10, v2;
	v5 =	vld.idx.msk [tilespmem:v5+s20+$0x0], $0xffff  }
0x3f7: {  	v6 =	vld.idx.msk [tilespmem:v6+s20+$0x0], $0xffff  }
0x3f8: {  	v7 =	vld.idx.msk [tilespmem:v7+s20+$0x0], $0xffff  }
0x3f9: {  	v8 =	vld.idx.msk [tilespmem:v8+s20+$0x0], $0xffff  }
0x3fa: {  	v9 =	vld.idx.msk [tilespmem:v9+s20+$0x0], $0xffff  }
0x3fb: {  	v10 =	vld.idx.msk [tilespmem:v10+s20+$0x0], $0xffff  }
0x3fc: {  	[tilespmem:s30+$0x280] =	vst v3;
	v3 =	vld [tilespmem:$0x1FF00]  }
0x3fd: {  	[tilespmem:s30+$0x290] =	vst v4;
	v4 =	vld [tilespmem:$0x1FF10]  }
0x3fe: {  	[tilespmem:s30+$0x2A0] =	vst v5;
	v5 =	vld [tilespmem:$0x1FF20]  }
0x3ff: {  	[tilespmem:s30+$0x2B0] =	vst v6;
	v6 =	vld [tilespmem:$0x1FF30]  }
0x400: {  	[tilespmem:s30+$0x2C0] =	vst v7;
	v7 =	vld [tilespmem:$0x1FF40]  }
0x401: {  	[tilespmem:s30+$0x2D0] =	vst v8;
	v8 =	vld [tilespmem:$0x1FF50];
	v3 =	vadd.s32 v3, v2  }
0x402: {  	[tilespmem:s30+$0x2E0] =	vst v9;
	v9 =	vld [tilespmem:$0x1FF60];
	v4 =	vadd.s32 v4, v2  }
0x403: {  	[tilespmem:s30+$0x2F0] =	vst v10;
	v10 =	vld [tilespmem:$0x1FF70];
	v5 =	vadd.s32 v5, v2  }
0x404: {  	v6 =	vadd.s32 v6, v2  }
0x405: {  	v7 =	vadd.s32 v7, v2  }
0x406: {  	v8 =	vadd.s32 v8, v2;
	v3 =	vld.idx.msk [tilespmem:v3+s20+$0x0], $0xffff  }
0x407: {  	v9 =	vadd.s32 v9, v2;
	v4 =	vld.idx.msk [tilespmem:v4+s20+$0x0], $0xffff  }
0x408: {  	v10 =	vadd.s32 v10, v2;
	v5 =	vld.idx.msk [tilespmem:v5+s20+$0x0], $0xffff  }
0x409: {  	v6 =	vld.idx.msk [tilespmem:v6+s20+$0x0], $0xffff  }
0x40a: {  	v7 =	vld.idx.msk [tilespmem:v7+s20+$0x0], $0xffff  }
0x40b: {  	v8 =	vld.idx.msk [tilespmem:v8+s20+$0x0], $0xffff  }
0x40c: {  	v9 =	vld.idx.msk [tilespmem:v9+s20+$0x0], $0xffff  }
0x40d: {  	v10 =	vld.idx.msk [tilespmem:v10+s20+$0x0], $0xffff  }
0x40e: {  	[tilespmem:s30+$0x300] =	vst v3;
	v3 =	vld [tilespmem:$0x1FF80]  }
0x40f: {  	[tilespmem:s30+$0x310] =	vst v4;
	v4 =	vld [tilespmem:$0x1FF90]  }
0x410: {  	[tilespmem:s30+$0x320] =	vst v5;
	v5 =	vld [tilespmem:$0x1FFA0]  }
0x411: {  	[tilespmem:s30+$0x330] =	vst v6;
	v6 =	vld [tilespmem:$0x1FFB0]  }
0x412: {  	[tilespmem:s30+$0x340] =	vst v7;
	v7 =	vld [tilespmem:$0x1FFC0]  }
0x413: {  	[tilespmem:s30+$0x350] =	vst v8;
	v8 =	vld [tilespmem:$0x1FFD0];
	v3 =	vadd.s32 v3, v2  }
0x414: {  	[tilespmem:s30+$0x360] =	vst v9;
	v9 =	vld [tilespmem:$0x1FFE0];
	v4 =	vadd.s32 v4, v2  }
0x415: {  	[tilespmem:s30+$0x370] =	vst v10;
	v10 =	vld [tilespmem:$0x1FFF0];
	v5 =	vadd.s32 v5, v2  }
0x416: {  	v6 =	vadd.s32 v6, v2  }
0x417: {  	v7 =	vadd.s32 v7, v2  }
0x418: {  	v8 =	vadd.s32 v8, v2;
	v3 =	vld.idx.msk [tilespmem:v3+s20+$0x0], $0xffff  }
0x419: {  	v9 =	vadd.s32 v9, v2;
	v4 =	vld.idx.msk [tilespmem:v4+s20+$0x0], $0xffff  }
0x41a: {  	v10 =	vadd.s32 v10, v2;
	v5 =	vld.idx.msk [tilespmem:v5+s20+$0x0], $0xffff  }
0x41b: {  	v6 =	vld.idx.msk [tilespmem:v6+s20+$0x0], $0xffff  }
0x41c: {  	v7 =	vld.idx.msk [tilespmem:v7+s20+$0x0], $0xffff  }
0x41d: {  	v8 =	vld.idx.msk [tilespmem:v8+s20+$0x0], $0xffff  }
0x41e: {  	v9 =	vld.idx.msk [tilespmem:v9+s20+$0x0], $0xffff  }
0x41f: {  	v10 =	vld.idx.msk [tilespmem:v10+s20+$0x0], $0xffff  }
0x420: {  	[tilespmem:s30+$0x380] =	vst v3;
	v3 =	vld [tilespmem:$0x1FB80]  }
0x421: {  	[tilespmem:s30+$0x390] =	vst v4;
	v4 =	vld [tilespmem:$0x1FB90]  }
0x422: {  	[tilespmem:s30+$0x3A0] =	vst v5;
	v5 =	vld [tilespmem:$0x1FBA0]  }
0x423: {  	[tilespmem:s30+$0x3B0] =	vst v6;
	v6 =	vld [tilespmem:$0x1FBB0]  }
0x424: {  	[tilespmem:s30+$0x3C0] =	vst v7;
	v7 =	vld [tilespmem:$0x1FBC0]  }
0x425: {  	[tilespmem:s30+$0x3D0] =	vst v8;
	v8 =	vld [tilespmem:$0x1FBD0];
	v3 =	vadd.s32 v3, v2  }
0x426: {  	[tilespmem:s30+$0x3E0] =	vst v9;
	v9 =	vld [tilespmem:$0x1FBE0];
	v4 =	vadd.s32 v4, v2  }
0x427: {  	[tilespmem:s30+$0x3F0] =	vst v10;
	v10 =	vld [tilespmem:$0x1FBF0];
	v5 =	vadd.s32 v5, v2  }
0x428: {  	v6 =	vadd.s32 v6, v2  }
0x429: {  	v7 =	vadd.s32 v7, v2  }
0x42a: {  	v8 =	vadd.s32 v8, v2;
	v3 =	vld.idx.msk [tilespmem:v3+s20+$0x0], $0xffff  }
0x42b: {  	v9 =	vadd.s32 v9, v2;
	v4 =	vld.idx.msk [tilespmem:v4+s20+$0x0], $0xffff  }
0x42c: {  	v10 =	vadd.s32 v10, v2;
	v5 =	vld.idx.msk [tilespmem:v5+s20+$0x0], $0xffff  }
0x42d: {  	v6 =	vld.idx.msk [tilespmem:v6+s20+$0x0], $0xffff  }
0x42e: {  	v7 =	vld.idx.msk [tilespmem:v7+s20+$0x0], $0xffff  }
0x42f: {  	v8 =	vld.idx.msk [tilespmem:v8+s20+$0x0], $0xffff  }
0x430: {  	v9 =	vld.idx.msk [tilespmem:v9+s20+$0x0], $0xffff  }
0x431: {  	v10 =	vld.idx.msk [tilespmem:v10+s20+$0x0], $0xffff  }
0x432: {  	[tilespmem:s30+$0x400] =	vst v3;
	v3 =	vld [tilespmem:$0x1FC00]  }
0x433: {  	[tilespmem:s30+$0x410] =	vst v4;
	v4 =	vld [tilespmem:$0x1FB70]  }
0x434: {  	[tilespmem:s30+$0x420] =	vst v5;
	v5 =	vld [tilespmem:$0x1FB60]  }
0x435: {  	[tilespmem:s30+$0x430] =	vst v6;
	v6 =	vld [tilespmem:$0x1FB50]  }
0x436: {  	[tilespmem:s30+$0x440] =	vst v7;
	v7 =	vld [tilespmem:$0x1FB40]  }
0x437: {  	[tilespmem:s30+$0x450] =	vst v8;
	v8 =	vld [tilespmem:$0x1FB30];
	v3 =	vadd.s32 v3, v2  }
0x438: {  	[tilespmem:s30+$0x460] =	vst v9;
	v9 =	vld [tilespmem:$0x1FB20];
	v4 =	vadd.s32 v4, v2  }
0x439: {  	[tilespmem:s30+$0x470] =	vst v10;
	v10 =	vld [tilespmem:$0x1FB10];
	v5 =	vadd.s32 v5, v2  }
0x43a: {  	v6 =	vadd.s32 v6, v2  }
0x43b: {  	v7 =	vadd.s32 v7, v2  }
0x43c: {  	v8 =	vadd.s32 v8, v2;
	v3 =	vld.idx.msk [tilespmem:v3+s20+$0x0], $0xffff  }
0x43d: {  	v9 =	vadd.s32 v9, v2;
	v4 =	vld.idx.msk [tilespmem:v4+s20+$0x0], $0xffff  }
0x43e: {  	v10 =	vadd.s32 v10, v2;
	v5 =	vld.idx.msk [tilespmem:v5+s20+$0x0], $0xffff  }
0x43f: {  	v6 =	vld.idx.msk [tilespmem:v6+s20+$0x0], $0xffff  }
0x440: {  	v7 =	vld.idx.msk [tilespmem:v7+s20+$0x0], $0xffff  }
0x441: {  	v8 =	vld.idx.msk [tilespmem:v8+s20+$0x0], $0xffff  }
0x442: {  	v9 =	vld.idx.msk [tilespmem:v9+s20+$0x0], $0xffff  }
0x443: {  	v10 =	vld.idx.msk [tilespmem:v10+s20+$0x0], $0xffff;
	[tilespmem:s30+$0x480] =	vst v3  }
0x444: {  	[tilespmem:s30+$0x490] =	vst v4  }
0x445: {  	[tilespmem:s30+$0x4A0] =	vst v5  }
0x446: {  	[tilespmem:s30+$0x4B0] =	vst v6;
	v4 =	vadd.s32 v22, v2  }
0x447: {  	[tilespmem:s30+$0x4C0] =	vst v7;
	v5 =	vadd.s32 v23, v2  }
0x448: {  	v3 =	vld [tilespmem:$0x1FB00];
	[tilespmem:s30+$0x4D0] =	vst v8;
	v6 =	vadd.s32 v24, v2  }
0x449: {  	[tilespmem:s30+$0x4E0] =	vst v9;
	v7 =	vadd.s32 v25, v2  }
0x44a: {  	[tilespmem:s30+$0x4F0] =	vst v10;
	v8 =	vadd.s32 v26, v2  }
0x44b: {  	v9 =	vadd.s32 v28, v2;
	v4 =	vld.idx.msk [tilespmem:v4+s20+$0x0], $0xffff  }
0x44c: {  	v10 =	vadd.s32 v29, v2;
	v5 =	vld.idx.msk [tilespmem:v5+s20+$0x0], $0xffff  }
0x44d: {  	v3 =	vadd.s32 v3, v2;
	v6 =	vld.idx.msk [tilespmem:v6+s20+$0x0], $0xffff  }
0x44e: {  	v7 =	vld.idx.msk [tilespmem:v7+s20+$0x0], $0xffff  }
0x44f: {  	v8 =	vld.idx.msk [tilespmem:v8+s20+$0x0], $0xffff  }
0x450: {  	v9 =	vld.idx.msk [tilespmem:v9+s20+$0x0], $0xffff  }
0x451: {  	v10 =	vld.idx.msk [tilespmem:v10+s20+$0x0], $0xffff  }
0x452: {  	v3 =	vld.idx.msk [tilespmem:v3+s20+$0x0], $0xffff;
	[tilespmem:s30+$0x510] =	vst v4  }
0x453: {  	[tilespmem:s30+$0x520] =	vst v5  }
0x454: {  	[tilespmem:s30+$0x530] =	vst v6  }
0x455: {  	[tilespmem:s30+$0x540] =	vst v7;
	v4 =	vadd.s32 v35, v2  }
0x456: {  	[tilespmem:s30+$0x550] =	vst v8;
	v5 =	vadd.s32 v36, v2  }
0x457: {  	[tilespmem:s30+$0x560] =	vst v9;
	v6 =	vadd.s32 v37, v2  }
0x458: {  	[tilespmem:s30+$0x570] =	vst v10;
	v7 =	vadd.s32 v38, v2  }
0x459: {  	v8 =	vadd.s32 v39, v2;
	[tilespmem:s30+$0x500] =	vst v3  }
0x45a: {  	v9 =	vadd.s32 v40, v2;
	v4 =	vld.idx.msk [tilespmem:v4+s20+$0x0], $0xffff  }
0x45b: {  	v10 =	vadd.s32 v41, v2;
	v5 =	vld.idx.msk [tilespmem:v5+s20+$0x0], $0xffff  }
0x45c: {  	v3 =	vadd.s32 v34, v2;
	v6 =	vld.idx.msk [tilespmem:v6+s20+$0x0], $0xffff  }
0x45d: {  	v7 =	vld.idx.msk [tilespmem:v7+s20+$0x0], $0xffff  }
0x45e: {  	v8 =	vld.idx.msk [tilespmem:v8+s20+$0x0], $0xffff  }
0x45f: {  	v9 =	vld.idx.msk [tilespmem:v9+s20+$0x0], $0xffff  }
0x460: {  	v10 =	vld.idx.msk [tilespmem:v10+s20+$0x0], $0xffff  }
0x461: {  	v3 =	vld.idx.msk [tilespmem:v3+s20+$0x0], $0xffff;
	[tilespmem:s30+$0x590] =	vst v4  }
0x462: {  	[tilespmem:s30+$0x5A0] =	vst v5  }
0x463: {  	[tilespmem:s30+$0x5B0] =	vst v6  }
0x464: {  	[tilespmem:s30+$0x5C0] =	vst v7;
	v4 =	vadd.s32 v43, v2  }
0x465: {  	[tilespmem:s30+$0x5D0] =	vst v8;
	v5 =	vadd.s32 v44, v2  }
0x466: {  	[tilespmem:s30+$0x5E0] =	vst v9;
	v6 =	vadd.s32 v45, v2  }
0x467: {  	[tilespmem:s30+$0x5F0] =	vst v10;
	v7 =	vadd.s32 v46, v2  }
0x468: {  	v8 =	vadd.s32 v47, v2;
	[tilespmem:s30+$0x580] =	vst v3  }
0x469: {  	v9 =	vadd.s32 v48, v2;
	v4 =	vld.idx.msk [tilespmem:v4+s20+$0x0], $0xffff  }
0x46a: {  	v10 =	vadd.s32 v49, v2;
	v5 =	vld.idx.msk [tilespmem:v5+s20+$0x0], $0xffff  }
0x46b: {  	v3 =	vadd.s32 v42, v2;
	v6 =	vld.idx.msk [tilespmem:v6+s20+$0x0], $0xffff  }
0x46c: {  	v7 =	vld.idx.msk [tilespmem:v7+s20+$0x0], $0xffff  }
0x46d: {  	v8 =	vld.idx.msk [tilespmem:v8+s20+$0x0], $0xffff  }
0x46e: {  	v9 =	vld.idx.msk [tilespmem:v9+s20+$0x0], $0xffff  }
0x46f: {  	v10 =	vld.idx.msk [tilespmem:v10+s20+$0x0], $0xffff  }
0x470: {  	v3 =	vld.idx.msk [tilespmem:v3+s20+$0x0], $0xffff;
	[tilespmem:s30+$0x610] =	vst v4  }
0x471: {  	[tilespmem:s30+$0x620] =	vst v5  }
0x472: {  	[tilespmem:s30+$0x630] =	vst v6  }
0x473: {  	[tilespmem:s30+$0x640] =	vst v7;
	v4 =	vadd.s32 v51, v2  }
0x474: {  	[tilespmem:s30+$0x650] =	vst v8;
	v5 =	vadd.s32 v52, v2  }
0x475: {  	[tilespmem:s30+$0x660] =	vst v9;
	v6 =	vadd.s32 v53, v2  }
0x476: {  	[tilespmem:s30+$0x670] =	vst v10;
	v7 =	vadd.s32 v54, v2  }
0x477: {  	v8 =	vadd.s32 v55, v2;
	[tilespmem:s30+$0x600] =	vst v3  }
0x478: {  	v9 =	vadd.s32 v56, v2;
	v4 =	vld.idx.msk [tilespmem:v4+s20+$0x0], $0xffff  }
0x479: {  	v10 =	vadd.s32 v57, v2;
	v5 =	vld.idx.msk [tilespmem:v5+s20+$0x0], $0xffff  }
0x47a: {  	v3 =	vadd.s32 v50, v2;
	v6 =	vld.idx.msk [tilespmem:v6+s20+$0x0], $0xffff  }
0x47b: {  	v7 =	vld.idx.msk [tilespmem:v7+s20+$0x0], $0xffff  }
0x47c: {  	v8 =	vld.idx.msk [tilespmem:v8+s20+$0x0], $0xffff  }
0x47d: {  	v9 =	vld.idx.msk [tilespmem:v9+s20+$0x0], $0xffff  }
0x47e: {  	v10 =	vld.idx.msk [tilespmem:v10+s20+$0x0], $0xffff  }
0x47f: {  	v3 =	vld.idx.msk [tilespmem:v3+s20+$0x0], $0xffff;
	[tilespmem:s30+$0x690] =	vst v4  }
0x480: {  	[tilespmem:s30+$0x6A0] =	vst v5  }
0x481: {  	[tilespmem:s30+$0x6B0] =	vst v6  }
0x482: {  	[tilespmem:s30+$0x6C0] =	vst v7;
	v4 =	vadd.s32 v59, v2  }
0x483: {  	[tilespmem:s30+$0x6D0] =	vst v8;
	v5 =	vadd.s32 v60, v2  }
0x484: {  	[tilespmem:s30+$0x6E0] =	vst v9;
	v6 =	vadd.s32 v61, v2  }
0x485: {  	[tilespmem:s30+$0x6F0] =	vst v10;
	v7 =	vadd.s32 v62, v2  }
0x486: {  	v8 =	vadd.s32 v63, v2;
	[tilespmem:s30+$0x680] =	vst v3  }
0x487: {  	v9 =	vadd.s32 v30, v2;
	v4 =	vld.idx.msk [tilespmem:v4+s20+$0x0], $0xffff  }
0x488: {  	v10 =	vadd.s32 v31, v2;
	v5 =	vld.idx.msk [tilespmem:v5+s20+$0x0], $0xffff  }
0x489: {  	v3 =	vadd.s32 v58, v2;
	v6 =	vld.idx.msk [tilespmem:v6+s20+$0x0], $0xffff  }
0x48a: {  	v7 =	vld.idx.msk [tilespmem:v7+s20+$0x0], $0xffff  }
0x48b: {  	v8 =	vld.idx.msk [tilespmem:v8+s20+$0x0], $0xffff  }
0x48c: {  	v9 =	vld.idx.msk [tilespmem:v9+s20+$0x0], $0xffff  }
0x48d: {  	v10 =	vld.idx.msk [tilespmem:v10+s20+$0x0], $0xffff  }
0x48e: {  	v3 =	vld.idx.msk [tilespmem:v3+s20+$0x0], $0xffff;
	[tilespmem:s30+$0x710] =	vst v4  }
0x48f: {  	[tilespmem:s30+$0x720] =	vst v5  }
0x490: {  	[tilespmem:s30+$0x730] =	vst v6  }
0x491: {  	[tilespmem:s30+$0x740] =	vst v7;
	v4 =	vadd.s32 v27, v2  }
0x492: {  	[tilespmem:s30+$0x750] =	vst v8;
	v5 =	vadd.s32 v11, v2  }
0x493: {  	[tilespmem:s30+$0x760] =	vst v9;
	v6 =	vadd.s32 v12, v2  }
0x494: {  	[tilespmem:s30+$0x770] =	vst v10;
	v7 =	vadd.s32 v13, v2  }
0x495: {  	v8 =	vadd.s32 v14, v2;
	[tilespmem:s30+$0x700] =	vst v3  }
0x496: {  	v9 =	vadd.s32 v15, v2;
	v4 =	vld.idx.msk [tilespmem:v4+s20+$0x0], $0xffff  }
0x497: {  	v3 =	vadd.s32 v32, v2;
	v5 =	vld.idx.msk [tilespmem:v5+s20+$0x0], $0xffff  }
0x498: {  	v2 =	vadd.s32 v1, v2;
	v6 =	vld.idx.msk [tilespmem:v6+s20+$0x0], $0xffff  }
0x499: {  	v7 =	vld.idx.msk [tilespmem:v7+s20+$0x0], $0xffff  }
0x49a: {  	v8 =	vld.idx.msk [tilespmem:v8+s20+$0x0], $0xffff  }
0x49b: {  	v9 =	vld.idx.msk [tilespmem:v9+s20+$0x0], $0xffff  }
0x49c: {  	v3 =	vld.idx.msk [tilespmem:v3+s20+$0x0], $0xffff  }
0x49d: {  	v2 =	vld.idx.msk [tilespmem:v2+s20+$0x0], $0xffff;
	[tilespmem:s30+$0x790] =	vst v4  }
0x49e: {  	[tilespmem:s30+$0x7A0] =	vst v5  }
0x49f: {  	[tilespmem:s30+$0x7B0] =	vst v6  }
0x4a0: {  	[tilespmem:s30+$0x7C0] =	vst v7  }
0x4a1: {  	p0 =	sne.s32 s29, $0x38;
	[tilespmem:s30+$0x7D0] =	vst v8  }
.Ltmp5:
0x4a2: {  	[tilespmem:s30+$0x7E0] =	vst v9;
	(pc) =	sbr.rel @p0 .LBB2_9-.Ltmp5, $4  }
0x4a3: {  	[tilespmem:s30+$0x780] =	vst v3  }
0x4a4: {  	[tilespmem:s30+$0x7F0] =	vst v2  }
0x4a5: {  	v10 =	vmov v21;
	v4 =	vmov v33;
	[hbm4b:s31+s1] =	stream.linear.scatter [tilespmem:s30], [sflag:$0x4], $0x800, $0x38;
	[tilespmem:$0x14A00] =	vst v63  }
0x4a6: {  	s29 =	sadd.s32 $0x8, s29;
	v5 =	vmovc v16;
	v6 =	vmovc v17;
	v7 =	vmov v18;
	v8 =	vmov v19;
	v9 =	vmov v20;
	s31 =	sadd.s32 $0x4000, s31;
	s30 =	sadd.s32 $0x800, s30  }
.Ltmp6:
0x4a7: {  	(pc) =	sbr.rel @p1 .LBB2_12-.Ltmp6, $1  }
0x4a8: {  	_ =	sdelay $0x3  }
0x4a9: {  	s0 =	sshll.u32 s28, $0xB  }
0x4aa: {  	s0 =	sadd.s32 s0, s7  }
0x4ab: {  	[tilespmem:s15], [sflag:$0x5] =	stream.linear.gather [hbm4b:s0+s1], $0x100, $0x38;
	[tilespmem:$0x14A00] =	vst v63  }
0x4ac: {  	_ =	swait.ge [sflag:s11], $0x100  }
.Ltmp7:
0x4ad: {  	[sflag:s11] =	ssyncset.done $0x0;
	(pc) =	sbr.rel .LBB2_2-.Ltmp7, $4  }
0x4ae: {  	[sflag:s11] =	ssyncadd.s32 $0xFFFFFF00  }
0x4af: {  	[tilespmem:s16], [sflag:$0x2] =	stream.indirect.gather [hbm4b:s3+s12], $0x40, s15, s12, $0xb8;
	[tilespmem:$0x14A00] =	vst v63  }
0x4b0: {  	s28 =	sadd.s32 $0x1, s28;
	s26 =	sadd.s32 $0x20000, s26;
	s25 =	sadd.s32 $0x20000, s25  }
0x4b1: {  	[tilespmem:s18], [sflag:$0x2] =	stream.indirect.gather [hbm4b:s3+s12], $0x40, s17, s12, $0xb8;
	[tilespmem:$0x14A00] =	vst v63  }
.LBB2_13:
0x4b2: {  	_ =	sfence.sel $0x180000  }
0x4b3: {  	[bflag:$0x0] =	sbarrier.arrive $0xFFFF  }
0x4b4: {  	_ =	strace $0x90000047  }
0x4b5: {  	[bflag:$0x2] =	sbarrier.arrive $0xFFFF  }
0x4b6: {  	p0 =	sne.s32 s2, $0x0;
	s0 =	rddreg [dreg:$0x2]  }
0x4b7: {  	s0 =	sadd.s32 @!p0 $0x100000, s0  }
0x4b8: {  	[sflag:s0] =	ssyncadd.tile.s32 @!p0 $0x1;
	_ =	shalt  }
.Lfunc_end2:
_tile_overlayer_lowered:
.L_overlay_start_2:
0x4b9: {  	(tag) =	ssettag $0x2  }
0x4ba: {  	s0 =	rddreg [dreg:$0x0];
	s2 =	stileid.u32  }
0x4bb: {  	s1 =	rddreg [dreg:$0x1];
	p0 =	sne.s32 s2, $0x0  }
0x4bc: {  	s3 =	rddreg [dreg:$0x2];
	[bflag:$0x3] =	sbarrier.arrive $0xFFFF;
	s2 =	simm.s32 @!p0 $0x1C05  }
0x4bd: {  	[timem:s3], [sflag:s2] =	dma.local @!p0 [hbm:s0], s1  }
0x4be: {  	s0 =	simm.s32 @!p0 $0x5  }
0x4bf: {  	_ =	swait.ge @!p0 [sflag:s0], s1  }
0x4c0: {  	s1 =	ssub.s32 @!p0 $0x0, s1;
	[sflag:s0] =	ssyncset.done @!p0 $0x0  }
0x4c1: {  	[sflag:s0] =	ssyncadd.s32 @!p0 s1  }
0x4c2: {  	[bflag:$0x3] =	sbarrier.arrive $0xFFFF  }
0x4c3: {  	_ =	shalt  }

</sc_bundles>
